<compile_context>
chip_gen: v7x
topology: tpu7x:2x2x1
jax: 0.10.2.dev20260603
libtpu: 0.0.44.dev20260713+nightly
codegen_flags: <defaults>
</compile_context>

<pallas_src>
import functools

import jax
import jax.numpy as jnp
from jax import lax
from jax.experimental import pallas as pl
from jax.experimental.pallas import tpu as pltpu
from jax.experimental.pallas import tpu_sc as plsc

N = 100000
E = 6400000
NPAD = 100352
SL = NPAD // 16
CHE = 2048
EPW = 200704
NCH_FULL = EPW // CHE
NCH_LAST = (E - 31 * EPW) // CHE

_mesh = plsc.VectorSubcoreMesh(core_axis_name="c", subcore_axis_name="s")
_sc_params = pltpu.CompilerParams(needs_layout_passes=False)


def _fill(buf, n, value):
    def body(i, _):
        buf[pl.ds(i * 16, 16)] = jnp.full((16,), value, jnp.float32)
        return 0
    lax.fori_loop(0, n // 16, body, 0)


def _zero_acc_slice(zbuf, acc_sh, s):
    base = s * SL
    for i in range(3):
        pltpu.sync_copy(zbuf, acc_sh.at[pl.ds(base + i * CHE, CHE)])
    pltpu.sync_copy(zbuf.at[pl.ds(0, 128)], acc_sh.at[pl.ds(base + 3 * CHE, 128)])


def _writeback(tbuf, acc_sh, out_hbm, c, s):
    base = s * SL
    for i in range(3):
        pltpu.sync_copy(acc_sh.at[pl.ds(base + i * CHE, CHE)], tbuf)
        pltpu.sync_copy(tbuf, out_hbm.at[c, pl.ds(base + i * CHE, CHE)])
    pltpu.sync_copy(acc_sh.at[pl.ds(base + 3 * CHE, 128)], tbuf.at[pl.ds(0, 128)])
    pltpu.sync_copy(tbuf.at[pl.ds(0, 128)], out_hbm.at[c, pl.ds(base + 3 * CHE, 128)])


@functools.partial(
    pl.kernel,
    out_type=jax.ShapeDtypeStruct((2, NPAD), jnp.float32),
    mesh=_mesh,
    scratch_types=[
        pltpu.VMEM((CHE,), jnp.int32),
        pltpu.VMEM((CHE,), jnp.int32),
        pltpu.VMEM((CHE,), jnp.int32),
        pltpu.VMEM((CHE,), jnp.int32),
        pltpu.VMEM((CHE,), jnp.float32),
        pltpu.VMEM((CHE,), jnp.float32),
        pltpu.VMEM_SHARED((NPAD,), jnp.float32),
        pltpu.SemaphoreType.DMA,
        pltpu.SemaphoreType.DMA,
        pltpu.SemaphoreType.DMA,
        pltpu.SemaphoreType.DMA,
        pltpu.SemaphoreType.DMA,
        pltpu.SemaphoreType.DMA,
        pltpu.SemaphoreType.DMA,
        pltpu.SemaphoreType.DMA,
    ],
    compiler_params=_sc_params,
)
def _deg_kernel(edges_hbm, out_hbm, dst0, dst1, dst2, dst3, ones_v, zbuf,
                acc_sh, dma0, dma1, dma2, dma3, sc0, sc1, sc2, sc3):
    c = lax.axis_index("c")
    s = lax.axis_index("s")
    wid = c * 16 + s
    base_e = wid * EPW
    nc = jnp.where(wid == 31, NCH_LAST, NCH_FULL)
    dsts = (dst0, dst1, dst2, dst3)
    dmas = (dma0, dma1, dma2, dma3)
    scs = (sc0, sc1, sc2, sc3)

    def fire_dma(ci, P):
        e0 = base_e + ci * CHE
        pltpu.async_copy(edges_hbm.at[1, pl.ds(e0, CHE)], dsts[P], dmas[P])

    fire_dma(0, 0)
    fire_dma(1, 1)
    _fill(ones_v, CHE, 1.0)
    _fill(zbuf, CHE, 0.0)
    _zero_acc_slice(zbuf, acc_sh, s)
    plsc.subcore_barrier()

    def drain_sc(P):
        pltpu.make_async_copy(ones_v, acc_sh.at[dsts[P]], scs[P]).wait()

    def process(ci, P):
        Q = (P + 2) % 4
        pltpu.make_async_copy(edges_hbm.at[1, pl.ds(0, CHE)], dsts[P],
                              dmas[P]).wait()

        @pl.when(ci >= 2)
        def _():
            drain_sc(Q)

        @pl.when(ci + 2 < nc)
        def _():
            fire_dma(ci + 2, Q)

        pltpu.async_copy(ones_v, acc_sh.at[dsts[P]], scs[P], add=True)

    def quad(k, carry):
        for t in range(4):
            process(k * 4 + t, t)
        return 0

    lax.fori_loop(0, nc // 4, quad, 0)
    for t in range(3):
        @pl.when(t < nc % 4)
        def _(t=t):
            process((nc // 4) * 4 + t, t)

    @pl.when(wid != 31)
    def _():
        drain_sc(0)
        drain_sc(1)

    @pl.when(wid == 31)
    def _():
        drain_sc(1)
        drain_sc(2)

    plsc.subcore_barrier()
    _writeback(zbuf, acc_sh, out_hbm, c, s)


@functools.partial(
    pl.kernel,
    out_type=jax.ShapeDtypeStruct((2, NPAD), jnp.float32),
    mesh=_mesh,
    scratch_types=[
        pltpu.VMEM((CHE,), jnp.int32),
        pltpu.VMEM((CHE,), jnp.int32),
        pltpu.VMEM((CHE,), jnp.int32),
        pltpu.VMEM((CHE,), jnp.int32),
        pltpu.VMEM((CHE,), jnp.int32),
        pltpu.VMEM((CHE,), jnp.int32),
        pltpu.VMEM((CHE,), jnp.int32),
        pltpu.VMEM((CHE,), jnp.int32),
        pltpu.VMEM((CHE,), jnp.float32),
        pltpu.VMEM((CHE,), jnp.float32),
        pltpu.VMEM((CHE,), jnp.float32),
        pltpu.VMEM((CHE,), jnp.float32),
        pltpu.VMEM((N,), jnp.float32),
        pltpu.VMEM_SHARED((NPAD,), jnp.float32),
        pltpu.SemaphoreType.DMA,
        pltpu.SemaphoreType.DMA,
        pltpu.SemaphoreType.DMA,
        pltpu.SemaphoreType.DMA,
        pltpu.SemaphoreType.DMA,
        pltpu.SemaphoreType.DMA,
        pltpu.SemaphoreType.DMA,
        pltpu.SemaphoreType.DMA,
    ],
    compiler_params=_sc_params,
)
def _agg_kernel(edges_hbm, u_hbm, out_hbm,
                src0, src1, src2, src3, dst0, dst1, dst2, dst3,
                vals0, vals1, vals2, vals3, u_v, acc_sh,
                dma0, dma1, dma2, dma3, sc0, sc1, sc2, sc3):
    c = lax.axis_index("c")
    s = lax.axis_index("s")
    wid = c * 16 + s
    base_e = wid * EPW
    nc = jnp.where(wid == 31, NCH_LAST, NCH_FULL)
    srcs = (src0, src1, src2, src3)
    dsts = (dst0, dst1, dst2, dst3)
    vals = (vals0, vals1, vals2, vals3)
    dmas = (dma0, dma1, dma2, dma3)
    scs = (sc0, sc1, sc2, sc3)

    def fire_dma(ci, P):
        e0 = base_e + ci * CHE
        pltpu.async_copy(edges_hbm.at[0, pl.ds(e0, CHE)], srcs[P], dmas[P])
        pltpu.async_copy(edges_hbm.at[1, pl.ds(e0, CHE)], dsts[P], dmas[P])

    fire_dma(0, 0)
    fire_dma(1, 1)
    pltpu.async_copy(u_hbm.at[pl.ds(0, N)], u_v, sc3)
    _fill(vals0, CHE, 0.0)
    _zero_acc_slice(vals0, acc_sh, s)
    plsc.subcore_barrier()
    pltpu.make_async_copy(u_hbm.at[pl.ds(0, N)], u_v, sc3).wait()

    def drain_sc(P):
        pltpu.make_async_copy(vals[P], acc_sh.at[dsts[P]], scs[P]).wait()

    def process(ci, P):
        Q = (P + 2) % 4
        pltpu.make_async_copy(edges_hbm.at[0, pl.ds(0, CHE)], srcs[P],
                              dmas[P]).wait()
        pltpu.make_async_copy(edges_hbm.at[1, pl.ds(0, CHE)], dsts[P],
                              dmas[P]).wait()

        @plsc.parallel_loop(0, CHE // 16, unroll=8)
        def _(i):
            o = i * 16
            idx = srcs[P][pl.ds(o, 16)]
            vals[P][pl.ds(o, 16)] = plsc.load_gather(u_v, [idx])

        @pl.when(ci >= 2)
        def _():
            drain_sc(Q)

        @pl.when(ci + 2 < nc)
        def _():
            fire_dma(ci + 2, Q)

        pltpu.async_copy(vals[P], acc_sh.at[dsts[P]], scs[P], add=True)

    def quad(k, carry):
        for t in range(4):
            process(k * 4 + t, t)
        return 0

    lax.fori_loop(0, nc // 4, quad, 0)
    for t in range(3):
        @pl.when(t < nc % 4)
        def _(t=t):
            process((nc // 4) * 4 + t, t)

    @pl.when(wid != 31)
    def _():
        drain_sc(0)
        drain_sc(1)

    @pl.when(wid == 31)
    def _():
        drain_sc(1)
        drain_sc(2)

    plsc.subcore_barrier()
    _writeback(vals0, acc_sh, out_hbm, c, s)



def _dinv_u1_body(degp_ref, x_ref, dinv_ref, u1_ref):
    deg = degp_ref[0] + degp_ref[1] + 1.0
    dinv = lax.rsqrt(deg)
    dinv_ref[...] = dinv
    u1_ref[...] = x_ref[...] * dinv


def _mid_body(t1p_ref, dinv_ref, x_ref, w1_ref, b1_ref, w2_ref,
              h2_ref, u2_ref):
    dinv = dinv_ref[...]
    a = dinv * (t1p_ref[0] + t1p_ref[1]) + x_ref[...] * dinv * dinv
    h2 = jnp.zeros_like(a)
    for j in range(3):
        h2 = h2 + w2_ref[0, j] * jnp.maximum(w1_ref[j, 0] * a + b1_ref[j], 0.0)
    h2_ref[...] = h2
    u2_ref[...] = h2 * dinv


def _final_body(t2p_ref, dinv_ref, h2_ref, b2_ref, out_ref):
    dinv = dinv_ref[...]
    o = dinv * (t2p_ref[0] + t2p_ref[1]) + h2_ref[...] * dinv * dinv + b2_ref[0]
    idx = (lax.broadcasted_iota(jnp.int32, o.shape, 0) * 128
           + lax.broadcasted_iota(jnp.int32, o.shape, 1))
    o = jnp.where(idx < N, o, -jnp.inf)
    m = jnp.max(o)
    e = jnp.exp(o - m)
    out_ref[...] = e / jnp.sum(e)


def _smem_spec():
    return pl.BlockSpec(memory_space=pltpu.SMEM)


def kernel(x, edge_index, W1, b1, W2, b2):
    x_pad = jnp.pad(x[:, 0], (0, NPAD - N)).reshape(784, 128)

    deg_p = _deg_kernel(edge_index)

    dinv, u1 = pl.pallas_call(
        _dinv_u1_body,
        out_shape=(jax.ShapeDtypeStruct((784, 128), jnp.float32),
                   jax.ShapeDtypeStruct((784, 128), jnp.float32)),
    )(deg_p.reshape(2, 784, 128), x_pad)

    t1_p = _agg_kernel(edge_index, u1.reshape(NPAD))

    h2, u2 = pl.pallas_call(
        _mid_body,
        in_specs=[pl.BlockSpec(), pl.BlockSpec(), pl.BlockSpec(),
                  _smem_spec(), _smem_spec(), _smem_spec()],
        out_shape=(jax.ShapeDtypeStruct((784, 128), jnp.float32),
                   jax.ShapeDtypeStruct((784, 128), jnp.float32)),
    )(t1_p.reshape(2, 784, 128), dinv, x_pad, W1, b1, W2)

    t2_p = _agg_kernel(edge_index, u2.reshape(NPAD))

    out = pl.pallas_call(
        _final_body,
        in_specs=[pl.BlockSpec(), pl.BlockSpec(), pl.BlockSpec(),
                  _smem_spec()],
        out_shape=jax.ShapeDtypeStruct((784, 128), jnp.float32),
    )(t2_p.reshape(2, 784, 128), dinv, h2, b2)

    return out.reshape(NPAD)[:N].reshape(N, 1)

# --- scband reference (transcript-rebuilt; emitter-appended) ---
"""Pipeline reference for scband-encoder-52338471469294 (READ-ONLY COPY).

The authoritative reference and input builder live on the scoring server;
editing this copy changes nothing except your own understanding.
"""

import jax, jax.numpy as jnp
import numpy as np

N = 100000
E = 6400000


def glorot(key, shape):
    fan_in, fan_out = shape[1], shape[0]
    limit = float(np.sqrt(6.0 / (fan_in + fan_out)))
    return jax.random.uniform(key, shape, dtype=jnp.float32, minval=-limit, maxval=limit)


def setup_inputs(seed: int = 0) -> dict:
    key = jax.random.key(seed)
    k1, k2, k3, k4 = jax.random.split(key, 4)
    x = jax.random.normal(k1, (N, 1), dtype=jnp.float32)
    edge_index = jax.random.randint(k2, (2, E), 0, N, dtype=jnp.int32)
    W1 = glorot(k3, (3, 1))
    b1 = jnp.zeros((3,), dtype=jnp.float32)
    W2 = glorot(k4, (1, 3))
    b2 = jnp.zeros((1,), dtype=jnp.float32)
    return {"x": x, "edge_index": edge_index, "W1": W1, "b1": b1, "W2": W2, "b2": b2}


def gcn_conv(x, W, b, edge_index):
    # Faithful PyG GCNConv: linear transform, add self-loops, symmetric norm,
    # scatter-add aggregation to dst, bias after aggregation.
    n = x.shape[0]
    h = x @ W.T
    loop = jnp.arange(n, dtype=edge_index.dtype)
    src = jnp.concatenate([edge_index[0], loop])
    dst = jnp.concatenate([edge_index[1], loop])
    deg = jnp.zeros((n,), dtype=h.dtype).at[dst].add(1.0)
    dinv = jnp.where(deg > 0, jax.lax.rsqrt(deg), 0.0)
    norm = dinv[src] * dinv[dst]
    msg = h[src] * norm[:, None]
    out = jnp.zeros((n, h.shape[1]), dtype=h.dtype).at[dst].add(msg)
    return out + b


def reference(x, edge_index, W1, b1, W2, b2):
    h = gcn_conv(x, W1, b1, edge_index)
    h = jax.nn.relu(h)
    h = gcn_conv(h, W2, b2, edge_index)
    return jax.nn.softmax(h, axis=0)

if __name__ == "__main__":
    import jax
    _d = setup_inputs()
    print(jax.jit(kernel)(*tuple(_d.values())))

</pallas_src>

<mosaic_0001>
#map = affine_map<(d0, d1) -> (0, 0)>
#map1 = affine_map<(d0, d1) -> (0)>
module attributes {stable_mosaic.version = 14 : i64} {
  func.func @_agg_kernel(%arg0: i32, %arg1: i32, %arg2: memref<2x6400000xi32, #tpu.memory_space<hbm>>, %arg3: memref<100352xf32, #tpu.memory_space<hbm>>, %arg4: memref<2x100352xf32, #tpu.memory_space<hbm>>, %arg5: memref<2048xi32, #tpu.memory_space<vmem>>, %arg6: memref<2048xi32, #tpu.memory_space<vmem>>, %arg7: memref<2048xi32, #tpu.memory_space<vmem>>, %arg8: memref<2048xi32, #tpu.memory_space<vmem>>, %arg9: memref<2048xi32, #tpu.memory_space<vmem>>, %arg10: memref<2048xi32, #tpu.memory_space<vmem>>, %arg11: memref<2048xi32, #tpu.memory_space<vmem>>, %arg12: memref<2048xi32, #tpu.memory_space<vmem>>, %arg13: memref<2048xf32, #tpu.memory_space<vmem>>, %arg14: memref<2048xf32, #tpu.memory_space<vmem>>, %arg15: memref<2048xf32, #tpu.memory_space<vmem>>, %arg16: memref<2048xf32, #tpu.memory_space<vmem>>, %arg17: memref<100000xf32, #tpu.memory_space<vmem>>, %arg18: memref<100352xf32, #tpu.memory_space<vmem_shared>>, %arg19: memref<!tpu.dma_semaphore, #tpu.memory_space<semaphore_mem>>, %arg20: memref<!tpu.dma_semaphore, #tpu.memory_space<semaphore_mem>>, %arg21: memref<!tpu.dma_semaphore, #tpu.memory_space<semaphore_mem>>, %arg22: memref<!tpu.dma_semaphore, #tpu.memory_space<semaphore_mem>>, %arg23: memref<!tpu.dma_semaphore, #tpu.memory_space<semaphore_mem>>, %arg24: memref<!tpu.dma_semaphore, #tpu.memory_space<semaphore_mem>>, %arg25: memref<!tpu.dma_semaphore, #tpu.memory_space<semaphore_mem>>, %arg26: memref<!tpu.dma_semaphore, #tpu.memory_space<semaphore_mem>>) attributes {dimension_semantics = [#tpu.dimension_semantics<core_parallel>, #tpu.dimension_semantics<subcore_parallel>], iteration_bounds = array<i64: 2, 16>, scalar_prefetch = 0 : i64, scratch_operands = 22 : i64, tpu.core_type = #tpu.core_type<sc_vector_subcore>, window_params = [{transform_indices = #map}, {transform_indices = #map1}, {transform_indices = #map}]} {
    %mul3A = arith.constant 16 : i32
    %mul3A_0 = arith.muli %arg0, %mul3A : i32
    %add3A = arith.addi %mul3A_0, %arg1 : i32
    %mul3A_1 = arith.constant 200704 : i32
    %mul3A_2 = arith.muli %add3A, %mul3A_1 : i32
    %eq3A = arith.constant 31 : i32
    %eq3A_3 = arith.cmpi eq, %add3A, %eq3A : i32
    %jit3A = arith.constant 87 : i32
    %jit3A_4 = arith.constant 98 : i32
    %select_n3A = arith.select %eq3A_3, %jit3A, %jit3A_4 : i32
    %add3A_5 = arith.constant 0 : i32
    %add3A_6 = arith.addi %mul3A_2, %add3A_5 : i32
    %dma_start3A = arith.constant 0 : i32
    %dma_start3A_7 = tpu.memref_slice %arg2[%dma_start3A, %add3A_6] : memref<2x6400000xi32, #tpu.memory_space<hbm>> -> memref<1x2048xi32, #tpu.memory_space<hbm>>
    %dma_start3A_8 = tpu.memref_squeeze %dma_start3A_7 : memref<1x2048xi32, #tpu.memory_space<hbm>> -> memref<2048xi32, #tpu.memory_space<hbm>>
    %dma_start3A_9 = tpu.memref_slice %arg2[%dma_start3A, %add3A_6] : memref<2x6400000xi32, #tpu.memory_space<hbm>> -> memref<1x2048xi32, #tpu.memory_space<hbm>>
    %dma_start3A_10 = tpu.memref_squeeze %dma_start3A_9 : memref<1x2048xi32, #tpu.memory_space<hbm>> -> memref<2048xi32, #tpu.memory_space<hbm>>
    tpu.enqueue_dma source(%dma_start3A_10 : memref<2048xi32, #tpu.memory_space<hbm>>) target(%arg5 : memref<2048xi32, #tpu.memory_space<vmem>>) target_semaphore(%arg19 : memref<!tpu.dma_semaphore, #tpu.memory_space<semaphore_mem>>)
    %dma_start3A_11 = arith.constant 1 : i32
    %dma_start3A_12 = tpu.memref_slice %arg2[%dma_start3A_11, %add3A_6] : memref<2x6400000xi32, #tpu.memory_space<hbm>> -> memref<1x2048xi32, #tpu.memory_space<hbm>>
    %dma_start3A_13 = tpu.memref_squeeze %dma_start3A_12 : memref<1x2048xi32, #tpu.memory_space<hbm>> -> memref<2048xi32, #tpu.memory_space<hbm>>
    %dma_start3A_14 = tpu.memref_slice %arg2[%dma_start3A_11, %add3A_6] : memref<2x6400000xi32, #tpu.memory_space<hbm>> -> memref<1x2048xi32, #tpu.memory_space<hbm>>
    %dma_start3A_15 = tpu.memref_squeeze %dma_start3A_14 : memref<1x2048xi32, #tpu.memory_space<hbm>> -> memref<2048xi32, #tpu.memory_space<hbm>>
    tpu.enqueue_dma source(%dma_start3A_15 : memref<2048xi32, #tpu.memory_space<hbm>>) target(%arg9 : memref<2048xi32, #tpu.memory_space<vmem>>) target_semaphore(%arg19 : memref<!tpu.dma_semaphore, #tpu.memory_space<semaphore_mem>>)
    %add3A_16 = arith.constant 2048 : i32
    %add3A_17 = arith.addi %mul3A_2, %add3A_16 : i32
    %dma_start3A_18 = arith.constant 0 : i32
    %dma_start3A_19 = tpu.memref_slice %arg2[%dma_start3A_18, %add3A_17] : memref<2x6400000xi32, #tpu.memory_space<hbm>> -> memref<1x2048xi32, #tpu.memory_space<hbm>>
    %dma_start3A_20 = tpu.memref_squeeze %dma_start3A_19 : memref<1x2048xi32, #tpu.memory_space<hbm>> -> memref<2048xi32, #tpu.memory_space<hbm>>
    %dma_start3A_21 = tpu.memref_slice %arg2[%dma_start3A_18, %add3A_17] : memref<2x6400000xi32, #tpu.memory_space<hbm>> -> memref<1x2048xi32, #tpu.memory_space<hbm>>
    %dma_start3A_22 = tpu.memref_squeeze %dma_start3A_21 : memref<1x2048xi32, #tpu.memory_space<hbm>> -> memref<2048xi32, #tpu.memory_space<hbm>>
    tpu.enqueue_dma source(%dma_start3A_22 : memref<2048xi32, #tpu.memory_space<hbm>>) target(%arg6 : memref<2048xi32, #tpu.memory_space<vmem>>) target_semaphore(%arg20 : memref<!tpu.dma_semaphore, #tpu.memory_space<semaphore_mem>>)
    %dma_start3A_23 = arith.constant 1 : i32
    %dma_start3A_24 = tpu.memref_slice %arg2[%dma_start3A_23, %add3A_17] : memref<2x6400000xi32, #tpu.memory_space<hbm>> -> memref<1x2048xi32, #tpu.memory_space<hbm>>
    %dma_start3A_25 = tpu.memref_squeeze %dma_start3A_24 : memref<1x2048xi32, #tpu.memory_space<hbm>> -> memref<2048xi32, #tpu.memory_space<hbm>>
    %dma_start3A_26 = tpu.memref_slice %arg2[%dma_start3A_23, %add3A_17] : memref<2x6400000xi32, #tpu.memory_space<hbm>> -> memref<1x2048xi32, #tpu.memory_space<hbm>>
    %dma_start3A_27 = tpu.memref_squeeze %dma_start3A_26 : memref<1x2048xi32, #tpu.memory_space<hbm>> -> memref<2048xi32, #tpu.memory_space<hbm>>
    tpu.enqueue_dma source(%dma_start3A_27 : memref<2048xi32, #tpu.memory_space<hbm>>) target(%arg10 : memref<2048xi32, #tpu.memory_space<vmem>>) target_semaphore(%arg20 : memref<!tpu.dma_semaphore, #tpu.memory_space<semaphore_mem>>)
    %dma_start3A_28 = arith.constant 0 : i32
    %dma_start3A_29 = tpu.memref_slice %arg3[%dma_start3A_28] : memref<100352xf32, #tpu.memory_space<hbm>> -> memref<100000xf32, #tpu.memory_space<hbm>>
    %dma_start3A_30 = arith.constant 0 : i32
    %dma_start3A_31 = tpu.memref_slice %arg3[%dma_start3A_30] : memref<100352xf32, #tpu.memory_space<hbm>> -> memref<100000xf32, #tpu.memory_space<hbm>>
    tpu.enqueue_dma source(%dma_start3A_31 : memref<100000xf32, #tpu.memory_space<hbm>>) target(%arg17 : memref<100000xf32, #tpu.memory_space<vmem>>) target_semaphore(%arg26 : memref<!tpu.dma_semaphore, #tpu.memory_space<semaphore_mem>>)
    %scan3A = arith.constant 0 : i32
    %scan3A_32 = arith.constant 0 : i32
    %scan3A_33 = arith.constant 128 : i32
    %scan3A_34 = arith.addi %scan3A_32, %scan3A_33 : i32
    %scan3A_35 = arith.constant 1 : i32
    %scan3A_36 = scf.for %scan3A_168 = %scan3A_32 to %scan3A_34 step %scan3A_35 iter_args(%scan3A_169 = %scan3A) -> (i32)  : i32 {
      %broadcast_in_dim3A = arith.constant 0.000000e+00 : f32
      %broadcast_in_dim3A_170 = vector.broadcast %broadcast_in_dim3A : f32 to vector<16xf32>
      %mul3A_171 = arith.constant 16 : i32
      %mul3A_172 = arith.muli %scan3A_168, %mul3A_171 : i32
      %swap3A = arith.index_cast %mul3A_172 : i32 to index
      %swap3A_173 = tpu.vector_load %arg13[%swap3A] {strides = array<i32>} : memref<2048xf32, #tpu.memory_space<vmem>>, vector<16xf32>,
      tpu.vector_store %arg13[%swap3A], %broadcast_in_dim3A_170 {strides = array<i32>} : memref<2048xf32, #tpu.memory_space<vmem>>, vector<16xf32>,
      %scan3A_174 = arith.constant 0 : i32
      scf.yield %scan3A_174 : i32
    }
    %scan3A_37 = arith.constant 128 : i32
    %mul3A_38 = arith.constant 6272 : i32
    %mul3A_39 = arith.muli %arg1, %mul3A_38 : i32
    %add3A_40 = arith.constant 0 : i32
    %add3A_41 = arith.addi %mul3A_39, %add3A_40 : i32
    "tpu.region"() ({
      %run_scoped3A = tpu.sem_alloc : memref<!tpu.dma_semaphore, #tpu.memory_space<semaphore_mem>>
      %dma_start3A_168 = tpu.memref_slice %arg18[%add3A_41] : memref<100352xf32, #tpu.memory_space<vmem_shared>> -> memref<2048xf32, #tpu.memory_space<vmem_shared>>
      %dma_start3A_169 = tpu.memref_slice %arg18[%add3A_41] : memref<100352xf32, #tpu.memory_space<vmem_shared>> -> memref<2048xf32, #tpu.memory_space<vmem_shared>>
      tpu.enqueue_dma source(%arg13 : memref<2048xf32, #tpu.memory_space<vmem>>) target(%dma_start3A_169 : memref<2048xf32, #tpu.memory_space<vmem_shared>>) target_semaphore(%run_scoped3A : memref<!tpu.dma_semaphore, #tpu.memory_space<semaphore_mem>>)
      %dma_wait3A_170 = tpu.memref_slice %arg18[%add3A_41] : memref<100352xf32, #tpu.memory_space<vmem_shared>> -> memref<2048xf32, #tpu.memory_space<vmem_shared>>
      %dma_wait3A_171 = tpu.memref_slice %arg18[%add3A_41] : memref<100352xf32, #tpu.memory_space<vmem_shared>> -> memref<2048xf32, #tpu.memory_space<vmem_shared>>
      tpu.wait_dma2 semaphore(%run_scoped3A : memref<!tpu.dma_semaphore, #tpu.memory_space<semaphore_mem>>) src(%arg13 : memref<2048xf32, #tpu.memory_space<vmem>>) dst(%dma_wait3A_171 : memref<2048xf32, #tpu.memory_space<vmem_shared>>)
      tpu.yield
    }) : () -> ()
    %add3A_42 = arith.constant 2048 : i32
    %add3A_43 = arith.addi %mul3A_39, %add3A_42 : i32
    "tpu.region"() ({
      %run_scoped3A = tpu.sem_alloc : memref<!tpu.dma_semaphore, #tpu.memory_space<semaphore_mem>>
      %dma_start3A_168 = tpu.memref_slice %arg18[%add3A_43] : memref<100352xf32, #tpu.memory_space<vmem_shared>> -> memref<2048xf32, #tpu.memory_space<vmem_shared>>
      %dma_start3A_169 = tpu.memref_slice %arg18[%add3A_43] : memref<100352xf32, #tpu.memory_space<vmem_shared>> -> memref<2048xf32, #tpu.memory_space<vmem_shared>>
      tpu.enqueue_dma source(%arg13 : memref<2048xf32, #tpu.memory_space<vmem>>) target(%dma_start3A_169 : memref<2048xf32, #tpu.memory_space<vmem_shared>>) target_semaphore(%run_scoped3A : memref<!tpu.dma_semaphore, #tpu.memory_space<semaphore_mem>>)
      %dma_wait3A_170 = tpu.memref_slice %arg18[%add3A_43] : memref<100352xf32, #tpu.memory_space<vmem_shared>> -> memref<2048xf32, #tpu.memory_space<vmem_shared>>
      %dma_wait3A_171 = tpu.memref_slice %arg18[%add3A_43] : memref<100352xf32, #tpu.memory_space<vmem_shared>> -> memref<2048xf32, #tpu.memory_space<vmem_shared>>
      tpu.wait_dma2 semaphore(%run_scoped3A : memref<!tpu.dma_semaphore, #tpu.memory_space<semaphore_mem>>) src(%arg13 : memref<2048xf32, #tpu.memory_space<vmem>>) dst(%dma_wait3A_171 : memref<2048xf32, #tpu.memory_space<vmem_shared>>)
      tpu.yield
    }) : () -> ()
    %add3A_44 = arith.constant 4096 : i32
    %add3A_45 = arith.addi %mul3A_39, %add3A_44 : i32
    "tpu.region"() ({
      %run_scoped3A = tpu.sem_alloc : memref<!tpu.dma_semaphore, #tpu.memory_space<semaphore_mem>>
      %dma_start3A_168 = tpu.memref_slice %arg18[%add3A_45] : memref<100352xf32, #tpu.memory_space<vmem_shared>> -> memref<2048xf32, #tpu.memory_space<vmem_shared>>
      %dma_start3A_169 = tpu.memref_slice %arg18[%add3A_45] : memref<100352xf32, #tpu.memory_space<vmem_shared>> -> memref<2048xf32, #tpu.memory_space<vmem_shared>>
      tpu.enqueue_dma source(%arg13 : memref<2048xf32, #tpu.memory_space<vmem>>) target(%dma_start3A_169 : memref<2048xf32, #tpu.memory_space<vmem_shared>>) target_semaphore(%run_scoped3A : memref<!tpu.dma_semaphore, #tpu.memory_space<semaphore_mem>>)
      %dma_wait3A_170 = tpu.memref_slice %arg18[%add3A_45] : memref<100352xf32, #tpu.memory_space<vmem_shared>> -> memref<2048xf32, #tpu.memory_space<vmem_shared>>
      %dma_wait3A_171 = tpu.memref_slice %arg18[%add3A_45] : memref<100352xf32, #tpu.memory_space<vmem_shared>> -> memref<2048xf32, #tpu.memory_space<vmem_shared>>
      tpu.wait_dma2 semaphore(%run_scoped3A : memref<!tpu.dma_semaphore, #tpu.memory_space<semaphore_mem>>) src(%arg13 : memref<2048xf32, #tpu.memory_space<vmem>>) dst(%dma_wait3A_171 : memref<2048xf32, #tpu.memory_space<vmem_shared>>)
      tpu.yield
    }) : () -> ()
    %add3A_46 = arith.constant 6144 : i32
    %add3A_47 = arith.addi %mul3A_39, %add3A_46 : i32
    "tpu.region"() ({
      %run_scoped3A = tpu.sem_alloc : memref<!tpu.dma_semaphore, #tpu.memory_space<semaphore_mem>>
      %dma_start3A_168 = arith.constant 0 : i32
      %dma_start3A_169 = tpu.memref_slice %arg13[%dma_start3A_168] : memref<2048xf32, #tpu.memory_space<vmem>> -> memref<128xf32, #tpu.memory_space<vmem>>
      %dma_start3A_170 = tpu.memref_slice %arg18[%add3A_47] : memref<100352xf32, #tpu.memory_space<vmem_shared>> -> memref<128xf32, #tpu.memory_space<vmem_shared>>
      %dma_start3A_171 = tpu.memref_slice %arg18[%add3A_47] : memref<100352xf32, #tpu.memory_space<vmem_shared>> -> memref<128xf32, #tpu.memory_space<vmem_shared>>
      %dma_start3A_172 = arith.constant 0 : i32
      %dma_start3A_173 = tpu.memref_slice %arg13[%dma_start3A_172] : memref<2048xf32, #tpu.memory_space<vmem>> -> memref<128xf32, #tpu.memory_space<vmem>>
      tpu.enqueue_dma source(%dma_start3A_173 : memref<128xf32, #tpu.memory_space<vmem>>) target(%dma_start3A_171 : memref<128xf32, #tpu.memory_space<vmem_shared>>) target_semaphore(%run_scoped3A : memref<!tpu.dma_semaphore, #tpu.memory_space<semaphore_mem>>)
      %dma_wait3A_174 = arith.constant 0 : i32
      %dma_wait3A_175 = tpu.memref_slice %arg13[%dma_wait3A_174] : memref<2048xf32, #tpu.memory_space<vmem>> -> memref<128xf32, #tpu.memory_space<vmem>>
      %dma_wait3A_176 = tpu.memref_slice %arg18[%add3A_47] : memref<100352xf32, #tpu.memory_space<vmem_shared>> -> memref<128xf32, #tpu.memory_space<vmem_shared>>
      %dma_wait3A_177 = tpu.memref_slice %arg18[%add3A_47] : memref<100352xf32, #tpu.memory_space<vmem_shared>> -> memref<128xf32, #tpu.memory_space<vmem_shared>>
      %dma_wait3A_178 = arith.constant 0 : i32
      %dma_wait3A_179 = tpu.memref_slice %arg13[%dma_wait3A_178] : memref<2048xf32, #tpu.memory_space<vmem>> -> memref<128xf32, #tpu.memory_space<vmem>>
      tpu.wait_dma2 semaphore(%run_scoped3A : memref<!tpu.dma_semaphore, #tpu.memory_space<semaphore_mem>>) src(%dma_wait3A_179 : memref<128xf32, #tpu.memory_space<vmem>>) dst(%dma_wait3A_177 : memref<128xf32, #tpu.memory_space<vmem_shared>>)
      tpu.yield
    }) : () -> ()
    %barrier3A = arith.constant 0 : index
    tpu.barrier barrier_id(%barrier3A)
    %dma_wait3A = arith.constant 0 : i32
    %dma_wait3A_48 = tpu.memref_slice %arg3[%dma_wait3A] : memref<100352xf32, #tpu.memory_space<hbm>> -> memref<100000xf32, #tpu.memory_space<hbm>>
    %dma_wait3A_49 = arith.constant 0 : i32
    %dma_wait3A_50 = tpu.memref_slice %arg3[%dma_wait3A_49] : memref<100352xf32, #tpu.memory_space<hbm>> -> memref<100000xf32, #tpu.memory_space<hbm>>
    tpu.wait_dma2 semaphore(%arg26 : memref<!tpu.dma_semaphore, #tpu.memory_space<semaphore_mem>>) src(%dma_wait3A_50 : memref<100000xf32, #tpu.memory_space<hbm>>) dst(%arg17 : memref<100000xf32, #tpu.memory_space<vmem>>)
    %jit3A_51 = arith.constant 4 : i32
    %div3A = arith.divsi %select_n3A, %jit3A_51 : i32
    %sign3A = arith.constant 0 : i32
    %sign3A_52 = arith.cmpi sgt, %select_n3A, %sign3A : i32
    %sign3A_53 = arith.extui %sign3A_52 : i1 to i32
    %sign3A_54 = arith.constant 0 : i32
    %sign3A_55 = arith.cmpi slt, %select_n3A, %sign3A_54 : i32
    %sign3A_56 = arith.extui %sign3A_55 : i1 to i32
    %sign3A_57 = arith.subi %sign3A_53, %sign3A_56 : i32
    %sign3A_58 = arith.constant 0 : i32
    %sign3A_59 = arith.cmpi sgt, %jit3A_51, %sign3A_58 : i32
    %sign3A_60 = arith.extui %sign3A_59 : i1 to i32
    %sign3A_61 = arith.constant 0 : i32
    %sign3A_62 = arith.cmpi slt, %jit3A_51, %sign3A_61 : i32
    %sign3A_63 = arith.extui %sign3A_62 : i1 to i32
    %sign3A_64 = arith.subi %sign3A_60, %sign3A_63 : i32
    %ne3A = arith.cmpi ne, %sign3A_57, %sign3A_64 : i32
    %rem3A = arith.remsi %select_n3A, %jit3A_51 : i32
    %ne3A_65 = arith.constant 0 : i32
    %ne3A_66 = arith.cmpi ne, %rem3A, %ne3A_65 : i32
    %and3A = arith.andi %ne3A, %ne3A_66 : i1
    %sub3A = arith.constant 1 : i32
    %sub3A_67 = arith.subi %div3A, %sub3A : i32
    %select_n3A_68 = arith.select %and3A, %sub3A_67, %div3A : i32
    %while3A = arith.constant 0 : i32
    %while3A_69 = arith.constant 0 : i32
    %while3A_70 = arith.subi %select_n3A_68, %while3A : i32
    %while3A_71 = arith.addi %while3A, %while3A_70 : i32
    %while3A_72 = arith.constant 1 : i32
    %while3A_73 = arith.divsi %while3A_70, %while3A_72 : i32
    %while3A_74 = arith.muli %while3A_73, %while3A_72 : i32
    %while3A_75 = arith.addi %while3A, %while3A_74 : i32
    %while3A_76 = arith.constant 1 : i32
    %while3A_77 = scf.for %while3A_168 = %while3A to %while3A_75 step %while3A_76 iter_args(%while3A_169 = %while3A_69) -> (i32)  : i32 {
      %mul3A_170 = arith.constant 4 : i32
      %mul3A_171 = arith.muli %while3A_168, %mul3A_170 : i32
      %add3A_172 = arith.constant 0 : i32
      %add3A_173 = arith.addi %mul3A_171, %add3A_172 : i32
      %dma_wait3A_174 = arith.constant 0 : i32
      %dma_wait3A_175 = arith.constant 0 : i32
      %dma_wait3A_176 = tpu.memref_slice %arg2[%dma_wait3A_174, %dma_wait3A_175] : memref<2x6400000xi32, #tpu.memory_space<hbm>> -> memref<1x2048xi32, #tpu.memory_space<hbm>>
      %dma_wait3A_177 = tpu.memref_squeeze %dma_wait3A_176 : memref<1x2048xi32, #tpu.memory_space<hbm>> -> memref<2048xi32, #tpu.memory_space<hbm>>
      %dma_wait3A_178 = arith.constant 0 : i32
      %dma_wait3A_179 = tpu.memref_slice %arg2[%dma_wait3A_174, %dma_wait3A_178] : memref<2x6400000xi32, #tpu.memory_space<hbm>> -> memref<1x2048xi32, #tpu.memory_space<hbm>>
      %dma_wait3A_180 = tpu.memref_squeeze %dma_wait3A_179 : memref<1x2048xi32, #tpu.memory_space<hbm>> -> memref<2048xi32, #tpu.memory_space<hbm>>
      tpu.wait_dma2 semaphore(%arg19 : memref<!tpu.dma_semaphore, #tpu.memory_space<semaphore_mem>>) src(%dma_wait3A_180 : memref<2048xi32, #tpu.memory_space<hbm>>) dst(%arg5 : memref<2048xi32, #tpu.memory_space<vmem>>)
      %dma_wait3A_181 = arith.constant 1 : i32
      %dma_wait3A_182 = arith.constant 0 : i32
      %dma_wait3A_183 = tpu.memref_slice %arg2[%dma_wait3A_181, %dma_wait3A_182] : memref<2x6400000xi32, #tpu.memory_space<hbm>> -> memref<1x2048xi32, #tpu.memory_space<hbm>>
      %dma_wait3A_184 = tpu.memref_squeeze %dma_wait3A_183 : memref<1x2048xi32, #tpu.memory_space<hbm>> -> memref<2048xi32, #tpu.memory_space<hbm>>
      %dma_wait3A_185 = arith.constant 0 : i32
      %dma_wait3A_186 = tpu.memref_slice %arg2[%dma_wait3A_181, %dma_wait3A_185] : memref<2x6400000xi32, #tpu.memory_space<hbm>> -> memref<1x2048xi32, #tpu.memory_space<hbm>>
      %dma_wait3A_187 = tpu.memref_squeeze %dma_wait3A_186 : memref<1x2048xi32, #tpu.memory_space<hbm>> -> memref<2048xi32, #tpu.memory_space<hbm>>
      tpu.wait_dma2 semaphore(%arg19 : memref<!tpu.dma_semaphore, #tpu.memory_space<semaphore_mem>>) src(%dma_wait3A_187 : memref<2048xi32, #tpu.memory_space<hbm>>) dst(%arg9 : memref<2048xi32, #tpu.memory_space<vmem>>)
      %parallel_loop3A = arith.constant 0 : i32
      %parallel_loop3A_188 = arith.constant 128 : i32
      %parallel_loop3A_189 = arith.constant 1 : i32
      scf.for %parallel_loop3A_305 = %parallel_loop3A to %parallel_loop3A_188 step %parallel_loop3A_189  : i32 {
        %parallel_loop3A_306 = arith.constant 16 : i32
        %parallel_loop3A_307 = arith.muli %parallel_loop3A_305, %parallel_loop3A_306 : i32
        %parallel_loop3A_308 = arith.index_cast %parallel_loop3A_307 : i32 to index
        %parallel_loop3A_309 = tpu.vector_load %arg5[%parallel_loop3A_308] {strides = array<i32>} : memref<2048xi32, #tpu.memory_space<vmem>>, vector<16xi32>,
        %parallel_loop3A_310 = tpu.vector_load_idx %arg17[%parallel_loop3A_309] : memref<100000xf32, #tpu.memory_space<vmem>>[vector<16xi32>], vector<16xf32>,
        %parallel_loop3A_311 = arith.index_cast %parallel_loop3A_307 : i32 to index
        %parallel_loop3A_312 = tpu.vector_load %arg13[%parallel_loop3A_311] {strides = array<i32>} : memref<2048xf32, #tpu.memory_space<vmem>>, vector<16xf32>,
        tpu.vector_store %arg13[%parallel_loop3A_311], %parallel_loop3A_310 {strides = array<i32>} : memref<2048xf32, #tpu.memory_space<vmem>>, vector<16xf32>,
      } {sc.loop_unroll_factor = 8 : i64, sc.parallel_access}
      %ge3A = arith.constant 2 : i32
      %ge3A_190 = arith.cmpi sge, %add3A_173, %ge3A : i32
      %convert_element_type3A_191 = arith.extui %ge3A_190 : i1 to i32
      %cond3A_192 = arith.constant 0 : i32
      %cond3A_193 = arith.cmpi ne, %convert_element_type3A_191, %cond3A_192 : i32
      scf.if %cond3A_193 {
        %dma_wait3A_305 = arith.constant 0 : i32
        %dma_wait3A_306 = tpu.memref_slice %arg18[%dma_wait3A_305] : memref<100352xf32, #tpu.memory_space<vmem_shared>> -> memref<100352xf32, #tpu.memory_space<vmem_shared>>
        tpu.wait_indirect_dma semaphore(%arg25 : memref<!tpu.dma_semaphore, #tpu.memory_space<semaphore_mem>>) src(%arg15 : memref<2048xf32, #tpu.memory_space<vmem>>) dst(%dma_wait3A_306 : memref<100352xf32, #tpu.memory_space<vmem_shared>>)
      } else {
      }
      %add3A_194 = arith.constant 2 : i32
      %add3A_195 = arith.addi %add3A_173, %add3A_194 : i32
      %lt3A_196 = arith.cmpi slt, %add3A_195, %select_n3A : i32
      %convert_element_type3A_197 = arith.extui %lt3A_196 : i1 to i32
      %cond3A_198 = arith.constant 0 : i32
      %cond3A_199 = arith.cmpi ne, %convert_element_type3A_197, %cond3A_198 : i32
      scf.if %cond3A_199 {
        %add3A_305 = arith.constant 2 : i32
        %add3A_306 = arith.addi %add3A_173, %add3A_305 : i32
        %mul3A_307 = arith.constant 2048 : i32
        %mul3A_308 = arith.muli %add3A_306, %mul3A_307 : i32
        %add3A_309 = arith.addi %mul3A_2, %mul3A_308 : i32
        %dma_start3A_310 = arith.constant 0 : i32
        %dma_start3A_311 = tpu.memref_slice %arg2[%dma_start3A_310, %add3A_309] : memref<2x6400000xi32, #tpu.memory_space<hbm>> -> memref<1x2048xi32, #tpu.memory_space<hbm>>
        %dma_start3A_312 = tpu.memref_squeeze %dma_start3A_311 : memref<1x2048xi32, #tpu.memory_space<hbm>> -> memref<2048xi32, #tpu.memory_space<hbm>>
        %dma_start3A_313 = tpu.memref_slice %arg2[%dma_start3A_310, %add3A_309] : memref<2x6400000xi32, #tpu.memory_space<hbm>> -> memref<1x2048xi32, #tpu.memory_space<hbm>>
        %dma_start3A_314 = tpu.memref_squeeze %dma_start3A_313 : memref<1x2048xi32, #tpu.memory_space<hbm>> -> memref<2048xi32, #tpu.memory_space<hbm>>
        tpu.enqueue_dma source(%dma_start3A_314 : memref<2048xi32, #tpu.memory_space<hbm>>) target(%arg7 : memref<2048xi32, #tpu.memory_space<vmem>>) target_semaphore(%arg21 : memref<!tpu.dma_semaphore, #tpu.memory_space<semaphore_mem>>)
        %dma_start3A_315 = arith.constant 1 : i32
        %dma_start3A_316 = tpu.memref_slice %arg2[%dma_start3A_315, %add3A_309] : memref<2x6400000xi32, #tpu.memory_space<hbm>> -> memref<1x2048xi32, #tpu.memory_space<hbm>>
        %dma_start3A_317 = tpu.memref_squeeze %dma_start3A_316 : memref<1x2048xi32, #tpu.memory_space<hbm>> -> memref<2048xi32, #tpu.memory_space<hbm>>
        %dma_start3A_318 = tpu.memref_slice %arg2[%dma_start3A_315, %add3A_309] : memref<2x6400000xi32, #tpu.memory_space<hbm>> -> memref<1x2048xi32, #tpu.memory_space<hbm>>
        %dma_start3A_319 = tpu.memref_squeeze %dma_start3A_318 : memref<1x2048xi32, #tpu.memory_space<hbm>> -> memref<2048xi32, #tpu.memory_space<hbm>>
        tpu.enqueue_dma source(%dma_start3A_319 : memref<2048xi32, #tpu.memory_space<hbm>>) target(%arg11 : memref<2048xi32, #tpu.memory_space<vmem>>) target_semaphore(%arg21 : memref<!tpu.dma_semaphore, #tpu.memory_space<semaphore_mem>>)
      } else {
      }
      %dma_start3A_200 = arith.constant 0 : i32
      %dma_start3A_201 = tpu.memref_slice %arg18[%dma_start3A_200] : memref<100352xf32, #tpu.memory_space<vmem_shared>> -> memref<100352xf32, #tpu.memory_space<vmem_shared>>
      tpu.enqueue_indirect_dma source(%arg13 : memref<2048xf32, #tpu.memory_space<vmem>>) target(%dma_start3A_201 : memref<100352xf32, #tpu.memory_space<vmem_shared>>) offsets(%arg9 : memref<2048xi32, #tpu.memory_space<vmem>>) semaphore(%arg23 : memref<!tpu.dma_semaphore, #tpu.memory_space<semaphore_mem>>) {add = true}
      %mul3A_202 = arith.constant 4 : i32
      %mul3A_203 = arith.muli %while3A_168, %mul3A_202 : i32
      %add3A_204 = arith.constant 1 : i32
      %add3A_205 = arith.addi %mul3A_203, %add3A_204 : i32
      %dma_wait3A_206 = arith.constant 0 : i32
      %dma_wait3A_207 = arith.constant 0 : i32
      %dma_wait3A_208 = tpu.memref_slice %arg2[%dma_wait3A_206, %dma_wait3A_207] : memref<2x6400000xi32, #tpu.memory_space<hbm>> -> memref<1x2048xi32, #tpu.memory_space<hbm>>
      %dma_wait3A_209 = tpu.memref_squeeze %dma_wait3A_208 : memref<1x2048xi32, #tpu.memory_space<hbm>> -> memref<2048xi32, #tpu.memory_space<hbm>>
      %dma_wait3A_210 = arith.constant 0 : i32
      %dma_wait3A_211 = tpu.memref_slice %arg2[%dma_wait3A_206, %dma_wait3A_210] : memref<2x6400000xi32, #tpu.memory_space<hbm>> -> memref<1x2048xi32, #tpu.memory_space<hbm>>
      %dma_wait3A_212 = tpu.memref_squeeze %dma_wait3A_211 : memref<1x2048xi32, #tpu.memory_space<hbm>> -> memref<2048xi32, #tpu.memory_space<hbm>>
      tpu.wait_dma2 semaphore(%arg20 : memref<!tpu.dma_semaphore, #tpu.memory_space<semaphore_mem>>) src(%dma_wait3A_212 : memref<2048xi32, #tpu.memory_space<hbm>>) dst(%arg6 : memref<2048xi32, #tpu.memory_space<vmem>>)
      %dma_wait3A_213 = arith.constant 1 : i32
      %dma_wait3A_214 = arith.constant 0 : i32
      %dma_wait3A_215 = tpu.memref_slice %arg2[%dma_wait3A_213, %dma_wait3A_214] : memref<2x6400000xi32, #tpu.memory_space<hbm>> -> memref<1x2048xi32, #tpu.memory_space<hbm>>
      %dma_wait3A_216 = tpu.memref_squeeze %dma_wait3A_215 : memref<1x2048xi32, #tpu.memory_space<hbm>> -> memref<2048xi32, #tpu.memory_space<hbm>>
      %dma_wait3A_217 = arith.constant 0 : i32
      %dma_wait3A_218 = tpu.memref_slice %arg2[%dma_wait3A_213, %dma_wait3A_217] : memref<2x6400000xi32, #tpu.memory_space<hbm>> -> memref<1x2048xi32, #tpu.memory_space<hbm>>
      %dma_wait3A_219 = tpu.memref_squeeze %dma_wait3A_218 : memref<1x2048xi32, #tpu.memory_space<hbm>> -> memref<2048xi32, #tpu.memory_space<hbm>>
      tpu.wait_dma2 semaphore(%arg20 : memref<!tpu.dma_semaphore, #tpu.memory_space<semaphore_mem>>) src(%dma_wait3A_219 : memref<2048xi32, #tpu.memory_space<hbm>>) dst(%arg10 : memref<2048xi32, #tpu.memory_space<vmem>>)
      %parallel_loop3A_220 = arith.constant 0 : i32
      %parallel_loop3A_221 = arith.constant 128 : i32
      %parallel_loop3A_222 = arith.constant 1 : i32
      scf.for %parallel_loop3A_305 = %parallel_loop3A_220 to %parallel_loop3A_221 step %parallel_loop3A_222  : i32 {
        %parallel_loop3A_306 = arith.constant 16 : i32
        %parallel_loop3A_307 = arith.muli %parallel_loop3A_305, %parallel_loop3A_306 : i32
        %parallel_loop3A_308 = arith.index_cast %parallel_loop3A_307 : i32 to index
        %parallel_loop3A_309 = tpu.vector_load %arg6[%parallel_loop3A_308] {strides = array<i32>} : memref<2048xi32, #tpu.memory_space<vmem>>, vector<16xi32>,
        %parallel_loop3A_310 = tpu.vector_load_idx %arg17[%parallel_loop3A_309] : memref<100000xf32, #tpu.memory_space<vmem>>[vector<16xi32>], vector<16xf32>,
        %parallel_loop3A_311 = arith.index_cast %parallel_loop3A_307 : i32 to index
        %parallel_loop3A_312 = tpu.vector_load %arg14[%parallel_loop3A_311] {strides = array<i32>} : memref<2048xf32, #tpu.memory_space<vmem>>, vector<16xf32>,
        tpu.vector_store %arg14[%parallel_loop3A_311], %parallel_loop3A_310 {strides = array<i32>} : memref<2048xf32, #tpu.memory_space<vmem>>, vector<16xf32>,
      } {sc.loop_unroll_factor = 8 : i64, sc.parallel_access}
      %ge3A_223 = arith.constant 2 : i32
      %ge3A_224 = arith.cmpi sge, %add3A_205, %ge3A_223 : i32
      %convert_element_type3A_225 = arith.extui %ge3A_224 : i1 to i32
      %cond3A_226 = arith.constant 0 : i32
      %cond3A_227 = arith.cmpi ne, %convert_element_type3A_225, %cond3A_226 : i32
      scf.if %cond3A_227 {
        %dma_wait3A_305 = arith.constant 0 : i32
        %dma_wait3A_306 = tpu.memref_slice %arg18[%dma_wait3A_305] : memref<100352xf32, #tpu.memory_space<vmem_shared>> -> memref<100352xf32, #tpu.memory_space<vmem_shared>>
        tpu.wait_indirect_dma semaphore(%arg26 : memref<!tpu.dma_semaphore, #tpu.memory_space<semaphore_mem>>) src(%arg16 : memref<2048xf32, #tpu.memory_space<vmem>>) dst(%dma_wait3A_306 : memref<100352xf32, #tpu.memory_space<vmem_shared>>)
      } else {
      }
      %add3A_228 = arith.constant 2 : i32
      %add3A_229 = arith.addi %add3A_205, %add3A_228 : i32
      %lt3A_230 = arith.cmpi slt, %add3A_229, %select_n3A : i32
      %convert_element_type3A_231 = arith.extui %lt3A_230 : i1 to i32
      %cond3A_232 = arith.constant 0 : i32
      %cond3A_233 = arith.cmpi ne, %convert_element_type3A_231, %cond3A_232 : i32
      scf.if %cond3A_233 {
        %add3A_305 = arith.constant 2 : i32
        %add3A_306 = arith.addi %add3A_205, %add3A_305 : i32
        %mul3A_307 = arith.constant 2048 : i32
        %mul3A_308 = arith.muli %add3A_306, %mul3A_307 : i32
        %add3A_309 = arith.addi %mul3A_2, %mul3A_308 : i32
        %dma_start3A_310 = arith.constant 0 : i32
        %dma_start3A_311 = tpu.memref_slice %arg2[%dma_start3A_310, %add3A_309] : memref<2x6400000xi32, #tpu.memory_space<hbm>> -> memref<1x2048xi32, #tpu.memory_space<hbm>>
        %dma_start3A_312 = tpu.memref_squeeze %dma_start3A_311 : memref<1x2048xi32, #tpu.memory_space<hbm>> -> memref<2048xi32, #tpu.memory_space<hbm>>
        %dma_start3A_313 = tpu.memref_slice %arg2[%dma_start3A_310, %add3A_309] : memref<2x6400000xi32, #tpu.memory_space<hbm>> -> memref<1x2048xi32, #tpu.memory_space<hbm>>
        %dma_start3A_314 = tpu.memref_squeeze %dma_start3A_313 : memref<1x2048xi32, #tpu.memory_space<hbm>> -> memref<2048xi32, #tpu.memory_space<hbm>>
        tpu.enqueue_dma source(%dma_start3A_314 : memref<2048xi32, #tpu.memory_space<hbm>>) target(%arg8 : memref<2048xi32, #tpu.memory_space<vmem>>) target_semaphore(%arg22 : memref<!tpu.dma_semaphore, #tpu.memory_space<semaphore_mem>>)
        %dma_start3A_315 = arith.constant 1 : i32
        %dma_start3A_316 = tpu.memref_slice %arg2[%dma_start3A_315, %add3A_309] : memref<2x6400000xi32, #tpu.memory_space<hbm>> -> memref<1x2048xi32, #tpu.memory_space<hbm>>
        %dma_start3A_317 = tpu.memref_squeeze %dma_start3A_316 : memref<1x2048xi32, #tpu.memory_space<hbm>> -> memref<2048xi32, #tpu.memory_space<hbm>>
        %dma_start3A_318 = tpu.memref_slice %arg2[%dma_start3A_315, %add3A_309] : memref<2x6400000xi32, #tpu.memory_space<hbm>> -> memref<1x2048xi32, #tpu.memory_space<hbm>>
        %dma_start3A_319 = tpu.memref_squeeze %dma_start3A_318 : memref<1x2048xi32, #tpu.memory_space<hbm>> -> memref<2048xi32, #tpu.memory_space<hbm>>
        tpu.enqueue_dma source(%dma_start3A_319 : memref<2048xi32, #tpu.memory_space<hbm>>) target(%arg12 : memref<2048xi32, #tpu.memory_space<vmem>>) target_semaphore(%arg22 : memref<!tpu.dma_semaphore, #tpu.memory_space<semaphore_mem>>)
      } else {
      }
      %dma_start3A_234 = arith.constant 0 : i32
      %dma_start3A_235 = tpu.memref_slice %arg18[%dma_start3A_234] : memref<100352xf32, #tpu.memory_space<vmem_shared>> -> memref<100352xf32, #tpu.memory_space<vmem_shared>>
      tpu.enqueue_indirect_dma source(%arg14 : memref<2048xf32, #tpu.memory_space<vmem>>) target(%dma_start3A_235 : memref<100352xf32, #tpu.memory_space<vmem_shared>>) offsets(%arg10 : memref<2048xi32, #tpu.memory_space<vmem>>) semaphore(%arg24 : memref<!tpu.dma_semaphore, #tpu.memory_space<semaphore_mem>>) {add = true}
      %mul3A_236 = arith.constant 4 : i32
      %mul3A_237 = arith.muli %while3A_168, %mul3A_236 : i32
      %add3A_238 = arith.constant 2 : i32
      %add3A_239 = arith.addi %mul3A_237, %add3A_238 : i32
      %dma_wait3A_240 = arith.constant 0 : i32
      %dma_wait3A_241 = arith.constant 0 : i32
      %dma_wait3A_242 = tpu.memref_slice %arg2[%dma_wait3A_240, %dma_wait3A_241] : memref<2x6400000xi32, #tpu.memory_space<hbm>> -> memref<1x2048xi32, #tpu.memory_space<hbm>>
      %dma_wait3A_243 = tpu.memref_squeeze %dma_wait3A_242 : memref<1x2048xi32, #tpu.memory_space<hbm>> -> memref<2048xi32, #tpu.memory_space<hbm>>
      %dma_wait3A_244 = arith.constant 0 : i32
      %dma_wait3A_245 = tpu.memref_slice %arg2[%dma_wait3A_240, %dma_wait3A_244] : memref<2x6400000xi32, #tpu.memory_space<hbm>> -> memref<1x2048xi32, #tpu.memory_space<hbm>>
      %dma_wait3A_246 = tpu.memref_squeeze %dma_wait3A_245 : memref<1x2048xi32, #tpu.memory_space<hbm>> -> memref<2048xi32, #tpu.memory_space<hbm>>
      tpu.wait_dma2 semaphore(%arg21 : memref<!tpu.dma_semaphore, #tpu.memory_space<semaphore_mem>>) src(%dma_wait3A_246 : memref<2048xi32, #tpu.memory_space<hbm>>) dst(%arg7 : memref<2048xi32, #tpu.memory_space<vmem>>)
      %dma_wait3A_247 = arith.constant 1 : i32
      %dma_wait3A_248 = arith.constant 0 : i32
      %dma_wait3A_249 = tpu.memref_slice %arg2[%dma_wait3A_247, %dma_wait3A_248] : memref<2x6400000xi32, #tpu.memory_space<hbm>> -> memref<1x2048xi32, #tpu.memory_space<hbm>>
      %dma_wait3A_250 = tpu.memref_squeeze %dma_wait3A_249 : memref<1x2048xi32, #tpu.memory_space<hbm>> -> memref<2048xi32, #tpu.memory_space<hbm>>
      %dma_wait3A_251 = arith.constant 0 : i32
      %dma_wait3A_252 = tpu.memref_slice %arg2[%dma_wait3A_247, %dma_wait3A_251] : memref<2x6400000xi32, #tpu.memory_space<hbm>> -> memref<1x2048xi32, #tpu.memory_space<hbm>>
      %dma_wait3A_253 = tpu.memref_squeeze %dma_wait3A_252 : memref<1x2048xi32, #tpu.memory_space<hbm>> -> memref<2048xi32, #tpu.memory_space<hbm>>
      tpu.wait_dma2 semaphore(%arg21 : memref<!tpu.dma_semaphore, #tpu.memory_space<semaphore_mem>>) src(%dma_wait3A_253 : memref<2048xi32, #tpu.memory_space<hbm>>) dst(%arg11 : memref<2048xi32, #tpu.memory_space<vmem>>)
      %parallel_loop3A_254 = arith.constant 0 : i32
      %parallel_loop3A_255 = arith.constant 128 : i32
      %parallel_loop3A_256 = arith.constant 1 : i32
      scf.for %parallel_loop3A_305 = %parallel_loop3A_254 to %parallel_loop3A_255 step %parallel_loop3A_256  : i32 {
        %parallel_loop3A_306 = arith.constant 16 : i32
        %parallel_loop3A_307 = arith.muli %parallel_loop3A_305, %parallel_loop3A_306 : i32
        %parallel_loop3A_308 = arith.index_cast %parallel_loop3A_307 : i32 to index
        %parallel_loop3A_309 = tpu.vector_load %arg7[%parallel_loop3A_308] {strides = array<i32>} : memref<2048xi32, #tpu.memory_space<vmem>>, vector<16xi32>,
        %parallel_loop3A_310 = tpu.vector_load_idx %arg17[%parallel_loop3A_309] : memref<100000xf32, #tpu.memory_space<vmem>>[vector<16xi32>], vector<16xf32>,
        %parallel_loop3A_311 = arith.index_cast %parallel_loop3A_307 : i32 to index
        %parallel_loop3A_312 = tpu.vector_load %arg15[%parallel_loop3A_311] {strides = array<i32>} : memref<2048xf32, #tpu.memory_space<vmem>>, vector<16xf32>,
        tpu.vector_store %arg15[%parallel_loop3A_311], %parallel_loop3A_310 {strides = array<i32>} : memref<2048xf32, #tpu.memory_space<vmem>>, vector<16xf32>,
      } {sc.loop_unroll_factor = 8 : i64, sc.parallel_access}
      %ge3A_257 = arith.constant 2 : i32
      %ge3A_258 = arith.cmpi sge, %add3A_239, %ge3A_257 : i32
      %convert_element_type3A_259 = arith.extui %ge3A_258 : i1 to i32
      %cond3A_260 = arith.constant 0 : i32
      %cond3A_261 = arith.cmpi ne, %convert_element_type3A_259, %cond3A_260 : i32
      scf.if %cond3A_261 {
        %dma_wait3A_305 = arith.constant 0 : i32
        %dma_wait3A_306 = tpu.memref_slice %arg18[%dma_wait3A_305] : memref<100352xf32, #tpu.memory_space<vmem_shared>> -> memref<100352xf32, #tpu.memory_space<vmem_shared>>
        tpu.wait_indirect_dma semaphore(%arg23 : memref<!tpu.dma_semaphore, #tpu.memory_space<semaphore_mem>>) src(%arg13 : memref<2048xf32, #tpu.memory_space<vmem>>) dst(%dma_wait3A_306 : memref<100352xf32, #tpu.memory_space<vmem_shared>>)
      } else {
      }
      %add3A_262 = arith.constant 2 : i32
      %add3A_263 = arith.addi %add3A_239, %add3A_262 : i32
      %lt3A_264 = arith.cmpi slt, %add3A_263, %select_n3A : i32
      %convert_element_type3A_265 = arith.extui %lt3A_264 : i1 to i32
      %cond3A_266 = arith.constant 0 : i32
      %cond3A_267 = arith.cmpi ne, %convert_element_type3A_265, %cond3A_266 : i32
      scf.if %cond3A_267 {
        %add3A_305 = arith.constant 2 : i32
        %add3A_306 = arith.addi %add3A_239, %add3A_305 : i32
        %mul3A_307 = arith.constant 2048 : i32
        %mul3A_308 = arith.muli %add3A_306, %mul3A_307 : i32
        %add3A_309 = arith.addi %mul3A_2, %mul3A_308 : i32
        %dma_start3A_310 = arith.constant 0 : i32
        %dma_start3A_311 = tpu.memref_slice %arg2[%dma_start3A_310, %add3A_309] : memref<2x6400000xi32, #tpu.memory_space<hbm>> -> memref<1x2048xi32, #tpu.memory_space<hbm>>
        %dma_start3A_312 = tpu.memref_squeeze %dma_start3A_311 : memref<1x2048xi32, #tpu.memory_space<hbm>> -> memref<2048xi32, #tpu.memory_space<hbm>>
        %dma_start3A_313 = tpu.memref_slice %arg2[%dma_start3A_310, %add3A_309] : memref<2x6400000xi32, #tpu.memory_space<hbm>> -> memref<1x2048xi32, #tpu.memory_space<hbm>>
        %dma_start3A_314 = tpu.memref_squeeze %dma_start3A_313 : memref<1x2048xi32, #tpu.memory_space<hbm>> -> memref<2048xi32, #tpu.memory_space<hbm>>
        tpu.enqueue_dma source(%dma_start3A_314 : memref<2048xi32, #tpu.memory_space<hbm>>) target(%arg5 : memref<2048xi32, #tpu.memory_space<vmem>>) target_semaphore(%arg19 : memref<!tpu.dma_semaphore, #tpu.memory_space<semaphore_mem>>)
        %dma_start3A_315 = arith.constant 1 : i32
        %dma_start3A_316 = tpu.memref_slice %arg2[%dma_start3A_315, %add3A_309] : memref<2x6400000xi32, #tpu.memory_space<hbm>> -> memref<1x2048xi32, #tpu.memory_space<hbm>>
        %dma_start3A_317 = tpu.memref_squeeze %dma_start3A_316 : memref<1x2048xi32, #tpu.memory_space<hbm>> -> memref<2048xi32, #tpu.memory_space<hbm>>
        %dma_start3A_318 = tpu.memref_slice %arg2[%dma_start3A_315, %add3A_309] : memref<2x6400000xi32, #tpu.memory_space<hbm>> -> memref<1x2048xi32, #tpu.memory_space<hbm>>
        %dma_start3A_319 = tpu.memref_squeeze %dma_start3A_318 : memref<1x2048xi32, #tpu.memory_space<hbm>> -> memref<2048xi32, #tpu.memory_space<hbm>>
        tpu.enqueue_dma source(%dma_start3A_319 : memref<2048xi32, #tpu.memory_space<hbm>>) target(%arg9 : memref<2048xi32, #tpu.memory_space<vmem>>) target_semaphore(%arg19 : memref<!tpu.dma_semaphore, #tpu.memory_space<semaphore_mem>>)
      } else {
      }
      %dma_start3A_268 = arith.constant 0 : i32
      %dma_start3A_269 = tpu.memref_slice %arg18[%dma_start3A_268] : memref<100352xf32, #tpu.memory_space<vmem_shared>> -> memref<100352xf32, #tpu.memory_space<vmem_shared>>
      tpu.enqueue_indirect_dma source(%arg15 : memref<2048xf32, #tpu.memory_space<vmem>>) target(%dma_start3A_269 : memref<100352xf32, #tpu.memory_space<vmem_shared>>) offsets(%arg11 : memref<2048xi32, #tpu.memory_space<vmem>>) semaphore(%arg25 : memref<!tpu.dma_semaphore, #tpu.memory_space<semaphore_mem>>) {add = true}
      %mul3A_270 = arith.constant 4 : i32
      %mul3A_271 = arith.muli %while3A_168, %mul3A_270 : i32
      %add3A_272 = arith.constant 3 : i32
      %add3A_273 = arith.addi %mul3A_271, %add3A_272 : i32
      %dma_wait3A_274 = arith.constant 0 : i32
      %dma_wait3A_275 = arith.constant 0 : i32
      %dma_wait3A_276 = tpu.memref_slice %arg2[%dma_wait3A_274, %dma_wait3A_275] : memref<2x6400000xi32, #tpu.memory_space<hbm>> -> memref<1x2048xi32, #tpu.memory_space<hbm>>
      %dma_wait3A_277 = tpu.memref_squeeze %dma_wait3A_276 : memref<1x2048xi32, #tpu.memory_space<hbm>> -> memref<2048xi32, #tpu.memory_space<hbm>>
      %dma_wait3A_278 = arith.constant 0 : i32
      %dma_wait3A_279 = tpu.memref_slice %arg2[%dma_wait3A_274, %dma_wait3A_278] : memref<2x6400000xi32, #tpu.memory_space<hbm>> -> memref<1x2048xi32, #tpu.memory_space<hbm>>
      %dma_wait3A_280 = tpu.memref_squeeze %dma_wait3A_279 : memref<1x2048xi32, #tpu.memory_space<hbm>> -> memref<2048xi32, #tpu.memory_space<hbm>>
      tpu.wait_dma2 semaphore(%arg22 : memref<!tpu.dma_semaphore, #tpu.memory_space<semaphore_mem>>) src(%dma_wait3A_280 : memref<2048xi32, #tpu.memory_space<hbm>>) dst(%arg8 : memref<2048xi32, #tpu.memory_space<vmem>>)
      %dma_wait3A_281 = arith.constant 1 : i32
      %dma_wait3A_282 = arith.constant 0 : i32
      %dma_wait3A_283 = tpu.memref_slice %arg2[%dma_wait3A_281, %dma_wait3A_282] : memref<2x6400000xi32, #tpu.memory_space<hbm>> -> memref<1x2048xi32, #tpu.memory_space<hbm>>
      %dma_wait3A_284 = tpu.memref_squeeze %dma_wait3A_283 : memref<1x2048xi32, #tpu.memory_space<hbm>> -> memref<2048xi32, #tpu.memory_space<hbm>>
      %dma_wait3A_285 = arith.constant 0 : i32
      %dma_wait3A_286 = tpu.memref_slice %arg2[%dma_wait3A_281, %dma_wait3A_285] : memref<2x6400000xi32, #tpu.memory_space<hbm>> -> memref<1x2048xi32, #tpu.memory_space<hbm>>
      %dma_wait3A_287 = tpu.memref_squeeze %dma_wait3A_286 : memref<1x2048xi32, #tpu.memory_space<hbm>> -> memref<2048xi32, #tpu.memory_space<hbm>>
      tpu.wait_dma2 semaphore(%arg22 : memref<!tpu.dma_semaphore, #tpu.memory_space<semaphore_mem>>) src(%dma_wait3A_287 : memref<2048xi32, #tpu.memory_space<hbm>>) dst(%arg12 : memref<2048xi32, #tpu.memory_space<vmem>>)
      %parallel_loop3A_288 = arith.constant 0 : i32
      %parallel_loop3A_289 = arith.constant 128 : i32
      %parallel_loop3A_290 = arith.constant 1 : i32
      scf.for %parallel_loop3A_305 = %parallel_loop3A_288 to %parallel_loop3A_289 step %parallel_loop3A_290  : i32 {
        %parallel_loop3A_306 = arith.constant 16 : i32
        %parallel_loop3A_307 = arith.muli %parallel_loop3A_305, %parallel_loop3A_306 : i32
        %parallel_loop3A_308 = arith.index_cast %parallel_loop3A_307 : i32 to index
        %parallel_loop3A_309 = tpu.vector_load %arg8[%parallel_loop3A_308] {strides = array<i32>} : memref<2048xi32, #tpu.memory_space<vmem>>, vector<16xi32>,
        %parallel_loop3A_310 = tpu.vector_load_idx %arg17[%parallel_loop3A_309] : memref<100000xf32, #tpu.memory_space<vmem>>[vector<16xi32>], vector<16xf32>,
        %parallel_loop3A_311 = arith.index_cast %parallel_loop3A_307 : i32 to index
        %parallel_loop3A_312 = tpu.vector_load %arg16[%parallel_loop3A_311] {strides = array<i32>} : memref<2048xf32, #tpu.memory_space<vmem>>, vector<16xf32>,
        tpu.vector_store %arg16[%parallel_loop3A_311], %parallel_loop3A_310 {strides = array<i32>} : memref<2048xf32, #tpu.memory_space<vmem>>, vector<16xf32>,
      } {sc.loop_unroll_factor = 8 : i64, sc.parallel_access}
      %ge3A_291 = arith.constant 2 : i32
      %ge3A_292 = arith.cmpi sge, %add3A_273, %ge3A_291 : i32
      %convert_element_type3A_293 = arith.extui %ge3A_292 : i1 to i32
      %cond3A_294 = arith.constant 0 : i32
      %cond3A_295 = arith.cmpi ne, %convert_element_type3A_293, %cond3A_294 : i32
      scf.if %cond3A_295 {
        %dma_wait3A_305 = arith.constant 0 : i32
        %dma_wait3A_306 = tpu.memref_slice %arg18[%dma_wait3A_305] : memref<100352xf32, #tpu.memory_space<vmem_shared>> -> memref<100352xf32, #tpu.memory_space<vmem_shared>>
        tpu.wait_indirect_dma semaphore(%arg24 : memref<!tpu.dma_semaphore, #tpu.memory_space<semaphore_mem>>) src(%arg14 : memref<2048xf32, #tpu.memory_space<vmem>>) dst(%dma_wait3A_306 : memref<100352xf32, #tpu.memory_space<vmem_shared>>)
      } else {
      }
      %add3A_296 = arith.constant 2 : i32
      %add3A_297 = arith.addi %add3A_273, %add3A_296 : i32
      %lt3A_298 = arith.cmpi slt, %add3A_297, %select_n3A : i32
      %convert_element_type3A_299 = arith.extui %lt3A_298 : i1 to i32
      %cond3A_300 = arith.constant 0 : i32
      %cond3A_301 = arith.cmpi ne, %convert_element_type3A_299, %cond3A_300 : i32
      scf.if %cond3A_301 {
        %add3A_305 = arith.constant 2 : i32
        %add3A_306 = arith.addi %add3A_273, %add3A_305 : i32
        %mul3A_307 = arith.constant 2048 : i32
        %mul3A_308 = arith.muli %add3A_306, %mul3A_307 : i32
        %add3A_309 = arith.addi %mul3A_2, %mul3A_308 : i32
        %dma_start3A_310 = arith.constant 0 : i32
        %dma_start3A_311 = tpu.memref_slice %arg2[%dma_start3A_310, %add3A_309] : memref<2x6400000xi32, #tpu.memory_space<hbm>> -> memref<1x2048xi32, #tpu.memory_space<hbm>>
        %dma_start3A_312 = tpu.memref_squeeze %dma_start3A_311 : memref<1x2048xi32, #tpu.memory_space<hbm>> -> memref<2048xi32, #tpu.memory_space<hbm>>
        %dma_start3A_313 = tpu.memref_slice %arg2[%dma_start3A_310, %add3A_309] : memref<2x6400000xi32, #tpu.memory_space<hbm>> -> memref<1x2048xi32, #tpu.memory_space<hbm>>
        %dma_start3A_314 = tpu.memref_squeeze %dma_start3A_313 : memref<1x2048xi32, #tpu.memory_space<hbm>> -> memref<2048xi32, #tpu.memory_space<hbm>>
        tpu.enqueue_dma source(%dma_start3A_314 : memref<2048xi32, #tpu.memory_space<hbm>>) target(%arg6 : memref<2048xi32, #tpu.memory_space<vmem>>) target_semaphore(%arg20 : memref<!tpu.dma_semaphore, #tpu.memory_space<semaphore_mem>>)
        %dma_start3A_315 = arith.constant 1 : i32
        %dma_start3A_316 = tpu.memref_slice %arg2[%dma_start3A_315, %add3A_309] : memref<2x6400000xi32, #tpu.memory_space<hbm>> -> memref<1x2048xi32, #tpu.memory_space<hbm>>
        %dma_start3A_317 = tpu.memref_squeeze %dma_start3A_316 : memref<1x2048xi32, #tpu.memory_space<hbm>> -> memref<2048xi32, #tpu.memory_space<hbm>>
        %dma_start3A_318 = tpu.memref_slice %arg2[%dma_start3A_315, %add3A_309] : memref<2x6400000xi32, #tpu.memory_space<hbm>> -> memref<1x2048xi32, #tpu.memory_space<hbm>>
        %dma_start3A_319 = tpu.memref_squeeze %dma_start3A_318 : memref<1x2048xi32, #tpu.memory_space<hbm>> -> memref<2048xi32, #tpu.memory_space<hbm>>
        tpu.enqueue_dma source(%dma_start3A_319 : memref<2048xi32, #tpu.memory_space<hbm>>) target(%arg10 : memref<2048xi32, #tpu.memory_space<vmem>>) target_semaphore(%arg20 : memref<!tpu.dma_semaphore, #tpu.memory_space<semaphore_mem>>)
      } else {
      }
      %dma_start3A_302 = arith.constant 0 : i32
      %dma_start3A_303 = tpu.memref_slice %arg18[%dma_start3A_302] : memref<100352xf32, #tpu.memory_space<vmem_shared>> -> memref<100352xf32, #tpu.memory_space<vmem_shared>>
      tpu.enqueue_indirect_dma source(%arg16 : memref<2048xf32, #tpu.memory_space<vmem>>) target(%dma_start3A_303 : memref<100352xf32, #tpu.memory_space<vmem_shared>>) offsets(%arg12 : memref<2048xi32, #tpu.memory_space<vmem>>) semaphore(%arg26 : memref<!tpu.dma_semaphore, #tpu.memory_space<semaphore_mem>>) {add = true}
      %while3A_304 = arith.constant 0 : i32
      scf.yield %while3A_304 : i32
    }
    %while3A_78 = arith.constant 1 : i32
    %while3A_79 = scf.for %while3A_168 = %while3A_75 to %while3A_71 step %while3A_78 iter_args(%while3A_169 = %while3A_77) -> (i32)  : i32 {
      %mul3A_170 = arith.constant 4 : i32
      %mul3A_171 = arith.muli %while3A_168, %mul3A_170 : i32
      %add3A_172 = arith.constant 0 : i32
      %add3A_173 = arith.addi %mul3A_171, %add3A_172 : i32
      %dma_wait3A_174 = arith.constant 0 : i32
      %dma_wait3A_175 = arith.constant 0 : i32
      %dma_wait3A_176 = tpu.memref_slice %arg2[%dma_wait3A_174, %dma_wait3A_175] : memref<2x6400000xi32, #tpu.memory_space<hbm>> -> memref<1x2048xi32, #tpu.memory_space<hbm>>
      %dma_wait3A_177 = tpu.memref_squeeze %dma_wait3A_176 : memref<1x2048xi32, #tpu.memory_space<hbm>> -> memref<2048xi32, #tpu.memory_space<hbm>>
      %dma_wait3A_178 = arith.constant 0 : i32
      %dma_wait3A_179 = tpu.memref_slice %arg2[%dma_wait3A_174, %dma_wait3A_178] : memref<2x6400000xi32, #tpu.memory_space<hbm>> -> memref<1x2048xi32, #tpu.memory_space<hbm>>
      %dma_wait3A_180 = tpu.memref_squeeze %dma_wait3A_179 : memref<1x2048xi32, #tpu.memory_space<hbm>> -> memref<2048xi32, #tpu.memory_space<hbm>>
      tpu.wait_dma2 semaphore(%arg19 : memref<!tpu.dma_semaphore, #tpu.memory_space<semaphore_mem>>) src(%dma_wait3A_180 : memref<2048xi32, #tpu.memory_space<hbm>>) dst(%arg5 : memref<2048xi32, #tpu.memory_space<vmem>>)
      %dma_wait3A_181 = arith.constant 1 : i32
      %dma_wait3A_182 = arith.constant 0 : i32
      %dma_wait3A_183 = tpu.memref_slice %arg2[%dma_wait3A_181, %dma_wait3A_182] : memref<2x6400000xi32, #tpu.memory_space<hbm>> -> memref<1x2048xi32, #tpu.memory_space<hbm>>
      %dma_wait3A_184 = tpu.memref_squeeze %dma_wait3A_183 : memref<1x2048xi32, #tpu.memory_space<hbm>> -> memref<2048xi32, #tpu.memory_space<hbm>>
      %dma_wait3A_185 = arith.constant 0 : i32
      %dma_wait3A_186 = tpu.memref_slice %arg2[%dma_wait3A_181, %dma_wait3A_185] : memref<2x6400000xi32, #tpu.memory_space<hbm>> -> memref<1x2048xi32, #tpu.memory_space<hbm>>
      %dma_wait3A_187 = tpu.memref_squeeze %dma_wait3A_186 : memref<1x2048xi32, #tpu.memory_space<hbm>> -> memref<2048xi32, #tpu.memory_space<hbm>>
      tpu.wait_dma2 semaphore(%arg19 : memref<!tpu.dma_semaphore, #tpu.memory_space<semaphore_mem>>) src(%dma_wait3A_187 : memref<2048xi32, #tpu.memory_space<hbm>>) dst(%arg9 : memref<2048xi32, #tpu.memory_space<vmem>>)
      %parallel_loop3A = arith.constant 0 : i32
      %parallel_loop3A_188 = arith.constant 128 : i32
      %parallel_loop3A_189 = arith.constant 1 : i32
      scf.for %parallel_loop3A_305 = %parallel_loop3A to %parallel_loop3A_188 step %parallel_loop3A_189  : i32 {
        %parallel_loop3A_306 = arith.constant 16 : i32
        %parallel_loop3A_307 = arith.muli %parallel_loop3A_305, %parallel_loop3A_306 : i32
        %parallel_loop3A_308 = arith.index_cast %parallel_loop3A_307 : i32 to index
        %parallel_loop3A_309 = tpu.vector_load %arg5[%parallel_loop3A_308] {strides = array<i32>} : memref<2048xi32, #tpu.memory_space<vmem>>, vector<16xi32>,
        %parallel_loop3A_310 = tpu.vector_load_idx %arg17[%parallel_loop3A_309] : memref<100000xf32, #tpu.memory_space<vmem>>[vector<16xi32>], vector<16xf32>,
        %parallel_loop3A_311 = arith.index_cast %parallel_loop3A_307 : i32 to index
        %parallel_loop3A_312 = tpu.vector_load %arg13[%parallel_loop3A_311] {strides = array<i32>} : memref<2048xf32, #tpu.memory_space<vmem>>, vector<16xf32>,
        tpu.vector_store %arg13[%parallel_loop3A_311], %parallel_loop3A_310 {strides = array<i32>} : memref<2048xf32, #tpu.memory_space<vmem>>, vector<16xf32>,
      } {sc.loop_unroll_factor = 8 : i64, sc.parallel_access}
      %ge3A = arith.constant 2 : i32
      %ge3A_190 = arith.cmpi sge, %add3A_173, %ge3A : i32
      %convert_element_type3A_191 = arith.extui %ge3A_190 : i1 to i32
      %cond3A_192 = arith.constant 0 : i32
      %cond3A_193 = arith.cmpi ne, %convert_element_type3A_191, %cond3A_192 : i32
      scf.if %cond3A_193 {
        %dma_wait3A_305 = arith.constant 0 : i32
        %dma_wait3A_306 = tpu.memref_slice %arg18[%dma_wait3A_305] : memref<100352xf32, #tpu.memory_space<vmem_shared>> -> memref<100352xf32, #tpu.memory_space<vmem_shared>>
        tpu.wait_indirect_dma semaphore(%arg25 : memref<!tpu.dma_semaphore, #tpu.memory_space<semaphore_mem>>) src(%arg15 : memref<2048xf32, #tpu.memory_space<vmem>>) dst(%dma_wait3A_306 : memref<100352xf32, #tpu.memory_space<vmem_shared>>)
      } else {
      }
      %add3A_194 = arith.constant 2 : i32
      %add3A_195 = arith.addi %add3A_173, %add3A_194 : i32
      %lt3A_196 = arith.cmpi slt, %add3A_195, %select_n3A : i32
      %convert_element_type3A_197 = arith.extui %lt3A_196 : i1 to i32
      %cond3A_198 = arith.constant 0 : i32
      %cond3A_199 = arith.cmpi ne, %convert_element_type3A_197, %cond3A_198 : i32
      scf.if %cond3A_199 {
        %add3A_305 = arith.constant 2 : i32
        %add3A_306 = arith.addi %add3A_173, %add3A_305 : i32
        %mul3A_307 = arith.constant 2048 : i32
        %mul3A_308 = arith.muli %add3A_306, %mul3A_307 : i32
        %add3A_309 = arith.addi %mul3A_2, %mul3A_308 : i32
        %dma_start3A_310 = arith.constant 0 : i32
        %dma_start3A_311 = tpu.memref_slice %arg2[%dma_start3A_310, %add3A_309] : memref<2x6400000xi32, #tpu.memory_space<hbm>> -> memref<1x2048xi32, #tpu.memory_space<hbm>>
        %dma_start3A_312 = tpu.memref_squeeze %dma_start3A_311 : memref<1x2048xi32, #tpu.memory_space<hbm>> -> memref<2048xi32, #tpu.memory_space<hbm>>
        %dma_start3A_313 = tpu.memref_slice %arg2[%dma_start3A_310, %add3A_309] : memref<2x6400000xi32, #tpu.memory_space<hbm>> -> memref<1x2048xi32, #tpu.memory_space<hbm>>
        %dma_start3A_314 = tpu.memref_squeeze %dma_start3A_313 : memref<1x2048xi32, #tpu.memory_space<hbm>> -> memref<2048xi32, #tpu.memory_space<hbm>>
        tpu.enqueue_dma source(%dma_start3A_314 : memref<2048xi32, #tpu.memory_space<hbm>>) target(%arg7 : memref<2048xi32, #tpu.memory_space<vmem>>) target_semaphore(%arg21 : memref<!tpu.dma_semaphore, #tpu.memory_space<semaphore_mem>>)
        %dma_start3A_315 = arith.constant 1 : i32
        %dma_start3A_316 = tpu.memref_slice %arg2[%dma_start3A_315, %add3A_309] : memref<2x6400000xi32, #tpu.memory_space<hbm>> -> memref<1x2048xi32, #tpu.memory_space<hbm>>
        %dma_start3A_317 = tpu.memref_squeeze %dma_start3A_316 : memref<1x2048xi32, #tpu.memory_space<hbm>> -> memref<2048xi32, #tpu.memory_space<hbm>>
        %dma_start3A_318 = tpu.memref_slice %arg2[%dma_start3A_315, %add3A_309] : memref<2x6400000xi32, #tpu.memory_space<hbm>> -> memref<1x2048xi32, #tpu.memory_space<hbm>>
        %dma_start3A_319 = tpu.memref_squeeze %dma_start3A_318 : memref<1x2048xi32, #tpu.memory_space<hbm>> -> memref<2048xi32, #tpu.memory_space<hbm>>
        tpu.enqueue_dma source(%dma_start3A_319 : memref<2048xi32, #tpu.memory_space<hbm>>) target(%arg11 : memref<2048xi32, #tpu.memory_space<vmem>>) target_semaphore(%arg21 : memref<!tpu.dma_semaphore, #tpu.memory_space<semaphore_mem>>)
      } else {
      }
      %dma_start3A_200 = arith.constant 0 : i32
      %dma_start3A_201 = tpu.memref_slice %arg18[%dma_start3A_200] : memref<100352xf32, #tpu.memory_space<vmem_shared>> -> memref<100352xf32, #tpu.memory_space<vmem_shared>>
      tpu.enqueue_indirect_dma source(%arg13 : memref<2048xf32, #tpu.memory_space<vmem>>) target(%dma_start3A_201 : memref<100352xf32, #tpu.memory_space<vmem_shared>>) offsets(%arg9 : memref<2048xi32, #tpu.memory_space<vmem>>) semaphore(%arg23 : memref<!tpu.dma_semaphore, #tpu.memory_space<semaphore_mem>>) {add = true}
      %mul3A_202 = arith.constant 4 : i32
      %mul3A_203 = arith.muli %while3A_168, %mul3A_202 : i32
      %add3A_204 = arith.constant 1 : i32
      %add3A_205 = arith.addi %mul3A_203, %add3A_204 : i32
      %dma_wait3A_206 = arith.constant 0 : i32
      %dma_wait3A_207 = arith.constant 0 : i32
      %dma_wait3A_208 = tpu.memref_slice %arg2[%dma_wait3A_206, %dma_wait3A_207] : memref<2x6400000xi32, #tpu.memory_space<hbm>> -> memref<1x2048xi32, #tpu.memory_space<hbm>>
      %dma_wait3A_209 = tpu.memref_squeeze %dma_wait3A_208 : memref<1x2048xi32, #tpu.memory_space<hbm>> -> memref<2048xi32, #tpu.memory_space<hbm>>
      %dma_wait3A_210 = arith.constant 0 : i32
      %dma_wait3A_211 = tpu.memref_slice %arg2[%dma_wait3A_206, %dma_wait3A_210] : memref<2x6400000xi32, #tpu.memory_space<hbm>> -> memref<1x2048xi32, #tpu.memory_space<hbm>>
      %dma_wait3A_212 = tpu.memref_squeeze %dma_wait3A_211 : memref<1x2048xi32, #tpu.memory_space<hbm>> -> memref<2048xi32, #tpu.memory_space<hbm>>
      tpu.wait_dma2 semaphore(%arg20 : memref<!tpu.dma_semaphore, #tpu.memory_space<semaphore_mem>>) src(%dma_wait3A_212 : memref<2048xi32, #tpu.memory_space<hbm>>) dst(%arg6 : memref<2048xi32, #tpu.memory_space<vmem>>)
      %dma_wait3A_213 = arith.constant 1 : i32
      %dma_wait3A_214 = arith.constant 0 : i32
      %dma_wait3A_215 = tpu.memref_slice %arg2[%dma_wait3A_213, %dma_wait3A_214] : memref<2x6400000xi32, #tpu.memory_space<hbm>> -> memref<1x2048xi32, #tpu.memory_space<hbm>>
      %dma_wait3A_216 = tpu.memref_squeeze %dma_wait3A_215 : memref<1x2048xi32, #tpu.memory_space<hbm>> -> memref<2048xi32, #tpu.memory_space<hbm>>
      %dma_wait3A_217 = arith.constant 0 : i32
      %dma_wait3A_218 = tpu.memref_slice %arg2[%dma_wait3A_213, %dma_wait3A_217] : memref<2x6400000xi32, #tpu.memory_space<hbm>> -> memref<1x2048xi32, #tpu.memory_space<hbm>>
      %dma_wait3A_219 = tpu.memref_squeeze %dma_wait3A_218 : memref<1x2048xi32, #tpu.memory_space<hbm>> -> memref<2048xi32, #tpu.memory_space<hbm>>
      tpu.wait_dma2 semaphore(%arg20 : memref<!tpu.dma_semaphore, #tpu.memory_space<semaphore_mem>>) src(%dma_wait3A_219 : memref<2048xi32, #tpu.memory_space<hbm>>) dst(%arg10 : memref<2048xi32, #tpu.memory_space<vmem>>)
      %parallel_loop3A_220 = arith.constant 0 : i32
      %parallel_loop3A_221 = arith.constant 128 : i32
      %parallel_loop3A_222 = arith.constant 1 : i32
      scf.for %parallel_loop3A_305 = %parallel_loop3A_220 to %parallel_loop3A_221 step %parallel_loop3A_222  : i32 {
        %parallel_loop3A_306 = arith.constant 16 : i32
        %parallel_loop3A_307 = arith.muli %parallel_loop3A_305, %parallel_loop3A_306 : i32
        %parallel_loop3A_308 = arith.index_cast %parallel_loop3A_307 : i32 to index
        %parallel_loop3A_309 = tpu.vector_load %arg6[%parallel_loop3A_308] {strides = array<i32>} : memref<2048xi32, #tpu.memory_space<vmem>>, vector<16xi32>,
        %parallel_loop3A_310 = tpu.vector_load_idx %arg17[%parallel_loop3A_309] : memref<100000xf32, #tpu.memory_space<vmem>>[vector<16xi32>], vector<16xf32>,
        %parallel_loop3A_311 = arith.index_cast %parallel_loop3A_307 : i32 to index
        %parallel_loop3A_312 = tpu.vector_load %arg14[%parallel_loop3A_311] {strides = array<i32>} : memref<2048xf32, #tpu.memory_space<vmem>>, vector<16xf32>,
        tpu.vector_store %arg14[%parallel_loop3A_311], %parallel_loop3A_310 {strides = array<i32>} : memref<2048xf32, #tpu.memory_space<vmem>>, vector<16xf32>,
      } {sc.loop_unroll_factor = 8 : i64, sc.parallel_access}
      %ge3A_223 = arith.constant 2 : i32
      %ge3A_224 = arith.cmpi sge, %add3A_205, %ge3A_223 : i32
      %convert_element_type3A_225 = arith.extui %ge3A_224 : i1 to i32
      %cond3A_226 = arith.constant 0 : i32
      %cond3A_227 = arith.cmpi ne, %convert_element_type3A_225, %cond3A_226 : i32
      scf.if %cond3A_227 {
        %dma_wait3A_305 = arith.constant 0 : i32
        %dma_wait3A_306 = tpu.memref_slice %arg18[%dma_wait3A_305] : memref<100352xf32, #tpu.memory_space<vmem_shared>> -> memref<100352xf32, #tpu.memory_space<vmem_shared>>
        tpu.wait_indirect_dma semaphore(%arg26 : memref<!tpu.dma_semaphore, #tpu.memory_space<semaphore_mem>>) src(%arg16 : memref<2048xf32, #tpu.memory_space<vmem>>) dst(%dma_wait3A_306 : memref<100352xf32, #tpu.memory_space<vmem_shared>>)
      } else {
      }
      %add3A_228 = arith.constant 2 : i32
      %add3A_229 = arith.addi %add3A_205, %add3A_228 : i32
      %lt3A_230 = arith.cmpi slt, %add3A_229, %select_n3A : i32
      %convert_element_type3A_231 = arith.extui %lt3A_230 : i1 to i32
      %cond3A_232 = arith.constant 0 : i32
      %cond3A_233 = arith.cmpi ne, %convert_element_type3A_231, %cond3A_232 : i32
      scf.if %cond3A_233 {
        %add3A_305 = arith.constant 2 : i32
        %add3A_306 = arith.addi %add3A_205, %add3A_305 : i32
        %mul3A_307 = arith.constant 2048 : i32
        %mul3A_308 = arith.muli %add3A_306, %mul3A_307 : i32
        %add3A_309 = arith.addi %mul3A_2, %mul3A_308 : i32
        %dma_start3A_310 = arith.constant 0 : i32
        %dma_start3A_311 = tpu.memref_slice %arg2[%dma_start3A_310, %add3A_309] : memref<2x6400000xi32, #tpu.memory_space<hbm>> -> memref<1x2048xi32, #tpu.memory_space<hbm>>
        %dma_start3A_312 = tpu.memref_squeeze %dma_start3A_311 : memref<1x2048xi32, #tpu.memory_space<hbm>> -> memref<2048xi32, #tpu.memory_space<hbm>>
        %dma_start3A_313 = tpu.memref_slice %arg2[%dma_start3A_310, %add3A_309] : memref<2x6400000xi32, #tpu.memory_space<hbm>> -> memref<1x2048xi32, #tpu.memory_space<hbm>>
        %dma_start3A_314 = tpu.memref_squeeze %dma_start3A_313 : memref<1x2048xi32, #tpu.memory_space<hbm>> -> memref<2048xi32, #tpu.memory_space<hbm>>
        tpu.enqueue_dma source(%dma_start3A_314 : memref<2048xi32, #tpu.memory_space<hbm>>) target(%arg8 : memref<2048xi32, #tpu.memory_space<vmem>>) target_semaphore(%arg22 : memref<!tpu.dma_semaphore, #tpu.memory_space<semaphore_mem>>)
        %dma_start3A_315 = arith.constant 1 : i32
        %dma_start3A_316 = tpu.memref_slice %arg2[%dma_start3A_315, %add3A_309] : memref<2x6400000xi32, #tpu.memory_space<hbm>> -> memref<1x2048xi32, #tpu.memory_space<hbm>>
        %dma_start3A_317 = tpu.memref_squeeze %dma_start3A_316 : memref<1x2048xi32, #tpu.memory_space<hbm>> -> memref<2048xi32, #tpu.memory_space<hbm>>
        %dma_start3A_318 = tpu.memref_slice %arg2[%dma_start3A_315, %add3A_309] : memref<2x6400000xi32, #tpu.memory_space<hbm>> -> memref<1x2048xi32, #tpu.memory_space<hbm>>
        %dma_start3A_319 = tpu.memref_squeeze %dma_start3A_318 : memref<1x2048xi32, #tpu.memory_space<hbm>> -> memref<2048xi32, #tpu.memory_space<hbm>>
        tpu.enqueue_dma source(%dma_start3A_319 : memref<2048xi32, #tpu.memory_space<hbm>>) target(%arg12 : memref<2048xi32, #tpu.memory_space<vmem>>) target_semaphore(%arg22 : memref<!tpu.dma_semaphore, #tpu.memory_space<semaphore_mem>>)
      } else {
      }
      %dma_start3A_234 = arith.constant 0 : i32
      %dma_start3A_235 = tpu.memref_slice %arg18[%dma_start3A_234] : memref<100352xf32, #tpu.memory_space<vmem_shared>> -> memref<100352xf32, #tpu.memory_space<vmem_shared>>
      tpu.enqueue_indirect_dma source(%arg14 : memref<2048xf32, #tpu.memory_space<vmem>>) target(%dma_start3A_235 : memref<100352xf32, #tpu.memory_space<vmem_shared>>) offsets(%arg10 : memref<2048xi32, #tpu.memory_space<vmem>>) semaphore(%arg24 : memref<!tpu.dma_semaphore, #tpu.memory_space<semaphore_mem>>) {add = true}
      %mul3A_236 = arith.constant 4 : i32
      %mul3A_237 = arith.muli %while3A_168, %mul3A_236 : i32
      %add3A_238 = arith.constant 2 : i32
      %add3A_239 = arith.addi %mul3A_237, %add3A_238 : i32
      %dma_wait3A_240 = arith.constant 0 : i32
      %dma_wait3A_241 = arith.constant 0 : i32
      %dma_wait3A_242 = tpu.memref_slice %arg2[%dma_wait3A_240, %dma_wait3A_241] : memref<2x6400000xi32, #tpu.memory_space<hbm>> -> memref<1x2048xi32, #tpu.memory_space<hbm>>
      %dma_wait3A_243 = tpu.memref_squeeze %dma_wait3A_242 : memref<1x2048xi32, #tpu.memory_space<hbm>> -> memref<2048xi32, #tpu.memory_space<hbm>>
      %dma_wait3A_244 = arith.constant 0 : i32
      %dma_wait3A_245 = tpu.memref_slice %arg2[%dma_wait3A_240, %dma_wait3A_244] : memref<2x6400000xi32, #tpu.memory_space<hbm>> -> memref<1x2048xi32, #tpu.memory_space<hbm>>
      %dma_wait3A_246 = tpu.memref_squeeze %dma_wait3A_245 : memref<1x2048xi32, #tpu.memory_space<hbm>> -> memref<2048xi32, #tpu.memory_space<hbm>>
      tpu.wait_dma2 semaphore(%arg21 : memref<!tpu.dma_semaphore, #tpu.memory_space<semaphore_mem>>) src(%dma_wait3A_246 : memref<2048xi32, #tpu.memory_space<hbm>>) dst(%arg7 : memref<2048xi32, #tpu.memory_space<vmem>>)
      %dma_wait3A_247 = arith.constant 1 : i32
      %dma_wait3A_248 = arith.constant 0 : i32
      %dma_wait3A_249 = tpu.memref_slice %arg2[%dma_wait3A_247, %dma_wait3A_248] : memref<2x6400000xi32, #tpu.memory_space<hbm>> -> memref<1x2048xi32, #tpu.memory_space<hbm>>
      %dma_wait3A_250 = tpu.memref_squeeze %dma_wait3A_249 : memref<1x2048xi32, #tpu.memory_space<hbm>> -> memref<2048xi32, #tpu.memory_space<hbm>>
      %dma_wait3A_251 = arith.constant 0 : i32
      %dma_wait3A_252 = tpu.memref_slice %arg2[%dma_wait3A_247, %dma_wait3A_251] : memref<2x6400000xi32, #tpu.memory_space<hbm>> -> memref<1x2048xi32, #tpu.memory_space<hbm>>
      %dma_wait3A_253 = tpu.memref_squeeze %dma_wait3A_252 : memref<1x2048xi32, #tpu.memory_space<hbm>> -> memref<2048xi32, #tpu.memory_space<hbm>>
      tpu.wait_dma2 semaphore(%arg21 : memref<!tpu.dma_semaphore, #tpu.memory_space<semaphore_mem>>) src(%dma_wait3A_253 : memref<2048xi32, #tpu.memory_space<hbm>>) dst(%arg11 : memref<2048xi32, #tpu.memory_space<vmem>>)
      %parallel_loop3A_254 = arith.constant 0 : i32
      %parallel_loop3A_255 = arith.constant 128 : i32
      %parallel_loop3A_256 = arith.constant 1 : i32
      scf.for %parallel_loop3A_305 = %parallel_loop3A_254 to %parallel_loop3A_255 step %parallel_loop3A_256  : i32 {
        %parallel_loop3A_306 = arith.constant 16 : i32
        %parallel_loop3A_307 = arith.muli %parallel_loop3A_305, %parallel_loop3A_306 : i32
        %parallel_loop3A_308 = arith.index_cast %parallel_loop3A_307 : i32 to index
        %parallel_loop3A_309 = tpu.vector_load %arg7[%parallel_loop3A_308] {strides = array<i32>} : memref<2048xi32, #tpu.memory_space<vmem>>, vector<16xi32>,
        %parallel_loop3A_310 = tpu.vector_load_idx %arg17[%parallel_loop3A_309] : memref<100000xf32, #tpu.memory_space<vmem>>[vector<16xi32>], vector<16xf32>,
        %parallel_loop3A_311 = arith.index_cast %parallel_loop3A_307 : i32 to index
        %parallel_loop3A_312 = tpu.vector_load %arg15[%parallel_loop3A_311] {strides = array<i32>} : memref<2048xf32, #tpu.memory_space<vmem>>, vector<16xf32>,
        tpu.vector_store %arg15[%parallel_loop3A_311], %parallel_loop3A_310 {strides = array<i32>} : memref<2048xf32, #tpu.memory_space<vmem>>, vector<16xf32>,
      } {sc.loop_unroll_factor = 8 : i64, sc.parallel_access}
      %ge3A_257 = arith.constant 2 : i32
      %ge3A_258 = arith.cmpi sge, %add3A_239, %ge3A_257 : i32
      %convert_element_type3A_259 = arith.extui %ge3A_258 : i1 to i32
      %cond3A_260 = arith.constant 0 : i32
      %cond3A_261 = arith.cmpi ne, %convert_element_type3A_259, %cond3A_260 : i32
      scf.if %cond3A_261 {
        %dma_wait3A_305 = arith.constant 0 : i32
        %dma_wait3A_306 = tpu.memref_slice %arg18[%dma_wait3A_305] : memref<100352xf32, #tpu.memory_space<vmem_shared>> -> memref<100352xf32, #tpu.memory_space<vmem_shared>>
        tpu.wait_indirect_dma semaphore(%arg23 : memref<!tpu.dma_semaphore, #tpu.memory_space<semaphore_mem>>) src(%arg13 : memref<2048xf32, #tpu.memory_space<vmem>>) dst(%dma_wait3A_306 : memref<100352xf32, #tpu.memory_space<vmem_shared>>)
      } else {
      }
      %add3A_262 = arith.constant 2 : i32
      %add3A_263 = arith.addi %add3A_239, %add3A_262 : i32
      %lt3A_264 = arith.cmpi slt, %add3A_263, %select_n3A : i32
      %convert_element_type3A_265 = arith.extui %lt3A_264 : i1 to i32
      %cond3A_266 = arith.constant 0 : i32
      %cond3A_267 = arith.cmpi ne, %convert_element_type3A_265, %cond3A_266 : i32
      scf.if %cond3A_267 {
        %add3A_305 = arith.constant 2 : i32
        %add3A_306 = arith.addi %add3A_239, %add3A_305 : i32
        %mul3A_307 = arith.constant 2048 : i32
        %mul3A_308 = arith.muli %add3A_306, %mul3A_307 : i32
        %add3A_309 = arith.addi %mul3A_2, %mul3A_308 : i32
        %dma_start3A_310 = arith.constant 0 : i32
        %dma_start3A_311 = tpu.memref_slice %arg2[%dma_start3A_310, %add3A_309] : memref<2x6400000xi32, #tpu.memory_space<hbm>> -> memref<1x2048xi32, #tpu.memory_space<hbm>>
        %dma_start3A_312 = tpu.memref_squeeze %dma_start3A_311 : memref<1x2048xi32, #tpu.memory_space<hbm>> -> memref<2048xi32, #tpu.memory_space<hbm>>
        %dma_start3A_313 = tpu.memref_slice %arg2[%dma_start3A_310, %add3A_309] : memref<2x6400000xi32, #tpu.memory_space<hbm>> -> memref<1x2048xi32, #tpu.memory_space<hbm>>
        %dma_start3A_314 = tpu.memref_squeeze %dma_start3A_313 : memref<1x2048xi32, #tpu.memory_space<hbm>> -> memref<2048xi32, #tpu.memory_space<hbm>>
        tpu.enqueue_dma source(%dma_start3A_314 : memref<2048xi32, #tpu.memory_space<hbm>>) target(%arg5 : memref<2048xi32, #tpu.memory_space<vmem>>) target_semaphore(%arg19 : memref<!tpu.dma_semaphore, #tpu.memory_space<semaphore_mem>>)
        %dma_start3A_315 = arith.constant 1 : i32
        %dma_start3A_316 = tpu.memref_slice %arg2[%dma_start3A_315, %add3A_309] : memref<2x6400000xi32, #tpu.memory_space<hbm>> -> memref<1x2048xi32, #tpu.memory_space<hbm>>
        %dma_start3A_317 = tpu.memref_squeeze %dma_start3A_316 : memref<1x2048xi32, #tpu.memory_space<hbm>> -> memref<2048xi32, #tpu.memory_space<hbm>>
        %dma_start3A_318 = tpu.memref_slice %arg2[%dma_start3A_315, %add3A_309] : memref<2x6400000xi32, #tpu.memory_space<hbm>> -> memref<1x2048xi32, #tpu.memory_space<hbm>>
        %dma_start3A_319 = tpu.memref_squeeze %dma_start3A_318 : memref<1x2048xi32, #tpu.memory_space<hbm>> -> memref<2048xi32, #tpu.memory_space<hbm>>
        tpu.enqueue_dma source(%dma_start3A_319 : memref<2048xi32, #tpu.memory_space<hbm>>) target(%arg9 : memref<2048xi32, #tpu.memory_space<vmem>>) target_semaphore(%arg19 : memref<!tpu.dma_semaphore, #tpu.memory_space<semaphore_mem>>)
      } else {
      }
      %dma_start3A_268 = arith.constant 0 : i32
      %dma_start3A_269 = tpu.memref_slice %arg18[%dma_start3A_268] : memref<100352xf32, #tpu.memory_space<vmem_shared>> -> memref<100352xf32, #tpu.memory_space<vmem_shared>>
      tpu.enqueue_indirect_dma source(%arg15 : memref<2048xf32, #tpu.memory_space<vmem>>) target(%dma_start3A_269 : memref<100352xf32, #tpu.memory_space<vmem_shared>>) offsets(%arg11 : memref<2048xi32, #tpu.memory_space<vmem>>) semaphore(%arg25 : memref<!tpu.dma_semaphore, #tpu.memory_space<semaphore_mem>>) {add = true}
      %mul3A_270 = arith.constant 4 : i32
      %mul3A_271 = arith.muli %while3A_168, %mul3A_270 : i32
      %add3A_272 = arith.constant 3 : i32
      %add3A_273 = arith.addi %mul3A_271, %add3A_272 : i32
      %dma_wait3A_274 = arith.constant 0 : i32
      %dma_wait3A_275 = arith.constant 0 : i32
      %dma_wait3A_276 = tpu.memref_slice %arg2[%dma_wait3A_274, %dma_wait3A_275] : memref<2x6400000xi32, #tpu.memory_space<hbm>> -> memref<1x2048xi32, #tpu.memory_space<hbm>>
      %dma_wait3A_277 = tpu.memref_squeeze %dma_wait3A_276 : memref<1x2048xi32, #tpu.memory_space<hbm>> -> memref<2048xi32, #tpu.memory_space<hbm>>
      %dma_wait3A_278 = arith.constant 0 : i32
      %dma_wait3A_279 = tpu.memref_slice %arg2[%dma_wait3A_274, %dma_wait3A_278] : memref<2x6400000xi32, #tpu.memory_space<hbm>> -> memref<1x2048xi32, #tpu.memory_space<hbm>>
      %dma_wait3A_280 = tpu.memref_squeeze %dma_wait3A_279 : memref<1x2048xi32, #tpu.memory_space<hbm>> -> memref<2048xi32, #tpu.memory_space<hbm>>
      tpu.wait_dma2 semaphore(%arg22 : memref<!tpu.dma_semaphore, #tpu.memory_space<semaphore_mem>>) src(%dma_wait3A_280 : memref<2048xi32, #tpu.memory_space<hbm>>) dst(%arg8 : memref<2048xi32, #tpu.memory_space<vmem>>)
      %dma_wait3A_281 = arith.constant 1 : i32
      %dma_wait3A_282 = arith.constant 0 : i32
      %dma_wait3A_283 = tpu.memref_slice %arg2[%dma_wait3A_281, %dma_wait3A_282] : memref<2x6400000xi32, #tpu.memory_space<hbm>> -> memref<1x2048xi32, #tpu.memory_space<hbm>>
      %dma_wait3A_284 = tpu.memref_squeeze %dma_wait3A_283 : memref<1x2048xi32, #tpu.memory_space<hbm>> -> memref<2048xi32, #tpu.memory_space<hbm>>
      %dma_wait3A_285 = arith.constant 0 : i32
      %dma_wait3A_286 = tpu.memref_slice %arg2[%dma_wait3A_281, %dma_wait3A_285] : memref<2x6400000xi32, #tpu.memory_space<hbm>> -> memref<1x2048xi32, #tpu.memory_space<hbm>>
      %dma_wait3A_287 = tpu.memref_squeeze %dma_wait3A_286 : memref<1x2048xi32, #tpu.memory_space<hbm>> -> memref<2048xi32, #tpu.memory_space<hbm>>
      tpu.wait_dma2 semaphore(%arg22 : memref<!tpu.dma_semaphore, #tpu.memory_space<semaphore_mem>>) src(%dma_wait3A_287 : memref<2048xi32, #tpu.memory_space<hbm>>) dst(%arg12 : memref<2048xi32, #tpu.memory_space<vmem>>)
      %parallel_loop3A_288 = arith.constant 0 : i32
      %parallel_loop3A_289 = arith.constant 128 : i32
      %parallel_loop3A_290 = arith.constant 1 : i32
      scf.for %parallel_loop3A_305 = %parallel_loop3A_288 to %parallel_loop3A_289 step %parallel_loop3A_290  : i32 {
        %parallel_loop3A_306 = arith.constant 16 : i32
        %parallel_loop3A_307 = arith.muli %parallel_loop3A_305, %parallel_loop3A_306 : i32
        %parallel_loop3A_308 = arith.index_cast %parallel_loop3A_307 : i32 to index
        %parallel_loop3A_309 = tpu.vector_load %arg8[%parallel_loop3A_308] {strides = array<i32>} : memref<2048xi32, #tpu.memory_space<vmem>>, vector<16xi32>,
        %parallel_loop3A_310 = tpu.vector_load_idx %arg17[%parallel_loop3A_309] : memref<100000xf32, #tpu.memory_space<vmem>>[vector<16xi32>], vector<16xf32>,
        %parallel_loop3A_311 = arith.index_cast %parallel_loop3A_307 : i32 to index
        %parallel_loop3A_312 = tpu.vector_load %arg16[%parallel_loop3A_311] {strides = array<i32>} : memref<2048xf32, #tpu.memory_space<vmem>>, vector<16xf32>,
        tpu.vector_store %arg16[%parallel_loop3A_311], %parallel_loop3A_310 {strides = array<i32>} : memref<2048xf32, #tpu.memory_space<vmem>>, vector<16xf32>,
      } {sc.loop_unroll_factor = 8 : i64, sc.parallel_access}
      %ge3A_291 = arith.constant 2 : i32
      %ge3A_292 = arith.cmpi sge, %add3A_273, %ge3A_291 : i32
      %convert_element_type3A_293 = arith.extui %ge3A_292 : i1 to i32
      %cond3A_294 = arith.constant 0 : i32
      %cond3A_295 = arith.cmpi ne, %convert_element_type3A_293, %cond3A_294 : i32
      scf.if %cond3A_295 {
        %dma_wait3A_305 = arith.constant 0 : i32
        %dma_wait3A_306 = tpu.memref_slice %arg18[%dma_wait3A_305] : memref<100352xf32, #tpu.memory_space<vmem_shared>> -> memref<100352xf32, #tpu.memory_space<vmem_shared>>
        tpu.wait_indirect_dma semaphore(%arg24 : memref<!tpu.dma_semaphore, #tpu.memory_space<semaphore_mem>>) src(%arg14 : memref<2048xf32, #tpu.memory_space<vmem>>) dst(%dma_wait3A_306 : memref<100352xf32, #tpu.memory_space<vmem_shared>>)
      } else {
      }
      %add3A_296 = arith.constant 2 : i32
      %add3A_297 = arith.addi %add3A_273, %add3A_296 : i32
      %lt3A_298 = arith.cmpi slt, %add3A_297, %select_n3A : i32
      %convert_element_type3A_299 = arith.extui %lt3A_298 : i1 to i32
      %cond3A_300 = arith.constant 0 : i32
      %cond3A_301 = arith.cmpi ne, %convert_element_type3A_299, %cond3A_300 : i32
      scf.if %cond3A_301 {
        %add3A_305 = arith.constant 2 : i32
        %add3A_306 = arith.addi %add3A_273, %add3A_305 : i32
        %mul3A_307 = arith.constant 2048 : i32
        %mul3A_308 = arith.muli %add3A_306, %mul3A_307 : i32
        %add3A_309 = arith.addi %mul3A_2, %mul3A_308 : i32
        %dma_start3A_310 = arith.constant 0 : i32
        %dma_start3A_311 = tpu.memref_slice %arg2[%dma_start3A_310, %add3A_309] : memref<2x6400000xi32, #tpu.memory_space<hbm>> -> memref<1x2048xi32, #tpu.memory_space<hbm>>
        %dma_start3A_312 = tpu.memref_squeeze %dma_start3A_311 : memref<1x2048xi32, #tpu.memory_space<hbm>> -> memref<2048xi32, #tpu.memory_space<hbm>>
        %dma_start3A_313 = tpu.memref_slice %arg2[%dma_start3A_310, %add3A_309] : memref<2x6400000xi32, #tpu.memory_space<hbm>> -> memref<1x2048xi32, #tpu.memory_space<hbm>>
        %dma_start3A_314 = tpu.memref_squeeze %dma_start3A_313 : memref<1x2048xi32, #tpu.memory_space<hbm>> -> memref<2048xi32, #tpu.memory_space<hbm>>
        tpu.enqueue_dma source(%dma_start3A_314 : memref<2048xi32, #tpu.memory_space<hbm>>) target(%arg6 : memref<2048xi32, #tpu.memory_space<vmem>>) target_semaphore(%arg20 : memref<!tpu.dma_semaphore, #tpu.memory_space<semaphore_mem>>)
        %dma_start3A_315 = arith.constant 1 : i32
        %dma_start3A_316 = tpu.memref_slice %arg2[%dma_start3A_315, %add3A_309] : memref<2x6400000xi32, #tpu.memory_space<hbm>> -> memref<1x2048xi32, #tpu.memory_space<hbm>>
        %dma_start3A_317 = tpu.memref_squeeze %dma_start3A_316 : memref<1x2048xi32, #tpu.memory_space<hbm>> -> memref<2048xi32, #tpu.memory_space<hbm>>
        %dma_start3A_318 = tpu.memref_slice %arg2[%dma_start3A_315, %add3A_309] : memref<2x6400000xi32, #tpu.memory_space<hbm>> -> memref<1x2048xi32, #tpu.memory_space<hbm>>
        %dma_start3A_319 = tpu.memref_squeeze %dma_start3A_318 : memref<1x2048xi32, #tpu.memory_space<hbm>> -> memref<2048xi32, #tpu.memory_space<hbm>>
        tpu.enqueue_dma source(%dma_start3A_319 : memref<2048xi32, #tpu.memory_space<hbm>>) target(%arg10 : memref<2048xi32, #tpu.memory_space<vmem>>) target_semaphore(%arg20 : memref<!tpu.dma_semaphore, #tpu.memory_space<semaphore_mem>>)
      } else {
      }
      %dma_start3A_302 = arith.constant 0 : i32
      %dma_start3A_303 = tpu.memref_slice %arg18[%dma_start3A_302] : memref<100352xf32, #tpu.memory_space<vmem_shared>> -> memref<100352xf32, #tpu.memory_space<vmem_shared>>
      tpu.enqueue_indirect_dma source(%arg16 : memref<2048xf32, #tpu.memory_space<vmem>>) target(%dma_start3A_303 : memref<100352xf32, #tpu.memory_space<vmem_shared>>) offsets(%arg12 : memref<2048xi32, #tpu.memory_space<vmem>>) semaphore(%arg26 : memref<!tpu.dma_semaphore, #tpu.memory_space<semaphore_mem>>) {add = true}
      %while3A_304 = arith.constant 0 : i32
      scf.yield %while3A_304 : i32
    }
    %jit3A_80 = arith.constant 4 : i32
    %eq3A_81 = arith.constant 0 : i32
    %eq3A_82 = arith.cmpi eq, %jit3A_80, %eq3A_81 : i32
    %jit3A_83 = arith.constant 1 : i32
    %select_n3A_84 = arith.select %eq3A_82, %jit3A_83, %jit3A_80 : i32
    %rem3A_85 = arith.remsi %select_n3A, %select_n3A_84 : i32
    %ne3A_86 = arith.constant 0 : i32
    %ne3A_87 = arith.cmpi ne, %rem3A_85, %ne3A_86 : i32
    %lt3A = arith.constant 0 : i32
    %lt3A_88 = arith.cmpi slt, %rem3A_85, %lt3A : i32
    %lt3A_89 = arith.constant 0 : i32
    %lt3A_90 = arith.cmpi slt, %select_n3A_84, %lt3A_89 : i32
    %ne3A_91 = arith.xori %lt3A_88, %lt3A_90 : i1
    %and3A_92 = arith.andi %ne3A_91, %ne3A_87 : i1
    %add3A_93 = arith.addi %rem3A_85, %select_n3A_84 : i32
    %select_n3A_94 = arith.select %and3A_92, %add3A_93, %rem3A_85 : i32
    %gt3A = arith.constant 0 : i32
    %gt3A_95 = arith.cmpi sgt, %select_n3A_94, %gt3A : i32
    %convert_element_type3A = arith.extui %gt3A_95 : i1 to i32
    %cond3A = arith.constant 0 : i32
    %cond3A_96 = arith.cmpi ne, %convert_element_type3A, %cond3A : i32
    scf.if %cond3A_96 {
      %jit3A_168 = arith.constant 4 : i32
      %div3A_169 = arith.divsi %select_n3A, %jit3A_168 : i32
      %sign3A_170 = arith.constant 0 : i32
      %sign3A_171 = arith.cmpi sgt, %select_n3A, %sign3A_170 : i32
      %sign3A_172 = arith.extui %sign3A_171 : i1 to i32
      %sign3A_173 = arith.constant 0 : i32
      %sign3A_174 = arith.cmpi slt, %select_n3A, %sign3A_173 : i32
      %sign3A_175 = arith.extui %sign3A_174 : i1 to i32
      %sign3A_176 = arith.subi %sign3A_172, %sign3A_175 : i32
      %sign3A_177 = arith.constant 0 : i32
      %sign3A_178 = arith.cmpi sgt, %jit3A_168, %sign3A_177 : i32
      %sign3A_179 = arith.extui %sign3A_178 : i1 to i32
      %sign3A_180 = arith.constant 0 : i32
      %sign3A_181 = arith.cmpi slt, %jit3A_168, %sign3A_180 : i32
      %sign3A_182 = arith.extui %sign3A_181 : i1 to i32
      %sign3A_183 = arith.subi %sign3A_179, %sign3A_182 : i32
      %ne3A_184 = arith.cmpi ne, %sign3A_176, %sign3A_183 : i32
      %rem3A_185 = arith.remsi %select_n3A, %jit3A_168 : i32
      %ne3A_186 = arith.constant 0 : i32
      %ne3A_187 = arith.cmpi ne, %rem3A_185, %ne3A_186 : i32
      %and3A_188 = arith.andi %ne3A_184, %ne3A_187 : i1
      %sub3A_189 = arith.constant 1 : i32
      %sub3A_190 = arith.subi %div3A_169, %sub3A_189 : i32
      %select_n3A_191 = arith.select %and3A_188, %sub3A_190, %div3A_169 : i32
      %mul3A_192 = arith.constant 4 : i32
      %mul3A_193 = arith.muli %select_n3A_191, %mul3A_192 : i32
      %add3A_194 = arith.constant 0 : i32
      %add3A_195 = arith.addi %mul3A_193, %add3A_194 : i32
      %dma_wait3A_196 = arith.constant 0 : i32
      %dma_wait3A_197 = arith.constant 0 : i32
      %dma_wait3A_198 = tpu.memref_slice %arg2[%dma_wait3A_196, %dma_wait3A_197] : memref<2x6400000xi32, #tpu.memory_space<hbm>> -> memref<1x2048xi32, #tpu.memory_space<hbm>>
      %dma_wait3A_199 = tpu.memref_squeeze %dma_wait3A_198 : memref<1x2048xi32, #tpu.memory_space<hbm>> -> memref<2048xi32, #tpu.memory_space<hbm>>
      %dma_wait3A_200 = arith.constant 0 : i32
      %dma_wait3A_201 = tpu.memref_slice %arg2[%dma_wait3A_196, %dma_wait3A_200] : memref<2x6400000xi32, #tpu.memory_space<hbm>> -> memref<1x2048xi32, #tpu.memory_space<hbm>>
      %dma_wait3A_202 = tpu.memref_squeeze %dma_wait3A_201 : memref<1x2048xi32, #tpu.memory_space<hbm>> -> memref<2048xi32, #tpu.memory_space<hbm>>
      tpu.wait_dma2 semaphore(%arg19 : memref<!tpu.dma_semaphore, #tpu.memory_space<semaphore_mem>>) src(%dma_wait3A_202 : memref<2048xi32, #tpu.memory_space<hbm>>) dst(%arg5 : memref<2048xi32, #tpu.memory_space<vmem>>)
      %dma_wait3A_203 = arith.constant 1 : i32
      %dma_wait3A_204 = arith.constant 0 : i32
      %dma_wait3A_205 = tpu.memref_slice %arg2[%dma_wait3A_203, %dma_wait3A_204] : memref<2x6400000xi32, #tpu.memory_space<hbm>> -> memref<1x2048xi32, #tpu.memory_space<hbm>>
      %dma_wait3A_206 = tpu.memref_squeeze %dma_wait3A_205 : memref<1x2048xi32, #tpu.memory_space<hbm>> -> memref<2048xi32, #tpu.memory_space<hbm>>
      %dma_wait3A_207 = arith.constant 0 : i32
      %dma_wait3A_208 = tpu.memref_slice %arg2[%dma_wait3A_203, %dma_wait3A_207] : memref<2x6400000xi32, #tpu.memory_space<hbm>> -> memref<1x2048xi32, #tpu.memory_space<hbm>>
      %dma_wait3A_209 = tpu.memref_squeeze %dma_wait3A_208 : memref<1x2048xi32, #tpu.memory_space<hbm>> -> memref<2048xi32, #tpu.memory_space<hbm>>
      tpu.wait_dma2 semaphore(%arg19 : memref<!tpu.dma_semaphore, #tpu.memory_space<semaphore_mem>>) src(%dma_wait3A_209 : memref<2048xi32, #tpu.memory_space<hbm>>) dst(%arg9 : memref<2048xi32, #tpu.memory_space<vmem>>)
      %parallel_loop3A = arith.constant 0 : i32
      %parallel_loop3A_210 = arith.constant 128 : i32
      %parallel_loop3A_211 = arith.constant 1 : i32
      scf.for %parallel_loop3A_224 = %parallel_loop3A to %parallel_loop3A_210 step %parallel_loop3A_211  : i32 {
        %parallel_loop3A_225 = arith.constant 16 : i32
        %parallel_loop3A_226 = arith.muli %parallel_loop3A_224, %parallel_loop3A_225 : i32
        %parallel_loop3A_227 = arith.index_cast %parallel_loop3A_226 : i32 to index
        %parallel_loop3A_228 = tpu.vector_load %arg5[%parallel_loop3A_227] {strides = array<i32>} : memref<2048xi32, #tpu.memory_space<vmem>>, vector<16xi32>,
        %parallel_loop3A_229 = tpu.vector_load_idx %arg17[%parallel_loop3A_228] : memref<100000xf32, #tpu.memory_space<vmem>>[vector<16xi32>], vector<16xf32>,
        %parallel_loop3A_230 = arith.index_cast %parallel_loop3A_226 : i32 to index
        %parallel_loop3A_231 = tpu.vector_load %arg13[%parallel_loop3A_230] {strides = array<i32>} : memref<2048xf32, #tpu.memory_space<vmem>>, vector<16xf32>,
        tpu.vector_store %arg13[%parallel_loop3A_230], %parallel_loop3A_229 {strides = array<i32>} : memref<2048xf32, #tpu.memory_space<vmem>>, vector<16xf32>,
      } {sc.loop_unroll_factor = 8 : i64, sc.parallel_access}
      %ge3A = arith.constant 2 : i32
      %ge3A_212 = arith.cmpi sge, %add3A_195, %ge3A : i32
      %convert_element_type3A_213 = arith.extui %ge3A_212 : i1 to i32
      %cond3A_214 = arith.constant 0 : i32
      %cond3A_215 = arith.cmpi ne, %convert_element_type3A_213, %cond3A_214 : i32
      scf.if %cond3A_215 {
        %dma_wait3A_224 = arith.constant 0 : i32
        %dma_wait3A_225 = tpu.memref_slice %arg18[%dma_wait3A_224] : memref<100352xf32, #tpu.memory_space<vmem_shared>> -> memref<100352xf32, #tpu.memory_space<vmem_shared>>
        tpu.wait_indirect_dma semaphore(%arg25 : memref<!tpu.dma_semaphore, #tpu.memory_space<semaphore_mem>>) src(%arg15 : memref<2048xf32, #tpu.memory_space<vmem>>) dst(%dma_wait3A_225 : memref<100352xf32, #tpu.memory_space<vmem_shared>>)
      } else {
      }
      %add3A_216 = arith.constant 2 : i32
      %add3A_217 = arith.addi %add3A_195, %add3A_216 : i32
      %lt3A_218 = arith.cmpi slt, %add3A_217, %select_n3A : i32
      %convert_element_type3A_219 = arith.extui %lt3A_218 : i1 to i32
      %cond3A_220 = arith.constant 0 : i32
      %cond3A_221 = arith.cmpi ne, %convert_element_type3A_219, %cond3A_220 : i32
      scf.if %cond3A_221 {
        %add3A_224 = arith.constant 2 : i32
        %add3A_225 = arith.addi %add3A_195, %add3A_224 : i32
        %mul3A_226 = arith.constant 2048 : i32
        %mul3A_227 = arith.muli %add3A_225, %mul3A_226 : i32
        %add3A_228 = arith.addi %mul3A_2, %mul3A_227 : i32
        %dma_start3A_229 = arith.constant 0 : i32
        %dma_start3A_230 = tpu.memref_slice %arg2[%dma_start3A_229, %add3A_228] : memref<2x6400000xi32, #tpu.memory_space<hbm>> -> memref<1x2048xi32, #tpu.memory_space<hbm>>
        %dma_start3A_231 = tpu.memref_squeeze %dma_start3A_230 : memref<1x2048xi32, #tpu.memory_space<hbm>> -> memref<2048xi32, #tpu.memory_space<hbm>>
        %dma_start3A_232 = tpu.memref_slice %arg2[%dma_start3A_229, %add3A_228] : memref<2x6400000xi32, #tpu.memory_space<hbm>> -> memref<1x2048xi32, #tpu.memory_space<hbm>>
        %dma_start3A_233 = tpu.memref_squeeze %dma_start3A_232 : memref<1x2048xi32, #tpu.memory_space<hbm>> -> memref<2048xi32, #tpu.memory_space<hbm>>
        tpu.enqueue_dma source(%dma_start3A_233 : memref<2048xi32, #tpu.memory_space<hbm>>) target(%arg7 : memref<2048xi32, #tpu.memory_space<vmem>>) target_semaphore(%arg21 : memref<!tpu.dma_semaphore, #tpu.memory_space<semaphore_mem>>)
        %dma_start3A_234 = arith.constant 1 : i32
        %dma_start3A_235 = tpu.memref_slice %arg2[%dma_start3A_234, %add3A_228] : memref<2x6400000xi32, #tpu.memory_space<hbm>> -> memref<1x2048xi32, #tpu.memory_space<hbm>>
        %dma_start3A_236 = tpu.memref_squeeze %dma_start3A_235 : memref<1x2048xi32, #tpu.memory_space<hbm>> -> memref<2048xi32, #tpu.memory_space<hbm>>
        %dma_start3A_237 = tpu.memref_slice %arg2[%dma_start3A_234, %add3A_228] : memref<2x6400000xi32, #tpu.memory_space<hbm>> -> memref<1x2048xi32, #tpu.memory_space<hbm>>
        %dma_start3A_238 = tpu.memref_squeeze %dma_start3A_237 : memref<1x2048xi32, #tpu.memory_space<hbm>> -> memref<2048xi32, #tpu.memory_space<hbm>>
        tpu.enqueue_dma source(%dma_start3A_238 : memref<2048xi32, #tpu.memory_space<hbm>>) target(%arg11 : memref<2048xi32, #tpu.memory_space<vmem>>) target_semaphore(%arg21 : memref<!tpu.dma_semaphore, #tpu.memory_space<semaphore_mem>>)
      } else {
      }
      %dma_start3A_222 = arith.constant 0 : i32
      %dma_start3A_223 = tpu.memref_slice %arg18[%dma_start3A_222] : memref<100352xf32, #tpu.memory_space<vmem_shared>> -> memref<100352xf32, #tpu.memory_space<vmem_shared>>
      tpu.enqueue_indirect_dma source(%arg13 : memref<2048xf32, #tpu.memory_space<vmem>>) target(%dma_start3A_223 : memref<100352xf32, #tpu.memory_space<vmem_shared>>) offsets(%arg9 : memref<2048xi32, #tpu.memory_space<vmem>>) semaphore(%arg23 : memref<!tpu.dma_semaphore, #tpu.memory_space<semaphore_mem>>) {add = true}
    } else {
    }
    %jit3A_97 = arith.constant 4 : i32
    %eq3A_98 = arith.constant 0 : i32
    %eq3A_99 = arith.cmpi eq, %jit3A_97, %eq3A_98 : i32
    %jit3A_100 = arith.constant 1 : i32
    %select_n3A_101 = arith.select %eq3A_99, %jit3A_100, %jit3A_97 : i32
    %rem3A_102 = arith.remsi %select_n3A, %select_n3A_101 : i32
    %ne3A_103 = arith.constant 0 : i32
    %ne3A_104 = arith.cmpi ne, %rem3A_102, %ne3A_103 : i32
    %lt3A_105 = arith.constant 0 : i32
    %lt3A_106 = arith.cmpi slt, %rem3A_102, %lt3A_105 : i32
    %lt3A_107 = arith.constant 0 : i32
    %lt3A_108 = arith.cmpi slt, %select_n3A_101, %lt3A_107 : i32
    %ne3A_109 = arith.xori %lt3A_106, %lt3A_108 : i1
    %and3A_110 = arith.andi %ne3A_109, %ne3A_104 : i1
    %add3A_111 = arith.addi %rem3A_102, %select_n3A_101 : i32
    %select_n3A_112 = arith.select %and3A_110, %add3A_111, %rem3A_102 : i32
    %gt3A_113 = arith.constant 1 : i32
    %gt3A_114 = arith.cmpi sgt, %select_n3A_112, %gt3A_113 : i32
    %convert_element_type3A_115 = arith.extui %gt3A_114 : i1 to i32
    %cond3A_116 = arith.constant 0 : i32
    %cond3A_117 = arith.cmpi ne, %convert_element_type3A_115, %cond3A_116 : i32
    scf.if %cond3A_117 {
      %jit3A_168 = arith.constant 4 : i32
      %div3A_169 = arith.divsi %select_n3A, %jit3A_168 : i32
      %sign3A_170 = arith.constant 0 : i32
      %sign3A_171 = arith.cmpi sgt, %select_n3A, %sign3A_170 : i32
      %sign3A_172 = arith.extui %sign3A_171 : i1 to i32
      %sign3A_173 = arith.constant 0 : i32
      %sign3A_174 = arith.cmpi slt, %select_n3A, %sign3A_173 : i32
      %sign3A_175 = arith.extui %sign3A_174 : i1 to i32
      %sign3A_176 = arith.subi %sign3A_172, %sign3A_175 : i32
      %sign3A_177 = arith.constant 0 : i32
      %sign3A_178 = arith.cmpi sgt, %jit3A_168, %sign3A_177 : i32
      %sign3A_179 = arith.extui %sign3A_178 : i1 to i32
      %sign3A_180 = arith.constant 0 : i32
      %sign3A_181 = arith.cmpi slt, %jit3A_168, %sign3A_180 : i32
      %sign3A_182 = arith.extui %sign3A_181 : i1 to i32
      %sign3A_183 = arith.subi %sign3A_179, %sign3A_182 : i32
      %ne3A_184 = arith.cmpi ne, %sign3A_176, %sign3A_183 : i32
      %rem3A_185 = arith.remsi %select_n3A, %jit3A_168 : i32
      %ne3A_186 = arith.constant 0 : i32
      %ne3A_187 = arith.cmpi ne, %rem3A_185, %ne3A_186 : i32
      %and3A_188 = arith.andi %ne3A_184, %ne3A_187 : i1
      %sub3A_189 = arith.constant 1 : i32
      %sub3A_190 = arith.subi %div3A_169, %sub3A_189 : i32
      %select_n3A_191 = arith.select %and3A_188, %sub3A_190, %div3A_169 : i32
      %mul3A_192 = arith.constant 4 : i32
      %mul3A_193 = arith.muli %select_n3A_191, %mul3A_192 : i32
      %add3A_194 = arith.constant 1 : i32
      %add3A_195 = arith.addi %mul3A_193, %add3A_194 : i32
      %dma_wait3A_196 = arith.constant 0 : i32
      %dma_wait3A_197 = arith.constant 0 : i32
      %dma_wait3A_198 = tpu.memref_slice %arg2[%dma_wait3A_196, %dma_wait3A_197] : memref<2x6400000xi32, #tpu.memory_space<hbm>> -> memref<1x2048xi32, #tpu.memory_space<hbm>>
      %dma_wait3A_199 = tpu.memref_squeeze %dma_wait3A_198 : memref<1x2048xi32, #tpu.memory_space<hbm>> -> memref<2048xi32, #tpu.memory_space<hbm>>
      %dma_wait3A_200 = arith.constant 0 : i32
      %dma_wait3A_201 = tpu.memref_slice %arg2[%dma_wait3A_196, %dma_wait3A_200] : memref<2x6400000xi32, #tpu.memory_space<hbm>> -> memref<1x2048xi32, #tpu.memory_space<hbm>>
      %dma_wait3A_202 = tpu.memref_squeeze %dma_wait3A_201 : memref<1x2048xi32, #tpu.memory_space<hbm>> -> memref<2048xi32, #tpu.memory_space<hbm>>
      tpu.wait_dma2 semaphore(%arg20 : memref<!tpu.dma_semaphore, #tpu.memory_space<semaphore_mem>>) src(%dma_wait3A_202 : memref<2048xi32, #tpu.memory_space<hbm>>) dst(%arg6 : memref<2048xi32, #tpu.memory_space<vmem>>)
      %dma_wait3A_203 = arith.constant 1 : i32
      %dma_wait3A_204 = arith.constant 0 : i32
      %dma_wait3A_205 = tpu.memref_slice %arg2[%dma_wait3A_203, %dma_wait3A_204] : memref<2x6400000xi32, #tpu.memory_space<hbm>> -> memref<1x2048xi32, #tpu.memory_space<hbm>>
      %dma_wait3A_206 = tpu.memref_squeeze %dma_wait3A_205 : memref<1x2048xi32, #tpu.memory_space<hbm>> -> memref<2048xi32, #tpu.memory_space<hbm>>
      %dma_wait3A_207 = arith.constant 0 : i32
      %dma_wait3A_208 = tpu.memref_slice %arg2[%dma_wait3A_203, %dma_wait3A_207] : memref<2x6400000xi32, #tpu.memory_space<hbm>> -> memref<1x2048xi32, #tpu.memory_space<hbm>>
      %dma_wait3A_209 = tpu.memref_squeeze %dma_wait3A_208 : memref<1x2048xi32, #tpu.memory_space<hbm>> -> memref<2048xi32, #tpu.memory_space<hbm>>
      tpu.wait_dma2 semaphore(%arg20 : memref<!tpu.dma_semaphore, #tpu.memory_space<semaphore_mem>>) src(%dma_wait3A_209 : memref<2048xi32, #tpu.memory_space<hbm>>) dst(%arg10 : memref<2048xi32, #tpu.memory_space<vmem>>)
      %parallel_loop3A = arith.constant 0 : i32
      %parallel_loop3A_210 = arith.constant 128 : i32
      %parallel_loop3A_211 = arith.constant 1 : i32
      scf.for %parallel_loop3A_224 = %parallel_loop3A to %parallel_loop3A_210 step %parallel_loop3A_211  : i32 {
        %parallel_loop3A_225 = arith.constant 16 : i32
        %parallel_loop3A_226 = arith.muli %parallel_loop3A_224, %parallel_loop3A_225 : i32
        %parallel_loop3A_227 = arith.index_cast %parallel_loop3A_226 : i32 to index
        %parallel_loop3A_228 = tpu.vector_load %arg6[%parallel_loop3A_227] {strides = array<i32>} : memref<2048xi32, #tpu.memory_space<vmem>>, vector<16xi32>,
        %parallel_loop3A_229 = tpu.vector_load_idx %arg17[%parallel_loop3A_228] : memref<100000xf32, #tpu.memory_space<vmem>>[vector<16xi32>], vector<16xf32>,
        %parallel_loop3A_230 = arith.index_cast %parallel_loop3A_226 : i32 to index
        %parallel_loop3A_231 = tpu.vector_load %arg14[%parallel_loop3A_230] {strides = array<i32>} : memref<2048xf32, #tpu.memory_space<vmem>>, vector<16xf32>,
        tpu.vector_store %arg14[%parallel_loop3A_230], %parallel_loop3A_229 {strides = array<i32>} : memref<2048xf32, #tpu.memory_space<vmem>>, vector<16xf32>,
      } {sc.loop_unroll_factor = 8 : i64, sc.parallel_access}
      %ge3A = arith.constant 2 : i32
      %ge3A_212 = arith.cmpi sge, %add3A_195, %ge3A : i32
      %convert_element_type3A_213 = arith.extui %ge3A_212 : i1 to i32
      %cond3A_214 = arith.constant 0 : i32
      %cond3A_215 = arith.cmpi ne, %convert_element_type3A_213, %cond3A_214 : i32
      scf.if %cond3A_215 {
        %dma_wait3A_224 = arith.constant 0 : i32
        %dma_wait3A_225 = tpu.memref_slice %arg18[%dma_wait3A_224] : memref<100352xf32, #tpu.memory_space<vmem_shared>> -> memref<100352xf32, #tpu.memory_space<vmem_shared>>
        tpu.wait_indirect_dma semaphore(%arg26 : memref<!tpu.dma_semaphore, #tpu.memory_space<semaphore_mem>>) src(%arg16 : memref<2048xf32, #tpu.memory_space<vmem>>) dst(%dma_wait3A_225 : memref<100352xf32, #tpu.memory_space<vmem_shared>>)
      } else {
      }
      %add3A_216 = arith.constant 2 : i32
      %add3A_217 = arith.addi %add3A_195, %add3A_216 : i32
      %lt3A_218 = arith.cmpi slt, %add3A_217, %select_n3A : i32
      %convert_element_type3A_219 = arith.extui %lt3A_218 : i1 to i32
      %cond3A_220 = arith.constant 0 : i32
      %cond3A_221 = arith.cmpi ne, %convert_element_type3A_219, %cond3A_220 : i32
      scf.if %cond3A_221 {
        %add3A_224 = arith.constant 2 : i32
        %add3A_225 = arith.addi %add3A_195, %add3A_224 : i32
        %mul3A_226 = arith.constant 2048 : i32
        %mul3A_227 = arith.muli %add3A_225, %mul3A_226 : i32
        %add3A_228 = arith.addi %mul3A_2, %mul3A_227 : i32
        %dma_start3A_229 = arith.constant 0 : i32
        %dma_start3A_230 = tpu.memref_slice %arg2[%dma_start3A_229, %add3A_228] : memref<2x6400000xi32, #tpu.memory_space<hbm>> -> memref<1x2048xi32, #tpu.memory_space<hbm>>
        %dma_start3A_231 = tpu.memref_squeeze %dma_start3A_230 : memref<1x2048xi32, #tpu.memory_space<hbm>> -> memref<2048xi32, #tpu.memory_space<hbm>>
        %dma_start3A_232 = tpu.memref_slice %arg2[%dma_start3A_229, %add3A_228] : memref<2x6400000xi32, #tpu.memory_space<hbm>> -> memref<1x2048xi32, #tpu.memory_space<hbm>>
        %dma_start3A_233 = tpu.memref_squeeze %dma_start3A_232 : memref<1x2048xi32, #tpu.memory_space<hbm>> -> memref<2048xi32, #tpu.memory_space<hbm>>
        tpu.enqueue_dma source(%dma_start3A_233 : memref<2048xi32, #tpu.memory_space<hbm>>) target(%arg8 : memref<2048xi32, #tpu.memory_space<vmem>>) target_semaphore(%arg22 : memref<!tpu.dma_semaphore, #tpu.memory_space<semaphore_mem>>)
        %dma_start3A_234 = arith.constant 1 : i32
        %dma_start3A_235 = tpu.memref_slice %arg2[%dma_start3A_234, %add3A_228] : memref<2x6400000xi32, #tpu.memory_space<hbm>> -> memref<1x2048xi32, #tpu.memory_space<hbm>>
        %dma_start3A_236 = tpu.memref_squeeze %dma_start3A_235 : memref<1x2048xi32, #tpu.memory_space<hbm>> -> memref<2048xi32, #tpu.memory_space<hbm>>
        %dma_start3A_237 = tpu.memref_slice %arg2[%dma_start3A_234, %add3A_228] : memref<2x6400000xi32, #tpu.memory_space<hbm>> -> memref<1x2048xi32, #tpu.memory_space<hbm>>
        %dma_start3A_238 = tpu.memref_squeeze %dma_start3A_237 : memref<1x2048xi32, #tpu.memory_space<hbm>> -> memref<2048xi32, #tpu.memory_space<hbm>>
        tpu.enqueue_dma source(%dma_start3A_238 : memref<2048xi32, #tpu.memory_space<hbm>>) target(%arg12 : memref<2048xi32, #tpu.memory_space<vmem>>) target_semaphore(%arg22 : memref<!tpu.dma_semaphore, #tpu.memory_space<semaphore_mem>>)
      } else {
      }
      %dma_start3A_222 = arith.constant 0 : i32
      %dma_start3A_223 = tpu.memref_slice %arg18[%dma_start3A_222] : memref<100352xf32, #tpu.memory_space<vmem_shared>> -> memref<100352xf32, #tpu.memory_space<vmem_shared>>
      tpu.enqueue_indirect_dma source(%arg14 : memref<2048xf32, #tpu.memory_space<vmem>>) target(%dma_start3A_223 : memref<100352xf32, #tpu.memory_space<vmem_shared>>) offsets(%arg10 : memref<2048xi32, #tpu.memory_space<vmem>>) semaphore(%arg24 : memref<!tpu.dma_semaphore, #tpu.memory_space<semaphore_mem>>) {add = true}
    } else {
    }
    %jit3A_118 = arith.constant 4 : i32
    %eq3A_119 = arith.constant 0 : i32
    %eq3A_120 = arith.cmpi eq, %jit3A_118, %eq3A_119 : i32
    %jit3A_121 = arith.constant 1 : i32
    %select_n3A_122 = arith.select %eq3A_120, %jit3A_121, %jit3A_118 : i32
    %rem3A_123 = arith.remsi %select_n3A, %select_n3A_122 : i32
    %ne3A_124 = arith.constant 0 : i32
    %ne3A_125 = arith.cmpi ne, %rem3A_123, %ne3A_124 : i32
    %lt3A_126 = arith.constant 0 : i32
    %lt3A_127 = arith.cmpi slt, %rem3A_123, %lt3A_126 : i32
    %lt3A_128 = arith.constant 0 : i32
    %lt3A_129 = arith.cmpi slt, %select_n3A_122, %lt3A_128 : i32
    %ne3A_130 = arith.xori %lt3A_127, %lt3A_129 : i1
    %and3A_131 = arith.andi %ne3A_130, %ne3A_125 : i1
    %add3A_132 = arith.addi %rem3A_123, %select_n3A_122 : i32
    %select_n3A_133 = arith.select %and3A_131, %add3A_132, %rem3A_123 : i32
    %gt3A_134 = arith.constant 2 : i32
    %gt3A_135 = arith.cmpi sgt, %select_n3A_133, %gt3A_134 : i32
    %convert_element_type3A_136 = arith.extui %gt3A_135 : i1 to i32
    %cond3A_137 = arith.constant 0 : i32
    %cond3A_138 = arith.cmpi ne, %convert_element_type3A_136, %cond3A_137 : i32
    scf.if %cond3A_138 {
      %jit3A_168 = arith.constant 4 : i32
      %div3A_169 = arith.divsi %select_n3A, %jit3A_168 : i32
      %sign3A_170 = arith.constant 0 : i32
      %sign3A_171 = arith.cmpi sgt, %select_n3A, %sign3A_170 : i32
      %sign3A_172 = arith.extui %sign3A_171 : i1 to i32
      %sign3A_173 = arith.constant 0 : i32
      %sign3A_174 = arith.cmpi slt, %select_n3A, %sign3A_173 : i32
      %sign3A_175 = arith.extui %sign3A_174 : i1 to i32
      %sign3A_176 = arith.subi %sign3A_172, %sign3A_175 : i32
      %sign3A_177 = arith.constant 0 : i32
      %sign3A_178 = arith.cmpi sgt, %jit3A_168, %sign3A_177 : i32
      %sign3A_179 = arith.extui %sign3A_178 : i1 to i32
      %sign3A_180 = arith.constant 0 : i32
      %sign3A_181 = arith.cmpi slt, %jit3A_168, %sign3A_180 : i32
      %sign3A_182 = arith.extui %sign3A_181 : i1 to i32
      %sign3A_183 = arith.subi %sign3A_179, %sign3A_182 : i32
      %ne3A_184 = arith.cmpi ne, %sign3A_176, %sign3A_183 : i32
      %rem3A_185 = arith.remsi %select_n3A, %jit3A_168 : i32
      %ne3A_186 = arith.constant 0 : i32
      %ne3A_187 = arith.cmpi ne, %rem3A_185, %ne3A_186 : i32
      %and3A_188 = arith.andi %ne3A_184, %ne3A_187 : i1
      %sub3A_189 = arith.constant 1 : i32
      %sub3A_190 = arith.subi %div3A_169, %sub3A_189 : i32
      %select_n3A_191 = arith.select %and3A_188, %sub3A_190, %div3A_169 : i32
      %mul3A_192 = arith.constant 4 : i32
      %mul3A_193 = arith.muli %select_n3A_191, %mul3A_192 : i32
      %add3A_194 = arith.constant 2 : i32
      %add3A_195 = arith.addi %mul3A_193, %add3A_194 : i32
      %dma_wait3A_196 = arith.constant 0 : i32
      %dma_wait3A_197 = arith.constant 0 : i32
      %dma_wait3A_198 = tpu.memref_slice %arg2[%dma_wait3A_196, %dma_wait3A_197] : memref<2x6400000xi32, #tpu.memory_space<hbm>> -> memref<1x2048xi32, #tpu.memory_space<hbm>>
      %dma_wait3A_199 = tpu.memref_squeeze %dma_wait3A_198 : memref<1x2048xi32, #tpu.memory_space<hbm>> -> memref<2048xi32, #tpu.memory_space<hbm>>
      %dma_wait3A_200 = arith.constant 0 : i32
      %dma_wait3A_201 = tpu.memref_slice %arg2[%dma_wait3A_196, %dma_wait3A_200] : memref<2x6400000xi32, #tpu.memory_space<hbm>> -> memref<1x2048xi32, #tpu.memory_space<hbm>>
      %dma_wait3A_202 = tpu.memref_squeeze %dma_wait3A_201 : memref<1x2048xi32, #tpu.memory_space<hbm>> -> memref<2048xi32, #tpu.memory_space<hbm>>
      tpu.wait_dma2 semaphore(%arg21 : memref<!tpu.dma_semaphore, #tpu.memory_space<semaphore_mem>>) src(%dma_wait3A_202 : memref<2048xi32, #tpu.memory_space<hbm>>) dst(%arg7 : memref<2048xi32, #tpu.memory_space<vmem>>)
      %dma_wait3A_203 = arith.constant 1 : i32
      %dma_wait3A_204 = arith.constant 0 : i32
      %dma_wait3A_205 = tpu.memref_slice %arg2[%dma_wait3A_203, %dma_wait3A_204] : memref<2x6400000xi32, #tpu.memory_space<hbm>> -> memref<1x2048xi32, #tpu.memory_space<hbm>>
      %dma_wait3A_206 = tpu.memref_squeeze %dma_wait3A_205 : memref<1x2048xi32, #tpu.memory_space<hbm>> -> memref<2048xi32, #tpu.memory_space<hbm>>
      %dma_wait3A_207 = arith.constant 0 : i32
      %dma_wait3A_208 = tpu.memref_slice %arg2[%dma_wait3A_203, %dma_wait3A_207] : memref<2x6400000xi32, #tpu.memory_space<hbm>> -> memref<1x2048xi32, #tpu.memory_space<hbm>>
      %dma_wait3A_209 = tpu.memref_squeeze %dma_wait3A_208 : memref<1x2048xi32, #tpu.memory_space<hbm>> -> memref<2048xi32, #tpu.memory_space<hbm>>
      tpu.wait_dma2 semaphore(%arg21 : memref<!tpu.dma_semaphore, #tpu.memory_space<semaphore_mem>>) src(%dma_wait3A_209 : memref<2048xi32, #tpu.memory_space<hbm>>) dst(%arg11 : memref<2048xi32, #tpu.memory_space<vmem>>)
      %parallel_loop3A = arith.constant 0 : i32
      %parallel_loop3A_210 = arith.constant 128 : i32
      %parallel_loop3A_211 = arith.constant 1 : i32
      scf.for %parallel_loop3A_224 = %parallel_loop3A to %parallel_loop3A_210 step %parallel_loop3A_211  : i32 {
        %parallel_loop3A_225 = arith.constant 16 : i32
        %parallel_loop3A_226 = arith.muli %parallel_loop3A_224, %parallel_loop3A_225 : i32
        %parallel_loop3A_227 = arith.index_cast %parallel_loop3A_226 : i32 to index
        %parallel_loop3A_228 = tpu.vector_load %arg7[%parallel_loop3A_227] {strides = array<i32>} : memref<2048xi32, #tpu.memory_space<vmem>>, vector<16xi32>,
        %parallel_loop3A_229 = tpu.vector_load_idx %arg17[%parallel_loop3A_228] : memref<100000xf32, #tpu.memory_space<vmem>>[vector<16xi32>], vector<16xf32>,
        %parallel_loop3A_230 = arith.index_cast %parallel_loop3A_226 : i32 to index
        %parallel_loop3A_231 = tpu.vector_load %arg15[%parallel_loop3A_230] {strides = array<i32>} : memref<2048xf32, #tpu.memory_space<vmem>>, vector<16xf32>,
        tpu.vector_store %arg15[%parallel_loop3A_230], %parallel_loop3A_229 {strides = array<i32>} : memref<2048xf32, #tpu.memory_space<vmem>>, vector<16xf32>,
      } {sc.loop_unroll_factor = 8 : i64, sc.parallel_access}
      %ge3A = arith.constant 2 : i32
      %ge3A_212 = arith.cmpi sge, %add3A_195, %ge3A : i32
      %convert_element_type3A_213 = arith.extui %ge3A_212 : i1 to i32
      %cond3A_214 = arith.constant 0 : i32
      %cond3A_215 = arith.cmpi ne, %convert_element_type3A_213, %cond3A_214 : i32
      scf.if %cond3A_215 {
        %dma_wait3A_224 = arith.constant 0 : i32
        %dma_wait3A_225 = tpu.memref_slice %arg18[%dma_wait3A_224] : memref<100352xf32, #tpu.memory_space<vmem_shared>> -> memref<100352xf32, #tpu.memory_space<vmem_shared>>
        tpu.wait_indirect_dma semaphore(%arg23 : memref<!tpu.dma_semaphore, #tpu.memory_space<semaphore_mem>>) src(%arg13 : memref<2048xf32, #tpu.memory_space<vmem>>) dst(%dma_wait3A_225 : memref<100352xf32, #tpu.memory_space<vmem_shared>>)
      } else {
      }
      %add3A_216 = arith.constant 2 : i32
      %add3A_217 = arith.addi %add3A_195, %add3A_216 : i32
      %lt3A_218 = arith.cmpi slt, %add3A_217, %select_n3A : i32
      %convert_element_type3A_219 = arith.extui %lt3A_218 : i1 to i32
      %cond3A_220 = arith.constant 0 : i32
      %cond3A_221 = arith.cmpi ne, %convert_element_type3A_219, %cond3A_220 : i32
      scf.if %cond3A_221 {
        %add3A_224 = arith.constant 2 : i32
        %add3A_225 = arith.addi %add3A_195, %add3A_224 : i32
        %mul3A_226 = arith.constant 2048 : i32
        %mul3A_227 = arith.muli %add3A_225, %mul3A_226 : i32
        %add3A_228 = arith.addi %mul3A_2, %mul3A_227 : i32
        %dma_start3A_229 = arith.constant 0 : i32
        %dma_start3A_230 = tpu.memref_slice %arg2[%dma_start3A_229, %add3A_228] : memref<2x6400000xi32, #tpu.memory_space<hbm>> -> memref<1x2048xi32, #tpu.memory_space<hbm>>
        %dma_start3A_231 = tpu.memref_squeeze %dma_start3A_230 : memref<1x2048xi32, #tpu.memory_space<hbm>> -> memref<2048xi32, #tpu.memory_space<hbm>>
        %dma_start3A_232 = tpu.memref_slice %arg2[%dma_start3A_229, %add3A_228] : memref<2x6400000xi32, #tpu.memory_space<hbm>> -> memref<1x2048xi32, #tpu.memory_space<hbm>>
        %dma_start3A_233 = tpu.memref_squeeze %dma_start3A_232 : memref<1x2048xi32, #tpu.memory_space<hbm>> -> memref<2048xi32, #tpu.memory_space<hbm>>
        tpu.enqueue_dma source(%dma_start3A_233 : memref<2048xi32, #tpu.memory_space<hbm>>) target(%arg5 : memref<2048xi32, #tpu.memory_space<vmem>>) target_semaphore(%arg19 : memref<!tpu.dma_semaphore, #tpu.memory_space<semaphore_mem>>)
        %dma_start3A_234 = arith.constant 1 : i32
        %dma_start3A_235 = tpu.memref_slice %arg2[%dma_start3A_234, %add3A_228] : memref<2x6400000xi32, #tpu.memory_space<hbm>> -> memref<1x2048xi32, #tpu.memory_space<hbm>>
        %dma_start3A_236 = tpu.memref_squeeze %dma_start3A_235 : memref<1x2048xi32, #tpu.memory_space<hbm>> -> memref<2048xi32, #tpu.memory_space<hbm>>
        %dma_start3A_237 = tpu.memref_slice %arg2[%dma_start3A_234, %add3A_228] : memref<2x6400000xi32, #tpu.memory_space<hbm>> -> memref<1x2048xi32, #tpu.memory_space<hbm>>
        %dma_start3A_238 = tpu.memref_squeeze %dma_start3A_237 : memref<1x2048xi32, #tpu.memory_space<hbm>> -> memref<2048xi32, #tpu.memory_space<hbm>>
        tpu.enqueue_dma source(%dma_start3A_238 : memref<2048xi32, #tpu.memory_space<hbm>>) target(%arg9 : memref<2048xi32, #tpu.memory_space<vmem>>) target_semaphore(%arg19 : memref<!tpu.dma_semaphore, #tpu.memory_space<semaphore_mem>>)
      } else {
      }
      %dma_start3A_222 = arith.constant 0 : i32
      %dma_start3A_223 = tpu.memref_slice %arg18[%dma_start3A_222] : memref<100352xf32, #tpu.memory_space<vmem_shared>> -> memref<100352xf32, #tpu.memory_space<vmem_shared>>
      tpu.enqueue_indirect_dma source(%arg15 : memref<2048xf32, #tpu.memory_space<vmem>>) target(%dma_start3A_223 : memref<100352xf32, #tpu.memory_space<vmem_shared>>) offsets(%arg11 : memref<2048xi32, #tpu.memory_space<vmem>>) semaphore(%arg25 : memref<!tpu.dma_semaphore, #tpu.memory_space<semaphore_mem>>) {add = true}
    } else {
    }
    %ne3A_139 = arith.constant 31 : i32
    %ne3A_140 = arith.cmpi ne, %add3A, %ne3A_139 : i32
    %convert_element_type3A_141 = arith.extui %ne3A_140 : i1 to i32
    %cond3A_142 = arith.constant 0 : i32
    %cond3A_143 = arith.cmpi ne, %convert_element_type3A_141, %cond3A_142 : i32
    scf.if %cond3A_143 {
      %dma_wait3A_168 = arith.constant 0 : i32
      %dma_wait3A_169 = tpu.memref_slice %arg18[%dma_wait3A_168] : memref<100352xf32, #tpu.memory_space<vmem_shared>> -> memref<100352xf32, #tpu.memory_space<vmem_shared>>
      tpu.wait_indirect_dma semaphore(%arg23 : memref<!tpu.dma_semaphore, #tpu.memory_space<semaphore_mem>>) src(%arg13 : memref<2048xf32, #tpu.memory_space<vmem>>) dst(%dma_wait3A_169 : memref<100352xf32, #tpu.memory_space<vmem_shared>>)
      %dma_wait3A_170 = arith.constant 0 : i32
      %dma_wait3A_171 = tpu.memref_slice %arg18[%dma_wait3A_170] : memref<100352xf32, #tpu.memory_space<vmem_shared>> -> memref<100352xf32, #tpu.memory_space<vmem_shared>>
      tpu.wait_indirect_dma semaphore(%arg24 : memref<!tpu.dma_semaphore, #tpu.memory_space<semaphore_mem>>) src(%arg14 : memref<2048xf32, #tpu.memory_space<vmem>>) dst(%dma_wait3A_171 : memref<100352xf32, #tpu.memory_space<vmem_shared>>)
    } else {
    }
    %eq3A_144 = arith.constant 31 : i32
    %eq3A_145 = arith.cmpi eq, %add3A, %eq3A_144 : i32
    %convert_element_type3A_146 = arith.extui %eq3A_145 : i1 to i32
    %cond3A_147 = arith.constant 0 : i32
    %cond3A_148 = arith.cmpi ne, %convert_element_type3A_146, %cond3A_147 : i32
    scf.if %cond3A_148 {
      %dma_wait3A_168 = arith.constant 0 : i32
      %dma_wait3A_169 = tpu.memref_slice %arg18[%dma_wait3A_168] : memref<100352xf32, #tpu.memory_space<vmem_shared>> -> memref<100352xf32, #tpu.memory_space<vmem_shared>>
      tpu.wait_indirect_dma semaphore(%arg24 : memref<!tpu.dma_semaphore, #tpu.memory_space<semaphore_mem>>) src(%arg14 : memref<2048xf32, #tpu.memory_space<vmem>>) dst(%dma_wait3A_169 : memref<100352xf32, #tpu.memory_space<vmem_shared>>)
      %dma_wait3A_170 = arith.constant 0 : i32
      %dma_wait3A_171 = tpu.memref_slice %arg18[%dma_wait3A_170] : memref<100352xf32, #tpu.memory_space<vmem_shared>> -> memref<100352xf32, #tpu.memory_space<vmem_shared>>
      tpu.wait_indirect_dma semaphore(%arg25 : memref<!tpu.dma_semaphore, #tpu.memory_space<semaphore_mem>>) src(%arg15 : memref<2048xf32, #tpu.memory_space<vmem>>) dst(%dma_wait3A_171 : memref<100352xf32, #tpu.memory_space<vmem_shared>>)
    } else {
    }
    %barrier3A_149 = arith.constant 0 : index
    tpu.barrier barrier_id(%barrier3A_149)
    %mul3A_150 = arith.constant 6272 : i32
    %mul3A_151 = arith.muli %arg1, %mul3A_150 : i32
    %add3A_152 = arith.constant 0 : i32
    %add3A_153 = arith.addi %mul3A_151, %add3A_152 : i32
    "tpu.region"() ({
      %run_scoped3A = tpu.sem_alloc : memref<!tpu.dma_semaphore, #tpu.memory_space<semaphore_mem>>
      %dma_start3A_168 = tpu.memref_slice %arg18[%add3A_153] : memref<100352xf32, #tpu.memory_space<vmem_shared>> -> memref<2048xf32, #tpu.memory_space<vmem_shared>>
      %dma_start3A_169 = tpu.memref_slice %arg18[%add3A_153] : memref<100352xf32, #tpu.memory_space<vmem_shared>> -> memref<2048xf32, #tpu.memory_space<vmem_shared>>
      tpu.enqueue_dma source(%dma_start3A_169 : memref<2048xf32, #tpu.memory_space<vmem_shared>>) target(%arg13 : memref<2048xf32, #tpu.memory_space<vmem>>) target_semaphore(%run_scoped3A : memref<!tpu.dma_semaphore, #tpu.memory_space<semaphore_mem>>)
      %dma_wait3A_170 = tpu.memref_slice %arg18[%add3A_153] : memref<100352xf32, #tpu.memory_space<vmem_shared>> -> memref<2048xf32, #tpu.memory_space<vmem_shared>>
      %dma_wait3A_171 = tpu.memref_slice %arg18[%add3A_153] : memref<100352xf32, #tpu.memory_space<vmem_shared>> -> memref<2048xf32, #tpu.memory_space<vmem_shared>>
      tpu.wait_dma2 semaphore(%run_scoped3A : memref<!tpu.dma_semaphore, #tpu.memory_space<semaphore_mem>>) src(%dma_wait3A_171 : memref<2048xf32, #tpu.memory_space<vmem_shared>>) dst(%arg13 : memref<2048xf32, #tpu.memory_space<vmem>>)
      tpu.yield
    }) : () -> ()
    %add3A_154 = arith.constant 0 : i32
    %add3A_155 = arith.addi %mul3A_151, %add3A_154 : i32
    "tpu.region"() ({
      %run_scoped3A = tpu.sem_alloc : memref<!tpu.dma_semaphore, #tpu.memory_space<semaphore_mem>>
      %dma_start3A_168 = tpu.memref_slice %arg4[%arg0, %add3A_155] : memref<2x100352xf32, #tpu.memory_space<hbm>> -> memref<1x2048xf32, #tpu.memory_space<hbm>>
      %dma_start3A_169 = tpu.memref_squeeze %dma_start3A_168 : memref<1x2048xf32, #tpu.memory_space<hbm>> -> memref<2048xf32, #tpu.memory_space<hbm>>
      %dma_start3A_170 = tpu.memref_slice %arg4[%arg0, %add3A_155] : memref<2x100352xf32, #tpu.memory_space<hbm>> -> memref<1x2048xf32, #tpu.memory_space<hbm>>
      %dma_start3A_171 = tpu.memref_squeeze %dma_start3A_170 : memref<1x2048xf32, #tpu.memory_space<hbm>> -> memref<2048xf32, #tpu.memory_space<hbm>>
      tpu.enqueue_dma source(%arg13 : memref<2048xf32, #tpu.memory_space<vmem>>) target(%dma_start3A_171 : memref<2048xf32, #tpu.memory_space<hbm>>) target_semaphore(%run_scoped3A : memref<!tpu.dma_semaphore, #tpu.memory_space<semaphore_mem>>)
      %dma_wait3A_172 = tpu.memref_slice %arg4[%arg0, %add3A_155] : memref<2x100352xf32, #tpu.memory_space<hbm>> -> memref<1x2048xf32, #tpu.memory_space<hbm>>
      %dma_wait3A_173 = tpu.memref_squeeze %dma_wait3A_172 : memref<1x2048xf32, #tpu.memory_space<hbm>> -> memref<2048xf32, #tpu.memory_space<hbm>>
      %dma_wait3A_174 = tpu.memref_slice %arg4[%arg0, %add3A_155] : memref<2x100352xf32, #tpu.memory_space<hbm>> -> memref<1x2048xf32, #tpu.memory_space<hbm>>
      %dma_wait3A_175 = tpu.memref_squeeze %dma_wait3A_174 : memref<1x2048xf32, #tpu.memory_space<hbm>> -> memref<2048xf32, #tpu.memory_space<hbm>>
      tpu.wait_dma2 semaphore(%run_scoped3A : memref<!tpu.dma_semaphore, #tpu.memory_space<semaphore_mem>>) src(%arg13 : memref<2048xf32, #tpu.memory_space<vmem>>) dst(%dma_wait3A_175 : memref<2048xf32, #tpu.memory_space<hbm>>)
      tpu.yield
    }) : () -> ()
    %add3A_156 = arith.constant 2048 : i32
    %add3A_157 = arith.addi %mul3A_151, %add3A_156 : i32
    "tpu.region"() ({
      %run_scoped3A = tpu.sem_alloc : memref<!tpu.dma_semaphore, #tpu.memory_space<semaphore_mem>>
      %dma_start3A_168 = tpu.memref_slice %arg18[%add3A_157] : memref<100352xf32, #tpu.memory_space<vmem_shared>> -> memref<2048xf32, #tpu.memory_space<vmem_shared>>
      %dma_start3A_169 = tpu.memref_slice %arg18[%add3A_157] : memref<100352xf32, #tpu.memory_space<vmem_shared>> -> memref<2048xf32, #tpu.memory_space<vmem_shared>>
      tpu.enqueue_dma source(%dma_start3A_169 : memref<2048xf32, #tpu.memory_space<vmem_shared>>) target(%arg13 : memref<2048xf32, #tpu.memory_space<vmem>>) target_semaphore(%run_scoped3A : memref<!tpu.dma_semaphore, #tpu.memory_space<semaphore_mem>>)
      %dma_wait3A_170 = tpu.memref_slice %arg18[%add3A_157] : memref<100352xf32, #tpu.memory_space<vmem_shared>> -> memref<2048xf32, #tpu.memory_space<vmem_shared>>
      %dma_wait3A_171 = tpu.memref_slice %arg18[%add3A_157] : memref<100352xf32, #tpu.memory_space<vmem_shared>> -> memref<2048xf32, #tpu.memory_space<vmem_shared>>
      tpu.wait_dma2 semaphore(%run_scoped3A : memref<!tpu.dma_semaphore, #tpu.memory_space<semaphore_mem>>) src(%dma_wait3A_171 : memref<2048xf32, #tpu.memory_space<vmem_shared>>) dst(%arg13 : memref<2048xf32, #tpu.memory_space<vmem>>)
      tpu.yield
    }) : () -> ()
    %add3A_158 = arith.constant 2048 : i32
    %add3A_159 = arith.addi %mul3A_151, %add3A_158 : i32
    "tpu.region"() ({
      %run_scoped3A = tpu.sem_alloc : memref<!tpu.dma_semaphore, #tpu.memory_space<semaphore_mem>>
      %dma_start3A_168 = tpu.memref_slice %arg4[%arg0, %add3A_159] : memref<2x100352xf32, #tpu.memory_space<hbm>> -> memref<1x2048xf32, #tpu.memory_space<hbm>>
      %dma_start3A_169 = tpu.memref_squeeze %dma_start3A_168 : memref<1x2048xf32, #tpu.memory_space<hbm>> -> memref<2048xf32, #tpu.memory_space<hbm>>
      %dma_start3A_170 = tpu.memref_slice %arg4[%arg0, %add3A_159] : memref<2x100352xf32, #tpu.memory_space<hbm>> -> memref<1x2048xf32, #tpu.memory_space<hbm>>
      %dma_start3A_171 = tpu.memref_squeeze %dma_start3A_170 : memref<1x2048xf32, #tpu.memory_space<hbm>> -> memref<2048xf32, #tpu.memory_space<hbm>>
      tpu.enqueue_dma source(%arg13 : memref<2048xf32, #tpu.memory_space<vmem>>) target(%dma_start3A_171 : memref<2048xf32, #tpu.memory_space<hbm>>) target_semaphore(%run_scoped3A : memref<!tpu.dma_semaphore, #tpu.memory_space<semaphore_mem>>)
      %dma_wait3A_172 = tpu.memref_slice %arg4[%arg0, %add3A_159] : memref<2x100352xf32, #tpu.memory_space<hbm>> -> memref<1x2048xf32, #tpu.memory_space<hbm>>
      %dma_wait3A_173 = tpu.memref_squeeze %dma_wait3A_172 : memref<1x2048xf32, #tpu.memory_space<hbm>> -> memref<2048xf32, #tpu.memory_space<hbm>>
      %dma_wait3A_174 = tpu.memref_slice %arg4[%arg0, %add3A_159] : memref<2x100352xf32, #tpu.memory_space<hbm>> -> memref<1x2048xf32, #tpu.memory_space<hbm>>
      %dma_wait3A_175 = tpu.memref_squeeze %dma_wait3A_174 : memref<1x2048xf32, #tpu.memory_space<hbm>> -> memref<2048xf32, #tpu.memory_space<hbm>>
      tpu.wait_dma2 semaphore(%run_scoped3A : memref<!tpu.dma_semaphore, #tpu.memory_space<semaphore_mem>>) src(%arg13 : memref<2048xf32, #tpu.memory_space<vmem>>) dst(%dma_wait3A_175 : memref<2048xf32, #tpu.memory_space<hbm>>)
      tpu.yield
    }) : () -> ()
    %add3A_160 = arith.constant 4096 : i32
    %add3A_161 = arith.addi %mul3A_151, %add3A_160 : i32
    "tpu.region"() ({
      %run_scoped3A = tpu.sem_alloc : memref<!tpu.dma_semaphore, #tpu.memory_space<semaphore_mem>>
      %dma_start3A_168 = tpu.memref_slice %arg18[%add3A_161] : memref<100352xf32, #tpu.memory_space<vmem_shared>> -> memref<2048xf32, #tpu.memory_space<vmem_shared>>
      %dma_start3A_169 = tpu.memref_slice %arg18[%add3A_161] : memref<100352xf32, #tpu.memory_space<vmem_shared>> -> memref<2048xf32, #tpu.memory_space<vmem_shared>>
      tpu.enqueue_dma source(%dma_start3A_169 : memref<2048xf32, #tpu.memory_space<vmem_shared>>) target(%arg13 : memref<2048xf32, #tpu.memory_space<vmem>>) target_semaphore(%run_scoped3A : memref<!tpu.dma_semaphore, #tpu.memory_space<semaphore_mem>>)
      %dma_wait3A_170 = tpu.memref_slice %arg18[%add3A_161] : memref<100352xf32, #tpu.memory_space<vmem_shared>> -> memref<2048xf32, #tpu.memory_space<vmem_shared>>
      %dma_wait3A_171 = tpu.memref_slice %arg18[%add3A_161] : memref<100352xf32, #tpu.memory_space<vmem_shared>> -> memref<2048xf32, #tpu.memory_space<vmem_shared>>
      tpu.wait_dma2 semaphore(%run_scoped3A : memref<!tpu.dma_semaphore, #tpu.memory_space<semaphore_mem>>) src(%dma_wait3A_171 : memref<2048xf32, #tpu.memory_space<vmem_shared>>) dst(%arg13 : memref<2048xf32, #tpu.memory_space<vmem>>)
      tpu.yield
    }) : () -> ()
    %add3A_162 = arith.constant 4096 : i32
    %add3A_163 = arith.addi %mul3A_151, %add3A_162 : i32
    "tpu.region"() ({
      %run_scoped3A = tpu.sem_alloc : memref<!tpu.dma_semaphore, #tpu.memory_space<semaphore_mem>>
      %dma_start3A_168 = tpu.memref_slice %arg4[%arg0, %add3A_163] : memref<2x100352xf32, #tpu.memory_space<hbm>> -> memref<1x2048xf32, #tpu.memory_space<hbm>>
      %dma_start3A_169 = tpu.memref_squeeze %dma_start3A_168 : memref<1x2048xf32, #tpu.memory_space<hbm>> -> memref<2048xf32, #tpu.memory_space<hbm>>
      %dma_start3A_170 = tpu.memref_slice %arg4[%arg0, %add3A_163] : memref<2x100352xf32, #tpu.memory_space<hbm>> -> memref<1x2048xf32, #tpu.memory_space<hbm>>
      %dma_start3A_171 = tpu.memref_squeeze %dma_start3A_170 : memref<1x2048xf32, #tpu.memory_space<hbm>> -> memref<2048xf32, #tpu.memory_space<hbm>>
      tpu.enqueue_dma source(%arg13 : memref<2048xf32, #tpu.memory_space<vmem>>) target(%dma_start3A_171 : memref<2048xf32, #tpu.memory_space<hbm>>) target_semaphore(%run_scoped3A : memref<!tpu.dma_semaphore, #tpu.memory_space<semaphore_mem>>)
      %dma_wait3A_172 = tpu.memref_slice %arg4[%arg0, %add3A_163] : memref<2x100352xf32, #tpu.memory_space<hbm>> -> memref<1x2048xf32, #tpu.memory_space<hbm>>
      %dma_wait3A_173 = tpu.memref_squeeze %dma_wait3A_172 : memref<1x2048xf32, #tpu.memory_space<hbm>> -> memref<2048xf32, #tpu.memory_space<hbm>>
      %dma_wait3A_174 = tpu.memref_slice %arg4[%arg0, %add3A_163] : memref<2x100352xf32, #tpu.memory_space<hbm>> -> memref<1x2048xf32, #tpu.memory_space<hbm>>
      %dma_wait3A_175 = tpu.memref_squeeze %dma_wait3A_174 : memref<1x2048xf32, #tpu.memory_space<hbm>> -> memref<2048xf32, #tpu.memory_space<hbm>>
      tpu.wait_dma2 semaphore(%run_scoped3A : memref<!tpu.dma_semaphore, #tpu.memory_space<semaphore_mem>>) src(%arg13 : memref<2048xf32, #tpu.memory_space<vmem>>) dst(%dma_wait3A_175 : memref<2048xf32, #tpu.memory_space<hbm>>)
      tpu.yield
    }) : () -> ()
    %add3A_164 = arith.constant 6144 : i32
    %add3A_165 = arith.addi %mul3A_151, %add3A_164 : i32
    "tpu.region"() ({
      %run_scoped3A = tpu.sem_alloc : memref<!tpu.dma_semaphore, #tpu.memory_space<semaphore_mem>>
      %dma_start3A_168 = arith.constant 0 : i32
      %dma_start3A_169 = tpu.memref_slice %arg13[%dma_start3A_168] : memref<2048xf32, #tpu.memory_space<vmem>> -> memref<128xf32, #tpu.memory_space<vmem>>
      %dma_start3A_170 = tpu.memref_slice %arg18[%add3A_165] : memref<100352xf32, #tpu.memory_space<vmem_shared>> -> memref<128xf32, #tpu.memory_space<vmem_shared>>
      %dma_start3A_171 = arith.constant 0 : i32
      %dma_start3A_172 = tpu.memref_slice %arg13[%dma_start3A_171] : memref<2048xf32, #tpu.memory_space<vmem>> -> memref<128xf32, #tpu.memory_space<vmem>>
      %dma_start3A_173 = tpu.memref_slice %arg18[%add3A_165] : memref<100352xf32, #tpu.memory_space<vmem_shared>> -> memref<128xf32, #tpu.memory_space<vmem_shared>>
      tpu.enqueue_dma source(%dma_start3A_173 : memref<128xf32, #tpu.memory_space<vmem_shared>>) target(%dma_start3A_172 : memref<128xf32, #tpu.memory_space<vmem>>) target_semaphore(%run_scoped3A : memref<!tpu.dma_semaphore, #tpu.memory_space<semaphore_mem>>)
      %dma_wait3A_174 = arith.constant 0 : i32
      %dma_wait3A_175 = tpu.memref_slice %arg13[%dma_wait3A_174] : memref<2048xf32, #tpu.memory_space<vmem>> -> memref<128xf32, #tpu.memory_space<vmem>>
      %dma_wait3A_176 = tpu.memref_slice %arg18[%add3A_165] : memref<100352xf32, #tpu.memory_space<vmem_shared>> -> memref<128xf32, #tpu.memory_space<vmem_shared>>
      %dma_wait3A_177 = arith.constant 0 : i32
      %dma_wait3A_178 = tpu.memref_slice %arg13[%dma_wait3A_177] : memref<2048xf32, #tpu.memory_space<vmem>> -> memref<128xf32, #tpu.memory_space<vmem>>
      %dma_wait3A_179 = tpu.memref_slice %arg18[%add3A_165] : memref<100352xf32, #tpu.memory_space<vmem_shared>> -> memref<128xf32, #tpu.memory_space<vmem_shared>>
      tpu.wait_dma2 semaphore(%run_scoped3A : memref<!tpu.dma_semaphore, #tpu.memory_space<semaphore_mem>>) src(%dma_wait3A_179 : memref<128xf32, #tpu.memory_space<vmem_shared>>) dst(%dma_wait3A_178 : memref<128xf32, #tpu.memory_space<vmem>>)
      tpu.yield
    }) : () -> ()
    %add3A_166 = arith.constant 6144 : i32
    %add3A_167 = arith.addi %mul3A_151, %add3A_166 : i32
    "tpu.region"() ({
      %run_scoped3A = tpu.sem_alloc : memref<!tpu.dma_semaphore, #tpu.memory_space<semaphore_mem>>
      %dma_start3A_168 = arith.constant 0 : i32
      %dma_start3A_169 = tpu.memref_slice %arg13[%dma_start3A_168] : memref<2048xf32, #tpu.memory_space<vmem>> -> memref<128xf32, #tpu.memory_space<vmem>>
      %dma_start3A_170 = tpu.memref_slice %arg4[%arg0, %add3A_167] : memref<2x100352xf32, #tpu.memory_space<hbm>> -> memref<1x128xf32, #tpu.memory_space<hbm>>
      %dma_start3A_171 = tpu.memref_squeeze %dma_start3A_170 : memref<1x128xf32, #tpu.memory_space<hbm>> -> memref<128xf32, #tpu.memory_space<hbm>>
      %dma_start3A_172 = tpu.memref_slice %arg4[%arg0, %add3A_167] : memref<2x100352xf32, #tpu.memory_space<hbm>> -> memref<1x128xf32, #tpu.memory_space<hbm>>
      %dma_start3A_173 = tpu.memref_squeeze %dma_start3A_172 : memref<1x128xf32, #tpu.memory_space<hbm>> -> memref<128xf32, #tpu.memory_space<hbm>>
      %dma_start3A_174 = arith.constant 0 : i32
      %dma_start3A_175 = tpu.memref_slice %arg13[%dma_start3A_174] : memref<2048xf32, #tpu.memory_space<vmem>> -> memref<128xf32, #tpu.memory_space<vmem>>
      tpu.enqueue_dma source(%dma_start3A_175 : memref<128xf32, #tpu.memory_space<vmem>>) target(%dma_start3A_173 : memref<128xf32, #tpu.memory_space<hbm>>) target_semaphore(%run_scoped3A : memref<!tpu.dma_semaphore, #tpu.memory_space<semaphore_mem>>)
      %dma_wait3A_176 = arith.constant 0 : i32
      %dma_wait3A_177 = tpu.memref_slice %arg13[%dma_wait3A_176] : memref<2048xf32, #tpu.memory_space<vmem>> -> memref<128xf32, #tpu.memory_space<vmem>>
      %dma_wait3A_178 = tpu.memref_slice %arg4[%arg0, %add3A_167] : memref<2x100352xf32, #tpu.memory_space<hbm>> -> memref<1x128xf32, #tpu.memory_space<hbm>>
      %dma_wait3A_179 = tpu.memref_squeeze %dma_wait3A_178 : memref<1x128xf32, #tpu.memory_space<hbm>> -> memref<128xf32, #tpu.memory_space<hbm>>
      %dma_wait3A_180 = tpu.memref_slice %arg4[%arg0, %add3A_167] : memref<2x100352xf32, #tpu.memory_space<hbm>> -> memref<1x128xf32, #tpu.memory_space<hbm>>
      %dma_wait3A_181 = tpu.memref_squeeze %dma_wait3A_180 : memref<1x128xf32, #tpu.memory_space<hbm>> -> memref<128xf32, #tpu.memory_space<hbm>>
      %dma_wait3A_182 = arith.constant 0 : i32
      %dma_wait3A_183 = tpu.memref_slice %arg13[%dma_wait3A_182] : memref<2048xf32, #tpu.memory_space<vmem>> -> memref<128xf32, #tpu.memory_space<vmem>>
      tpu.wait_dma2 semaphore(%run_scoped3A : memref<!tpu.dma_semaphore, #tpu.memory_space<semaphore_mem>>) src(%dma_wait3A_183 : memref<128xf32, #tpu.memory_space<vmem>>) dst(%dma_wait3A_181 : memref<128xf32, #tpu.memory_space<hbm>>)
      tpu.yield
    }) : () -> ()
    return
  }
}

#map = affine_map<(d0, d1) -> (0, 0)>
module attributes {stable_mosaic.version = 14 : i64} {
  func.func @_deg_kernel(%arg0: i32, %arg1: i32, %arg2: memref<2x6400000xi32, #tpu.memory_space<hbm>>, %arg3: memref<2x100352xf32, #tpu.memory_space<hbm>>, %arg4: memref<2048xi32, #tpu.memory_space<vmem>>, %arg5: memref<2048xi32, #tpu.memory_space<vmem>>, %arg6: memref<2048xi32, #tpu.memory_space<vmem>>, %arg7: memref<2048xi32, #tpu.memory_space<vmem>>, %arg8: memref<2048xf32, #tpu.memory_space<vmem>>, %arg9: memref<2048xf32, #tpu.memory_space<vmem>>, %arg10: memref<100352xf32, #tpu.memory_space<vmem_shared>>, %arg11: memref<!tpu.dma_semaphore, #tpu.memory_space<semaphore_mem>>, %arg12: memref<!tpu.dma_semaphore, #tpu.memory_space<semaphore_mem>>, %arg13: memref<!tpu.dma_semaphore, #tpu.memory_space<semaphore_mem>>, %arg14: memref<!tpu.dma_semaphore, #tpu.memory_space<semaphore_mem>>, %arg15: memref<!tpu.dma_semaphore, #tpu.memory_space<semaphore_mem>>, %arg16: memref<!tpu.dma_semaphore, #tpu.memory_space<semaphore_mem>>, %arg17: memref<!tpu.dma_semaphore, #tpu.memory_space<semaphore_mem>>, %arg18: memref<!tpu.dma_semaphore, #tpu.memory_space<semaphore_mem>>) attributes {dimension_semantics = [#tpu.dimension_semantics<core_parallel>, #tpu.dimension_semantics<subcore_parallel>], iteration_bounds = array<i64: 2, 16>, scalar_prefetch = 0 : i64, scratch_operands = 15 : i64, tpu.core_type = #tpu.core_type<sc_vector_subcore>, window_params = [{transform_indices = #map}, {transform_indices = #map}]} {
    %mul3A = arith.constant 16 : i32
    %mul3A_0 = arith.muli %arg0, %mul3A : i32
    %add3A = arith.addi %mul3A_0, %arg1 : i32
    %mul3A_1 = arith.constant 200704 : i32
    %mul3A_2 = arith.muli %add3A, %mul3A_1 : i32
    %eq3A = arith.constant 31 : i32
    %eq3A_3 = arith.cmpi eq, %add3A, %eq3A : i32
    %jit3A = arith.constant 87 : i32
    %jit3A_4 = arith.constant 98 : i32
    %select_n3A = arith.select %eq3A_3, %jit3A, %jit3A_4 : i32
    %add3A_5 = arith.constant 0 : i32
    %add3A_6 = arith.addi %mul3A_2, %add3A_5 : i32
    %dma_start3A = arith.constant 1 : i32
    %dma_start3A_7 = tpu.memref_slice %arg2[%dma_start3A, %add3A_6] : memref<2x6400000xi32, #tpu.memory_space<hbm>> -> memref<1x2048xi32, #tpu.memory_space<hbm>>
    %dma_start3A_8 = tpu.memref_squeeze %dma_start3A_7 : memref<1x2048xi32, #tpu.memory_space<hbm>> -> memref<2048xi32, #tpu.memory_space<hbm>>
    %dma_start3A_9 = tpu.memref_slice %arg2[%dma_start3A, %add3A_6] : memref<2x6400000xi32, #tpu.memory_space<hbm>> -> memref<1x2048xi32, #tpu.memory_space<hbm>>
    %dma_start3A_10 = tpu.memref_squeeze %dma_start3A_9 : memref<1x2048xi32, #tpu.memory_space<hbm>> -> memref<2048xi32, #tpu.memory_space<hbm>>
    tpu.enqueue_dma source(%dma_start3A_10 : memref<2048xi32, #tpu.memory_space<hbm>>) target(%arg4 : memref<2048xi32, #tpu.memory_space<vmem>>) target_semaphore(%arg11 : memref<!tpu.dma_semaphore, #tpu.memory_space<semaphore_mem>>)
    %add3A_11 = arith.constant 2048 : i32
    %add3A_12 = arith.addi %mul3A_2, %add3A_11 : i32
    %dma_start3A_13 = arith.constant 1 : i32
    %dma_start3A_14 = tpu.memref_slice %arg2[%dma_start3A_13, %add3A_12] : memref<2x6400000xi32, #tpu.memory_space<hbm>> -> memref<1x2048xi32, #tpu.memory_space<hbm>>
    %dma_start3A_15 = tpu.memref_squeeze %dma_start3A_14 : memref<1x2048xi32, #tpu.memory_space<hbm>> -> memref<2048xi32, #tpu.memory_space<hbm>>
    %dma_start3A_16 = tpu.memref_slice %arg2[%dma_start3A_13, %add3A_12] : memref<2x6400000xi32, #tpu.memory_space<hbm>> -> memref<1x2048xi32, #tpu.memory_space<hbm>>
    %dma_start3A_17 = tpu.memref_squeeze %dma_start3A_16 : memref<1x2048xi32, #tpu.memory_space<hbm>> -> memref<2048xi32, #tpu.memory_space<hbm>>
    tpu.enqueue_dma source(%dma_start3A_17 : memref<2048xi32, #tpu.memory_space<hbm>>) target(%arg5 : memref<2048xi32, #tpu.memory_space<vmem>>) target_semaphore(%arg12 : memref<!tpu.dma_semaphore, #tpu.memory_space<semaphore_mem>>)
    %scan3A = arith.constant 0 : i32
    %scan3A_18 = arith.constant 0 : i32
    %scan3A_19 = arith.constant 128 : i32
    %scan3A_20 = arith.addi %scan3A_18, %scan3A_19 : i32
    %scan3A_21 = arith.constant 1 : i32
    %scan3A_22 = scf.for %scan3A_158 = %scan3A_18 to %scan3A_20 step %scan3A_21 iter_args(%scan3A_159 = %scan3A) -> (i32)  : i32 {
      %broadcast_in_dim3A = arith.constant 1.000000e+00 : f32
      %broadcast_in_dim3A_160 = vector.broadcast %broadcast_in_dim3A : f32 to vector<16xf32>
      %mul3A_161 = arith.constant 16 : i32
      %mul3A_162 = arith.muli %scan3A_158, %mul3A_161 : i32
      %swap3A = arith.index_cast %mul3A_162 : i32 to index
      %swap3A_163 = tpu.vector_load %arg8[%swap3A] {strides = array<i32>} : memref<2048xf32, #tpu.memory_space<vmem>>, vector<16xf32>,
      tpu.vector_store %arg8[%swap3A], %broadcast_in_dim3A_160 {strides = array<i32>} : memref<2048xf32, #tpu.memory_space<vmem>>, vector<16xf32>,
      %scan3A_164 = arith.constant 0 : i32
      scf.yield %scan3A_164 : i32
    }
    %scan3A_23 = arith.constant 128 : i32
    %scan3A_24 = arith.constant 0 : i32
    %scan3A_25 = arith.constant 0 : i32
    %scan3A_26 = arith.constant 128 : i32
    %scan3A_27 = arith.addi %scan3A_25, %scan3A_26 : i32
    %scan3A_28 = arith.constant 1 : i32
    %scan3A_29 = scf.for %scan3A_158 = %scan3A_25 to %scan3A_27 step %scan3A_28 iter_args(%scan3A_159 = %scan3A_24) -> (i32)  : i32 {
      %broadcast_in_dim3A = arith.constant 0.000000e+00 : f32
      %broadcast_in_dim3A_160 = vector.broadcast %broadcast_in_dim3A : f32 to vector<16xf32>
      %mul3A_161 = arith.constant 16 : i32
      %mul3A_162 = arith.muli %scan3A_158, %mul3A_161 : i32
      %swap3A = arith.index_cast %mul3A_162 : i32 to index
      %swap3A_163 = tpu.vector_load %arg9[%swap3A] {strides = array<i32>} : memref<2048xf32, #tpu.memory_space<vmem>>, vector<16xf32>,
      tpu.vector_store %arg9[%swap3A], %broadcast_in_dim3A_160 {strides = array<i32>} : memref<2048xf32, #tpu.memory_space<vmem>>, vector<16xf32>,
      %scan3A_164 = arith.constant 0 : i32
      scf.yield %scan3A_164 : i32
    }
    %scan3A_30 = arith.constant 128 : i32
    %mul3A_31 = arith.constant 6272 : i32
    %mul3A_32 = arith.muli %arg1, %mul3A_31 : i32
    %add3A_33 = arith.constant 0 : i32
    %add3A_34 = arith.addi %mul3A_32, %add3A_33 : i32
    "tpu.region"() ({
      %run_scoped3A = tpu.sem_alloc : memref<!tpu.dma_semaphore, #tpu.memory_space<semaphore_mem>>
      %dma_start3A_158 = tpu.memref_slice %arg10[%add3A_34] : memref<100352xf32, #tpu.memory_space<vmem_shared>> -> memref<2048xf32, #tpu.memory_space<vmem_shared>>
      %dma_start3A_159 = tpu.memref_slice %arg10[%add3A_34] : memref<100352xf32, #tpu.memory_space<vmem_shared>> -> memref<2048xf32, #tpu.memory_space<vmem_shared>>
      tpu.enqueue_dma source(%arg9 : memref<2048xf32, #tpu.memory_space<vmem>>) target(%dma_start3A_159 : memref<2048xf32, #tpu.memory_space<vmem_shared>>) target_semaphore(%run_scoped3A : memref<!tpu.dma_semaphore, #tpu.memory_space<semaphore_mem>>)
      %dma_wait3A = tpu.memref_slice %arg10[%add3A_34] : memref<100352xf32, #tpu.memory_space<vmem_shared>> -> memref<2048xf32, #tpu.memory_space<vmem_shared>>
      %dma_wait3A_160 = tpu.memref_slice %arg10[%add3A_34] : memref<100352xf32, #tpu.memory_space<vmem_shared>> -> memref<2048xf32, #tpu.memory_space<vmem_shared>>
      tpu.wait_dma2 semaphore(%run_scoped3A : memref<!tpu.dma_semaphore, #tpu.memory_space<semaphore_mem>>) src(%arg9 : memref<2048xf32, #tpu.memory_space<vmem>>) dst(%dma_wait3A_160 : memref<2048xf32, #tpu.memory_space<vmem_shared>>)
      tpu.yield
    }) : () -> ()
    %add3A_35 = arith.constant 2048 : i32
    %add3A_36 = arith.addi %mul3A_32, %add3A_35 : i32
    "tpu.region"() ({
      %run_scoped3A = tpu.sem_alloc : memref<!tpu.dma_semaphore, #tpu.memory_space<semaphore_mem>>
      %dma_start3A_158 = tpu.memref_slice %arg10[%add3A_36] : memref<100352xf32, #tpu.memory_space<vmem_shared>> -> memref<2048xf32, #tpu.memory_space<vmem_shared>>
      %dma_start3A_159 = tpu.memref_slice %arg10[%add3A_36] : memref<100352xf32, #tpu.memory_space<vmem_shared>> -> memref<2048xf32, #tpu.memory_space<vmem_shared>>
      tpu.enqueue_dma source(%arg9 : memref<2048xf32, #tpu.memory_space<vmem>>) target(%dma_start3A_159 : memref<2048xf32, #tpu.memory_space<vmem_shared>>) target_semaphore(%run_scoped3A : memref<!tpu.dma_semaphore, #tpu.memory_space<semaphore_mem>>)
      %dma_wait3A = tpu.memref_slice %arg10[%add3A_36] : memref<100352xf32, #tpu.memory_space<vmem_shared>> -> memref<2048xf32, #tpu.memory_space<vmem_shared>>
      %dma_wait3A_160 = tpu.memref_slice %arg10[%add3A_36] : memref<100352xf32, #tpu.memory_space<vmem_shared>> -> memref<2048xf32, #tpu.memory_space<vmem_shared>>
      tpu.wait_dma2 semaphore(%run_scoped3A : memref<!tpu.dma_semaphore, #tpu.memory_space<semaphore_mem>>) src(%arg9 : memref<2048xf32, #tpu.memory_space<vmem>>) dst(%dma_wait3A_160 : memref<2048xf32, #tpu.memory_space<vmem_shared>>)
      tpu.yield
    }) : () -> ()
    %add3A_37 = arith.constant 4096 : i32
    %add3A_38 = arith.addi %mul3A_32, %add3A_37 : i32
    "tpu.region"() ({
      %run_scoped3A = tpu.sem_alloc : memref<!tpu.dma_semaphore, #tpu.memory_space<semaphore_mem>>
      %dma_start3A_158 = tpu.memref_slice %arg10[%add3A_38] : memref<100352xf32, #tpu.memory_space<vmem_shared>> -> memref<2048xf32, #tpu.memory_space<vmem_shared>>
      %dma_start3A_159 = tpu.memref_slice %arg10[%add3A_38] : memref<100352xf32, #tpu.memory_space<vmem_shared>> -> memref<2048xf32, #tpu.memory_space<vmem_shared>>
      tpu.enqueue_dma source(%arg9 : memref<2048xf32, #tpu.memory_space<vmem>>) target(%dma_start3A_159 : memref<2048xf32, #tpu.memory_space<vmem_shared>>) target_semaphore(%run_scoped3A : memref<!tpu.dma_semaphore, #tpu.memory_space<semaphore_mem>>)
      %dma_wait3A = tpu.memref_slice %arg10[%add3A_38] : memref<100352xf32, #tpu.memory_space<vmem_shared>> -> memref<2048xf32, #tpu.memory_space<vmem_shared>>
      %dma_wait3A_160 = tpu.memref_slice %arg10[%add3A_38] : memref<100352xf32, #tpu.memory_space<vmem_shared>> -> memref<2048xf32, #tpu.memory_space<vmem_shared>>
      tpu.wait_dma2 semaphore(%run_scoped3A : memref<!tpu.dma_semaphore, #tpu.memory_space<semaphore_mem>>) src(%arg9 : memref<2048xf32, #tpu.memory_space<vmem>>) dst(%dma_wait3A_160 : memref<2048xf32, #tpu.memory_space<vmem_shared>>)
      tpu.yield
    }) : () -> ()
    %add3A_39 = arith.constant 6144 : i32
    %add3A_40 = arith.addi %mul3A_32, %add3A_39 : i32
    "tpu.region"() ({
      %run_scoped3A = tpu.sem_alloc : memref<!tpu.dma_semaphore, #tpu.memory_space<semaphore_mem>>
      %dma_start3A_158 = arith.constant 0 : i32
      %dma_start3A_159 = tpu.memref_slice %arg9[%dma_start3A_158] : memref<2048xf32, #tpu.memory_space<vmem>> -> memref<128xf32, #tpu.memory_space<vmem>>
      %dma_start3A_160 = tpu.memref_slice %arg10[%add3A_40] : memref<100352xf32, #tpu.memory_space<vmem_shared>> -> memref<128xf32, #tpu.memory_space<vmem_shared>>
      %dma_start3A_161 = tpu.memref_slice %arg10[%add3A_40] : memref<100352xf32, #tpu.memory_space<vmem_shared>> -> memref<128xf32, #tpu.memory_space<vmem_shared>>
      %dma_start3A_162 = arith.constant 0 : i32
      %dma_start3A_163 = tpu.memref_slice %arg9[%dma_start3A_162] : memref<2048xf32, #tpu.memory_space<vmem>> -> memref<128xf32, #tpu.memory_space<vmem>>
      tpu.enqueue_dma source(%dma_start3A_163 : memref<128xf32, #tpu.memory_space<vmem>>) target(%dma_start3A_161 : memref<128xf32, #tpu.memory_space<vmem_shared>>) target_semaphore(%run_scoped3A : memref<!tpu.dma_semaphore, #tpu.memory_space<semaphore_mem>>)
      %dma_wait3A = arith.constant 0 : i32
      %dma_wait3A_164 = tpu.memref_slice %arg9[%dma_wait3A] : memref<2048xf32, #tpu.memory_space<vmem>> -> memref<128xf32, #tpu.memory_space<vmem>>
      %dma_wait3A_165 = tpu.memref_slice %arg10[%add3A_40] : memref<100352xf32, #tpu.memory_space<vmem_shared>> -> memref<128xf32, #tpu.memory_space<vmem_shared>>
      %dma_wait3A_166 = tpu.memref_slice %arg10[%add3A_40] : memref<100352xf32, #tpu.memory_space<vmem_shared>> -> memref<128xf32, #tpu.memory_space<vmem_shared>>
      %dma_wait3A_167 = arith.constant 0 : i32
      %dma_wait3A_168 = tpu.memref_slice %arg9[%dma_wait3A_167] : memref<2048xf32, #tpu.memory_space<vmem>> -> memref<128xf32, #tpu.memory_space<vmem>>
      tpu.wait_dma2 semaphore(%run_scoped3A : memref<!tpu.dma_semaphore, #tpu.memory_space<semaphore_mem>>) src(%dma_wait3A_168 : memref<128xf32, #tpu.memory_space<vmem>>) dst(%dma_wait3A_166 : memref<128xf32, #tpu.memory_space<vmem_shared>>)
      tpu.yield
    }) : () -> ()
    %barrier3A = arith.constant 0 : index
    tpu.barrier barrier_id(%barrier3A)
    %jit3A_41 = arith.constant 4 : i32
    %div3A = arith.divsi %select_n3A, %jit3A_41 : i32
    %sign3A = arith.constant 0 : i32
    %sign3A_42 = arith.cmpi sgt, %select_n3A, %sign3A : i32
    %sign3A_43 = arith.extui %sign3A_42 : i1 to i32
    %sign3A_44 = arith.constant 0 : i32
    %sign3A_45 = arith.cmpi slt, %select_n3A, %sign3A_44 : i32
    %sign3A_46 = arith.extui %sign3A_45 : i1 to i32
    %sign3A_47 = arith.subi %sign3A_43, %sign3A_46 : i32
    %sign3A_48 = arith.constant 0 : i32
    %sign3A_49 = arith.cmpi sgt, %jit3A_41, %sign3A_48 : i32
    %sign3A_50 = arith.extui %sign3A_49 : i1 to i32
    %sign3A_51 = arith.constant 0 : i32
    %sign3A_52 = arith.cmpi slt, %jit3A_41, %sign3A_51 : i32
    %sign3A_53 = arith.extui %sign3A_52 : i1 to i32
    %sign3A_54 = arith.subi %sign3A_50, %sign3A_53 : i32
    %ne3A = arith.cmpi ne, %sign3A_47, %sign3A_54 : i32
    %rem3A = arith.remsi %select_n3A, %jit3A_41 : i32
    %ne3A_55 = arith.constant 0 : i32
    %ne3A_56 = arith.cmpi ne, %rem3A, %ne3A_55 : i32
    %and3A = arith.andi %ne3A, %ne3A_56 : i1
    %sub3A = arith.constant 1 : i32
    %sub3A_57 = arith.subi %div3A, %sub3A : i32
    %select_n3A_58 = arith.select %and3A, %sub3A_57, %div3A : i32
    %while3A = arith.constant 0 : i32
    %while3A_59 = arith.constant 0 : i32
    %while3A_60 = arith.subi %select_n3A_58, %while3A : i32
    %while3A_61 = arith.addi %while3A, %while3A_60 : i32
    %while3A_62 = arith.constant 1 : i32
    %while3A_63 = arith.divsi %while3A_60, %while3A_62 : i32
    %while3A_64 = arith.muli %while3A_63, %while3A_62 : i32
    %while3A_65 = arith.addi %while3A, %while3A_64 : i32
    %while3A_66 = arith.constant 1 : i32
    %while3A_67 = scf.for %while3A_158 = %while3A to %while3A_65 step %while3A_66 iter_args(%while3A_159 = %while3A_59) -> (i32)  : i32 {
      %mul3A_160 = arith.constant 4 : i32
      %mul3A_161 = arith.muli %while3A_158, %mul3A_160 : i32
      %add3A_162 = arith.constant 0 : i32
      %add3A_163 = arith.addi %mul3A_161, %add3A_162 : i32
      %dma_wait3A = arith.constant 1 : i32
      %dma_wait3A_164 = arith.constant 0 : i32
      %dma_wait3A_165 = tpu.memref_slice %arg2[%dma_wait3A, %dma_wait3A_164] : memref<2x6400000xi32, #tpu.memory_space<hbm>> -> memref<1x2048xi32, #tpu.memory_space<hbm>>
      %dma_wait3A_166 = tpu.memref_squeeze %dma_wait3A_165 : memref<1x2048xi32, #tpu.memory_space<hbm>> -> memref<2048xi32, #tpu.memory_space<hbm>>
      %dma_wait3A_167 = arith.constant 0 : i32
      %dma_wait3A_168 = tpu.memref_slice %arg2[%dma_wait3A, %dma_wait3A_167] : memref<2x6400000xi32, #tpu.memory_space<hbm>> -> memref<1x2048xi32, #tpu.memory_space<hbm>>
      %dma_wait3A_169 = tpu.memref_squeeze %dma_wait3A_168 : memref<1x2048xi32, #tpu.memory_space<hbm>> -> memref<2048xi32, #tpu.memory_space<hbm>>
      tpu.wait_dma2 semaphore(%arg11 : memref<!tpu.dma_semaphore, #tpu.memory_space<semaphore_mem>>) src(%dma_wait3A_169 : memref<2048xi32, #tpu.memory_space<hbm>>) dst(%arg4 : memref<2048xi32, #tpu.memory_space<vmem>>)
      %ge3A = arith.constant 2 : i32
      %ge3A_170 = arith.cmpi sge, %add3A_163, %ge3A : i32
      %convert_element_type3A_171 = arith.extui %ge3A_170 : i1 to i32
      %cond3A_172 = arith.constant 0 : i32
      %cond3A_173 = arith.cmpi ne, %convert_element_type3A_171, %cond3A_172 : i32
      scf.if %cond3A_173 {
        %dma_wait3A_255 = arith.constant 0 : i32
        %dma_wait3A_256 = tpu.memref_slice %arg10[%dma_wait3A_255] : memref<100352xf32, #tpu.memory_space<vmem_shared>> -> memref<100352xf32, #tpu.memory_space<vmem_shared>>
        tpu.wait_indirect_dma semaphore(%arg17 : memref<!tpu.dma_semaphore, #tpu.memory_space<semaphore_mem>>) src(%arg8 : memref<2048xf32, #tpu.memory_space<vmem>>) dst(%dma_wait3A_256 : memref<100352xf32, #tpu.memory_space<vmem_shared>>)
      } else {
      }
      %add3A_174 = arith.constant 2 : i32
      %add3A_175 = arith.addi %add3A_163, %add3A_174 : i32
      %lt3A_176 = arith.cmpi slt, %add3A_175, %select_n3A : i32
      %convert_element_type3A_177 = arith.extui %lt3A_176 : i1 to i32
      %cond3A_178 = arith.constant 0 : i32
      %cond3A_179 = arith.cmpi ne, %convert_element_type3A_177, %cond3A_178 : i32
      scf.if %cond3A_179 {
        %add3A_255 = arith.constant 2 : i32
        %add3A_256 = arith.addi %add3A_163, %add3A_255 : i32
        %mul3A_257 = arith.constant 2048 : i32
        %mul3A_258 = arith.muli %add3A_256, %mul3A_257 : i32
        %add3A_259 = arith.addi %mul3A_2, %mul3A_258 : i32
        %dma_start3A_260 = arith.constant 1 : i32
        %dma_start3A_261 = tpu.memref_slice %arg2[%dma_start3A_260, %add3A_259] : memref<2x6400000xi32, #tpu.memory_space<hbm>> -> memref<1x2048xi32, #tpu.memory_space<hbm>>
        %dma_start3A_262 = tpu.memref_squeeze %dma_start3A_261 : memref<1x2048xi32, #tpu.memory_space<hbm>> -> memref<2048xi32, #tpu.memory_space<hbm>>
        %dma_start3A_263 = tpu.memref_slice %arg2[%dma_start3A_260, %add3A_259] : memref<2x6400000xi32, #tpu.memory_space<hbm>> -> memref<1x2048xi32, #tpu.memory_space<hbm>>
        %dma_start3A_264 = tpu.memref_squeeze %dma_start3A_263 : memref<1x2048xi32, #tpu.memory_space<hbm>> -> memref<2048xi32, #tpu.memory_space<hbm>>
        tpu.enqueue_dma source(%dma_start3A_264 : memref<2048xi32, #tpu.memory_space<hbm>>) target(%arg6 : memref<2048xi32, #tpu.memory_space<vmem>>) target_semaphore(%arg13 : memref<!tpu.dma_semaphore, #tpu.memory_space<semaphore_mem>>)
      } else {
      }
      %dma_start3A_180 = arith.constant 0 : i32
      %dma_start3A_181 = tpu.memref_slice %arg10[%dma_start3A_180] : memref<100352xf32, #tpu.memory_space<vmem_shared>> -> memref<100352xf32, #tpu.memory_space<vmem_shared>>
      tpu.enqueue_indirect_dma source(%arg8 : memref<2048xf32, #tpu.memory_space<vmem>>) target(%dma_start3A_181 : memref<100352xf32, #tpu.memory_space<vmem_shared>>) offsets(%arg4 : memref<2048xi32, #tpu.memory_space<vmem>>) semaphore(%arg15 : memref<!tpu.dma_semaphore, #tpu.memory_space<semaphore_mem>>) {add = true}
      %mul3A_182 = arith.constant 4 : i32
      %mul3A_183 = arith.muli %while3A_158, %mul3A_182 : i32
      %add3A_184 = arith.constant 1 : i32
      %add3A_185 = arith.addi %mul3A_183, %add3A_184 : i32
      %dma_wait3A_186 = arith.constant 1 : i32
      %dma_wait3A_187 = arith.constant 0 : i32
      %dma_wait3A_188 = tpu.memref_slice %arg2[%dma_wait3A_186, %dma_wait3A_187] : memref<2x6400000xi32, #tpu.memory_space<hbm>> -> memref<1x2048xi32, #tpu.memory_space<hbm>>
      %dma_wait3A_189 = tpu.memref_squeeze %dma_wait3A_188 : memref<1x2048xi32, #tpu.memory_space<hbm>> -> memref<2048xi32, #tpu.memory_space<hbm>>
      %dma_wait3A_190 = arith.constant 0 : i32
      %dma_wait3A_191 = tpu.memref_slice %arg2[%dma_wait3A_186, %dma_wait3A_190] : memref<2x6400000xi32, #tpu.memory_space<hbm>> -> memref<1x2048xi32, #tpu.memory_space<hbm>>
      %dma_wait3A_192 = tpu.memref_squeeze %dma_wait3A_191 : memref<1x2048xi32, #tpu.memory_space<hbm>> -> memref<2048xi32, #tpu.memory_space<hbm>>
      tpu.wait_dma2 semaphore(%arg12 : memref<!tpu.dma_semaphore, #tpu.memory_space<semaphore_mem>>) src(%dma_wait3A_192 : memref<2048xi32, #tpu.memory_space<hbm>>) dst(%arg5 : memref<2048xi32, #tpu.memory_space<vmem>>)
      %ge3A_193 = arith.constant 2 : i32
      %ge3A_194 = arith.cmpi sge, %add3A_185, %ge3A_193 : i32
      %convert_element_type3A_195 = arith.extui %ge3A_194 : i1 to i32
      %cond3A_196 = arith.constant 0 : i32
      %cond3A_197 = arith.cmpi ne, %convert_element_type3A_195, %cond3A_196 : i32
      scf.if %cond3A_197 {
        %dma_wait3A_255 = arith.constant 0 : i32
        %dma_wait3A_256 = tpu.memref_slice %arg10[%dma_wait3A_255] : memref<100352xf32, #tpu.memory_space<vmem_shared>> -> memref<100352xf32, #tpu.memory_space<vmem_shared>>
        tpu.wait_indirect_dma semaphore(%arg18 : memref<!tpu.dma_semaphore, #tpu.memory_space<semaphore_mem>>) src(%arg8 : memref<2048xf32, #tpu.memory_space<vmem>>) dst(%dma_wait3A_256 : memref<100352xf32, #tpu.memory_space<vmem_shared>>)
      } else {
      }
      %add3A_198 = arith.constant 2 : i32
      %add3A_199 = arith.addi %add3A_185, %add3A_198 : i32
      %lt3A_200 = arith.cmpi slt, %add3A_199, %select_n3A : i32
      %convert_element_type3A_201 = arith.extui %lt3A_200 : i1 to i32
      %cond3A_202 = arith.constant 0 : i32
      %cond3A_203 = arith.cmpi ne, %convert_element_type3A_201, %cond3A_202 : i32
      scf.if %cond3A_203 {
        %add3A_255 = arith.constant 2 : i32
        %add3A_256 = arith.addi %add3A_185, %add3A_255 : i32
        %mul3A_257 = arith.constant 2048 : i32
        %mul3A_258 = arith.muli %add3A_256, %mul3A_257 : i32
        %add3A_259 = arith.addi %mul3A_2, %mul3A_258 : i32
        %dma_start3A_260 = arith.constant 1 : i32
        %dma_start3A_261 = tpu.memref_slice %arg2[%dma_start3A_260, %add3A_259] : memref<2x6400000xi32, #tpu.memory_space<hbm>> -> memref<1x2048xi32, #tpu.memory_space<hbm>>
        %dma_start3A_262 = tpu.memref_squeeze %dma_start3A_261 : memref<1x2048xi32, #tpu.memory_space<hbm>> -> memref<2048xi32, #tpu.memory_space<hbm>>
        %dma_start3A_263 = tpu.memref_slice %arg2[%dma_start3A_260, %add3A_259] : memref<2x6400000xi32, #tpu.memory_space<hbm>> -> memref<1x2048xi32, #tpu.memory_space<hbm>>
        %dma_start3A_264 = tpu.memref_squeeze %dma_start3A_263 : memref<1x2048xi32, #tpu.memory_space<hbm>> -> memref<2048xi32, #tpu.memory_space<hbm>>
        tpu.enqueue_dma source(%dma_start3A_264 : memref<2048xi32, #tpu.memory_space<hbm>>) target(%arg7 : memref<2048xi32, #tpu.memory_space<vmem>>) target_semaphore(%arg14 : memref<!tpu.dma_semaphore, #tpu.memory_space<semaphore_mem>>)
      } else {
      }
      %dma_start3A_204 = arith.constant 0 : i32
      %dma_start3A_205 = tpu.memref_slice %arg10[%dma_start3A_204] : memref<100352xf32, #tpu.memory_space<vmem_shared>> -> memref<100352xf32, #tpu.memory_space<vmem_shared>>
      tpu.enqueue_indirect_dma source(%arg8 : memref<2048xf32, #tpu.memory_space<vmem>>) target(%dma_start3A_205 : memref<100352xf32, #tpu.memory_space<vmem_shared>>) offsets(%arg5 : memref<2048xi32, #tpu.memory_space<vmem>>) semaphore(%arg16 : memref<!tpu.dma_semaphore, #tpu.memory_space<semaphore_mem>>) {add = true}
      %mul3A_206 = arith.constant 4 : i32
      %mul3A_207 = arith.muli %while3A_158, %mul3A_206 : i32
      %add3A_208 = arith.constant 2 : i32
      %add3A_209 = arith.addi %mul3A_207, %add3A_208 : i32
      %dma_wait3A_210 = arith.constant 1 : i32
      %dma_wait3A_211 = arith.constant 0 : i32
      %dma_wait3A_212 = tpu.memref_slice %arg2[%dma_wait3A_210, %dma_wait3A_211] : memref<2x6400000xi32, #tpu.memory_space<hbm>> -> memref<1x2048xi32, #tpu.memory_space<hbm>>
      %dma_wait3A_213 = tpu.memref_squeeze %dma_wait3A_212 : memref<1x2048xi32, #tpu.memory_space<hbm>> -> memref<2048xi32, #tpu.memory_space<hbm>>
      %dma_wait3A_214 = arith.constant 0 : i32
      %dma_wait3A_215 = tpu.memref_slice %arg2[%dma_wait3A_210, %dma_wait3A_214] : memref<2x6400000xi32, #tpu.memory_space<hbm>> -> memref<1x2048xi32, #tpu.memory_space<hbm>>
      %dma_wait3A_216 = tpu.memref_squeeze %dma_wait3A_215 : memref<1x2048xi32, #tpu.memory_space<hbm>> -> memref<2048xi32, #tpu.memory_space<hbm>>
      tpu.wait_dma2 semaphore(%arg13 : memref<!tpu.dma_semaphore, #tpu.memory_space<semaphore_mem>>) src(%dma_wait3A_216 : memref<2048xi32, #tpu.memory_space<hbm>>) dst(%arg6 : memref<2048xi32, #tpu.memory_space<vmem>>)
      %ge3A_217 = arith.constant 2 : i32
      %ge3A_218 = arith.cmpi sge, %add3A_209, %ge3A_217 : i32
      %convert_element_type3A_219 = arith.extui %ge3A_218 : i1 to i32
      %cond3A_220 = arith.constant 0 : i32
      %cond3A_221 = arith.cmpi ne, %convert_element_type3A_219, %cond3A_220 : i32
      scf.if %cond3A_221 {
        %dma_wait3A_255 = arith.constant 0 : i32
        %dma_wait3A_256 = tpu.memref_slice %arg10[%dma_wait3A_255] : memref<100352xf32, #tpu.memory_space<vmem_shared>> -> memref<100352xf32, #tpu.memory_space<vmem_shared>>
        tpu.wait_indirect_dma semaphore(%arg15 : memref<!tpu.dma_semaphore, #tpu.memory_space<semaphore_mem>>) src(%arg8 : memref<2048xf32, #tpu.memory_space<vmem>>) dst(%dma_wait3A_256 : memref<100352xf32, #tpu.memory_space<vmem_shared>>)
      } else {
      }
      %add3A_222 = arith.constant 2 : i32
      %add3A_223 = arith.addi %add3A_209, %add3A_222 : i32
      %lt3A_224 = arith.cmpi slt, %add3A_223, %select_n3A : i32
      %convert_element_type3A_225 = arith.extui %lt3A_224 : i1 to i32
      %cond3A_226 = arith.constant 0 : i32
      %cond3A_227 = arith.cmpi ne, %convert_element_type3A_225, %cond3A_226 : i32
      scf.if %cond3A_227 {
        %add3A_255 = arith.constant 2 : i32
        %add3A_256 = arith.addi %add3A_209, %add3A_255 : i32
        %mul3A_257 = arith.constant 2048 : i32
        %mul3A_258 = arith.muli %add3A_256, %mul3A_257 : i32
        %add3A_259 = arith.addi %mul3A_2, %mul3A_258 : i32
        %dma_start3A_260 = arith.constant 1 : i32
        %dma_start3A_261 = tpu.memref_slice %arg2[%dma_start3A_260, %add3A_259] : memref<2x6400000xi32, #tpu.memory_space<hbm>> -> memref<1x2048xi32, #tpu.memory_space<hbm>>
        %dma_start3A_262 = tpu.memref_squeeze %dma_start3A_261 : memref<1x2048xi32, #tpu.memory_space<hbm>> -> memref<2048xi32, #tpu.memory_space<hbm>>
        %dma_start3A_263 = tpu.memref_slice %arg2[%dma_start3A_260, %add3A_259] : memref<2x6400000xi32, #tpu.memory_space<hbm>> -> memref<1x2048xi32, #tpu.memory_space<hbm>>
        %dma_start3A_264 = tpu.memref_squeeze %dma_start3A_263 : memref<1x2048xi32, #tpu.memory_space<hbm>> -> memref<2048xi32, #tpu.memory_space<hbm>>
        tpu.enqueue_dma source(%dma_start3A_264 : memref<2048xi32, #tpu.memory_space<hbm>>) target(%arg4 : memref<2048xi32, #tpu.memory_space<vmem>>) target_semaphore(%arg11 : memref<!tpu.dma_semaphore, #tpu.memory_space<semaphore_mem>>)
      } else {
      }
      %dma_start3A_228 = arith.constant 0 : i32
      %dma_start3A_229 = tpu.memref_slice %arg10[%dma_start3A_228] : memref<100352xf32, #tpu.memory_space<vmem_shared>> -> memref<100352xf32, #tpu.memory_space<vmem_shared>>
      tpu.enqueue_indirect_dma source(%arg8 : memref<2048xf32, #tpu.memory_space<vmem>>) target(%dma_start3A_229 : memref<100352xf32, #tpu.memory_space<vmem_shared>>) offsets(%arg6 : memref<2048xi32, #tpu.memory_space<vmem>>) semaphore(%arg17 : memref<!tpu.dma_semaphore, #tpu.memory_space<semaphore_mem>>) {add = true}
      %mul3A_230 = arith.constant 4 : i32
      %mul3A_231 = arith.muli %while3A_158, %mul3A_230 : i32
      %add3A_232 = arith.constant 3 : i32
      %add3A_233 = arith.addi %mul3A_231, %add3A_232 : i32
      %dma_wait3A_234 = arith.constant 1 : i32
      %dma_wait3A_235 = arith.constant 0 : i32
      %dma_wait3A_236 = tpu.memref_slice %arg2[%dma_wait3A_234, %dma_wait3A_235] : memref<2x6400000xi32, #tpu.memory_space<hbm>> -> memref<1x2048xi32, #tpu.memory_space<hbm>>
      %dma_wait3A_237 = tpu.memref_squeeze %dma_wait3A_236 : memref<1x2048xi32, #tpu.memory_space<hbm>> -> memref<2048xi32, #tpu.memory_space<hbm>>
      %dma_wait3A_238 = arith.constant 0 : i32
      %dma_wait3A_239 = tpu.memref_slice %arg2[%dma_wait3A_234, %dma_wait3A_238] : memref<2x6400000xi32, #tpu.memory_space<hbm>> -> memref<1x2048xi32, #tpu.memory_space<hbm>>
      %dma_wait3A_240 = tpu.memref_squeeze %dma_wait3A_239 : memref<1x2048xi32, #tpu.memory_space<hbm>> -> memref<2048xi32, #tpu.memory_space<hbm>>
      tpu.wait_dma2 semaphore(%arg14 : memref<!tpu.dma_semaphore, #tpu.memory_space<semaphore_mem>>) src(%dma_wait3A_240 : memref<2048xi32, #tpu.memory_space<hbm>>) dst(%arg7 : memref<2048xi32, #tpu.memory_space<vmem>>)
      %ge3A_241 = arith.constant 2 : i32
      %ge3A_242 = arith.cmpi sge, %add3A_233, %ge3A_241 : i32
      %convert_element_type3A_243 = arith.extui %ge3A_242 : i1 to i32
      %cond3A_244 = arith.constant 0 : i32
      %cond3A_245 = arith.cmpi ne, %convert_element_type3A_243, %cond3A_244 : i32
      scf.if %cond3A_245 {
        %dma_wait3A_255 = arith.constant 0 : i32
        %dma_wait3A_256 = tpu.memref_slice %arg10[%dma_wait3A_255] : memref<100352xf32, #tpu.memory_space<vmem_shared>> -> memref<100352xf32, #tpu.memory_space<vmem_shared>>
        tpu.wait_indirect_dma semaphore(%arg16 : memref<!tpu.dma_semaphore, #tpu.memory_space<semaphore_mem>>) src(%arg8 : memref<2048xf32, #tpu.memory_space<vmem>>) dst(%dma_wait3A_256 : memref<100352xf32, #tpu.memory_space<vmem_shared>>)
      } else {
      }
      %add3A_246 = arith.constant 2 : i32
      %add3A_247 = arith.addi %add3A_233, %add3A_246 : i32
      %lt3A_248 = arith.cmpi slt, %add3A_247, %select_n3A : i32
      %convert_element_type3A_249 = arith.extui %lt3A_248 : i1 to i32
      %cond3A_250 = arith.constant 0 : i32
      %cond3A_251 = arith.cmpi ne, %convert_element_type3A_249, %cond3A_250 : i32
      scf.if %cond3A_251 {
        %add3A_255 = arith.constant 2 : i32
        %add3A_256 = arith.addi %add3A_233, %add3A_255 : i32
        %mul3A_257 = arith.constant 2048 : i32
        %mul3A_258 = arith.muli %add3A_256, %mul3A_257 : i32
        %add3A_259 = arith.addi %mul3A_2, %mul3A_258 : i32
        %dma_start3A_260 = arith.constant 1 : i32
        %dma_start3A_261 = tpu.memref_slice %arg2[%dma_start3A_260, %add3A_259] : memref<2x6400000xi32, #tpu.memory_space<hbm>> -> memref<1x2048xi32, #tpu.memory_space<hbm>>
        %dma_start3A_262 = tpu.memref_squeeze %dma_start3A_261 : memref<1x2048xi32, #tpu.memory_space<hbm>> -> memref<2048xi32, #tpu.memory_space<hbm>>
        %dma_start3A_263 = tpu.memref_slice %arg2[%dma_start3A_260, %add3A_259] : memref<2x6400000xi32, #tpu.memory_space<hbm>> -> memref<1x2048xi32, #tpu.memory_space<hbm>>
        %dma_start3A_264 = tpu.memref_squeeze %dma_start3A_263 : memref<1x2048xi32, #tpu.memory_space<hbm>> -> memref<2048xi32, #tpu.memory_space<hbm>>
        tpu.enqueue_dma source(%dma_start3A_264 : memref<2048xi32, #tpu.memory_space<hbm>>) target(%arg5 : memref<2048xi32, #tpu.memory_space<vmem>>) target_semaphore(%arg12 : memref<!tpu.dma_semaphore, #tpu.memory_space<semaphore_mem>>)
      } else {
      }
      %dma_start3A_252 = arith.constant 0 : i32
      %dma_start3A_253 = tpu.memref_slice %arg10[%dma_start3A_252] : memref<100352xf32, #tpu.memory_space<vmem_shared>> -> memref<100352xf32, #tpu.memory_space<vmem_shared>>
      tpu.enqueue_indirect_dma source(%arg8 : memref<2048xf32, #tpu.memory_space<vmem>>) target(%dma_start3A_253 : memref<100352xf32, #tpu.memory_space<vmem_shared>>) offsets(%arg7 : memref<2048xi32, #tpu.memory_space<vmem>>) semaphore(%arg18 : memref<!tpu.dma_semaphore, #tpu.memory_space<semaphore_mem>>) {add = true}
      %while3A_254 = arith.constant 0 : i32
      scf.yield %while3A_254 : i32
    }
    %while3A_68 = arith.constant 1 : i32
    %while3A_69 = scf.for %while3A_158 = %while3A_65 to %while3A_61 step %while3A_68 iter_args(%while3A_159 = %while3A_67) -> (i32)  : i32 {
      %mul3A_160 = arith.constant 4 : i32
      %mul3A_161 = arith.muli %while3A_158, %mul3A_160 : i32
      %add3A_162 = arith.constant 0 : i32
      %add3A_163 = arith.addi %mul3A_161, %add3A_162 : i32
      %dma_wait3A = arith.constant 1 : i32
      %dma_wait3A_164 = arith.constant 0 : i32
      %dma_wait3A_165 = tpu.memref_slice %arg2[%dma_wait3A, %dma_wait3A_164] : memref<2x6400000xi32, #tpu.memory_space<hbm>> -> memref<1x2048xi32, #tpu.memory_space<hbm>>
      %dma_wait3A_166 = tpu.memref_squeeze %dma_wait3A_165 : memref<1x2048xi32, #tpu.memory_space<hbm>> -> memref<2048xi32, #tpu.memory_space<hbm>>
      %dma_wait3A_167 = arith.constant 0 : i32
      %dma_wait3A_168 = tpu.memref_slice %arg2[%dma_wait3A, %dma_wait3A_167] : memref<2x6400000xi32, #tpu.memory_space<hbm>> -> memref<1x2048xi32, #tpu.memory_space<hbm>>
      %dma_wait3A_169 = tpu.memref_squeeze %dma_wait3A_168 : memref<1x2048xi32, #tpu.memory_space<hbm>> -> memref<2048xi32, #tpu.memory_space<hbm>>
      tpu.wait_dma2 semaphore(%arg11 : memref<!tpu.dma_semaphore, #tpu.memory_space<semaphore_mem>>) src(%dma_wait3A_169 : memref<2048xi32, #tpu.memory_space<hbm>>) dst(%arg4 : memref<2048xi32, #tpu.memory_space<vmem>>)
      %ge3A = arith.constant 2 : i32
      %ge3A_170 = arith.cmpi sge, %add3A_163, %ge3A : i32
      %convert_element_type3A_171 = arith.extui %ge3A_170 : i1 to i32
      %cond3A_172 = arith.constant 0 : i32
      %cond3A_173 = arith.cmpi ne, %convert_element_type3A_171, %cond3A_172 : i32
      scf.if %cond3A_173 {
        %dma_wait3A_255 = arith.constant 0 : i32
        %dma_wait3A_256 = tpu.memref_slice %arg10[%dma_wait3A_255] : memref<100352xf32, #tpu.memory_space<vmem_shared>> -> memref<100352xf32, #tpu.memory_space<vmem_shared>>
        tpu.wait_indirect_dma semaphore(%arg17 : memref<!tpu.dma_semaphore, #tpu.memory_space<semaphore_mem>>) src(%arg8 : memref<2048xf32, #tpu.memory_space<vmem>>) dst(%dma_wait3A_256 : memref<100352xf32, #tpu.memory_space<vmem_shared>>)
      } else {
      }
      %add3A_174 = arith.constant 2 : i32
      %add3A_175 = arith.addi %add3A_163, %add3A_174 : i32
      %lt3A_176 = arith.cmpi slt, %add3A_175, %select_n3A : i32
      %convert_element_type3A_177 = arith.extui %lt3A_176 : i1 to i32
      %cond3A_178 = arith.constant 0 : i32
      %cond3A_179 = arith.cmpi ne, %convert_element_type3A_177, %cond3A_178 : i32
      scf.if %cond3A_179 {
        %add3A_255 = arith.constant 2 : i32
        %add3A_256 = arith.addi %add3A_163, %add3A_255 : i32
        %mul3A_257 = arith.constant 2048 : i32
        %mul3A_258 = arith.muli %add3A_256, %mul3A_257 : i32
        %add3A_259 = arith.addi %mul3A_2, %mul3A_258 : i32
        %dma_start3A_260 = arith.constant 1 : i32
        %dma_start3A_261 = tpu.memref_slice %arg2[%dma_start3A_260, %add3A_259] : memref<2x6400000xi32, #tpu.memory_space<hbm>> -> memref<1x2048xi32, #tpu.memory_space<hbm>>
        %dma_start3A_262 = tpu.memref_squeeze %dma_start3A_261 : memref<1x2048xi32, #tpu.memory_space<hbm>> -> memref<2048xi32, #tpu.memory_space<hbm>>
        %dma_start3A_263 = tpu.memref_slice %arg2[%dma_start3A_260, %add3A_259] : memref<2x6400000xi32, #tpu.memory_space<hbm>> -> memref<1x2048xi32, #tpu.memory_space<hbm>>
        %dma_start3A_264 = tpu.memref_squeeze %dma_start3A_263 : memref<1x2048xi32, #tpu.memory_space<hbm>> -> memref<2048xi32, #tpu.memory_space<hbm>>
        tpu.enqueue_dma source(%dma_start3A_264 : memref<2048xi32, #tpu.memory_space<hbm>>) target(%arg6 : memref<2048xi32, #tpu.memory_space<vmem>>) target_semaphore(%arg13 : memref<!tpu.dma_semaphore, #tpu.memory_space<semaphore_mem>>)
      } else {
      }
      %dma_start3A_180 = arith.constant 0 : i32
      %dma_start3A_181 = tpu.memref_slice %arg10[%dma_start3A_180] : memref<100352xf32, #tpu.memory_space<vmem_shared>> -> memref<100352xf32, #tpu.memory_space<vmem_shared>>
      tpu.enqueue_indirect_dma source(%arg8 : memref<2048xf32, #tpu.memory_space<vmem>>) target(%dma_start3A_181 : memref<100352xf32, #tpu.memory_space<vmem_shared>>) offsets(%arg4 : memref<2048xi32, #tpu.memory_space<vmem>>) semaphore(%arg15 : memref<!tpu.dma_semaphore, #tpu.memory_space<semaphore_mem>>) {add = true}
      %mul3A_182 = arith.constant 4 : i32
      %mul3A_183 = arith.muli %while3A_158, %mul3A_182 : i32
      %add3A_184 = arith.constant 1 : i32
      %add3A_185 = arith.addi %mul3A_183, %add3A_184 : i32
      %dma_wait3A_186 = arith.constant 1 : i32
      %dma_wait3A_187 = arith.constant 0 : i32
      %dma_wait3A_188 = tpu.memref_slice %arg2[%dma_wait3A_186, %dma_wait3A_187] : memref<2x6400000xi32, #tpu.memory_space<hbm>> -> memref<1x2048xi32, #tpu.memory_space<hbm>>
      %dma_wait3A_189 = tpu.memref_squeeze %dma_wait3A_188 : memref<1x2048xi32, #tpu.memory_space<hbm>> -> memref<2048xi32, #tpu.memory_space<hbm>>
      %dma_wait3A_190 = arith.constant 0 : i32
      %dma_wait3A_191 = tpu.memref_slice %arg2[%dma_wait3A_186, %dma_wait3A_190] : memref<2x6400000xi32, #tpu.memory_space<hbm>> -> memref<1x2048xi32, #tpu.memory_space<hbm>>
      %dma_wait3A_192 = tpu.memref_squeeze %dma_wait3A_191 : memref<1x2048xi32, #tpu.memory_space<hbm>> -> memref<2048xi32, #tpu.memory_space<hbm>>
      tpu.wait_dma2 semaphore(%arg12 : memref<!tpu.dma_semaphore, #tpu.memory_space<semaphore_mem>>) src(%dma_wait3A_192 : memref<2048xi32, #tpu.memory_space<hbm>>) dst(%arg5 : memref<2048xi32, #tpu.memory_space<vmem>>)
      %ge3A_193 = arith.constant 2 : i32
      %ge3A_194 = arith.cmpi sge, %add3A_185, %ge3A_193 : i32
      %convert_element_type3A_195 = arith.extui %ge3A_194 : i1 to i32
      %cond3A_196 = arith.constant 0 : i32
      %cond3A_197 = arith.cmpi ne, %convert_element_type3A_195, %cond3A_196 : i32
      scf.if %cond3A_197 {
        %dma_wait3A_255 = arith.constant 0 : i32
        %dma_wait3A_256 = tpu.memref_slice %arg10[%dma_wait3A_255] : memref<100352xf32, #tpu.memory_space<vmem_shared>> -> memref<100352xf32, #tpu.memory_space<vmem_shared>>
        tpu.wait_indirect_dma semaphore(%arg18 : memref<!tpu.dma_semaphore, #tpu.memory_space<semaphore_mem>>) src(%arg8 : memref<2048xf32, #tpu.memory_space<vmem>>) dst(%dma_wait3A_256 : memref<100352xf32, #tpu.memory_space<vmem_shared>>)
      } else {
      }
      %add3A_198 = arith.constant 2 : i32
      %add3A_199 = arith.addi %add3A_185, %add3A_198 : i32
      %lt3A_200 = arith.cmpi slt, %add3A_199, %select_n3A : i32
      %convert_element_type3A_201 = arith.extui %lt3A_200 : i1 to i32
      %cond3A_202 = arith.constant 0 : i32
      %cond3A_203 = arith.cmpi ne, %convert_element_type3A_201, %cond3A_202 : i32
      scf.if %cond3A_203 {
        %add3A_255 = arith.constant 2 : i32
        %add3A_256 = arith.addi %add3A_185, %add3A_255 : i32
        %mul3A_257 = arith.constant 2048 : i32
        %mul3A_258 = arith.muli %add3A_256, %mul3A_257 : i32
        %add3A_259 = arith.addi %mul3A_2, %mul3A_258 : i32
        %dma_start3A_260 = arith.constant 1 : i32
        %dma_start3A_261 = tpu.memref_slice %arg2[%dma_start3A_260, %add3A_259] : memref<2x6400000xi32, #tpu.memory_space<hbm>> -> memref<1x2048xi32, #tpu.memory_space<hbm>>
        %dma_start3A_262 = tpu.memref_squeeze %dma_start3A_261 : memref<1x2048xi32, #tpu.memory_space<hbm>> -> memref<2048xi32, #tpu.memory_space<hbm>>
        %dma_start3A_263 = tpu.memref_slice %arg2[%dma_start3A_260, %add3A_259] : memref<2x6400000xi32, #tpu.memory_space<hbm>> -> memref<1x2048xi32, #tpu.memory_space<hbm>>
        %dma_start3A_264 = tpu.memref_squeeze %dma_start3A_263 : memref<1x2048xi32, #tpu.memory_space<hbm>> -> memref<2048xi32, #tpu.memory_space<hbm>>
        tpu.enqueue_dma source(%dma_start3A_264 : memref<2048xi32, #tpu.memory_space<hbm>>) target(%arg7 : memref<2048xi32, #tpu.memory_space<vmem>>) target_semaphore(%arg14 : memref<!tpu.dma_semaphore, #tpu.memory_space<semaphore_mem>>)
      } else {
      }
      %dma_start3A_204 = arith.constant 0 : i32
      %dma_start3A_205 = tpu.memref_slice %arg10[%dma_start3A_204] : memref<100352xf32, #tpu.memory_space<vmem_shared>> -> memref<100352xf32, #tpu.memory_space<vmem_shared>>
      tpu.enqueue_indirect_dma source(%arg8 : memref<2048xf32, #tpu.memory_space<vmem>>) target(%dma_start3A_205 : memref<100352xf32, #tpu.memory_space<vmem_shared>>) offsets(%arg5 : memref<2048xi32, #tpu.memory_space<vmem>>) semaphore(%arg16 : memref<!tpu.dma_semaphore, #tpu.memory_space<semaphore_mem>>) {add = true}
      %mul3A_206 = arith.constant 4 : i32
      %mul3A_207 = arith.muli %while3A_158, %mul3A_206 : i32
      %add3A_208 = arith.constant 2 : i32
      %add3A_209 = arith.addi %mul3A_207, %add3A_208 : i32
      %dma_wait3A_210 = arith.constant 1 : i32
      %dma_wait3A_211 = arith.constant 0 : i32
      %dma_wait3A_212 = tpu.memref_slice %arg2[%dma_wait3A_210, %dma_wait3A_211] : memref<2x6400000xi32, #tpu.memory_space<hbm>> -> memref<1x2048xi32, #tpu.memory_space<hbm>>
      %dma_wait3A_213 = tpu.memref_squeeze %dma_wait3A_212 : memref<1x2048xi32, #tpu.memory_space<hbm>> -> memref<2048xi32, #tpu.memory_space<hbm>>
      %dma_wait3A_214 = arith.constant 0 : i32
      %dma_wait3A_215 = tpu.memref_slice %arg2[%dma_wait3A_210, %dma_wait3A_214] : memref<2x6400000xi32, #tpu.memory_space<hbm>> -> memref<1x2048xi32, #tpu.memory_space<hbm>>
      %dma_wait3A_216 = tpu.memref_squeeze %dma_wait3A_215 : memref<1x2048xi32, #tpu.memory_space<hbm>> -> memref<2048xi32, #tpu.memory_space<hbm>>
      tpu.wait_dma2 semaphore(%arg13 : memref<!tpu.dma_semaphore, #tpu.memory_space<semaphore_mem>>) src(%dma_wait3A_216 : memref<2048xi32, #tpu.memory_space<hbm>>) dst(%arg6 : memref<2048xi32, #tpu.memory_space<vmem>>)
      %ge3A_217 = arith.constant 2 : i32
      %ge3A_218 = arith.cmpi sge, %add3A_209, %ge3A_217 : i32
      %convert_element_type3A_219 = arith.extui %ge3A_218 : i1 to i32
      %cond3A_220 = arith.constant 0 : i32
      %cond3A_221 = arith.cmpi ne, %convert_element_type3A_219, %cond3A_220 : i32
      scf.if %cond3A_221 {
        %dma_wait3A_255 = arith.constant 0 : i32
        %dma_wait3A_256 = tpu.memref_slice %arg10[%dma_wait3A_255] : memref<100352xf32, #tpu.memory_space<vmem_shared>> -> memref<100352xf32, #tpu.memory_space<vmem_shared>>
        tpu.wait_indirect_dma semaphore(%arg15 : memref<!tpu.dma_semaphore, #tpu.memory_space<semaphore_mem>>) src(%arg8 : memref<2048xf32, #tpu.memory_space<vmem>>) dst(%dma_wait3A_256 : memref<100352xf32, #tpu.memory_space<vmem_shared>>)
      } else {
      }
      %add3A_222 = arith.constant 2 : i32
      %add3A_223 = arith.addi %add3A_209, %add3A_222 : i32
      %lt3A_224 = arith.cmpi slt, %add3A_223, %select_n3A : i32
      %convert_element_type3A_225 = arith.extui %lt3A_224 : i1 to i32
      %cond3A_226 = arith.constant 0 : i32
      %cond3A_227 = arith.cmpi ne, %convert_element_type3A_225, %cond3A_226 : i32
      scf.if %cond3A_227 {
        %add3A_255 = arith.constant 2 : i32
        %add3A_256 = arith.addi %add3A_209, %add3A_255 : i32
        %mul3A_257 = arith.constant 2048 : i32
        %mul3A_258 = arith.muli %add3A_256, %mul3A_257 : i32
        %add3A_259 = arith.addi %mul3A_2, %mul3A_258 : i32
        %dma_start3A_260 = arith.constant 1 : i32
        %dma_start3A_261 = tpu.memref_slice %arg2[%dma_start3A_260, %add3A_259] : memref<2x6400000xi32, #tpu.memory_space<hbm>> -> memref<1x2048xi32, #tpu.memory_space<hbm>>
        %dma_start3A_262 = tpu.memref_squeeze %dma_start3A_261 : memref<1x2048xi32, #tpu.memory_space<hbm>> -> memref<2048xi32, #tpu.memory_space<hbm>>
        %dma_start3A_263 = tpu.memref_slice %arg2[%dma_start3A_260, %add3A_259] : memref<2x6400000xi32, #tpu.memory_space<hbm>> -> memref<1x2048xi32, #tpu.memory_space<hbm>>
        %dma_start3A_264 = tpu.memref_squeeze %dma_start3A_263 : memref<1x2048xi32, #tpu.memory_space<hbm>> -> memref<2048xi32, #tpu.memory_space<hbm>>
        tpu.enqueue_dma source(%dma_start3A_264 : memref<2048xi32, #tpu.memory_space<hbm>>) target(%arg4 : memref<2048xi32, #tpu.memory_space<vmem>>) target_semaphore(%arg11 : memref<!tpu.dma_semaphore, #tpu.memory_space<semaphore_mem>>)
      } else {
      }
      %dma_start3A_228 = arith.constant 0 : i32
      %dma_start3A_229 = tpu.memref_slice %arg10[%dma_start3A_228] : memref<100352xf32, #tpu.memory_space<vmem_shared>> -> memref<100352xf32, #tpu.memory_space<vmem_shared>>
      tpu.enqueue_indirect_dma source(%arg8 : memref<2048xf32, #tpu.memory_space<vmem>>) target(%dma_start3A_229 : memref<100352xf32, #tpu.memory_space<vmem_shared>>) offsets(%arg6 : memref<2048xi32, #tpu.memory_space<vmem>>) semaphore(%arg17 : memref<!tpu.dma_semaphore, #tpu.memory_space<semaphore_mem>>) {add = true}
      %mul3A_230 = arith.constant 4 : i32
      %mul3A_231 = arith.muli %while3A_158, %mul3A_230 : i32
      %add3A_232 = arith.constant 3 : i32
      %add3A_233 = arith.addi %mul3A_231, %add3A_232 : i32
      %dma_wait3A_234 = arith.constant 1 : i32
      %dma_wait3A_235 = arith.constant 0 : i32
      %dma_wait3A_236 = tpu.memref_slice %arg2[%dma_wait3A_234, %dma_wait3A_235] : memref<2x6400000xi32, #tpu.memory_space<hbm>> -> memref<1x2048xi32, #tpu.memory_space<hbm>>
      %dma_wait3A_237 = tpu.memref_squeeze %dma_wait3A_236 : memref<1x2048xi32, #tpu.memory_space<hbm>> -> memref<2048xi32, #tpu.memory_space<hbm>>
      %dma_wait3A_238 = arith.constant 0 : i32
      %dma_wait3A_239 = tpu.memref_slice %arg2[%dma_wait3A_234, %dma_wait3A_238] : memref<2x6400000xi32, #tpu.memory_space<hbm>> -> memref<1x2048xi32, #tpu.memory_space<hbm>>
      %dma_wait3A_240 = tpu.memref_squeeze %dma_wait3A_239 : memref<1x2048xi32, #tpu.memory_space<hbm>> -> memref<2048xi32, #tpu.memory_space<hbm>>
      tpu.wait_dma2 semaphore(%arg14 : memref<!tpu.dma_semaphore, #tpu.memory_space<semaphore_mem>>) src(%dma_wait3A_240 : memref<2048xi32, #tpu.memory_space<hbm>>) dst(%arg7 : memref<2048xi32, #tpu.memory_space<vmem>>)
      %ge3A_241 = arith.constant 2 : i32
      %ge3A_242 = arith.cmpi sge, %add3A_233, %ge3A_241 : i32
      %convert_element_type3A_243 = arith.extui %ge3A_242 : i1 to i32
      %cond3A_244 = arith.constant 0 : i32
      %cond3A_245 = arith.cmpi ne, %convert_element_type3A_243, %cond3A_244 : i32
      scf.if %cond3A_245 {
        %dma_wait3A_255 = arith.constant 0 : i32
        %dma_wait3A_256 = tpu.memref_slice %arg10[%dma_wait3A_255] : memref<100352xf32, #tpu.memory_space<vmem_shared>> -> memref<100352xf32, #tpu.memory_space<vmem_shared>>
        tpu.wait_indirect_dma semaphore(%arg16 : memref<!tpu.dma_semaphore, #tpu.memory_space<semaphore_mem>>) src(%arg8 : memref<2048xf32, #tpu.memory_space<vmem>>) dst(%dma_wait3A_256 : memref<100352xf32, #tpu.memory_space<vmem_shared>>)
      } else {
      }
      %add3A_246 = arith.constant 2 : i32
      %add3A_247 = arith.addi %add3A_233, %add3A_246 : i32
      %lt3A_248 = arith.cmpi slt, %add3A_247, %select_n3A : i32
      %convert_element_type3A_249 = arith.extui %lt3A_248 : i1 to i32
      %cond3A_250 = arith.constant 0 : i32
      %cond3A_251 = arith.cmpi ne, %convert_element_type3A_249, %cond3A_250 : i32
      scf.if %cond3A_251 {
        %add3A_255 = arith.constant 2 : i32
        %add3A_256 = arith.addi %add3A_233, %add3A_255 : i32
        %mul3A_257 = arith.constant 2048 : i32
        %mul3A_258 = arith.muli %add3A_256, %mul3A_257 : i32
        %add3A_259 = arith.addi %mul3A_2, %mul3A_258 : i32
        %dma_start3A_260 = arith.constant 1 : i32
        %dma_start3A_261 = tpu.memref_slice %arg2[%dma_start3A_260, %add3A_259] : memref<2x6400000xi32, #tpu.memory_space<hbm>> -> memref<1x2048xi32, #tpu.memory_space<hbm>>
        %dma_start3A_262 = tpu.memref_squeeze %dma_start3A_261 : memref<1x2048xi32, #tpu.memory_space<hbm>> -> memref<2048xi32, #tpu.memory_space<hbm>>
        %dma_start3A_263 = tpu.memref_slice %arg2[%dma_start3A_260, %add3A_259] : memref<2x6400000xi32, #tpu.memory_space<hbm>> -> memref<1x2048xi32, #tpu.memory_space<hbm>>
        %dma_start3A_264 = tpu.memref_squeeze %dma_start3A_263 : memref<1x2048xi32, #tpu.memory_space<hbm>> -> memref<2048xi32, #tpu.memory_space<hbm>>
        tpu.enqueue_dma source(%dma_start3A_264 : memref<2048xi32, #tpu.memory_space<hbm>>) target(%arg5 : memref<2048xi32, #tpu.memory_space<vmem>>) target_semaphore(%arg12 : memref<!tpu.dma_semaphore, #tpu.memory_space<semaphore_mem>>)
      } else {
      }
      %dma_start3A_252 = arith.constant 0 : i32
      %dma_start3A_253 = tpu.memref_slice %arg10[%dma_start3A_252] : memref<100352xf32, #tpu.memory_space<vmem_shared>> -> memref<100352xf32, #tpu.memory_space<vmem_shared>>
      tpu.enqueue_indirect_dma source(%arg8 : memref<2048xf32, #tpu.memory_space<vmem>>) target(%dma_start3A_253 : memref<100352xf32, #tpu.memory_space<vmem_shared>>) offsets(%arg7 : memref<2048xi32, #tpu.memory_space<vmem>>) semaphore(%arg18 : memref<!tpu.dma_semaphore, #tpu.memory_space<semaphore_mem>>) {add = true}
      %while3A_254 = arith.constant 0 : i32
      scf.yield %while3A_254 : i32
    }
    %jit3A_70 = arith.constant 4 : i32
    %eq3A_71 = arith.constant 0 : i32
    %eq3A_72 = arith.cmpi eq, %jit3A_70, %eq3A_71 : i32
    %jit3A_73 = arith.constant 1 : i32
    %select_n3A_74 = arith.select %eq3A_72, %jit3A_73, %jit3A_70 : i32
    %rem3A_75 = arith.remsi %select_n3A, %select_n3A_74 : i32
    %ne3A_76 = arith.constant 0 : i32
    %ne3A_77 = arith.cmpi ne, %rem3A_75, %ne3A_76 : i32
    %lt3A = arith.constant 0 : i32
    %lt3A_78 = arith.cmpi slt, %rem3A_75, %lt3A : i32
    %lt3A_79 = arith.constant 0 : i32
    %lt3A_80 = arith.cmpi slt, %select_n3A_74, %lt3A_79 : i32
    %ne3A_81 = arith.xori %lt3A_78, %lt3A_80 : i1
    %and3A_82 = arith.andi %ne3A_81, %ne3A_77 : i1
    %add3A_83 = arith.addi %rem3A_75, %select_n3A_74 : i32
    %select_n3A_84 = arith.select %and3A_82, %add3A_83, %rem3A_75 : i32
    %gt3A = arith.constant 0 : i32
    %gt3A_85 = arith.cmpi sgt, %select_n3A_84, %gt3A : i32
    %convert_element_type3A = arith.extui %gt3A_85 : i1 to i32
    %cond3A = arith.constant 0 : i32
    %cond3A_86 = arith.cmpi ne, %convert_element_type3A, %cond3A : i32
    scf.if %cond3A_86 {
      %jit3A_158 = arith.constant 4 : i32
      %div3A_159 = arith.divsi %select_n3A, %jit3A_158 : i32
      %sign3A_160 = arith.constant 0 : i32
      %sign3A_161 = arith.cmpi sgt, %select_n3A, %sign3A_160 : i32
      %sign3A_162 = arith.extui %sign3A_161 : i1 to i32
      %sign3A_163 = arith.constant 0 : i32
      %sign3A_164 = arith.cmpi slt, %select_n3A, %sign3A_163 : i32
      %sign3A_165 = arith.extui %sign3A_164 : i1 to i32
      %sign3A_166 = arith.subi %sign3A_162, %sign3A_165 : i32
      %sign3A_167 = arith.constant 0 : i32
      %sign3A_168 = arith.cmpi sgt, %jit3A_158, %sign3A_167 : i32
      %sign3A_169 = arith.extui %sign3A_168 : i1 to i32
      %sign3A_170 = arith.constant 0 : i32
      %sign3A_171 = arith.cmpi slt, %jit3A_158, %sign3A_170 : i32
      %sign3A_172 = arith.extui %sign3A_171 : i1 to i32
      %sign3A_173 = arith.subi %sign3A_169, %sign3A_172 : i32
      %ne3A_174 = arith.cmpi ne, %sign3A_166, %sign3A_173 : i32
      %rem3A_175 = arith.remsi %select_n3A, %jit3A_158 : i32
      %ne3A_176 = arith.constant 0 : i32
      %ne3A_177 = arith.cmpi ne, %rem3A_175, %ne3A_176 : i32
      %and3A_178 = arith.andi %ne3A_174, %ne3A_177 : i1
      %sub3A_179 = arith.constant 1 : i32
      %sub3A_180 = arith.subi %div3A_159, %sub3A_179 : i32
      %select_n3A_181 = arith.select %and3A_178, %sub3A_180, %div3A_159 : i32
      %mul3A_182 = arith.constant 4 : i32
      %mul3A_183 = arith.muli %select_n3A_181, %mul3A_182 : i32
      %add3A_184 = arith.constant 0 : i32
      %add3A_185 = arith.addi %mul3A_183, %add3A_184 : i32
      %dma_wait3A = arith.constant 1 : i32
      %dma_wait3A_186 = arith.constant 0 : i32
      %dma_wait3A_187 = tpu.memref_slice %arg2[%dma_wait3A, %dma_wait3A_186] : memref<2x6400000xi32, #tpu.memory_space<hbm>> -> memref<1x2048xi32, #tpu.memory_space<hbm>>
      %dma_wait3A_188 = tpu.memref_squeeze %dma_wait3A_187 : memref<1x2048xi32, #tpu.memory_space<hbm>> -> memref<2048xi32, #tpu.memory_space<hbm>>
      %dma_wait3A_189 = arith.constant 0 : i32
      %dma_wait3A_190 = tpu.memref_slice %arg2[%dma_wait3A, %dma_wait3A_189] : memref<2x6400000xi32, #tpu.memory_space<hbm>> -> memref<1x2048xi32, #tpu.memory_space<hbm>>
      %dma_wait3A_191 = tpu.memref_squeeze %dma_wait3A_190 : memref<1x2048xi32, #tpu.memory_space<hbm>> -> memref<2048xi32, #tpu.memory_space<hbm>>
      tpu.wait_dma2 semaphore(%arg11 : memref<!tpu.dma_semaphore, #tpu.memory_space<semaphore_mem>>) src(%dma_wait3A_191 : memref<2048xi32, #tpu.memory_space<hbm>>) dst(%arg4 : memref<2048xi32, #tpu.memory_space<vmem>>)
      %ge3A = arith.constant 2 : i32
      %ge3A_192 = arith.cmpi sge, %add3A_185, %ge3A : i32
      %convert_element_type3A_193 = arith.extui %ge3A_192 : i1 to i32
      %cond3A_194 = arith.constant 0 : i32
      %cond3A_195 = arith.cmpi ne, %convert_element_type3A_193, %cond3A_194 : i32
      scf.if %cond3A_195 {
        %dma_wait3A_204 = arith.constant 0 : i32
        %dma_wait3A_205 = tpu.memref_slice %arg10[%dma_wait3A_204] : memref<100352xf32, #tpu.memory_space<vmem_shared>> -> memref<100352xf32, #tpu.memory_space<vmem_shared>>
        tpu.wait_indirect_dma semaphore(%arg17 : memref<!tpu.dma_semaphore, #tpu.memory_space<semaphore_mem>>) src(%arg8 : memref<2048xf32, #tpu.memory_space<vmem>>) dst(%dma_wait3A_205 : memref<100352xf32, #tpu.memory_space<vmem_shared>>)
      } else {
      }
      %add3A_196 = arith.constant 2 : i32
      %add3A_197 = arith.addi %add3A_185, %add3A_196 : i32
      %lt3A_198 = arith.cmpi slt, %add3A_197, %select_n3A : i32
      %convert_element_type3A_199 = arith.extui %lt3A_198 : i1 to i32
      %cond3A_200 = arith.constant 0 : i32
      %cond3A_201 = arith.cmpi ne, %convert_element_type3A_199, %cond3A_200 : i32
      scf.if %cond3A_201 {
        %add3A_204 = arith.constant 2 : i32
        %add3A_205 = arith.addi %add3A_185, %add3A_204 : i32
        %mul3A_206 = arith.constant 2048 : i32
        %mul3A_207 = arith.muli %add3A_205, %mul3A_206 : i32
        %add3A_208 = arith.addi %mul3A_2, %mul3A_207 : i32
        %dma_start3A_209 = arith.constant 1 : i32
        %dma_start3A_210 = tpu.memref_slice %arg2[%dma_start3A_209, %add3A_208] : memref<2x6400000xi32, #tpu.memory_space<hbm>> -> memref<1x2048xi32, #tpu.memory_space<hbm>>
        %dma_start3A_211 = tpu.memref_squeeze %dma_start3A_210 : memref<1x2048xi32, #tpu.memory_space<hbm>> -> memref<2048xi32, #tpu.memory_space<hbm>>
        %dma_start3A_212 = tpu.memref_slice %arg2[%dma_start3A_209, %add3A_208] : memref<2x6400000xi32, #tpu.memory_space<hbm>> -> memref<1x2048xi32, #tpu.memory_space<hbm>>
        %dma_start3A_213 = tpu.memref_squeeze %dma_start3A_212 : memref<1x2048xi32, #tpu.memory_space<hbm>> -> memref<2048xi32, #tpu.memory_space<hbm>>
        tpu.enqueue_dma source(%dma_start3A_213 : memref<2048xi32, #tpu.memory_space<hbm>>) target(%arg6 : memref<2048xi32, #tpu.memory_space<vmem>>) target_semaphore(%arg13 : memref<!tpu.dma_semaphore, #tpu.memory_space<semaphore_mem>>)
      } else {
      }
      %dma_start3A_202 = arith.constant 0 : i32
      %dma_start3A_203 = tpu.memref_slice %arg10[%dma_start3A_202] : memref<100352xf32, #tpu.memory_space<vmem_shared>> -> memref<100352xf32, #tpu.memory_space<vmem_shared>>
      tpu.enqueue_indirect_dma source(%arg8 : memref<2048xf32, #tpu.memory_space<vmem>>) target(%dma_start3A_203 : memref<100352xf32, #tpu.memory_space<vmem_shared>>) offsets(%arg4 : memref<2048xi32, #tpu.memory_space<vmem>>) semaphore(%arg15 : memref<!tpu.dma_semaphore, #tpu.memory_space<semaphore_mem>>) {add = true}
    } else {
    }
    %jit3A_87 = arith.constant 4 : i32
    %eq3A_88 = arith.constant 0 : i32
    %eq3A_89 = arith.cmpi eq, %jit3A_87, %eq3A_88 : i32
    %jit3A_90 = arith.constant 1 : i32
    %select_n3A_91 = arith.select %eq3A_89, %jit3A_90, %jit3A_87 : i32
    %rem3A_92 = arith.remsi %select_n3A, %select_n3A_91 : i32
    %ne3A_93 = arith.constant 0 : i32
    %ne3A_94 = arith.cmpi ne, %rem3A_92, %ne3A_93 : i32
    %lt3A_95 = arith.constant 0 : i32
    %lt3A_96 = arith.cmpi slt, %rem3A_92, %lt3A_95 : i32
    %lt3A_97 = arith.constant 0 : i32
    %lt3A_98 = arith.cmpi slt, %select_n3A_91, %lt3A_97 : i32
    %ne3A_99 = arith.xori %lt3A_96, %lt3A_98 : i1
    %and3A_100 = arith.andi %ne3A_99, %ne3A_94 : i1
    %add3A_101 = arith.addi %rem3A_92, %select_n3A_91 : i32
    %select_n3A_102 = arith.select %and3A_100, %add3A_101, %rem3A_92 : i32
    %gt3A_103 = arith.constant 1 : i32
    %gt3A_104 = arith.cmpi sgt, %select_n3A_102, %gt3A_103 : i32
    %convert_element_type3A_105 = arith.extui %gt3A_104 : i1 to i32
    %cond3A_106 = arith.constant 0 : i32
    %cond3A_107 = arith.cmpi ne, %convert_element_type3A_105, %cond3A_106 : i32
    scf.if %cond3A_107 {
      %jit3A_158 = arith.constant 4 : i32
      %div3A_159 = arith.divsi %select_n3A, %jit3A_158 : i32
      %sign3A_160 = arith.constant 0 : i32
      %sign3A_161 = arith.cmpi sgt, %select_n3A, %sign3A_160 : i32
      %sign3A_162 = arith.extui %sign3A_161 : i1 to i32
      %sign3A_163 = arith.constant 0 : i32
      %sign3A_164 = arith.cmpi slt, %select_n3A, %sign3A_163 : i32
      %sign3A_165 = arith.extui %sign3A_164 : i1 to i32
      %sign3A_166 = arith.subi %sign3A_162, %sign3A_165 : i32
      %sign3A_167 = arith.constant 0 : i32
      %sign3A_168 = arith.cmpi sgt, %jit3A_158, %sign3A_167 : i32
      %sign3A_169 = arith.extui %sign3A_168 : i1 to i32
      %sign3A_170 = arith.constant 0 : i32
      %sign3A_171 = arith.cmpi slt, %jit3A_158, %sign3A_170 : i32
      %sign3A_172 = arith.extui %sign3A_171 : i1 to i32
      %sign3A_173 = arith.subi %sign3A_169, %sign3A_172 : i32
      %ne3A_174 = arith.cmpi ne, %sign3A_166, %sign3A_173 : i32
      %rem3A_175 = arith.remsi %select_n3A, %jit3A_158 : i32
      %ne3A_176 = arith.constant 0 : i32
      %ne3A_177 = arith.cmpi ne, %rem3A_175, %ne3A_176 : i32
      %and3A_178 = arith.andi %ne3A_174, %ne3A_177 : i1
      %sub3A_179 = arith.constant 1 : i32
      %sub3A_180 = arith.subi %div3A_159, %sub3A_179 : i32
      %select_n3A_181 = arith.select %and3A_178, %sub3A_180, %div3A_159 : i32
      %mul3A_182 = arith.constant 4 : i32
      %mul3A_183 = arith.muli %select_n3A_181, %mul3A_182 : i32
      %add3A_184 = arith.constant 1 : i32
      %add3A_185 = arith.addi %mul3A_183, %add3A_184 : i32
      %dma_wait3A = arith.constant 1 : i32
      %dma_wait3A_186 = arith.constant 0 : i32
      %dma_wait3A_187 = tpu.memref_slice %arg2[%dma_wait3A, %dma_wait3A_186] : memref<2x6400000xi32, #tpu.memory_space<hbm>> -> memref<1x2048xi32, #tpu.memory_space<hbm>>
      %dma_wait3A_188 = tpu.memref_squeeze %dma_wait3A_187 : memref<1x2048xi32, #tpu.memory_space<hbm>> -> memref<2048xi32, #tpu.memory_space<hbm>>
      %dma_wait3A_189 = arith.constant 0 : i32
      %dma_wait3A_190 = tpu.memref_slice %arg2[%dma_wait3A, %dma_wait3A_189] : memref<2x6400000xi32, #tpu.memory_space<hbm>> -> memref<1x2048xi32, #tpu.memory_space<hbm>>
      %dma_wait3A_191 = tpu.memref_squeeze %dma_wait3A_190 : memref<1x2048xi32, #tpu.memory_space<hbm>> -> memref<2048xi32, #tpu.memory_space<hbm>>
      tpu.wait_dma2 semaphore(%arg12 : memref<!tpu.dma_semaphore, #tpu.memory_space<semaphore_mem>>) src(%dma_wait3A_191 : memref<2048xi32, #tpu.memory_space<hbm>>) dst(%arg5 : memref<2048xi32, #tpu.memory_space<vmem>>)
      %ge3A = arith.constant 2 : i32
      %ge3A_192 = arith.cmpi sge, %add3A_185, %ge3A : i32
      %convert_element_type3A_193 = arith.extui %ge3A_192 : i1 to i32
      %cond3A_194 = arith.constant 0 : i32
      %cond3A_195 = arith.cmpi ne, %convert_element_type3A_193, %cond3A_194 : i32
      scf.if %cond3A_195 {
        %dma_wait3A_204 = arith.constant 0 : i32
        %dma_wait3A_205 = tpu.memref_slice %arg10[%dma_wait3A_204] : memref<100352xf32, #tpu.memory_space<vmem_shared>> -> memref<100352xf32, #tpu.memory_space<vmem_shared>>
        tpu.wait_indirect_dma semaphore(%arg18 : memref<!tpu.dma_semaphore, #tpu.memory_space<semaphore_mem>>) src(%arg8 : memref<2048xf32, #tpu.memory_space<vmem>>) dst(%dma_wait3A_205 : memref<100352xf32, #tpu.memory_space<vmem_shared>>)
      } else {
      }
      %add3A_196 = arith.constant 2 : i32
      %add3A_197 = arith.addi %add3A_185, %add3A_196 : i32
      %lt3A_198 = arith.cmpi slt, %add3A_197, %select_n3A : i32
      %convert_element_type3A_199 = arith.extui %lt3A_198 : i1 to i32
      %cond3A_200 = arith.constant 0 : i32
      %cond3A_201 = arith.cmpi ne, %convert_element_type3A_199, %cond3A_200 : i32
      scf.if %cond3A_201 {
        %add3A_204 = arith.constant 2 : i32
        %add3A_205 = arith.addi %add3A_185, %add3A_204 : i32
        %mul3A_206 = arith.constant 2048 : i32
        %mul3A_207 = arith.muli %add3A_205, %mul3A_206 : i32
        %add3A_208 = arith.addi %mul3A_2, %mul3A_207 : i32
        %dma_start3A_209 = arith.constant 1 : i32
        %dma_start3A_210 = tpu.memref_slice %arg2[%dma_start3A_209, %add3A_208] : memref<2x6400000xi32, #tpu.memory_space<hbm>> -> memref<1x2048xi32, #tpu.memory_space<hbm>>
        %dma_start3A_211 = tpu.memref_squeeze %dma_start3A_210 : memref<1x2048xi32, #tpu.memory_space<hbm>> -> memref<2048xi32, #tpu.memory_space<hbm>>
        %dma_start3A_212 = tpu.memref_slice %arg2[%dma_start3A_209, %add3A_208] : memref<2x6400000xi32, #tpu.memory_space<hbm>> -> memref<1x2048xi32, #tpu.memory_space<hbm>>
        %dma_start3A_213 = tpu.memref_squeeze %dma_start3A_212 : memref<1x2048xi32, #tpu.memory_space<hbm>> -> memref<2048xi32, #tpu.memory_space<hbm>>
        tpu.enqueue_dma source(%dma_start3A_213 : memref<2048xi32, #tpu.memory_space<hbm>>) target(%arg7 : memref<2048xi32, #tpu.memory_space<vmem>>) target_semaphore(%arg14 : memref<!tpu.dma_semaphore, #tpu.memory_space<semaphore_mem>>)
      } else {
      }
      %dma_start3A_202 = arith.constant 0 : i32
      %dma_start3A_203 = tpu.memref_slice %arg10[%dma_start3A_202] : memref<100352xf32, #tpu.memory_space<vmem_shared>> -> memref<100352xf32, #tpu.memory_space<vmem_shared>>
      tpu.enqueue_indirect_dma source(%arg8 : memref<2048xf32, #tpu.memory_space<vmem>>) target(%dma_start3A_203 : memref<100352xf32, #tpu.memory_space<vmem_shared>>) offsets(%arg5 : memref<2048xi32, #tpu.memory_space<vmem>>) semaphore(%arg16 : memref<!tpu.dma_semaphore, #tpu.memory_space<semaphore_mem>>) {add = true}
    } else {
    }
    %jit3A_108 = arith.constant 4 : i32
    %eq3A_109 = arith.constant 0 : i32
    %eq3A_110 = arith.cmpi eq, %jit3A_108, %eq3A_109 : i32
    %jit3A_111 = arith.constant 1 : i32
    %select_n3A_112 = arith.select %eq3A_110, %jit3A_111, %jit3A_108 : i32
    %rem3A_113 = arith.remsi %select_n3A, %select_n3A_112 : i32
    %ne3A_114 = arith.constant 0 : i32
    %ne3A_115 = arith.cmpi ne, %rem3A_113, %ne3A_114 : i32
    %lt3A_116 = arith.constant 0 : i32
    %lt3A_117 = arith.cmpi slt, %rem3A_113, %lt3A_116 : i32
    %lt3A_118 = arith.constant 0 : i32
    %lt3A_119 = arith.cmpi slt, %select_n3A_112, %lt3A_118 : i32
    %ne3A_120 = arith.xori %lt3A_117, %lt3A_119 : i1
    %and3A_121 = arith.andi %ne3A_120, %ne3A_115 : i1
    %add3A_122 = arith.addi %rem3A_113, %select_n3A_112 : i32
    %select_n3A_123 = arith.select %and3A_121, %add3A_122, %rem3A_113 : i32
    %gt3A_124 = arith.constant 2 : i32
    %gt3A_125 = arith.cmpi sgt, %select_n3A_123, %gt3A_124 : i32
    %convert_element_type3A_126 = arith.extui %gt3A_125 : i1 to i32
    %cond3A_127 = arith.constant 0 : i32
    %cond3A_128 = arith.cmpi ne, %convert_element_type3A_126, %cond3A_127 : i32
    scf.if %cond3A_128 {
      %jit3A_158 = arith.constant 4 : i32
      %div3A_159 = arith.divsi %select_n3A, %jit3A_158 : i32
      %sign3A_160 = arith.constant 0 : i32
      %sign3A_161 = arith.cmpi sgt, %select_n3A, %sign3A_160 : i32
      %sign3A_162 = arith.extui %sign3A_161 : i1 to i32
      %sign3A_163 = arith.constant 0 : i32
      %sign3A_164 = arith.cmpi slt, %select_n3A, %sign3A_163 : i32
      %sign3A_165 = arith.extui %sign3A_164 : i1 to i32
      %sign3A_166 = arith.subi %sign3A_162, %sign3A_165 : i32
      %sign3A_167 = arith.constant 0 : i32
      %sign3A_168 = arith.cmpi sgt, %jit3A_158, %sign3A_167 : i32
      %sign3A_169 = arith.extui %sign3A_168 : i1 to i32
      %sign3A_170 = arith.constant 0 : i32
      %sign3A_171 = arith.cmpi slt, %jit3A_158, %sign3A_170 : i32
      %sign3A_172 = arith.extui %sign3A_171 : i1 to i32
      %sign3A_173 = arith.subi %sign3A_169, %sign3A_172 : i32
      %ne3A_174 = arith.cmpi ne, %sign3A_166, %sign3A_173 : i32
      %rem3A_175 = arith.remsi %select_n3A, %jit3A_158 : i32
      %ne3A_176 = arith.constant 0 : i32
      %ne3A_177 = arith.cmpi ne, %rem3A_175, %ne3A_176 : i32
      %and3A_178 = arith.andi %ne3A_174, %ne3A_177 : i1
      %sub3A_179 = arith.constant 1 : i32
      %sub3A_180 = arith.subi %div3A_159, %sub3A_179 : i32
      %select_n3A_181 = arith.select %and3A_178, %sub3A_180, %div3A_159 : i32
      %mul3A_182 = arith.constant 4 : i32
      %mul3A_183 = arith.muli %select_n3A_181, %mul3A_182 : i32
      %add3A_184 = arith.constant 2 : i32
      %add3A_185 = arith.addi %mul3A_183, %add3A_184 : i32
      %dma_wait3A = arith.constant 1 : i32
      %dma_wait3A_186 = arith.constant 0 : i32
      %dma_wait3A_187 = tpu.memref_slice %arg2[%dma_wait3A, %dma_wait3A_186] : memref<2x6400000xi32, #tpu.memory_space<hbm>> -> memref<1x2048xi32, #tpu.memory_space<hbm>>
      %dma_wait3A_188 = tpu.memref_squeeze %dma_wait3A_187 : memref<1x2048xi32, #tpu.memory_space<hbm>> -> memref<2048xi32, #tpu.memory_space<hbm>>
      %dma_wait3A_189 = arith.constant 0 : i32
      %dma_wait3A_190 = tpu.memref_slice %arg2[%dma_wait3A, %dma_wait3A_189] : memref<2x6400000xi32, #tpu.memory_space<hbm>> -> memref<1x2048xi32, #tpu.memory_space<hbm>>
      %dma_wait3A_191 = tpu.memref_squeeze %dma_wait3A_190 : memref<1x2048xi32, #tpu.memory_space<hbm>> -> memref<2048xi32, #tpu.memory_space<hbm>>
      tpu.wait_dma2 semaphore(%arg13 : memref<!tpu.dma_semaphore, #tpu.memory_space<semaphore_mem>>) src(%dma_wait3A_191 : memref<2048xi32, #tpu.memory_space<hbm>>) dst(%arg6 : memref<2048xi32, #tpu.memory_space<vmem>>)
      %ge3A = arith.constant 2 : i32
      %ge3A_192 = arith.cmpi sge, %add3A_185, %ge3A : i32
      %convert_element_type3A_193 = arith.extui %ge3A_192 : i1 to i32
      %cond3A_194 = arith.constant 0 : i32
      %cond3A_195 = arith.cmpi ne, %convert_element_type3A_193, %cond3A_194 : i32
      scf.if %cond3A_195 {
        %dma_wait3A_204 = arith.constant 0 : i32
        %dma_wait3A_205 = tpu.memref_slice %arg10[%dma_wait3A_204] : memref<100352xf32, #tpu.memory_space<vmem_shared>> -> memref<100352xf32, #tpu.memory_space<vmem_shared>>
        tpu.wait_indirect_dma semaphore(%arg15 : memref<!tpu.dma_semaphore, #tpu.memory_space<semaphore_mem>>) src(%arg8 : memref<2048xf32, #tpu.memory_space<vmem>>) dst(%dma_wait3A_205 : memref<100352xf32, #tpu.memory_space<vmem_shared>>)
      } else {
      }
      %add3A_196 = arith.constant 2 : i32
      %add3A_197 = arith.addi %add3A_185, %add3A_196 : i32
      %lt3A_198 = arith.cmpi slt, %add3A_197, %select_n3A : i32
      %convert_element_type3A_199 = arith.extui %lt3A_198 : i1 to i32
      %cond3A_200 = arith.constant 0 : i32
      %cond3A_201 = arith.cmpi ne, %convert_element_type3A_199, %cond3A_200 : i32
      scf.if %cond3A_201 {
        %add3A_204 = arith.constant 2 : i32
        %add3A_205 = arith.addi %add3A_185, %add3A_204 : i32
        %mul3A_206 = arith.constant 2048 : i32
        %mul3A_207 = arith.muli %add3A_205, %mul3A_206 : i32
        %add3A_208 = arith.addi %mul3A_2, %mul3A_207 : i32
        %dma_start3A_209 = arith.constant 1 : i32
        %dma_start3A_210 = tpu.memref_slice %arg2[%dma_start3A_209, %add3A_208] : memref<2x6400000xi32, #tpu.memory_space<hbm>> -> memref<1x2048xi32, #tpu.memory_space<hbm>>
        %dma_start3A_211 = tpu.memref_squeeze %dma_start3A_210 : memref<1x2048xi32, #tpu.memory_space<hbm>> -> memref<2048xi32, #tpu.memory_space<hbm>>
        %dma_start3A_212 = tpu.memref_slice %arg2[%dma_start3A_209, %add3A_208] : memref<2x6400000xi32, #tpu.memory_space<hbm>> -> memref<1x2048xi32, #tpu.memory_space<hbm>>
        %dma_start3A_213 = tpu.memref_squeeze %dma_start3A_212 : memref<1x2048xi32, #tpu.memory_space<hbm>> -> memref<2048xi32, #tpu.memory_space<hbm>>
        tpu.enqueue_dma source(%dma_start3A_213 : memref<2048xi32, #tpu.memory_space<hbm>>) target(%arg4 : memref<2048xi32, #tpu.memory_space<vmem>>) target_semaphore(%arg11 : memref<!tpu.dma_semaphore, #tpu.memory_space<semaphore_mem>>)
      } else {
      }
      %dma_start3A_202 = arith.constant 0 : i32
      %dma_start3A_203 = tpu.memref_slice %arg10[%dma_start3A_202] : memref<100352xf32, #tpu.memory_space<vmem_shared>> -> memref<100352xf32, #tpu.memory_space<vmem_shared>>
      tpu.enqueue_indirect_dma source(%arg8 : memref<2048xf32, #tpu.memory_space<vmem>>) target(%dma_start3A_203 : memref<100352xf32, #tpu.memory_space<vmem_shared>>) offsets(%arg6 : memref<2048xi32, #tpu.memory_space<vmem>>) semaphore(%arg17 : memref<!tpu.dma_semaphore, #tpu.memory_space<semaphore_mem>>) {add = true}
    } else {
    }
    %ne3A_129 = arith.constant 31 : i32
    %ne3A_130 = arith.cmpi ne, %add3A, %ne3A_129 : i32
    %convert_element_type3A_131 = arith.extui %ne3A_130 : i1 to i32
    %cond3A_132 = arith.constant 0 : i32
    %cond3A_133 = arith.cmpi ne, %convert_element_type3A_131, %cond3A_132 : i32
    scf.if %cond3A_133 {
      %dma_wait3A = arith.constant 0 : i32
      %dma_wait3A_158 = tpu.memref_slice %arg10[%dma_wait3A] : memref<100352xf32, #tpu.memory_space<vmem_shared>> -> memref<100352xf32, #tpu.memory_space<vmem_shared>>
      tpu.wait_indirect_dma semaphore(%arg15 : memref<!tpu.dma_semaphore, #tpu.memory_space<semaphore_mem>>) src(%arg8 : memref<2048xf32, #tpu.memory_space<vmem>>) dst(%dma_wait3A_158 : memref<100352xf32, #tpu.memory_space<vmem_shared>>)
      %dma_wait3A_159 = arith.constant 0 : i32
      %dma_wait3A_160 = tpu.memref_slice %arg10[%dma_wait3A_159] : memref<100352xf32, #tpu.memory_space<vmem_shared>> -> memref<100352xf32, #tpu.memory_space<vmem_shared>>
      tpu.wait_indirect_dma semaphore(%arg16 : memref<!tpu.dma_semaphore, #tpu.memory_space<semaphore_mem>>) src(%arg8 : memref<2048xf32, #tpu.memory_space<vmem>>) dst(%dma_wait3A_160 : memref<100352xf32, #tpu.memory_space<vmem_shared>>)
    } else {
    }
    %eq3A_134 = arith.constant 31 : i32
    %eq3A_135 = arith.cmpi eq, %add3A, %eq3A_134 : i32
    %convert_element_type3A_136 = arith.extui %eq3A_135 : i1 to i32
    %cond3A_137 = arith.constant 0 : i32
    %cond3A_138 = arith.cmpi ne, %convert_element_type3A_136, %cond3A_137 : i32
    scf.if %cond3A_138 {
      %dma_wait3A = arith.constant 0 : i32
      %dma_wait3A_158 = tpu.memref_slice %arg10[%dma_wait3A] : memref<100352xf32, #tpu.memory_space<vmem_shared>> -> memref<100352xf32, #tpu.memory_space<vmem_shared>>
      tpu.wait_indirect_dma semaphore(%arg16 : memref<!tpu.dma_semaphore, #tpu.memory_space<semaphore_mem>>) src(%arg8 : memref<2048xf32, #tpu.memory_space<vmem>>) dst(%dma_wait3A_158 : memref<100352xf32, #tpu.memory_space<vmem_shared>>)
      %dma_wait3A_159 = arith.constant 0 : i32
      %dma_wait3A_160 = tpu.memref_slice %arg10[%dma_wait3A_159] : memref<100352xf32, #tpu.memory_space<vmem_shared>> -> memref<100352xf32, #tpu.memory_space<vmem_shared>>
      tpu.wait_indirect_dma semaphore(%arg17 : memref<!tpu.dma_semaphore, #tpu.memory_space<semaphore_mem>>) src(%arg8 : memref<2048xf32, #tpu.memory_space<vmem>>) dst(%dma_wait3A_160 : memref<100352xf32, #tpu.memory_space<vmem_shared>>)
    } else {
    }
    %barrier3A_139 = arith.constant 0 : index
    tpu.barrier barrier_id(%barrier3A_139)
    %mul3A_140 = arith.constant 6272 : i32
    %mul3A_141 = arith.muli %arg1, %mul3A_140 : i32
    %add3A_142 = arith.constant 0 : i32
    %add3A_143 = arith.addi %mul3A_141, %add3A_142 : i32
    "tpu.region"() ({
      %run_scoped3A = tpu.sem_alloc : memref<!tpu.dma_semaphore, #tpu.memory_space<semaphore_mem>>
      %dma_start3A_158 = tpu.memref_slice %arg10[%add3A_143] : memref<100352xf32, #tpu.memory_space<vmem_shared>> -> memref<2048xf32, #tpu.memory_space<vmem_shared>>
      %dma_start3A_159 = tpu.memref_slice %arg10[%add3A_143] : memref<100352xf32, #tpu.memory_space<vmem_shared>> -> memref<2048xf32, #tpu.memory_space<vmem_shared>>
      tpu.enqueue_dma source(%dma_start3A_159 : memref<2048xf32, #tpu.memory_space<vmem_shared>>) target(%arg9 : memref<2048xf32, #tpu.memory_space<vmem>>) target_semaphore(%run_scoped3A : memref<!tpu.dma_semaphore, #tpu.memory_space<semaphore_mem>>)
      %dma_wait3A = tpu.memref_slice %arg10[%add3A_143] : memref<100352xf32, #tpu.memory_space<vmem_shared>> -> memref<2048xf32, #tpu.memory_space<vmem_shared>>
      %dma_wait3A_160 = tpu.memref_slice %arg10[%add3A_143] : memref<100352xf32, #tpu.memory_space<vmem_shared>> -> memref<2048xf32, #tpu.memory_space<vmem_shared>>
      tpu.wait_dma2 semaphore(%run_scoped3A : memref<!tpu.dma_semaphore, #tpu.memory_space<semaphore_mem>>) src(%dma_wait3A_160 : memref<2048xf32, #tpu.memory_space<vmem_shared>>) dst(%arg9 : memref<2048xf32, #tpu.memory_space<vmem>>)
      tpu.yield
    }) : () -> ()
    %add3A_144 = arith.constant 0 : i32
    %add3A_145 = arith.addi %mul3A_141, %add3A_144 : i32
    "tpu.region"() ({
      %run_scoped3A = tpu.sem_alloc : memref<!tpu.dma_semaphore, #tpu.memory_space<semaphore_mem>>
      %dma_start3A_158 = tpu.memref_slice %arg3[%arg0, %add3A_145] : memref<2x100352xf32, #tpu.memory_space<hbm>> -> memref<1x2048xf32, #tpu.memory_space<hbm>>
      %dma_start3A_159 = tpu.memref_squeeze %dma_start3A_158 : memref<1x2048xf32, #tpu.memory_space<hbm>> -> memref<2048xf32, #tpu.memory_space<hbm>>
      %dma_start3A_160 = tpu.memref_slice %arg3[%arg0, %add3A_145] : memref<2x100352xf32, #tpu.memory_space<hbm>> -> memref<1x2048xf32, #tpu.memory_space<hbm>>
      %dma_start3A_161 = tpu.memref_squeeze %dma_start3A_160 : memref<1x2048xf32, #tpu.memory_space<hbm>> -> memref<2048xf32, #tpu.memory_space<hbm>>
      tpu.enqueue_dma source(%arg9 : memref<2048xf32, #tpu.memory_space<vmem>>) target(%dma_start3A_161 : memref<2048xf32, #tpu.memory_space<hbm>>) target_semaphore(%run_scoped3A : memref<!tpu.dma_semaphore, #tpu.memory_space<semaphore_mem>>)
      %dma_wait3A = tpu.memref_slice %arg3[%arg0, %add3A_145] : memref<2x100352xf32, #tpu.memory_space<hbm>> -> memref<1x2048xf32, #tpu.memory_space<hbm>>
      %dma_wait3A_162 = tpu.memref_squeeze %dma_wait3A : memref<1x2048xf32, #tpu.memory_space<hbm>> -> memref<2048xf32, #tpu.memory_space<hbm>>
      %dma_wait3A_163 = tpu.memref_slice %arg3[%arg0, %add3A_145] : memref<2x100352xf32, #tpu.memory_space<hbm>> -> memref<1x2048xf32, #tpu.memory_space<hbm>>
      %dma_wait3A_164 = tpu.memref_squeeze %dma_wait3A_163 : memref<1x2048xf32, #tpu.memory_space<hbm>> -> memref<2048xf32, #tpu.memory_space<hbm>>
      tpu.wait_dma2 semaphore(%run_scoped3A : memref<!tpu.dma_semaphore, #tpu.memory_space<semaphore_mem>>) src(%arg9 : memref<2048xf32, #tpu.memory_space<vmem>>) dst(%dma_wait3A_164 : memref<2048xf32, #tpu.memory_space<hbm>>)
      tpu.yield
    }) : () -> ()
    %add3A_146 = arith.constant 2048 : i32
    %add3A_147 = arith.addi %mul3A_141, %add3A_146 : i32
    "tpu.region"() ({
      %run_scoped3A = tpu.sem_alloc : memref<!tpu.dma_semaphore, #tpu.memory_space<semaphore_mem>>
      %dma_start3A_158 = tpu.memref_slice %arg10[%add3A_147] : memref<100352xf32, #tpu.memory_space<vmem_shared>> -> memref<2048xf32, #tpu.memory_space<vmem_shared>>
      %dma_start3A_159 = tpu.memref_slice %arg10[%add3A_147] : memref<100352xf32, #tpu.memory_space<vmem_shared>> -> memref<2048xf32, #tpu.memory_space<vmem_shared>>
      tpu.enqueue_dma source(%dma_start3A_159 : memref<2048xf32, #tpu.memory_space<vmem_shared>>) target(%arg9 : memref<2048xf32, #tpu.memory_space<vmem>>) target_semaphore(%run_scoped3A : memref<!tpu.dma_semaphore, #tpu.memory_space<semaphore_mem>>)
      %dma_wait3A = tpu.memref_slice %arg10[%add3A_147] : memref<100352xf32, #tpu.memory_space<vmem_shared>> -> memref<2048xf32, #tpu.memory_space<vmem_shared>>
      %dma_wait3A_160 = tpu.memref_slice %arg10[%add3A_147] : memref<100352xf32, #tpu.memory_space<vmem_shared>> -> memref<2048xf32, #tpu.memory_space<vmem_shared>>
      tpu.wait_dma2 semaphore(%run_scoped3A : memref<!tpu.dma_semaphore, #tpu.memory_space<semaphore_mem>>) src(%dma_wait3A_160 : memref<2048xf32, #tpu.memory_space<vmem_shared>>) dst(%arg9 : memref<2048xf32, #tpu.memory_space<vmem>>)
      tpu.yield
    }) : () -> ()
    %add3A_148 = arith.constant 2048 : i32
    %add3A_149 = arith.addi %mul3A_141, %add3A_148 : i32
    "tpu.region"() ({
      %run_scoped3A = tpu.sem_alloc : memref<!tpu.dma_semaphore, #tpu.memory_space<semaphore_mem>>
      %dma_start3A_158 = tpu.memref_slice %arg3[%arg0, %add3A_149] : memref<2x100352xf32, #tpu.memory_space<hbm>> -> memref<1x2048xf32, #tpu.memory_space<hbm>>
      %dma_start3A_159 = tpu.memref_squeeze %dma_start3A_158 : memref<1x2048xf32, #tpu.memory_space<hbm>> -> memref<2048xf32, #tpu.memory_space<hbm>>
      %dma_start3A_160 = tpu.memref_slice %arg3[%arg0, %add3A_149] : memref<2x100352xf32, #tpu.memory_space<hbm>> -> memref<1x2048xf32, #tpu.memory_space<hbm>>
      %dma_start3A_161 = tpu.memref_squeeze %dma_start3A_160 : memref<1x2048xf32, #tpu.memory_space<hbm>> -> memref<2048xf32, #tpu.memory_space<hbm>>
      tpu.enqueue_dma source(%arg9 : memref<2048xf32, #tpu.memory_space<vmem>>) target(%dma_start3A_161 : memref<2048xf32, #tpu.memory_space<hbm>>) target_semaphore(%run_scoped3A : memref<!tpu.dma_semaphore, #tpu.memory_space<semaphore_mem>>)
      %dma_wait3A = tpu.memref_slice %arg3[%arg0, %add3A_149] : memref<2x100352xf32, #tpu.memory_space<hbm>> -> memref<1x2048xf32, #tpu.memory_space<hbm>>
      %dma_wait3A_162 = tpu.memref_squeeze %dma_wait3A : memref<1x2048xf32, #tpu.memory_space<hbm>> -> memref<2048xf32, #tpu.memory_space<hbm>>
      %dma_wait3A_163 = tpu.memref_slice %arg3[%arg0, %add3A_149] : memref<2x100352xf32, #tpu.memory_space<hbm>> -> memref<1x2048xf32, #tpu.memory_space<hbm>>
      %dma_wait3A_164 = tpu.memref_squeeze %dma_wait3A_163 : memref<1x2048xf32, #tpu.memory_space<hbm>> -> memref<2048xf32, #tpu.memory_space<hbm>>
      tpu.wait_dma2 semaphore(%run_scoped3A : memref<!tpu.dma_semaphore, #tpu.memory_space<semaphore_mem>>) src(%arg9 : memref<2048xf32, #tpu.memory_space<vmem>>) dst(%dma_wait3A_164 : memref<2048xf32, #tpu.memory_space<hbm>>)
      tpu.yield
    }) : () -> ()
    %add3A_150 = arith.constant 4096 : i32
    %add3A_151 = arith.addi %mul3A_141, %add3A_150 : i32
    "tpu.region"() ({
      %run_scoped3A = tpu.sem_alloc : memref<!tpu.dma_semaphore, #tpu.memory_space<semaphore_mem>>
      %dma_start3A_158 = tpu.memref_slice %arg10[%add3A_151] : memref<100352xf32, #tpu.memory_space<vmem_shared>> -> memref<2048xf32, #tpu.memory_space<vmem_shared>>
      %dma_start3A_159 = tpu.memref_slice %arg10[%add3A_151] : memref<100352xf32, #tpu.memory_space<vmem_shared>> -> memref<2048xf32, #tpu.memory_space<vmem_shared>>
      tpu.enqueue_dma source(%dma_start3A_159 : memref<2048xf32, #tpu.memory_space<vmem_shared>>) target(%arg9 : memref<2048xf32, #tpu.memory_space<vmem>>) target_semaphore(%run_scoped3A : memref<!tpu.dma_semaphore, #tpu.memory_space<semaphore_mem>>)
      %dma_wait3A = tpu.memref_slice %arg10[%add3A_151] : memref<100352xf32, #tpu.memory_space<vmem_shared>> -> memref<2048xf32, #tpu.memory_space<vmem_shared>>
      %dma_wait3A_160 = tpu.memref_slice %arg10[%add3A_151] : memref<100352xf32, #tpu.memory_space<vmem_shared>> -> memref<2048xf32, #tpu.memory_space<vmem_shared>>
      tpu.wait_dma2 semaphore(%run_scoped3A : memref<!tpu.dma_semaphore, #tpu.memory_space<semaphore_mem>>) src(%dma_wait3A_160 : memref<2048xf32, #tpu.memory_space<vmem_shared>>) dst(%arg9 : memref<2048xf32, #tpu.memory_space<vmem>>)
      tpu.yield
    }) : () -> ()
    %add3A_152 = arith.constant 4096 : i32
    %add3A_153 = arith.addi %mul3A_141, %add3A_152 : i32
    "tpu.region"() ({
      %run_scoped3A = tpu.sem_alloc : memref<!tpu.dma_semaphore, #tpu.memory_space<semaphore_mem>>
      %dma_start3A_158 = tpu.memref_slice %arg3[%arg0, %add3A_153] : memref<2x100352xf32, #tpu.memory_space<hbm>> -> memref<1x2048xf32, #tpu.memory_space<hbm>>
      %dma_start3A_159 = tpu.memref_squeeze %dma_start3A_158 : memref<1x2048xf32, #tpu.memory_space<hbm>> -> memref<2048xf32, #tpu.memory_space<hbm>>
      %dma_start3A_160 = tpu.memref_slice %arg3[%arg0, %add3A_153] : memref<2x100352xf32, #tpu.memory_space<hbm>> -> memref<1x2048xf32, #tpu.memory_space<hbm>>
      %dma_start3A_161 = tpu.memref_squeeze %dma_start3A_160 : memref<1x2048xf32, #tpu.memory_space<hbm>> -> memref<2048xf32, #tpu.memory_space<hbm>>
      tpu.enqueue_dma source(%arg9 : memref<2048xf32, #tpu.memory_space<vmem>>) target(%dma_start3A_161 : memref<2048xf32, #tpu.memory_space<hbm>>) target_semaphore(%run_scoped3A : memref<!tpu.dma_semaphore, #tpu.memory_space<semaphore_mem>>)
      %dma_wait3A = tpu.memref_slice %arg3[%arg0, %add3A_153] : memref<2x100352xf32, #tpu.memory_space<hbm>> -> memref<1x2048xf32, #tpu.memory_space<hbm>>
      %dma_wait3A_162 = tpu.memref_squeeze %dma_wait3A : memref<1x2048xf32, #tpu.memory_space<hbm>> -> memref<2048xf32, #tpu.memory_space<hbm>>
      %dma_wait3A_163 = tpu.memref_slice %arg3[%arg0, %add3A_153] : memref<2x100352xf32, #tpu.memory_space<hbm>> -> memref<1x2048xf32, #tpu.memory_space<hbm>>
      %dma_wait3A_164 = tpu.memref_squeeze %dma_wait3A_163 : memref<1x2048xf32, #tpu.memory_space<hbm>> -> memref<2048xf32, #tpu.memory_space<hbm>>
      tpu.wait_dma2 semaphore(%run_scoped3A : memref<!tpu.dma_semaphore, #tpu.memory_space<semaphore_mem>>) src(%arg9 : memref<2048xf32, #tpu.memory_space<vmem>>) dst(%dma_wait3A_164 : memref<2048xf32, #tpu.memory_space<hbm>>)
      tpu.yield
    }) : () -> ()
    %add3A_154 = arith.constant 6144 : i32
    %add3A_155 = arith.addi %mul3A_141, %add3A_154 : i32
    "tpu.region"() ({
      %run_scoped3A = tpu.sem_alloc : memref<!tpu.dma_semaphore, #tpu.memory_space<semaphore_mem>>
      %dma_start3A_158 = arith.constant 0 : i32
      %dma_start3A_159 = tpu.memref_slice %arg9[%dma_start3A_158] : memref<2048xf32, #tpu.memory_space<vmem>> -> memref<128xf32, #tpu.memory_space<vmem>>
      %dma_start3A_160 = tpu.memref_slice %arg10[%add3A_155] : memref<100352xf32, #tpu.memory_space<vmem_shared>> -> memref<128xf32, #tpu.memory_space<vmem_shared>>
      %dma_start3A_161 = arith.constant 0 : i32
      %dma_start3A_162 = tpu.memref_slice %arg9[%dma_start3A_161] : memref<2048xf32, #tpu.memory_space<vmem>> -> memref<128xf32, #tpu.memory_space<vmem>>
      %dma_start3A_163 = tpu.memref_slice %arg10[%add3A_155] : memref<100352xf32, #tpu.memory_space<vmem_shared>> -> memref<128xf32, #tpu.memory_space<vmem_shared>>
      tpu.enqueue_dma source(%dma_start3A_163 : memref<128xf32, #tpu.memory_space<vmem_shared>>) target(%dma_start3A_162 : memref<128xf32, #tpu.memory_space<vmem>>) target_semaphore(%run_scoped3A : memref<!tpu.dma_semaphore, #tpu.memory_space<semaphore_mem>>)
      %dma_wait3A = arith.constant 0 : i32
      %dma_wait3A_164 = tpu.memref_slice %arg9[%dma_wait3A] : memref<2048xf32, #tpu.memory_space<vmem>> -> memref<128xf32, #tpu.memory_space<vmem>>
      %dma_wait3A_165 = tpu.memref_slice %arg10[%add3A_155] : memref<100352xf32, #tpu.memory_space<vmem_shared>> -> memref<128xf32, #tpu.memory_space<vmem_shared>>
      %dma_wait3A_166 = arith.constant 0 : i32
      %dma_wait3A_167 = tpu.memref_slice %arg9[%dma_wait3A_166] : memref<2048xf32, #tpu.memory_space<vmem>> -> memref<128xf32, #tpu.memory_space<vmem>>
      %dma_wait3A_168 = tpu.memref_slice %arg10[%add3A_155] : memref<100352xf32, #tpu.memory_space<vmem_shared>> -> memref<128xf32, #tpu.memory_space<vmem_shared>>
      tpu.wait_dma2 semaphore(%run_scoped3A : memref<!tpu.dma_semaphore, #tpu.memory_space<semaphore_mem>>) src(%dma_wait3A_168 : memref<128xf32, #tpu.memory_space<vmem_shared>>) dst(%dma_wait3A_167 : memref<128xf32, #tpu.memory_space<vmem>>)
      tpu.yield
    }) : () -> ()
    %add3A_156 = arith.constant 6144 : i32
    %add3A_157 = arith.addi %mul3A_141, %add3A_156 : i32
    "tpu.region"() ({
      %run_scoped3A = tpu.sem_alloc : memref<!tpu.dma_semaphore, #tpu.memory_space<semaphore_mem>>
      %dma_start3A_158 = arith.constant 0 : i32
      %dma_start3A_159 = tpu.memref_slice %arg9[%dma_start3A_158] : memref<2048xf32, #tpu.memory_space<vmem>> -> memref<128xf32, #tpu.memory_space<vmem>>
      %dma_start3A_160 = tpu.memref_slice %arg3[%arg0, %add3A_157] : memref<2x100352xf32, #tpu.memory_space<hbm>> -> memref<1x128xf32, #tpu.memory_space<hbm>>
      %dma_start3A_161 = tpu.memref_squeeze %dma_start3A_160 : memref<1x128xf32, #tpu.memory_space<hbm>> -> memref<128xf32, #tpu.memory_space<hbm>>
      %dma_start3A_162 = tpu.memref_slice %arg3[%arg0, %add3A_157] : memref<2x100352xf32, #tpu.memory_space<hbm>> -> memref<1x128xf32, #tpu.memory_space<hbm>>
      %dma_start3A_163 = tpu.memref_squeeze %dma_start3A_162 : memref<1x128xf32, #tpu.memory_space<hbm>> -> memref<128xf32, #tpu.memory_space<hbm>>
      %dma_start3A_164 = arith.constant 0 : i32
      %dma_start3A_165 = tpu.memref_slice %arg9[%dma_start3A_164] : memref<2048xf32, #tpu.memory_space<vmem>> -> memref<128xf32, #tpu.memory_space<vmem>>
      tpu.enqueue_dma source(%dma_start3A_165 : memref<128xf32, #tpu.memory_space<vmem>>) target(%dma_start3A_163 : memref<128xf32, #tpu.memory_space<hbm>>) target_semaphore(%run_scoped3A : memref<!tpu.dma_semaphore, #tpu.memory_space<semaphore_mem>>)
      %dma_wait3A = arith.constant 0 : i32
      %dma_wait3A_166 = tpu.memref_slice %arg9[%dma_wait3A] : memref<2048xf32, #tpu.memory_space<vmem>> -> memref<128xf32, #tpu.memory_space<vmem>>
      %dma_wait3A_167 = tpu.memref_slice %arg3[%arg0, %add3A_157] : memref<2x100352xf32, #tpu.memory_space<hbm>> -> memref<1x128xf32, #tpu.memory_space<hbm>>
      %dma_wait3A_168 = tpu.memref_squeeze %dma_wait3A_167 : memref<1x128xf32, #tpu.memory_space<hbm>> -> memref<128xf32, #tpu.memory_space<hbm>>
      %dma_wait3A_169 = tpu.memref_slice %arg3[%arg0, %add3A_157] : memref<2x100352xf32, #tpu.memory_space<hbm>> -> memref<1x128xf32, #tpu.memory_space<hbm>>
      %dma_wait3A_170 = tpu.memref_squeeze %dma_wait3A_169 : memref<1x128xf32, #tpu.memory_space<hbm>> -> memref<128xf32, #tpu.memory_space<hbm>>
      %dma_wait3A_171 = arith.constant 0 : i32
      %dma_wait3A_172 = tpu.memref_slice %arg9[%dma_wait3A_171] : memref<2048xf32, #tpu.memory_space<vmem>> -> memref<128xf32, #tpu.memory_space<vmem>>
      tpu.wait_dma2 semaphore(%run_scoped3A : memref<!tpu.dma_semaphore, #tpu.memory_space<semaphore_mem>>) src(%dma_wait3A_172 : memref<128xf32, #tpu.memory_space<vmem>>) dst(%dma_wait3A_170 : memref<128xf32, #tpu.memory_space<hbm>>)
      tpu.yield
    }) : () -> ()
    return
  }
}

#map = affine_map<(d0, d1) -> (0, 0)>
#map1 = affine_map<(d0, d1) -> (0)>
module attributes {stable_mosaic.version = 14 : i64} {
  func.func @_agg_kernel(%arg0: i32, %arg1: i32, %arg2: memref<2x6400000xi32, #tpu.memory_space<hbm>>, %arg3: memref<100352xf32, #tpu.memory_space<hbm>>, %arg4: memref<2x100352xf32, #tpu.memory_space<hbm>>, %arg5: memref<2048xi32, #tpu.memory_space<vmem>>, %arg6: memref<2048xi32, #tpu.memory_space<vmem>>, %arg7: memref<2048xi32, #tpu.memory_space<vmem>>, %arg8: memref<2048xi32, #tpu.memory_space<vmem>>, %arg9: memref<2048xi32, #tpu.memory_space<vmem>>, %arg10: memref<2048xi32, #tpu.memory_space<vmem>>, %arg11: memref<2048xi32, #tpu.memory_space<vmem>>, %arg12: memref<2048xi32, #tpu.memory_space<vmem>>, %arg13: memref<2048xf32, #tpu.memory_space<vmem>>, %arg14: memref<2048xf32, #tpu.memory_space<vmem>>, %arg15: memref<2048xf32, #tpu.memory_space<vmem>>, %arg16: memref<2048xf32, #tpu.memory_space<vmem>>, %arg17: memref<100000xf32, #tpu.memory_space<vmem>>, %arg18: memref<100352xf32, #tpu.memory_space<vmem_shared>>, %arg19: memref<!tpu.dma_semaphore, #tpu.memory_space<semaphore_mem>>, %arg20: memref<!tpu.dma_semaphore, #tpu.memory_space<semaphore_mem>>, %arg21: memref<!tpu.dma_semaphore, #tpu.memory_space<semaphore_mem>>, %arg22: memref<!tpu.dma_semaphore, #tpu.memory_space<semaphore_mem>>, %arg23: memref<!tpu.dma_semaphore, #tpu.memory_space<semaphore_mem>>, %arg24: memref<!tpu.dma_semaphore, #tpu.memory_space<semaphore_mem>>, %arg25: memref<!tpu.dma_semaphore, #tpu.memory_space<semaphore_mem>>, %arg26: memref<!tpu.dma_semaphore, #tpu.memory_space<semaphore_mem>>) attributes {dimension_semantics = [#tpu.dimension_semantics<core_parallel>, #tpu.dimension_semantics<subcore_parallel>], iteration_bounds = array<i64: 2, 16>, scalar_prefetch = 0 : i64, scratch_operands = 22 : i64, tpu.core_type = #tpu.core_type<sc_vector_subcore>, window_params = [{transform_indices = #map}, {transform_indices = #map1}, {transform_indices = #map}]} {
    %mul3A = arith.constant 16 : i32
    %mul3A_0 = arith.muli %arg0, %mul3A : i32
    %add3A = arith.addi %mul3A_0, %arg1 : i32
    %mul3A_1 = arith.constant 200704 : i32
    %mul3A_2 = arith.muli %add3A, %mul3A_1 : i32
    %eq3A = arith.constant 31 : i32
    %eq3A_3 = arith.cmpi eq, %add3A, %eq3A : i32
    %jit3A = arith.constant 87 : i32
    %jit3A_4 = arith.constant 98 : i32
    %select_n3A = arith.select %eq3A_3, %jit3A, %jit3A_4 : i32
    %add3A_5 = arith.constant 0 : i32
    %add3A_6 = arith.addi %mul3A_2, %add3A_5 : i32
    %dma_start3A = arith.constant 0 : i32
    %dma_start3A_7 = tpu.memref_slice %arg2[%dma_start3A, %add3A_6] : memref<2x6400000xi32, #tpu.memory_space<hbm>> -> memref<1x2048xi32, #tpu.memory_space<hbm>>
    %dma_start3A_8 = tpu.memref_squeeze %dma_start3A_7 : memref<1x2048xi32, #tpu.memory_space<hbm>> -> memref<2048xi32, #tpu.memory_space<hbm>>
    %dma_start3A_9 = tpu.memref_slice %arg2[%dma_start3A, %add3A_6] : memref<2x6400000xi32, #tpu.memory_space<hbm>> -> memref<1x2048xi32, #tpu.memory_space<hbm>>
    %dma_start3A_10 = tpu.memref_squeeze %dma_start3A_9 : memref<1x2048xi32, #tpu.memory_space<hbm>> -> memref<2048xi32, #tpu.memory_space<hbm>>
    tpu.enqueue_dma source(%dma_start3A_10 : memref<2048xi32, #tpu.memory_space<hbm>>) target(%arg5 : memref<2048xi32, #tpu.memory_space<vmem>>) target_semaphore(%arg19 : memref<!tpu.dma_semaphore, #tpu.memory_space<semaphore_mem>>)
    %dma_start3A_11 = arith.constant 1 : i32
    %dma_start3A_12 = tpu.memref_slice %arg2[%dma_start3A_11, %add3A_6] : memref<2x6400000xi32, #tpu.memory_space<hbm>> -> memref<1x2048xi32, #tpu.memory_space<hbm>>
    %dma_start3A_13 = tpu.memref_squeeze %dma_start3A_12 : memref<1x2048xi32, #tpu.memory_space<hbm>> -> memref<2048xi32, #tpu.memory_space<hbm>>
    %dma_start3A_14 = tpu.memref_slice %arg2[%dma_start3A_11, %add3A_6] : memref<2x6400000xi32, #tpu.memory_space<hbm>> -> memref<1x2048xi32, #tpu.memory_space<hbm>>
    %dma_start3A_15 = tpu.memref_squeeze %dma_start3A_14 : memref<1x2048xi32, #tpu.memory_space<hbm>> -> memref<2048xi32, #tpu.memory_space<hbm>>
    tpu.enqueue_dma source(%dma_start3A_15 : memref<2048xi32, #tpu.memory_space<hbm>>) target(%arg9 : memref<2048xi32, #tpu.memory_space<vmem>>) target_semaphore(%arg19 : memref<!tpu.dma_semaphore, #tpu.memory_space<semaphore_mem>>)
    %add3A_16 = arith.constant 2048 : i32
    %add3A_17 = arith.addi %mul3A_2, %add3A_16 : i32
    %dma_start3A_18 = arith.constant 0 : i32
    %dma_start3A_19 = tpu.memref_slice %arg2[%dma_start3A_18, %add3A_17] : memref<2x6400000xi32, #tpu.memory_space<hbm>> -> memref<1x2048xi32, #tpu.memory_space<hbm>>
    %dma_start3A_20 = tpu.memref_squeeze %dma_start3A_19 : memref<1x2048xi32, #tpu.memory_space<hbm>> -> memref<2048xi32, #tpu.memory_space<hbm>>
    %dma_start3A_21 = tpu.memref_slice %arg2[%dma_start3A_18, %add3A_17] : memref<2x6400000xi32, #tpu.memory_space<hbm>> -> memref<1x2048xi32, #tpu.memory_space<hbm>>
    %dma_start3A_22 = tpu.memref_squeeze %dma_start3A_21 : memref<1x2048xi32, #tpu.memory_space<hbm>> -> memref<2048xi32, #tpu.memory_space<hbm>>
    tpu.enqueue_dma source(%dma_start3A_22 : memref<2048xi32, #tpu.memory_space<hbm>>) target(%arg6 : memref<2048xi32, #tpu.memory_space<vmem>>) target_semaphore(%arg20 : memref<!tpu.dma_semaphore, #tpu.memory_space<semaphore_mem>>)
    %dma_start3A_23 = arith.constant 1 : i32
    %dma_start3A_24 = tpu.memref_slice %arg2[%dma_start3A_23, %add3A_17] : memref<2x6400000xi32, #tpu.memory_space<hbm>> -> memref<1x2048xi32, #tpu.memory_space<hbm>>
    %dma_start3A_25 = tpu.memref_squeeze %dma_start3A_24 : memref<1x2048xi32, #tpu.memory_space<hbm>> -> memref<2048xi32, #tpu.memory_space<hbm>>
    %dma_start3A_26 = tpu.memref_slice %arg2[%dma_start3A_23, %add3A_17] : memref<2x6400000xi32, #tpu.memory_space<hbm>> -> memref<1x2048xi32, #tpu.memory_space<hbm>>
    %dma_start3A_27 = tpu.memref_squeeze %dma_start3A_26 : memref<1x2048xi32, #tpu.memory_space<hbm>> -> memref<2048xi32, #tpu.memory_space<hbm>>
    tpu.enqueue_dma source(%dma_start3A_27 : memref<2048xi32, #tpu.memory_space<hbm>>) target(%arg10 : memref<2048xi32, #tpu.memory_space<vmem>>) target_semaphore(%arg20 : memref<!tpu.dma_semaphore, #tpu.memory_space<semaphore_mem>>)
    %dma_start3A_28 = arith.constant 0 : i32
    %dma_start3A_29 = tpu.memref_slice %arg3[%dma_start3A_28] : memref<100352xf32, #tpu.memory_space<hbm>> -> memref<100000xf32, #tpu.memory_space<hbm>>
    %dma_start3A_30 = arith.constant 0 : i32
    %dma_start3A_31 = tpu.memref_slice %arg3[%dma_start3A_30] : memref<100352xf32, #tpu.memory_space<hbm>> -> memref<100000xf32, #tpu.memory_space<hbm>>
    tpu.enqueue_dma source(%dma_start3A_31 : memref<100000xf32, #tpu.memory_space<hbm>>) target(%arg17 : memref<100000xf32, #tpu.memory_space<vmem>>) target_semaphore(%arg26 : memref<!tpu.dma_semaphore, #tpu.memory_space<semaphore_mem>>)
    %scan3A = arith.constant 0 : i32
    %scan3A_32 = arith.constant 0 : i32
    %scan3A_33 = arith.constant 128 : i32
    %scan3A_34 = arith.addi %scan3A_32, %scan3A_33 : i32
    %scan3A_35 = arith.constant 1 : i32
    %scan3A_36 = scf.for %scan3A_168 = %scan3A_32 to %scan3A_34 step %scan3A_35 iter_args(%scan3A_169 = %scan3A) -> (i32)  : i32 {
      %broadcast_in_dim3A = arith.constant 0.000000e+00 : f32
      %broadcast_in_dim3A_170 = vector.broadcast %broadcast_in_dim3A : f32 to vector<16xf32>
      %mul3A_171 = arith.constant 16 : i32
      %mul3A_172 = arith.muli %scan3A_168, %mul3A_171 : i32
      %swap3A = arith.index_cast %mul3A_172 : i32 to index
      %swap3A_173 = tpu.vector_load %arg13[%swap3A] {strides = array<i32>} : memref<2048xf32, #tpu.memory_space<vmem>>, vector<16xf32>,
      tpu.vector_store %arg13[%swap3A], %broadcast_in_dim3A_170 {strides = array<i32>} : memref<2048xf32, #tpu.memory_space<vmem>>, vector<16xf32>,
      %scan3A_174 = arith.constant 0 : i32
      scf.yield %scan3A_174 : i32
    }
    %scan3A_37 = arith.constant 128 : i32
    %mul3A_38 = arith.constant 6272 : i32
    %mul3A_39 = arith.muli %arg1, %mul3A_38 : i32
    %add3A_40 = arith.constant 0 : i32
    %add3A_41 = arith.addi %mul3A_39, %add3A_40 : i32
    "tpu.region"() ({
      %run_scoped3A = tpu.sem_alloc : memref<!tpu.dma_semaphore, #tpu.memory_space<semaphore_mem>>
      %dma_start3A_168 = tpu.memref_slice %arg18[%add3A_41] : memref<100352xf32, #tpu.memory_space<vmem_shared>> -> memref<2048xf32, #tpu.memory_space<vmem_shared>>
      %dma_start3A_169 = tpu.memref_slice %arg18[%add3A_41] : memref<100352xf32, #tpu.memory_space<vmem_shared>> -> memref<2048xf32, #tpu.memory_space<vmem_shared>>
      tpu.enqueue_dma source(%arg13 : memref<2048xf32, #tpu.memory_space<vmem>>) target(%dma_start3A_169 : memref<2048xf32, #tpu.memory_space<vmem_shared>>) target_semaphore(%run_scoped3A : memref<!tpu.dma_semaphore, #tpu.memory_space<semaphore_mem>>)
      %dma_wait3A_170 = tpu.memref_slice %arg18[%add3A_41] : memref<100352xf32, #tpu.memory_space<vmem_shared>> -> memref<2048xf32, #tpu.memory_space<vmem_shared>>
      %dma_wait3A_171 = tpu.memref_slice %arg18[%add3A_41] : memref<100352xf32, #tpu.memory_space<vmem_shared>> -> memref<2048xf32, #tpu.memory_space<vmem_shared>>
      tpu.wait_dma2 semaphore(%run_scoped3A : memref<!tpu.dma_semaphore, #tpu.memory_space<semaphore_mem>>) src(%arg13 : memref<2048xf32, #tpu.memory_space<vmem>>) dst(%dma_wait3A_171 : memref<2048xf32, #tpu.memory_space<vmem_shared>>)
      tpu.yield
    }) : () -> ()
    %add3A_42 = arith.constant 2048 : i32
    %add3A_43 = arith.addi %mul3A_39, %add3A_42 : i32
    "tpu.region"() ({
      %run_scoped3A = tpu.sem_alloc : memref<!tpu.dma_semaphore, #tpu.memory_space<semaphore_mem>>
      %dma_start3A_168 = tpu.memref_slice %arg18[%add3A_43] : memref<100352xf32, #tpu.memory_space<vmem_shared>> -> memref<2048xf32, #tpu.memory_space<vmem_shared>>
      %dma_start3A_169 = tpu.memref_slice %arg18[%add3A_43] : memref<100352xf32, #tpu.memory_space<vmem_shared>> -> memref<2048xf32, #tpu.memory_space<vmem_shared>>
      tpu.enqueue_dma source(%arg13 : memref<2048xf32, #tpu.memory_space<vmem>>) target(%dma_start3A_169 : memref<2048xf32, #tpu.memory_space<vmem_shared>>) target_semaphore(%run_scoped3A : memref<!tpu.dma_semaphore, #tpu.memory_space<semaphore_mem>>)
      %dma_wait3A_170 = tpu.memref_slice %arg18[%add3A_43] : memref<100352xf32, #tpu.memory_space<vmem_shared>> -> memref<2048xf32, #tpu.memory_space<vmem_shared>>
      %dma_wait3A_171 = tpu.memref_slice %arg18[%add3A_43] : memref<100352xf32, #tpu.memory_space<vmem_shared>> -> memref<2048xf32, #tpu.memory_space<vmem_shared>>
      tpu.wait_dma2 semaphore(%run_scoped3A : memref<!tpu.dma_semaphore, #tpu.memory_space<semaphore_mem>>) src(%arg13 : memref<2048xf32, #tpu.memory_space<vmem>>) dst(%dma_wait3A_171 : memref<2048xf32, #tpu.memory_space<vmem_shared>>)
      tpu.yield
    }) : () -> ()
    %add3A_44 = arith.constant 4096 : i32
    %add3A_45 = arith.addi %mul3A_39, %add3A_44 : i32
    "tpu.region"() ({
      %run_scoped3A = tpu.sem_alloc : memref<!tpu.dma_semaphore, #tpu.memory_space<semaphore_mem>>
      %dma_start3A_168 = tpu.memref_slice %arg18[%add3A_45] : memref<100352xf32, #tpu.memory_space<vmem_shared>> -> memref<2048xf32, #tpu.memory_space<vmem_shared>>
      %dma_start3A_169 = tpu.memref_slice %arg18[%add3A_45] : memref<100352xf32, #tpu.memory_space<vmem_shared>> -> memref<2048xf32, #tpu.memory_space<vmem_shared>>
      tpu.enqueue_dma source(%arg13 : memref<2048xf32, #tpu.memory_space<vmem>>) target(%dma_start3A_169 : memref<2048xf32, #tpu.memory_space<vmem_shared>>) target_semaphore(%run_scoped3A : memref<!tpu.dma_semaphore, #tpu.memory_space<semaphore_mem>>)
      %dma_wait3A_170 = tpu.memref_slice %arg18[%add3A_45] : memref<100352xf32, #tpu.memory_space<vmem_shared>> -> memref<2048xf32, #tpu.memory_space<vmem_shared>>
      %dma_wait3A_171 = tpu.memref_slice %arg18[%add3A_45] : memref<100352xf32, #tpu.memory_space<vmem_shared>> -> memref<2048xf32, #tpu.memory_space<vmem_shared>>
      tpu.wait_dma2 semaphore(%run_scoped3A : memref<!tpu.dma_semaphore, #tpu.memory_space<semaphore_mem>>) src(%arg13 : memref<2048xf32, #tpu.memory_space<vmem>>) dst(%dma_wait3A_171 : memref<2048xf32, #tpu.memory_space<vmem_shared>>)
      tpu.yield
    }) : () -> ()
    %add3A_46 = arith.constant 6144 : i32
    %add3A_47 = arith.addi %mul3A_39, %add3A_46 : i32
    "tpu.region"() ({
      %run_scoped3A = tpu.sem_alloc : memref<!tpu.dma_semaphore, #tpu.memory_space<semaphore_mem>>
      %dma_start3A_168 = arith.constant 0 : i32
      %dma_start3A_169 = tpu.memref_slice %arg13[%dma_start3A_168] : memref<2048xf32, #tpu.memory_space<vmem>> -> memref<128xf32, #tpu.memory_space<vmem>>
      %dma_start3A_170 = tpu.memref_slice %arg18[%add3A_47] : memref<100352xf32, #tpu.memory_space<vmem_shared>> -> memref<128xf32, #tpu.memory_space<vmem_shared>>
      %dma_start3A_171 = tpu.memref_slice %arg18[%add3A_47] : memref<100352xf32, #tpu.memory_space<vmem_shared>> -> memref<128xf32, #tpu.memory_space<vmem_shared>>
      %dma_start3A_172 = arith.constant 0 : i32
      %dma_start3A_173 = tpu.memref_slice %arg13[%dma_start3A_172] : memref<2048xf32, #tpu.memory_space<vmem>> -> memref<128xf32, #tpu.memory_space<vmem>>
      tpu.enqueue_dma source(%dma_start3A_173 : memref<128xf32, #tpu.memory_space<vmem>>) target(%dma_start3A_171 : memref<128xf32, #tpu.memory_space<vmem_shared>>) target_semaphore(%run_scoped3A : memref<!tpu.dma_semaphore, #tpu.memory_space<semaphore_mem>>)
      %dma_wait3A_174 = arith.constant 0 : i32
      %dma_wait3A_175 = tpu.memref_slice %arg13[%dma_wait3A_174] : memref<2048xf32, #tpu.memory_space<vmem>> -> memref<128xf32, #tpu.memory_space<vmem>>
      %dma_wait3A_176 = tpu.memref_slice %arg18[%add3A_47] : memref<100352xf32, #tpu.memory_space<vmem_shared>> -> memref<128xf32, #tpu.memory_space<vmem_shared>>
      %dma_wait3A_177 = tpu.memref_slice %arg18[%add3A_47] : memref<100352xf32, #tpu.memory_space<vmem_shared>> -> memref<128xf32, #tpu.memory_space<vmem_shared>>
      %dma_wait3A_178 = arith.constant 0 : i32
      %dma_wait3A_179 = tpu.memref_slice %arg13[%dma_wait3A_178] : memref<2048xf32, #tpu.memory_space<vmem>> -> memref<128xf32, #tpu.memory_space<vmem>>
      tpu.wait_dma2 semaphore(%run_scoped3A : memref<!tpu.dma_semaphore, #tpu.memory_space<semaphore_mem>>) src(%dma_wait3A_179 : memref<128xf32, #tpu.memory_space<vmem>>) dst(%dma_wait3A_177 : memref<128xf32, #tpu.memory_space<vmem_shared>>)
      tpu.yield
    }) : () -> ()
    %barrier3A = arith.constant 0 : index
    tpu.barrier barrier_id(%barrier3A)
    %dma_wait3A = arith.constant 0 : i32
    %dma_wait3A_48 = tpu.memref_slice %arg3[%dma_wait3A] : memref<100352xf32, #tpu.memory_space<hbm>> -> memref<100000xf32, #tpu.memory_space<hbm>>
    %dma_wait3A_49 = arith.constant 0 : i32
    %dma_wait3A_50 = tpu.memref_slice %arg3[%dma_wait3A_49] : memref<100352xf32, #tpu.memory_space<hbm>> -> memref<100000xf32, #tpu.memory_space<hbm>>
    tpu.wait_dma2 semaphore(%arg26 : memref<!tpu.dma_semaphore, #tpu.memory_space<semaphore_mem>>) src(%dma_wait3A_50 : memref<100000xf32, #tpu.memory_space<hbm>>) dst(%arg17 : memref<100000xf32, #tpu.memory_space<vmem>>)
    %jit3A_51 = arith.constant 4 : i32
    %div3A = arith.divsi %select_n3A, %jit3A_51 : i32
    %sign3A = arith.constant 0 : i32
    %sign3A_52 = arith.cmpi sgt, %select_n3A, %sign3A : i32
    %sign3A_53 = arith.extui %sign3A_52 : i1 to i32
    %sign3A_54 = arith.constant 0 : i32
    %sign3A_55 = arith.cmpi slt, %select_n3A, %sign3A_54 : i32
    %sign3A_56 = arith.extui %sign3A_55 : i1 to i32
    %sign3A_57 = arith.subi %sign3A_53, %sign3A_56 : i32
    %sign3A_58 = arith.constant 0 : i32
    %sign3A_59 = arith.cmpi sgt, %jit3A_51, %sign3A_58 : i32
    %sign3A_60 = arith.extui %sign3A_59 : i1 to i32
    %sign3A_61 = arith.constant 0 : i32
    %sign3A_62 = arith.cmpi slt, %jit3A_51, %sign3A_61 : i32
    %sign3A_63 = arith.extui %sign3A_62 : i1 to i32
    %sign3A_64 = arith.subi %sign3A_60, %sign3A_63 : i32
    %ne3A = arith.cmpi ne, %sign3A_57, %sign3A_64 : i32
    %rem3A = arith.remsi %select_n3A, %jit3A_51 : i32
    %ne3A_65 = arith.constant 0 : i32
    %ne3A_66 = arith.cmpi ne, %rem3A, %ne3A_65 : i32
    %and3A = arith.andi %ne3A, %ne3A_66 : i1
    %sub3A = arith.constant 1 : i32
    %sub3A_67 = arith.subi %div3A, %sub3A : i32
    %select_n3A_68 = arith.select %and3A, %sub3A_67, %div3A : i32
    %while3A = arith.constant 0 : i32
    %while3A_69 = arith.constant 0 : i32
    %while3A_70 = arith.subi %select_n3A_68, %while3A : i32
    %while3A_71 = arith.addi %while3A, %while3A_70 : i32
    %while3A_72 = arith.constant 1 : i32
    %while3A_73 = arith.divsi %while3A_70, %while3A_72 : i32
    %while3A_74 = arith.muli %while3A_73, %while3A_72 : i32
    %while3A_75 = arith.addi %while3A, %while3A_74 : i32
    %while3A_76 = arith.constant 1 : i32
    %while3A_77 = scf.for %while3A_168 = %while3A to %while3A_75 step %while3A_76 iter_args(%while3A_169 = %while3A_69) -> (i32)  : i32 {
      %mul3A_170 = arith.constant 4 : i32
      %mul3A_171 = arith.muli %while3A_168, %mul3A_170 : i32
      %add3A_172 = arith.constant 0 : i32
      %add3A_173 = arith.addi %mul3A_171, %add3A_172 : i32
      %dma_wait3A_174 = arith.constant 0 : i32
      %dma_wait3A_175 = arith.constant 0 : i32
      %dma_wait3A_176 = tpu.memref_slice %arg2[%dma_wait3A_174, %dma_wait3A_175] : memref<2x6400000xi32, #tpu.memory_space<hbm>> -> memref<1x2048xi32, #tpu.memory_space<hbm>>
      %dma_wait3A_177 = tpu.memref_squeeze %dma_wait3A_176 : memref<1x2048xi32, #tpu.memory_space<hbm>> -> memref<2048xi32, #tpu.memory_space<hbm>>
      %dma_wait3A_178 = arith.constant 0 : i32
      %dma_wait3A_179 = tpu.memref_slice %arg2[%dma_wait3A_174, %dma_wait3A_178] : memref<2x6400000xi32, #tpu.memory_space<hbm>> -> memref<1x2048xi32, #tpu.memory_space<hbm>>
      %dma_wait3A_180 = tpu.memref_squeeze %dma_wait3A_179 : memref<1x2048xi32, #tpu.memory_space<hbm>> -> memref<2048xi32, #tpu.memory_space<hbm>>
      tpu.wait_dma2 semaphore(%arg19 : memref<!tpu.dma_semaphore, #tpu.memory_space<semaphore_mem>>) src(%dma_wait3A_180 : memref<2048xi32, #tpu.memory_space<hbm>>) dst(%arg5 : memref<2048xi32, #tpu.memory_space<vmem>>)
      %dma_wait3A_181 = arith.constant 1 : i32
      %dma_wait3A_182 = arith.constant 0 : i32
      %dma_wait3A_183 = tpu.memref_slice %arg2[%dma_wait3A_181, %dma_wait3A_182] : memref<2x6400000xi32, #tpu.memory_space<hbm>> -> memref<1x2048xi32, #tpu.memory_space<hbm>>
      %dma_wait3A_184 = tpu.memref_squeeze %dma_wait3A_183 : memref<1x2048xi32, #tpu.memory_space<hbm>> -> memref<2048xi32, #tpu.memory_space<hbm>>
      %dma_wait3A_185 = arith.constant 0 : i32
      %dma_wait3A_186 = tpu.memref_slice %arg2[%dma_wait3A_181, %dma_wait3A_185] : memref<2x6400000xi32, #tpu.memory_space<hbm>> -> memref<1x2048xi32, #tpu.memory_space<hbm>>
      %dma_wait3A_187 = tpu.memref_squeeze %dma_wait3A_186 : memref<1x2048xi32, #tpu.memory_space<hbm>> -> memref<2048xi32, #tpu.memory_space<hbm>>
      tpu.wait_dma2 semaphore(%arg19 : memref<!tpu.dma_semaphore, #tpu.memory_space<semaphore_mem>>) src(%dma_wait3A_187 : memref<2048xi32, #tpu.memory_space<hbm>>) dst(%arg9 : memref<2048xi32, #tpu.memory_space<vmem>>)
      %parallel_loop3A = arith.constant 0 : i32
      %parallel_loop3A_188 = arith.constant 128 : i32
      %parallel_loop3A_189 = arith.constant 1 : i32
      scf.for %parallel_loop3A_305 = %parallel_loop3A to %parallel_loop3A_188 step %parallel_loop3A_189  : i32 {
        %parallel_loop3A_306 = arith.constant 16 : i32
        %parallel_loop3A_307 = arith.muli %parallel_loop3A_305, %parallel_loop3A_306 : i32
        %parallel_loop3A_308 = arith.index_cast %parallel_loop3A_307 : i32 to index
        %parallel_loop3A_309 = tpu.vector_load %arg5[%parallel_loop3A_308] {strides = array<i32>} : memref<2048xi32, #tpu.memory_space<vmem>>, vector<16xi32>,
        %parallel_loop3A_310 = tpu.vector_load_idx %arg17[%parallel_loop3A_309] : memref<100000xf32, #tpu.memory_space<vmem>>[vector<16xi32>], vector<16xf32>,
        %parallel_loop3A_311 = arith.index_cast %parallel_loop3A_307 : i32 to index
        %parallel_loop3A_312 = tpu.vector_load %arg13[%parallel_loop3A_311] {strides = array<i32>} : memref<2048xf32, #tpu.memory_space<vmem>>, vector<16xf32>,
        tpu.vector_store %arg13[%parallel_loop3A_311], %parallel_loop3A_310 {strides = array<i32>} : memref<2048xf32, #tpu.memory_space<vmem>>, vector<16xf32>,
      } {sc.loop_unroll_factor = 8 : i64, sc.parallel_access}
      %ge3A = arith.constant 2 : i32
      %ge3A_190 = arith.cmpi sge, %add3A_173, %ge3A : i32
      %convert_element_type3A_191 = arith.extui %ge3A_190 : i1 to i32
      %cond3A_192 = arith.constant 0 : i32
      %cond3A_193 = arith.cmpi ne, %convert_element_type3A_191, %cond3A_192 : i32
      scf.if %cond3A_193 {
        %dma_wait3A_305 = arith.constant 0 : i32
        %dma_wait3A_306 = tpu.memref_slice %arg18[%dma_wait3A_305] : memref<100352xf32, #tpu.memory_space<vmem_shared>> -> memref<100352xf32, #tpu.memory_space<vmem_shared>>
        tpu.wait_indirect_dma semaphore(%arg25 : memref<!tpu.dma_semaphore, #tpu.memory_space<semaphore_mem>>) src(%arg15 : memref<2048xf32, #tpu.memory_space<vmem>>) dst(%dma_wait3A_306 : memref<100352xf32, #tpu.memory_space<vmem_shared>>)
      } else {
      }
      %add3A_194 = arith.constant 2 : i32
      %add3A_195 = arith.addi %add3A_173, %add3A_194 : i32
      %lt3A_196 = arith.cmpi slt, %add3A_195, %select_n3A : i32
      %convert_element_type3A_197 = arith.extui %lt3A_196 : i1 to i32
      %cond3A_198 = arith.constant 0 : i32
      %cond3A_199 = arith.cmpi ne, %convert_element_type3A_197, %cond3A_198 : i32
      scf.if %cond3A_199 {
        %add3A_305 = arith.constant 2 : i32
        %add3A_306 = arith.addi %add3A_173, %add3A_305 : i32
        %mul3A_307 = arith.constant 2048 : i32
        %mul3A_308 = arith.muli %add3A_306, %mul3A_307 : i32
        %add3A_309 = arith.addi %mul3A_2, %mul3A_308 : i32
        %dma_start3A_310 = arith.constant 0 : i32
        %dma_start3A_311 = tpu.memref_slice %arg2[%dma_start3A_310, %add3A_309] : memref<2x6400000xi32, #tpu.memory_space<hbm>> -> memref<1x2048xi32, #tpu.memory_space<hbm>>
        %dma_start3A_312 = tpu.memref_squeeze %dma_start3A_311 : memref<1x2048xi32, #tpu.memory_space<hbm>> -> memref<2048xi32, #tpu.memory_space<hbm>>
        %dma_start3A_313 = tpu.memref_slice %arg2[%dma_start3A_310, %add3A_309] : memref<2x6400000xi32, #tpu.memory_space<hbm>> -> memref<1x2048xi32, #tpu.memory_space<hbm>>
        %dma_start3A_314 = tpu.memref_squeeze %dma_start3A_313 : memref<1x2048xi32, #tpu.memory_space<hbm>> -> memref<2048xi32, #tpu.memory_space<hbm>>
        tpu.enqueue_dma source(%dma_start3A_314 : memref<2048xi32, #tpu.memory_space<hbm>>) target(%arg7 : memref<2048xi32, #tpu.memory_space<vmem>>) target_semaphore(%arg21 : memref<!tpu.dma_semaphore, #tpu.memory_space<semaphore_mem>>)
        %dma_start3A_315 = arith.constant 1 : i32
        %dma_start3A_316 = tpu.memref_slice %arg2[%dma_start3A_315, %add3A_309] : memref<2x6400000xi32, #tpu.memory_space<hbm>> -> memref<1x2048xi32, #tpu.memory_space<hbm>>
        %dma_start3A_317 = tpu.memref_squeeze %dma_start3A_316 : memref<1x2048xi32, #tpu.memory_space<hbm>> -> memref<2048xi32, #tpu.memory_space<hbm>>
        %dma_start3A_318 = tpu.memref_slice %arg2[%dma_start3A_315, %add3A_309] : memref<2x6400000xi32, #tpu.memory_space<hbm>> -> memref<1x2048xi32, #tpu.memory_space<hbm>>
        %dma_start3A_319 = tpu.memref_squeeze %dma_start3A_318 : memref<1x2048xi32, #tpu.memory_space<hbm>> -> memref<2048xi32, #tpu.memory_space<hbm>>
        tpu.enqueue_dma source(%dma_start3A_319 : memref<2048xi32, #tpu.memory_space<hbm>>) target(%arg11 : memref<2048xi32, #tpu.memory_space<vmem>>) target_semaphore(%arg21 : memref<!tpu.dma_semaphore, #tpu.memory_space<semaphore_mem>>)
      } else {
      }
      %dma_start3A_200 = arith.constant 0 : i32
      %dma_start3A_201 = tpu.memref_slice %arg18[%dma_start3A_200] : memref<100352xf32, #tpu.memory_space<vmem_shared>> -> memref<100352xf32, #tpu.memory_space<vmem_shared>>
      tpu.enqueue_indirect_dma source(%arg13 : memref<2048xf32, #tpu.memory_space<vmem>>) target(%dma_start3A_201 : memref<100352xf32, #tpu.memory_space<vmem_shared>>) offsets(%arg9 : memref<2048xi32, #tpu.memory_space<vmem>>) semaphore(%arg23 : memref<!tpu.dma_semaphore, #tpu.memory_space<semaphore_mem>>) {add = true}
      %mul3A_202 = arith.constant 4 : i32
      %mul3A_203 = arith.muli %while3A_168, %mul3A_202 : i32
      %add3A_204 = arith.constant 1 : i32
      %add3A_205 = arith.addi %mul3A_203, %add3A_204 : i32
      %dma_wait3A_206 = arith.constant 0 : i32
      %dma_wait3A_207 = arith.constant 0 : i32
      %dma_wait3A_208 = tpu.memref_slice %arg2[%dma_wait3A_206, %dma_wait3A_207] : memref<2x6400000xi32, #tpu.memory_space<hbm>> -> memref<1x2048xi32, #tpu.memory_space<hbm>>
      %dma_wait3A_209 = tpu.memref_squeeze %dma_wait3A_208 : memref<1x2048xi32, #tpu.memory_space<hbm>> -> memref<2048xi32, #tpu.memory_space<hbm>>
      %dma_wait3A_210 = arith.constant 0 : i32
      %dma_wait3A_211 = tpu.memref_slice %arg2[%dma_wait3A_206, %dma_wait3A_210] : memref<2x6400000xi32, #tpu.memory_space<hbm>> -> memref<1x2048xi32, #tpu.memory_space<hbm>>
      %dma_wait3A_212 = tpu.memref_squeeze %dma_wait3A_211 : memref<1x2048xi32, #tpu.memory_space<hbm>> -> memref<2048xi32, #tpu.memory_space<hbm>>
      tpu.wait_dma2 semaphore(%arg20 : memref<!tpu.dma_semaphore, #tpu.memory_space<semaphore_mem>>) src(%dma_wait3A_212 : memref<2048xi32, #tpu.memory_space<hbm>>) dst(%arg6 : memref<2048xi32, #tpu.memory_space<vmem>>)
      %dma_wait3A_213 = arith.constant 1 : i32
      %dma_wait3A_214 = arith.constant 0 : i32
      %dma_wait3A_215 = tpu.memref_slice %arg2[%dma_wait3A_213, %dma_wait3A_214] : memref<2x6400000xi32, #tpu.memory_space<hbm>> -> memref<1x2048xi32, #tpu.memory_space<hbm>>
      %dma_wait3A_216 = tpu.memref_squeeze %dma_wait3A_215 : memref<1x2048xi32, #tpu.memory_space<hbm>> -> memref<2048xi32, #tpu.memory_space<hbm>>
      %dma_wait3A_217 = arith.constant 0 : i32
      %dma_wait3A_218 = tpu.memref_slice %arg2[%dma_wait3A_213, %dma_wait3A_217] : memref<2x6400000xi32, #tpu.memory_space<hbm>> -> memref<1x2048xi32, #tpu.memory_space<hbm>>
      %dma_wait3A_219 = tpu.memref_squeeze %dma_wait3A_218 : memref<1x2048xi32, #tpu.memory_space<hbm>> -> memref<2048xi32, #tpu.memory_space<hbm>>
      tpu.wait_dma2 semaphore(%arg20 : memref<!tpu.dma_semaphore, #tpu.memory_space<semaphore_mem>>) src(%dma_wait3A_219 : memref<2048xi32, #tpu.memory_space<hbm>>) dst(%arg10 : memref<2048xi32, #tpu.memory_space<vmem>>)
      %parallel_loop3A_220 = arith.constant 0 : i32
      %parallel_loop3A_221 = arith.constant 128 : i32
      %parallel_loop3A_222 = arith.constant 1 : i32
      scf.for %parallel_loop3A_305 = %parallel_loop3A_220 to %parallel_loop3A_221 step %parallel_loop3A_222  : i32 {
        %parallel_loop3A_306 = arith.constant 16 : i32
        %parallel_loop3A_307 = arith.muli %parallel_loop3A_305, %parallel_loop3A_306 : i32
        %parallel_loop3A_308 = arith.index_cast %parallel_loop3A_307 : i32 to index
        %parallel_loop3A_309 = tpu.vector_load %arg6[%parallel_loop3A_308] {strides = array<i32>} : memref<2048xi32, #tpu.memory_space<vmem>>, vector<16xi32>,
        %parallel_loop3A_310 = tpu.vector_load_idx %arg17[%parallel_loop3A_309] : memref<100000xf32, #tpu.memory_space<vmem>>[vector<16xi32>], vector<16xf32>,
        %parallel_loop3A_311 = arith.index_cast %parallel_loop3A_307 : i32 to index
        %parallel_loop3A_312 = tpu.vector_load %arg14[%parallel_loop3A_311] {strides = array<i32>} : memref<2048xf32, #tpu.memory_space<vmem>>, vector<16xf32>,
        tpu.vector_store %arg14[%parallel_loop3A_311], %parallel_loop3A_310 {strides = array<i32>} : memref<2048xf32, #tpu.memory_space<vmem>>, vector<16xf32>,
      } {sc.loop_unroll_factor = 8 : i64, sc.parallel_access}
      %ge3A_223 = arith.constant 2 : i32
      %ge3A_224 = arith.cmpi sge, %add3A_205, %ge3A_223 : i32
      %convert_element_type3A_225 = arith.extui %ge3A_224 : i1 to i32
      %cond3A_226 = arith.constant 0 : i32
      %cond3A_227 = arith.cmpi ne, %convert_element_type3A_225, %cond3A_226 : i32
      scf.if %cond3A_227 {
        %dma_wait3A_305 = arith.constant 0 : i32
        %dma_wait3A_306 = tpu.memref_slice %arg18[%dma_wait3A_305] : memref<100352xf32, #tpu.memory_space<vmem_shared>> -> memref<100352xf32, #tpu.memory_space<vmem_shared>>
        tpu.wait_indirect_dma semaphore(%arg26 : memref<!tpu.dma_semaphore, #tpu.memory_space<semaphore_mem>>) src(%arg16 : memref<2048xf32, #tpu.memory_space<vmem>>) dst(%dma_wait3A_306 : memref<100352xf32, #tpu.memory_space<vmem_shared>>)
      } else {
      }
      %add3A_228 = arith.constant 2 : i32
      %add3A_229 = arith.addi %add3A_205, %add3A_228 : i32
      %lt3A_230 = arith.cmpi slt, %add3A_229, %select_n3A : i32
      %convert_element_type3A_231 = arith.extui %lt3A_230 : i1 to i32
      %cond3A_232 = arith.constant 0 : i32
      %cond3A_233 = arith.cmpi ne, %convert_element_type3A_231, %cond3A_232 : i32
      scf.if %cond3A_233 {
        %add3A_305 = arith.constant 2 : i32
        %add3A_306 = arith.addi %add3A_205, %add3A_305 : i32
        %mul3A_307 = arith.constant 2048 : i32
        %mul3A_308 = arith.muli %add3A_306, %mul3A_307 : i32
        %add3A_309 = arith.addi %mul3A_2, %mul3A_308 : i32
        %dma_start3A_310 = arith.constant 0 : i32
        %dma_start3A_311 = tpu.memref_slice %arg2[%dma_start3A_310, %add3A_309] : memref<2x6400000xi32, #tpu.memory_space<hbm>> -> memref<1x2048xi32, #tpu.memory_space<hbm>>
        %dma_start3A_312 = tpu.memref_squeeze %dma_start3A_311 : memref<1x2048xi32, #tpu.memory_space<hbm>> -> memref<2048xi32, #tpu.memory_space<hbm>>
        %dma_start3A_313 = tpu.memref_slice %arg2[%dma_start3A_310, %add3A_309] : memref<2x6400000xi32, #tpu.memory_space<hbm>> -> memref<1x2048xi32, #tpu.memory_space<hbm>>
        %dma_start3A_314 = tpu.memref_squeeze %dma_start3A_313 : memref<1x2048xi32, #tpu.memory_space<hbm>> -> memref<2048xi32, #tpu.memory_space<hbm>>
        tpu.enqueue_dma source(%dma_start3A_314 : memref<2048xi32, #tpu.memory_space<hbm>>) target(%arg8 : memref<2048xi32, #tpu.memory_space<vmem>>) target_semaphore(%arg22 : memref<!tpu.dma_semaphore, #tpu.memory_space<semaphore_mem>>)
        %dma_start3A_315 = arith.constant 1 : i32
        %dma_start3A_316 = tpu.memref_slice %arg2[%dma_start3A_315, %add3A_309] : memref<2x6400000xi32, #tpu.memory_space<hbm>> -> memref<1x2048xi32, #tpu.memory_space<hbm>>
        %dma_start3A_317 = tpu.memref_squeeze %dma_start3A_316 : memref<1x2048xi32, #tpu.memory_space<hbm>> -> memref<2048xi32, #tpu.memory_space<hbm>>
        %dma_start3A_318 = tpu.memref_slice %arg2[%dma_start3A_315, %add3A_309] : memref<2x6400000xi32, #tpu.memory_space<hbm>> -> memref<1x2048xi32, #tpu.memory_space<hbm>>
        %dma_start3A_319 = tpu.memref_squeeze %dma_start3A_318 : memref<1x2048xi32, #tpu.memory_space<hbm>> -> memref<2048xi32, #tpu.memory_space<hbm>>
        tpu.enqueue_dma source(%dma_start3A_319 : memref<2048xi32, #tpu.memory_space<hbm>>) target(%arg12 : memref<2048xi32, #tpu.memory_space<vmem>>) target_semaphore(%arg22 : memref<!tpu.dma_semaphore, #tpu.memory_space<semaphore_mem>>)
      } else {
      }
      %dma_start3A_234 = arith.constant 0 : i32
      %dma_start3A_235 = tpu.memref_slice %arg18[%dma_start3A_234] : memref<100352xf32, #tpu.memory_space<vmem_shared>> -> memref<100352xf32, #tpu.memory_space<vmem_shared>>
      tpu.enqueue_indirect_dma source(%arg14 : memref<2048xf32, #tpu.memory_space<vmem>>) target(%dma_start3A_235 : memref<100352xf32, #tpu.memory_space<vmem_shared>>) offsets(%arg10 : memref<2048xi32, #tpu.memory_space<vmem>>) semaphore(%arg24 : memref<!tpu.dma_semaphore, #tpu.memory_space<semaphore_mem>>) {add = true}
      %mul3A_236 = arith.constant 4 : i32
      %mul3A_237 = arith.muli %while3A_168, %mul3A_236 : i32
      %add3A_238 = arith.constant 2 : i32
      %add3A_239 = arith.addi %mul3A_237, %add3A_238 : i32
      %dma_wait3A_240 = arith.constant 0 : i32
      %dma_wait3A_241 = arith.constant 0 : i32
      %dma_wait3A_242 = tpu.memref_slice %arg2[%dma_wait3A_240, %dma_wait3A_241] : memref<2x6400000xi32, #tpu.memory_space<hbm>> -> memref<1x2048xi32, #tpu.memory_space<hbm>>
      %dma_wait3A_243 = tpu.memref_squeeze %dma_wait3A_242 : memref<1x2048xi32, #tpu.memory_space<hbm>> -> memref<2048xi32, #tpu.memory_space<hbm>>
      %dma_wait3A_244 = arith.constant 0 : i32
      %dma_wait3A_245 = tpu.memref_slice %arg2[%dma_wait3A_240, %dma_wait3A_244] : memref<2x6400000xi32, #tpu.memory_space<hbm>> -> memref<1x2048xi32, #tpu.memory_space<hbm>>
      %dma_wait3A_246 = tpu.memref_squeeze %dma_wait3A_245 : memref<1x2048xi32, #tpu.memory_space<hbm>> -> memref<2048xi32, #tpu.memory_space<hbm>>
      tpu.wait_dma2 semaphore(%arg21 : memref<!tpu.dma_semaphore, #tpu.memory_space<semaphore_mem>>) src(%dma_wait3A_246 : memref<2048xi32, #tpu.memory_space<hbm>>) dst(%arg7 : memref<2048xi32, #tpu.memory_space<vmem>>)
      %dma_wait3A_247 = arith.constant 1 : i32
      %dma_wait3A_248 = arith.constant 0 : i32
      %dma_wait3A_249 = tpu.memref_slice %arg2[%dma_wait3A_247, %dma_wait3A_248] : memref<2x6400000xi32, #tpu.memory_space<hbm>> -> memref<1x2048xi32, #tpu.memory_space<hbm>>
      %dma_wait3A_250 = tpu.memref_squeeze %dma_wait3A_249 : memref<1x2048xi32, #tpu.memory_space<hbm>> -> memref<2048xi32, #tpu.memory_space<hbm>>
      %dma_wait3A_251 = arith.constant 0 : i32
      %dma_wait3A_252 = tpu.memref_slice %arg2[%dma_wait3A_247, %dma_wait3A_251] : memref<2x6400000xi32, #tpu.memory_space<hbm>> -> memref<1x2048xi32, #tpu.memory_space<hbm>>
      %dma_wait3A_253 = tpu.memref_squeeze %dma_wait3A_252 : memref<1x2048xi32, #tpu.memory_space<hbm>> -> memref<2048xi32, #tpu.memory_space<hbm>>
      tpu.wait_dma2 semaphore(%arg21 : memref<!tpu.dma_semaphore, #tpu.memory_space<semaphore_mem>>) src(%dma_wait3A_253 : memref<2048xi32, #tpu.memory_space<hbm>>) dst(%arg11 : memref<2048xi32, #tpu.memory_space<vmem>>)
      %parallel_loop3A_254 = arith.constant 0 : i32
      %parallel_loop3A_255 = arith.constant 128 : i32
      %parallel_loop3A_256 = arith.constant 1 : i32
      scf.for %parallel_loop3A_305 = %parallel_loop3A_254 to %parallel_loop3A_255 step %parallel_loop3A_256  : i32 {
        %parallel_loop3A_306 = arith.constant 16 : i32
        %parallel_loop3A_307 = arith.muli %parallel_loop3A_305, %parallel_loop3A_306 : i32
        %parallel_loop3A_308 = arith.index_cast %parallel_loop3A_307 : i32 to index
        %parallel_loop3A_309 = tpu.vector_load %arg7[%parallel_loop3A_308] {strides = array<i32>} : memref<2048xi32, #tpu.memory_space<vmem>>, vector<16xi32>,
        %parallel_loop3A_310 = tpu.vector_load_idx %arg17[%parallel_loop3A_309] : memref<100000xf32, #tpu.memory_space<vmem>>[vector<16xi32>], vector<16xf32>,
        %parallel_loop3A_311 = arith.index_cast %parallel_loop3A_307 : i32 to index
        %parallel_loop3A_312 = tpu.vector_load %arg15[%parallel_loop3A_311] {strides = array<i32>} : memref<2048xf32, #tpu.memory_space<vmem>>, vector<16xf32>,
        tpu.vector_store %arg15[%parallel_loop3A_311], %parallel_loop3A_310 {strides = array<i32>} : memref<2048xf32, #tpu.memory_space<vmem>>, vector<16xf32>,
      } {sc.loop_unroll_factor = 8 : i64, sc.parallel_access}
      %ge3A_257 = arith.constant 2 : i32
      %ge3A_258 = arith.cmpi sge, %add3A_239, %ge3A_257 : i32
      %convert_element_type3A_259 = arith.extui %ge3A_258 : i1 to i32
      %cond3A_260 = arith.constant 0 : i32
      %cond3A_261 = arith.cmpi ne, %convert_element_type3A_259, %cond3A_260 : i32
      scf.if %cond3A_261 {
        %dma_wait3A_305 = arith.constant 0 : i32
        %dma_wait3A_306 = tpu.memref_slice %arg18[%dma_wait3A_305] : memref<100352xf32, #tpu.memory_space<vmem_shared>> -> memref<100352xf32, #tpu.memory_space<vmem_shared>>
        tpu.wait_indirect_dma semaphore(%arg23 : memref<!tpu.dma_semaphore, #tpu.memory_space<semaphore_mem>>) src(%arg13 : memref<2048xf32, #tpu.memory_space<vmem>>) dst(%dma_wait3A_306 : memref<100352xf32, #tpu.memory_space<vmem_shared>>)
      } else {
      }
      %add3A_262 = arith.constant 2 : i32
      %add3A_263 = arith.addi %add3A_239, %add3A_262 : i32
      %lt3A_264 = arith.cmpi slt, %add3A_263, %select_n3A : i32
      %convert_element_type3A_265 = arith.extui %lt3A_264 : i1 to i32
      %cond3A_266 = arith.constant 0 : i32
      %cond3A_267 = arith.cmpi ne, %convert_element_type3A_265, %cond3A_266 : i32
      scf.if %cond3A_267 {
        %add3A_305 = arith.constant 2 : i32
        %add3A_306 = arith.addi %add3A_239, %add3A_305 : i32
        %mul3A_307 = arith.constant 2048 : i32
        %mul3A_308 = arith.muli %add3A_306, %mul3A_307 : i32
        %add3A_309 = arith.addi %mul3A_2, %mul3A_308 : i32
        %dma_start3A_310 = arith.constant 0 : i32
        %dma_start3A_311 = tpu.memref_slice %arg2[%dma_start3A_310, %add3A_309] : memref<2x6400000xi32, #tpu.memory_space<hbm>> -> memref<1x2048xi32, #tpu.memory_space<hbm>>
        %dma_start3A_312 = tpu.memref_squeeze %dma_start3A_311 : memref<1x2048xi32, #tpu.memory_space<hbm>> -> memref<2048xi32, #tpu.memory_space<hbm>>
        %dma_start3A_313 = tpu.memref_slice %arg2[%dma_start3A_310, %add3A_309] : memref<2x6400000xi32, #tpu.memory_space<hbm>> -> memref<1x2048xi32, #tpu.memory_space<hbm>>
        %dma_start3A_314 = tpu.memref_squeeze %dma_start3A_313 : memref<1x2048xi32, #tpu.memory_space<hbm>> -> memref<2048xi32, #tpu.memory_space<hbm>>
        tpu.enqueue_dma source(%dma_start3A_314 : memref<2048xi32, #tpu.memory_space<hbm>>) target(%arg5 : memref<2048xi32, #tpu.memory_space<vmem>>) target_semaphore(%arg19 : memref<!tpu.dma_semaphore, #tpu.memory_space<semaphore_mem>>)
        %dma_start3A_315 = arith.constant 1 : i32
        %dma_start3A_316 = tpu.memref_slice %arg2[%dma_start3A_315, %add3A_309] : memref<2x6400000xi32, #tpu.memory_space<hbm>> -> memref<1x2048xi32, #tpu.memory_space<hbm>>
        %dma_start3A_317 = tpu.memref_squeeze %dma_start3A_316 : memref<1x2048xi32, #tpu.memory_space<hbm>> -> memref<2048xi32, #tpu.memory_space<hbm>>
        %dma_start3A_318 = tpu.memref_slice %arg2[%dma_start3A_315, %add3A_309] : memref<2x6400000xi32, #tpu.memory_space<hbm>> -> memref<1x2048xi32, #tpu.memory_space<hbm>>
        %dma_start3A_319 = tpu.memref_squeeze %dma_start3A_318 : memref<1x2048xi32, #tpu.memory_space<hbm>> -> memref<2048xi32, #tpu.memory_space<hbm>>
        tpu.enqueue_dma source(%dma_start3A_319 : memref<2048xi32, #tpu.memory_space<hbm>>) target(%arg9 : memref<2048xi32, #tpu.memory_space<vmem>>) target_semaphore(%arg19 : memref<!tpu.dma_semaphore, #tpu.memory_space<semaphore_mem>>)
      } else {
      }
      %dma_start3A_268 = arith.constant 0 : i32
      %dma_start3A_269 = tpu.memref_slice %arg18[%dma_start3A_268] : memref<100352xf32, #tpu.memory_space<vmem_shared>> -> memref<100352xf32, #tpu.memory_space<vmem_shared>>
      tpu.enqueue_indirect_dma source(%arg15 : memref<2048xf32, #tpu.memory_space<vmem>>) target(%dma_start3A_269 : memref<100352xf32, #tpu.memory_space<vmem_shared>>) offsets(%arg11 : memref<2048xi32, #tpu.memory_space<vmem>>) semaphore(%arg25 : memref<!tpu.dma_semaphore, #tpu.memory_space<semaphore_mem>>) {add = true}
      %mul3A_270 = arith.constant 4 : i32
      %mul3A_271 = arith.muli %while3A_168, %mul3A_270 : i32
      %add3A_272 = arith.constant 3 : i32
      %add3A_273 = arith.addi %mul3A_271, %add3A_272 : i32
      %dma_wait3A_274 = arith.constant 0 : i32
      %dma_wait3A_275 = arith.constant 0 : i32
      %dma_wait3A_276 = tpu.memref_slice %arg2[%dma_wait3A_274, %dma_wait3A_275] : memref<2x6400000xi32, #tpu.memory_space<hbm>> -> memref<1x2048xi32, #tpu.memory_space<hbm>>
      %dma_wait3A_277 = tpu.memref_squeeze %dma_wait3A_276 : memref<1x2048xi32, #tpu.memory_space<hbm>> -> memref<2048xi32, #tpu.memory_space<hbm>>
      %dma_wait3A_278 = arith.constant 0 : i32
      %dma_wait3A_279 = tpu.memref_slice %arg2[%dma_wait3A_274, %dma_wait3A_278] : memref<2x6400000xi32, #tpu.memory_space<hbm>> -> memref<1x2048xi32, #tpu.memory_space<hbm>>
      %dma_wait3A_280 = tpu.memref_squeeze %dma_wait3A_279 : memref<1x2048xi32, #tpu.memory_space<hbm>> -> memref<2048xi32, #tpu.memory_space<hbm>>
      tpu.wait_dma2 semaphore(%arg22 : memref<!tpu.dma_semaphore, #tpu.memory_space<semaphore_mem>>) src(%dma_wait3A_280 : memref<2048xi32, #tpu.memory_space<hbm>>) dst(%arg8 : memref<2048xi32, #tpu.memory_space<vmem>>)
      %dma_wait3A_281 = arith.constant 1 : i32
      %dma_wait3A_282 = arith.constant 0 : i32
      %dma_wait3A_283 = tpu.memref_slice %arg2[%dma_wait3A_281, %dma_wait3A_282] : memref<2x6400000xi32, #tpu.memory_space<hbm>> -> memref<1x2048xi32, #tpu.memory_space<hbm>>
      %dma_wait3A_284 = tpu.memref_squeeze %dma_wait3A_283 : memref<1x2048xi32, #tpu.memory_space<hbm>> -> memref<2048xi32, #tpu.memory_space<hbm>>
      %dma_wait3A_285 = arith.constant 0 : i32
      %dma_wait3A_286 = tpu.memref_slice %arg2[%dma_wait3A_281, %dma_wait3A_285] : memref<2x6400000xi32, #tpu.memory_space<hbm>> -> memref<1x2048xi32, #tpu.memory_space<hbm>>
      %dma_wait3A_287 = tpu.memref_squeeze %dma_wait3A_286 : memref<1x2048xi32, #tpu.memory_space<hbm>> -> memref<2048xi32, #tpu.memory_space<hbm>>
      tpu.wait_dma2 semaphore(%arg22 : memref<!tpu.dma_semaphore, #tpu.memory_space<semaphore_mem>>) src(%dma_wait3A_287 : memref<2048xi32, #tpu.memory_space<hbm>>) dst(%arg12 : memref<2048xi32, #tpu.memory_space<vmem>>)
      %parallel_loop3A_288 = arith.constant 0 : i32
      %parallel_loop3A_289 = arith.constant 128 : i32
      %parallel_loop3A_290 = arith.constant 1 : i32
      scf.for %parallel_loop3A_305 = %parallel_loop3A_288 to %parallel_loop3A_289 step %parallel_loop3A_290  : i32 {
        %parallel_loop3A_306 = arith.constant 16 : i32
        %parallel_loop3A_307 = arith.muli %parallel_loop3A_305, %parallel_loop3A_306 : i32
        %parallel_loop3A_308 = arith.index_cast %parallel_loop3A_307 : i32 to index
        %parallel_loop3A_309 = tpu.vector_load %arg8[%parallel_loop3A_308] {strides = array<i32>} : memref<2048xi32, #tpu.memory_space<vmem>>, vector<16xi32>,
        %parallel_loop3A_310 = tpu.vector_load_idx %arg17[%parallel_loop3A_309] : memref<100000xf32, #tpu.memory_space<vmem>>[vector<16xi32>], vector<16xf32>,
        %parallel_loop3A_311 = arith.index_cast %parallel_loop3A_307 : i32 to index
        %parallel_loop3A_312 = tpu.vector_load %arg16[%parallel_loop3A_311] {strides = array<i32>} : memref<2048xf32, #tpu.memory_space<vmem>>, vector<16xf32>,
        tpu.vector_store %arg16[%parallel_loop3A_311], %parallel_loop3A_310 {strides = array<i32>} : memref<2048xf32, #tpu.memory_space<vmem>>, vector<16xf32>,
      } {sc.loop_unroll_factor = 8 : i64, sc.parallel_access}
      %ge3A_291 = arith.constant 2 : i32
      %ge3A_292 = arith.cmpi sge, %add3A_273, %ge3A_291 : i32
      %convert_element_type3A_293 = arith.extui %ge3A_292 : i1 to i32
      %cond3A_294 = arith.constant 0 : i32
      %cond3A_295 = arith.cmpi ne, %convert_element_type3A_293, %cond3A_294 : i32
      scf.if %cond3A_295 {
        %dma_wait3A_305 = arith.constant 0 : i32
        %dma_wait3A_306 = tpu.memref_slice %arg18[%dma_wait3A_305] : memref<100352xf32, #tpu.memory_space<vmem_shared>> -> memref<100352xf32, #tpu.memory_space<vmem_shared>>
        tpu.wait_indirect_dma semaphore(%arg24 : memref<!tpu.dma_semaphore, #tpu.memory_space<semaphore_mem>>) src(%arg14 : memref<2048xf32, #tpu.memory_space<vmem>>) dst(%dma_wait3A_306 : memref<100352xf32, #tpu.memory_space<vmem_shared>>)
      } else {
      }
      %add3A_296 = arith.constant 2 : i32
      %add3A_297 = arith.addi %add3A_273, %add3A_296 : i32
      %lt3A_298 = arith.cmpi slt, %add3A_297, %select_n3A : i32
      %convert_element_type3A_299 = arith.extui %lt3A_298 : i1 to i32
      %cond3A_300 = arith.constant 0 : i32
      %cond3A_301 = arith.cmpi ne, %convert_element_type3A_299, %cond3A_300 : i32
      scf.if %cond3A_301 {
        %add3A_305 = arith.constant 2 : i32
        %add3A_306 = arith.addi %add3A_273, %add3A_305 : i32
        %mul3A_307 = arith.constant 2048 : i32
        %mul3A_308 = arith.muli %add3A_306, %mul3A_307 : i32
        %add3A_309 = arith.addi %mul3A_2, %mul3A_308 : i32
        %dma_start3A_310 = arith.constant 0 : i32
        %dma_start3A_311 = tpu.memref_slice %arg2[%dma_start3A_310, %add3A_309] : memref<2x6400000xi32, #tpu.memory_space<hbm>> -> memref<1x2048xi32, #tpu.memory_space<hbm>>
        %dma_start3A_312 = tpu.memref_squeeze %dma_start3A_311 : memref<1x2048xi32, #tpu.memory_space<hbm>> -> memref<2048xi32, #tpu.memory_space<hbm>>
        %dma_start3A_313 = tpu.memref_slice %arg2[%dma_start3A_310, %add3A_309] : memref<2x6400000xi32, #tpu.memory_space<hbm>> -> memref<1x2048xi32, #tpu.memory_space<hbm>>
        %dma_start3A_314 = tpu.memref_squeeze %dma_start3A_313 : memref<1x2048xi32, #tpu.memory_space<hbm>> -> memref<2048xi32, #tpu.memory_space<hbm>>
        tpu.enqueue_dma source(%dma_start3A_314 : memref<2048xi32, #tpu.memory_space<hbm>>) target(%arg6 : memref<2048xi32, #tpu.memory_space<vmem>>) target_semaphore(%arg20 : memref<!tpu.dma_semaphore, #tpu.memory_space<semaphore_mem>>)
        %dma_start3A_315 = arith.constant 1 : i32
        %dma_start3A_316 = tpu.memref_slice %arg2[%dma_start3A_315, %add3A_309] : memref<2x6400000xi32, #tpu.memory_space<hbm>> -> memref<1x2048xi32, #tpu.memory_space<hbm>>
        %dma_start3A_317 = tpu.memref_squeeze %dma_start3A_316 : memref<1x2048xi32, #tpu.memory_space<hbm>> -> memref<2048xi32, #tpu.memory_space<hbm>>
        %dma_start3A_318 = tpu.memref_slice %arg2[%dma_start3A_315, %add3A_309] : memref<2x6400000xi32, #tpu.memory_space<hbm>> -> memref<1x2048xi32, #tpu.memory_space<hbm>>
        %dma_start3A_319 = tpu.memref_squeeze %dma_start3A_318 : memref<1x2048xi32, #tpu.memory_space<hbm>> -> memref<2048xi32, #tpu.memory_space<hbm>>
        tpu.enqueue_dma source(%dma_start3A_319 : memref<2048xi32, #tpu.memory_space<hbm>>) target(%arg10 : memref<2048xi32, #tpu.memory_space<vmem>>) target_semaphore(%arg20 : memref<!tpu.dma_semaphore, #tpu.memory_space<semaphore_mem>>)
      } else {
      }
      %dma_start3A_302 = arith.constant 0 : i32
      %dma_start3A_303 = tpu.memref_slice %arg18[%dma_start3A_302] : memref<100352xf32, #tpu.memory_space<vmem_shared>> -> memref<100352xf32, #tpu.memory_space<vmem_shared>>
      tpu.enqueue_indirect_dma source(%arg16 : memref<2048xf32, #tpu.memory_space<vmem>>) target(%dma_start3A_303 : memref<100352xf32, #tpu.memory_space<vmem_shared>>) offsets(%arg12 : memref<2048xi32, #tpu.memory_space<vmem>>) semaphore(%arg26 : memref<!tpu.dma_semaphore, #tpu.memory_space<semaphore_mem>>) {add = true}
      %while3A_304 = arith.constant 0 : i32
      scf.yield %while3A_304 : i32
    }
    %while3A_78 = arith.constant 1 : i32
    %while3A_79 = scf.for %while3A_168 = %while3A_75 to %while3A_71 step %while3A_78 iter_args(%while3A_169 = %while3A_77) -> (i32)  : i32 {
      %mul3A_170 = arith.constant 4 : i32
      %mul3A_171 = arith.muli %while3A_168, %mul3A_170 : i32
      %add3A_172 = arith.constant 0 : i32
      %add3A_173 = arith.addi %mul3A_171, %add3A_172 : i32
      %dma_wait3A_174 = arith.constant 0 : i32
      %dma_wait3A_175 = arith.constant 0 : i32
      %dma_wait3A_176 = tpu.memref_slice %arg2[%dma_wait3A_174, %dma_wait3A_175] : memref<2x6400000xi32, #tpu.memory_space<hbm>> -> memref<1x2048xi32, #tpu.memory_space<hbm>>
      %dma_wait3A_177 = tpu.memref_squeeze %dma_wait3A_176 : memref<1x2048xi32, #tpu.memory_space<hbm>> -> memref<2048xi32, #tpu.memory_space<hbm>>
      %dma_wait3A_178 = arith.constant 0 : i32
      %dma_wait3A_179 = tpu.memref_slice %arg2[%dma_wait3A_174, %dma_wait3A_178] : memref<2x6400000xi32, #tpu.memory_space<hbm>> -> memref<1x2048xi32, #tpu.memory_space<hbm>>
      %dma_wait3A_180 = tpu.memref_squeeze %dma_wait3A_179 : memref<1x2048xi32, #tpu.memory_space<hbm>> -> memref<2048xi32, #tpu.memory_space<hbm>>
      tpu.wait_dma2 semaphore(%arg19 : memref<!tpu.dma_semaphore, #tpu.memory_space<semaphore_mem>>) src(%dma_wait3A_180 : memref<2048xi32, #tpu.memory_space<hbm>>) dst(%arg5 : memref<2048xi32, #tpu.memory_space<vmem>>)
      %dma_wait3A_181 = arith.constant 1 : i32
      %dma_wait3A_182 = arith.constant 0 : i32
      %dma_wait3A_183 = tpu.memref_slice %arg2[%dma_wait3A_181, %dma_wait3A_182] : memref<2x6400000xi32, #tpu.memory_space<hbm>> -> memref<1x2048xi32, #tpu.memory_space<hbm>>
      %dma_wait3A_184 = tpu.memref_squeeze %dma_wait3A_183 : memref<1x2048xi32, #tpu.memory_space<hbm>> -> memref<2048xi32, #tpu.memory_space<hbm>>
      %dma_wait3A_185 = arith.constant 0 : i32
      %dma_wait3A_186 = tpu.memref_slice %arg2[%dma_wait3A_181, %dma_wait3A_185] : memref<2x6400000xi32, #tpu.memory_space<hbm>> -> memref<1x2048xi32, #tpu.memory_space<hbm>>
      %dma_wait3A_187 = tpu.memref_squeeze %dma_wait3A_186 : memref<1x2048xi32, #tpu.memory_space<hbm>> -> memref<2048xi32, #tpu.memory_space<hbm>>
      tpu.wait_dma2 semaphore(%arg19 : memref<!tpu.dma_semaphore, #tpu.memory_space<semaphore_mem>>) src(%dma_wait3A_187 : memref<2048xi32, #tpu.memory_space<hbm>>) dst(%arg9 : memref<2048xi32, #tpu.memory_space<vmem>>)
      %parallel_loop3A = arith.constant 0 : i32
      %parallel_loop3A_188 = arith.constant 128 : i32
      %parallel_loop3A_189 = arith.constant 1 : i32
      scf.for %parallel_loop3A_305 = %parallel_loop3A to %parallel_loop3A_188 step %parallel_loop3A_189  : i32 {
        %parallel_loop3A_306 = arith.constant 16 : i32
        %parallel_loop3A_307 = arith.muli %parallel_loop3A_305, %parallel_loop3A_306 : i32
        %parallel_loop3A_308 = arith.index_cast %parallel_loop3A_307 : i32 to index
        %parallel_loop3A_309 = tpu.vector_load %arg5[%parallel_loop3A_308] {strides = array<i32>} : memref<2048xi32, #tpu.memory_space<vmem>>, vector<16xi32>,
        %parallel_loop3A_310 = tpu.vector_load_idx %arg17[%parallel_loop3A_309] : memref<100000xf32, #tpu.memory_space<vmem>>[vector<16xi32>], vector<16xf32>,
        %parallel_loop3A_311 = arith.index_cast %parallel_loop3A_307 : i32 to index
        %parallel_loop3A_312 = tpu.vector_load %arg13[%parallel_loop3A_311] {strides = array<i32>} : memref<2048xf32, #tpu.memory_space<vmem>>, vector<16xf32>,
        tpu.vector_store %arg13[%parallel_loop3A_311], %parallel_loop3A_310 {strides = array<i32>} : memref<2048xf32, #tpu.memory_space<vmem>>, vector<16xf32>,
      } {sc.loop_unroll_factor = 8 : i64, sc.parallel_access}
      %ge3A = arith.constant 2 : i32
      %ge3A_190 = arith.cmpi sge, %add3A_173, %ge3A : i32
      %convert_element_type3A_191 = arith.extui %ge3A_190 : i1 to i32
      %cond3A_192 = arith.constant 0 : i32
      %cond3A_193 = arith.cmpi ne, %convert_element_type3A_191, %cond3A_192 : i32
      scf.if %cond3A_193 {
        %dma_wait3A_305 = arith.constant 0 : i32
        %dma_wait3A_306 = tpu.memref_slice %arg18[%dma_wait3A_305] : memref<100352xf32, #tpu.memory_space<vmem_shared>> -> memref<100352xf32, #tpu.memory_space<vmem_shared>>
        tpu.wait_indirect_dma semaphore(%arg25 : memref<!tpu.dma_semaphore, #tpu.memory_space<semaphore_mem>>) src(%arg15 : memref<2048xf32, #tpu.memory_space<vmem>>) dst(%dma_wait3A_306 : memref<100352xf32, #tpu.memory_space<vmem_shared>>)
      } else {
      }
      %add3A_194 = arith.constant 2 : i32
      %add3A_195 = arith.addi %add3A_173, %add3A_194 : i32
      %lt3A_196 = arith.cmpi slt, %add3A_195, %select_n3A : i32
      %convert_element_type3A_197 = arith.extui %lt3A_196 : i1 to i32
      %cond3A_198 = arith.constant 0 : i32
      %cond3A_199 = arith.cmpi ne, %convert_element_type3A_197, %cond3A_198 : i32
      scf.if %cond3A_199 {
        %add3A_305 = arith.constant 2 : i32
        %add3A_306 = arith.addi %add3A_173, %add3A_305 : i32
        %mul3A_307 = arith.constant 2048 : i32
        %mul3A_308 = arith.muli %add3A_306, %mul3A_307 : i32
        %add3A_309 = arith.addi %mul3A_2, %mul3A_308 : i32
        %dma_start3A_310 = arith.constant 0 : i32
        %dma_start3A_311 = tpu.memref_slice %arg2[%dma_start3A_310, %add3A_309] : memref<2x6400000xi32, #tpu.memory_space<hbm>> -> memref<1x2048xi32, #tpu.memory_space<hbm>>
        %dma_start3A_312 = tpu.memref_squeeze %dma_start3A_311 : memref<1x2048xi32, #tpu.memory_space<hbm>> -> memref<2048xi32, #tpu.memory_space<hbm>>
        %dma_start3A_313 = tpu.memref_slice %arg2[%dma_start3A_310, %add3A_309] : memref<2x6400000xi32, #tpu.memory_space<hbm>> -> memref<1x2048xi32, #tpu.memory_space<hbm>>
        %dma_start3A_314 = tpu.memref_squeeze %dma_start3A_313 : memref<1x2048xi32, #tpu.memory_space<hbm>> -> memref<2048xi32, #tpu.memory_space<hbm>>
        tpu.enqueue_dma source(%dma_start3A_314 : memref<2048xi32, #tpu.memory_space<hbm>>) target(%arg7 : memref<2048xi32, #tpu.memory_space<vmem>>) target_semaphore(%arg21 : memref<!tpu.dma_semaphore, #tpu.memory_space<semaphore_mem>>)
        %dma_start3A_315 = arith.constant 1 : i32
        %dma_start3A_316 = tpu.memref_slice %arg2[%dma_start3A_315, %add3A_309] : memref<2x6400000xi32, #tpu.memory_space<hbm>> -> memref<1x2048xi32, #tpu.memory_space<hbm>>
        %dma_start3A_317 = tpu.memref_squeeze %dma_start3A_316 : memref<1x2048xi32, #tpu.memory_space<hbm>> -> memref<2048xi32, #tpu.memory_space<hbm>>
        %dma_start3A_318 = tpu.memref_slice %arg2[%dma_start3A_315, %add3A_309] : memref<2x6400000xi32, #tpu.memory_space<hbm>> -> memref<1x2048xi32, #tpu.memory_space<hbm>>
        %dma_start3A_319 = tpu.memref_squeeze %dma_start3A_318 : memref<1x2048xi32, #tpu.memory_space<hbm>> -> memref<2048xi32, #tpu.memory_space<hbm>>
        tpu.enqueue_dma source(%dma_start3A_319 : memref<2048xi32, #tpu.memory_space<hbm>>) target(%arg11 : memref<2048xi32, #tpu.memory_space<vmem>>) target_semaphore(%arg21 : memref<!tpu.dma_semaphore, #tpu.memory_space<semaphore_mem>>)
      } else {
      }
      %dma_start3A_200 = arith.constant 0 : i32
      %dma_start3A_201 = tpu.memref_slice %arg18[%dma_start3A_200] : memref<100352xf32, #tpu.memory_space<vmem_shared>> -> memref<100352xf32, #tpu.memory_space<vmem_shared>>
      tpu.enqueue_indirect_dma source(%arg13 : memref<2048xf32, #tpu.memory_space<vmem>>) target(%dma_start3A_201 : memref<100352xf32, #tpu.memory_space<vmem_shared>>) offsets(%arg9 : memref<2048xi32, #tpu.memory_space<vmem>>) semaphore(%arg23 : memref<!tpu.dma_semaphore, #tpu.memory_space<semaphore_mem>>) {add = true}
      %mul3A_202 = arith.constant 4 : i32
      %mul3A_203 = arith.muli %while3A_168, %mul3A_202 : i32
      %add3A_204 = arith.constant 1 : i32
      %add3A_205 = arith.addi %mul3A_203, %add3A_204 : i32
      %dma_wait3A_206 = arith.constant 0 : i32
      %dma_wait3A_207 = arith.constant 0 : i32
      %dma_wait3A_208 = tpu.memref_slice %arg2[%dma_wait3A_206, %dma_wait3A_207] : memref<2x6400000xi32, #tpu.memory_space<hbm>> -> memref<1x2048xi32, #tpu.memory_space<hbm>>
      %dma_wait3A_209 = tpu.memref_squeeze %dma_wait3A_208 : memref<1x2048xi32, #tpu.memory_space<hbm>> -> memref<2048xi32, #tpu.memory_space<hbm>>
      %dma_wait3A_210 = arith.constant 0 : i32
      %dma_wait3A_211 = tpu.memref_slice %arg2[%dma_wait3A_206, %dma_wait3A_210] : memref<2x6400000xi32, #tpu.memory_space<hbm>> -> memref<1x2048xi32, #tpu.memory_space<hbm>>
      %dma_wait3A_212 = tpu.memref_squeeze %dma_wait3A_211 : memref<1x2048xi32, #tpu.memory_space<hbm>> -> memref<2048xi32, #tpu.memory_space<hbm>>
      tpu.wait_dma2 semaphore(%arg20 : memref<!tpu.dma_semaphore, #tpu.memory_space<semaphore_mem>>) src(%dma_wait3A_212 : memref<2048xi32, #tpu.memory_space<hbm>>) dst(%arg6 : memref<2048xi32, #tpu.memory_space<vmem>>)
      %dma_wait3A_213 = arith.constant 1 : i32
      %dma_wait3A_214 = arith.constant 0 : i32
      %dma_wait3A_215 = tpu.memref_slice %arg2[%dma_wait3A_213, %dma_wait3A_214] : memref<2x6400000xi32, #tpu.memory_space<hbm>> -> memref<1x2048xi32, #tpu.memory_space<hbm>>
      %dma_wait3A_216 = tpu.memref_squeeze %dma_wait3A_215 : memref<1x2048xi32, #tpu.memory_space<hbm>> -> memref<2048xi32, #tpu.memory_space<hbm>>
      %dma_wait3A_217 = arith.constant 0 : i32
      %dma_wait3A_218 = tpu.memref_slice %arg2[%dma_wait3A_213, %dma_wait3A_217] : memref<2x6400000xi32, #tpu.memory_space<hbm>> -> memref<1x2048xi32, #tpu.memory_space<hbm>>
      %dma_wait3A_219 = tpu.memref_squeeze %dma_wait3A_218 : memref<1x2048xi32, #tpu.memory_space<hbm>> -> memref<2048xi32, #tpu.memory_space<hbm>>
      tpu.wait_dma2 semaphore(%arg20 : memref<!tpu.dma_semaphore, #tpu.memory_space<semaphore_mem>>) src(%dma_wait3A_219 : memref<2048xi32, #tpu.memory_space<hbm>>) dst(%arg10 : memref<2048xi32, #tpu.memory_space<vmem>>)
      %parallel_loop3A_220 = arith.constant 0 : i32
      %parallel_loop3A_221 = arith.constant 128 : i32
      %parallel_loop3A_222 = arith.constant 1 : i32
      scf.for %parallel_loop3A_305 = %parallel_loop3A_220 to %parallel_loop3A_221 step %parallel_loop3A_222  : i32 {
        %parallel_loop3A_306 = arith.constant 16 : i32
        %parallel_loop3A_307 = arith.muli %parallel_loop3A_305, %parallel_loop3A_306 : i32
        %parallel_loop3A_308 = arith.index_cast %parallel_loop3A_307 : i32 to index
        %parallel_loop3A_309 = tpu.vector_load %arg6[%parallel_loop3A_308] {strides = array<i32>} : memref<2048xi32, #tpu.memory_space<vmem>>, vector<16xi32>,
        %parallel_loop3A_310 = tpu.vector_load_idx %arg17[%parallel_loop3A_309] : memref<100000xf32, #tpu.memory_space<vmem>>[vector<16xi32>], vector<16xf32>,
        %parallel_loop3A_311 = arith.index_cast %parallel_loop3A_307 : i32 to index
        %parallel_loop3A_312 = tpu.vector_load %arg14[%parallel_loop3A_311] {strides = array<i32>} : memref<2048xf32, #tpu.memory_space<vmem>>, vector<16xf32>,
        tpu.vector_store %arg14[%parallel_loop3A_311], %parallel_loop3A_310 {strides = array<i32>} : memref<2048xf32, #tpu.memory_space<vmem>>, vector<16xf32>,
      } {sc.loop_unroll_factor = 8 : i64, sc.parallel_access}
      %ge3A_223 = arith.constant 2 : i32
      %ge3A_224 = arith.cmpi sge, %add3A_205, %ge3A_223 : i32
      %convert_element_type3A_225 = arith.extui %ge3A_224 : i1 to i32
      %cond3A_226 = arith.constant 0 : i32
      %cond3A_227 = arith.cmpi ne, %convert_element_type3A_225, %cond3A_226 : i32
      scf.if %cond3A_227 {
        %dma_wait3A_305 = arith.constant 0 : i32
        %dma_wait3A_306 = tpu.memref_slice %arg18[%dma_wait3A_305] : memref<100352xf32, #tpu.memory_space<vmem_shared>> -> memref<100352xf32, #tpu.memory_space<vmem_shared>>
        tpu.wait_indirect_dma semaphore(%arg26 : memref<!tpu.dma_semaphore, #tpu.memory_space<semaphore_mem>>) src(%arg16 : memref<2048xf32, #tpu.memory_space<vmem>>) dst(%dma_wait3A_306 : memref<100352xf32, #tpu.memory_space<vmem_shared>>)
      } else {
      }
      %add3A_228 = arith.constant 2 : i32
      %add3A_229 = arith.addi %add3A_205, %add3A_228 : i32
      %lt3A_230 = arith.cmpi slt, %add3A_229, %select_n3A : i32
      %convert_element_type3A_231 = arith.extui %lt3A_230 : i1 to i32
      %cond3A_232 = arith.constant 0 : i32
      %cond3A_233 = arith.cmpi ne, %convert_element_type3A_231, %cond3A_232 : i32
      scf.if %cond3A_233 {
        %add3A_305 = arith.constant 2 : i32
        %add3A_306 = arith.addi %add3A_205, %add3A_305 : i32
        %mul3A_307 = arith.constant 2048 : i32
        %mul3A_308 = arith.muli %add3A_306, %mul3A_307 : i32
        %add3A_309 = arith.addi %mul3A_2, %mul3A_308 : i32
        %dma_start3A_310 = arith.constant 0 : i32
        %dma_start3A_311 = tpu.memref_slice %arg2[%dma_start3A_310, %add3A_309] : memref<2x6400000xi32, #tpu.memory_space<hbm>> -> memref<1x2048xi32, #tpu.memory_space<hbm>>
        %dma_start3A_312 = tpu.memref_squeeze %dma_start3A_311 : memref<1x2048xi32, #tpu.memory_space<hbm>> -> memref<2048xi32, #tpu.memory_space<hbm>>
        %dma_start3A_313 = tpu.memref_slice %arg2[%dma_start3A_310, %add3A_309] : memref<2x6400000xi32, #tpu.memory_space<hbm>> -> memref<1x2048xi32, #tpu.memory_space<hbm>>
        %dma_start3A_314 = tpu.memref_squeeze %dma_start3A_313 : memref<1x2048xi32, #tpu.memory_space<hbm>> -> memref<2048xi32, #tpu.memory_space<hbm>>
        tpu.enqueue_dma source(%dma_start3A_314 : memref<2048xi32, #tpu.memory_space<hbm>>) target(%arg8 : memref<2048xi32, #tpu.memory_space<vmem>>) target_semaphore(%arg22 : memref<!tpu.dma_semaphore, #tpu.memory_space<semaphore_mem>>)
        %dma_start3A_315 = arith.constant 1 : i32
        %dma_start3A_316 = tpu.memref_slice %arg2[%dma_start3A_315, %add3A_309] : memref<2x6400000xi32, #tpu.memory_space<hbm>> -> memref<1x2048xi32, #tpu.memory_space<hbm>>
        %dma_start3A_317 = tpu.memref_squeeze %dma_start3A_316 : memref<1x2048xi32, #tpu.memory_space<hbm>> -> memref<2048xi32, #tpu.memory_space<hbm>>
        %dma_start3A_318 = tpu.memref_slice %arg2[%dma_start3A_315, %add3A_309] : memref<2x6400000xi32, #tpu.memory_space<hbm>> -> memref<1x2048xi32, #tpu.memory_space<hbm>>
        %dma_start3A_319 = tpu.memref_squeeze %dma_start3A_318 : memref<1x2048xi32, #tpu.memory_space<hbm>> -> memref<2048xi32, #tpu.memory_space<hbm>>
        tpu.enqueue_dma source(%dma_start3A_319 : memref<2048xi32, #tpu.memory_space<hbm>>) target(%arg12 : memref<2048xi32, #tpu.memory_space<vmem>>) target_semaphore(%arg22 : memref<!tpu.dma_semaphore, #tpu.memory_space<semaphore_mem>>)
      } else {
      }
      %dma_start3A_234 = arith.constant 0 : i32
      %dma_start3A_235 = tpu.memref_slice %arg18[%dma_start3A_234] : memref<100352xf32, #tpu.memory_space<vmem_shared>> -> memref<100352xf32, #tpu.memory_space<vmem_shared>>
      tpu.enqueue_indirect_dma source(%arg14 : memref<2048xf32, #tpu.memory_space<vmem>>) target(%dma_start3A_235 : memref<100352xf32, #tpu.memory_space<vmem_shared>>) offsets(%arg10 : memref<2048xi32, #tpu.memory_space<vmem>>) semaphore(%arg24 : memref<!tpu.dma_semaphore, #tpu.memory_space<semaphore_mem>>) {add = true}
      %mul3A_236 = arith.constant 4 : i32
      %mul3A_237 = arith.muli %while3A_168, %mul3A_236 : i32
      %add3A_238 = arith.constant 2 : i32
      %add3A_239 = arith.addi %mul3A_237, %add3A_238 : i32
      %dma_wait3A_240 = arith.constant 0 : i32
      %dma_wait3A_241 = arith.constant 0 : i32
      %dma_wait3A_242 = tpu.memref_slice %arg2[%dma_wait3A_240, %dma_wait3A_241] : memref<2x6400000xi32, #tpu.memory_space<hbm>> -> memref<1x2048xi32, #tpu.memory_space<hbm>>
      %dma_wait3A_243 = tpu.memref_squeeze %dma_wait3A_242 : memref<1x2048xi32, #tpu.memory_space<hbm>> -> memref<2048xi32, #tpu.memory_space<hbm>>
      %dma_wait3A_244 = arith.constant 0 : i32
      %dma_wait3A_245 = tpu.memref_slice %arg2[%dma_wait3A_240, %dma_wait3A_244] : memref<2x6400000xi32, #tpu.memory_space<hbm>> -> memref<1x2048xi32, #tpu.memory_space<hbm>>
      %dma_wait3A_246 = tpu.memref_squeeze %dma_wait3A_245 : memref<1x2048xi32, #tpu.memory_space<hbm>> -> memref<2048xi32, #tpu.memory_space<hbm>>
      tpu.wait_dma2 semaphore(%arg21 : memref<!tpu.dma_semaphore, #tpu.memory_space<semaphore_mem>>) src(%dma_wait3A_246 : memref<2048xi32, #tpu.memory_space<hbm>>) dst(%arg7 : memref<2048xi32, #tpu.memory_space<vmem>>)
      %dma_wait3A_247 = arith.constant 1 : i32
      %dma_wait3A_248 = arith.constant 0 : i32
      %dma_wait3A_249 = tpu.memref_slice %arg2[%dma_wait3A_247, %dma_wait3A_248] : memref<2x6400000xi32, #tpu.memory_space<hbm>> -> memref<1x2048xi32, #tpu.memory_space<hbm>>
      %dma_wait3A_250 = tpu.memref_squeeze %dma_wait3A_249 : memref<1x2048xi32, #tpu.memory_space<hbm>> -> memref<2048xi32, #tpu.memory_space<hbm>>
      %dma_wait3A_251 = arith.constant 0 : i32
      %dma_wait3A_252 = tpu.memref_slice %arg2[%dma_wait3A_247, %dma_wait3A_251] : memref<2x6400000xi32, #tpu.memory_space<hbm>> -> memref<1x2048xi32, #tpu.memory_space<hbm>>
      %dma_wait3A_253 = tpu.memref_squeeze %dma_wait3A_252 : memref<1x2048xi32, #tpu.memory_space<hbm>> -> memref<2048xi32, #tpu.memory_space<hbm>>
      tpu.wait_dma2 semaphore(%arg21 : memref<!tpu.dma_semaphore, #tpu.memory_space<semaphore_mem>>) src(%dma_wait3A_253 : memref<2048xi32, #tpu.memory_space<hbm>>) dst(%arg11 : memref<2048xi32, #tpu.memory_space<vmem>>)
      %parallel_loop3A_254 = arith.constant 0 : i32
      %parallel_loop3A_255 = arith.constant 128 : i32
      %parallel_loop3A_256 = arith.constant 1 : i32
      scf.for %parallel_loop3A_305 = %parallel_loop3A_254 to %parallel_loop3A_255 step %parallel_loop3A_256  : i32 {
        %parallel_loop3A_306 = arith.constant 16 : i32
        %parallel_loop3A_307 = arith.muli %parallel_loop3A_305, %parallel_loop3A_306 : i32
        %parallel_loop3A_308 = arith.index_cast %parallel_loop3A_307 : i32 to index
        %parallel_loop3A_309 = tpu.vector_load %arg7[%parallel_loop3A_308] {strides = array<i32>} : memref<2048xi32, #tpu.memory_space<vmem>>, vector<16xi32>,
        %parallel_loop3A_310 = tpu.vector_load_idx %arg17[%parallel_loop3A_309] : memref<100000xf32, #tpu.memory_space<vmem>>[vector<16xi32>], vector<16xf32>,
        %parallel_loop3A_311 = arith.index_cast %parallel_loop3A_307 : i32 to index
        %parallel_loop3A_312 = tpu.vector_load %arg15[%parallel_loop3A_311] {strides = array<i32>} : memref<2048xf32, #tpu.memory_space<vmem>>, vector<16xf32>,
        tpu.vector_store %arg15[%parallel_loop3A_311], %parallel_loop3A_310 {strides = array<i32>} : memref<2048xf32, #tpu.memory_space<vmem>>, vector<16xf32>,
      } {sc.loop_unroll_factor = 8 : i64, sc.parallel_access}
      %ge3A_257 = arith.constant 2 : i32
      %ge3A_258 = arith.cmpi sge, %add3A_239, %ge3A_257 : i32
      %convert_element_type3A_259 = arith.extui %ge3A_258 : i1 to i32
      %cond3A_260 = arith.constant 0 : i32
      %cond3A_261 = arith.cmpi ne, %convert_element_type3A_259, %cond3A_260 : i32
      scf.if %cond3A_261 {
        %dma_wait3A_305 = arith.constant 0 : i32
        %dma_wait3A_306 = tpu.memref_slice %arg18[%dma_wait3A_305] : memref<100352xf32, #tpu.memory_space<vmem_shared>> -> memref<100352xf32, #tpu.memory_space<vmem_shared>>
        tpu.wait_indirect_dma semaphore(%arg23 : memref<!tpu.dma_semaphore, #tpu.memory_space<semaphore_mem>>) src(%arg13 : memref<2048xf32, #tpu.memory_space<vmem>>) dst(%dma_wait3A_306 : memref<100352xf32, #tpu.memory_space<vmem_shared>>)
      } else {
      }
      %add3A_262 = arith.constant 2 : i32
      %add3A_263 = arith.addi %add3A_239, %add3A_262 : i32
      %lt3A_264 = arith.cmpi slt, %add3A_263, %select_n3A : i32
      %convert_element_type3A_265 = arith.extui %lt3A_264 : i1 to i32
      %cond3A_266 = arith.constant 0 : i32
      %cond3A_267 = arith.cmpi ne, %convert_element_type3A_265, %cond3A_266 : i32
      scf.if %cond3A_267 {
        %add3A_305 = arith.constant 2 : i32
        %add3A_306 = arith.addi %add3A_239, %add3A_305 : i32
        %mul3A_307 = arith.constant 2048 : i32
        %mul3A_308 = arith.muli %add3A_306, %mul3A_307 : i32
        %add3A_309 = arith.addi %mul3A_2, %mul3A_308 : i32
        %dma_start3A_310 = arith.constant 0 : i32
        %dma_start3A_311 = tpu.memref_slice %arg2[%dma_start3A_310, %add3A_309] : memref<2x6400000xi32, #tpu.memory_space<hbm>> -> memref<1x2048xi32, #tpu.memory_space<hbm>>
        %dma_start3A_312 = tpu.memref_squeeze %dma_start3A_311 : memref<1x2048xi32, #tpu.memory_space<hbm>> -> memref<2048xi32, #tpu.memory_space<hbm>>
        %dma_start3A_313 = tpu.memref_slice %arg2[%dma_start3A_310, %add3A_309] : memref<2x6400000xi32, #tpu.memory_space<hbm>> -> memref<1x2048xi32, #tpu.memory_space<hbm>>
        %dma_start3A_314 = tpu.memref_squeeze %dma_start3A_313 : memref<1x2048xi32, #tpu.memory_space<hbm>> -> memref<2048xi32, #tpu.memory_space<hbm>>
        tpu.enqueue_dma source(%dma_start3A_314 : memref<2048xi32, #tpu.memory_space<hbm>>) target(%arg5 : memref<2048xi32, #tpu.memory_space<vmem>>) target_semaphore(%arg19 : memref<!tpu.dma_semaphore, #tpu.memory_space<semaphore_mem>>)
        %dma_start3A_315 = arith.constant 1 : i32
        %dma_start3A_316 = tpu.memref_slice %arg2[%dma_start3A_315, %add3A_309] : memref<2x6400000xi32, #tpu.memory_space<hbm>> -> memref<1x2048xi32, #tpu.memory_space<hbm>>
        %dma_start3A_317 = tpu.memref_squeeze %dma_start3A_316 : memref<1x2048xi32, #tpu.memory_space<hbm>> -> memref<2048xi32, #tpu.memory_space<hbm>>
        %dma_start3A_318 = tpu.memref_slice %arg2[%dma_start3A_315, %add3A_309] : memref<2x6400000xi32, #tpu.memory_space<hbm>> -> memref<1x2048xi32, #tpu.memory_space<hbm>>
        %dma_start3A_319 = tpu.memref_squeeze %dma_start3A_318 : memref<1x2048xi32, #tpu.memory_space<hbm>> -> memref<2048xi32, #tpu.memory_space<hbm>>
        tpu.enqueue_dma source(%dma_start3A_319 : memref<2048xi32, #tpu.memory_space<hbm>>) target(%arg9 : memref<2048xi32, #tpu.memory_space<vmem>>) target_semaphore(%arg19 : memref<!tpu.dma_semaphore, #tpu.memory_space<semaphore_mem>>)
      } else {
      }
      %dma_start3A_268 = arith.constant 0 : i32
      %dma_start3A_269 = tpu.memref_slice %arg18[%dma_start3A_268] : memref<100352xf32, #tpu.memory_space<vmem_shared>> -> memref<100352xf32, #tpu.memory_space<vmem_shared>>
      tpu.enqueue_indirect_dma source(%arg15 : memref<2048xf32, #tpu.memory_space<vmem>>) target(%dma_start3A_269 : memref<100352xf32, #tpu.memory_space<vmem_shared>>) offsets(%arg11 : memref<2048xi32, #tpu.memory_space<vmem>>) semaphore(%arg25 : memref<!tpu.dma_semaphore, #tpu.memory_space<semaphore_mem>>) {add = true}
      %mul3A_270 = arith.constant 4 : i32
      %mul3A_271 = arith.muli %while3A_168, %mul3A_270 : i32
      %add3A_272 = arith.constant 3 : i32
      %add3A_273 = arith.addi %mul3A_271, %add3A_272 : i32
      %dma_wait3A_274 = arith.constant 0 : i32
      %dma_wait3A_275 = arith.constant 0 : i32
      %dma_wait3A_276 = tpu.memref_slice %arg2[%dma_wait3A_274, %dma_wait3A_275] : memref<2x6400000xi32, #tpu.memory_space<hbm>> -> memref<1x2048xi32, #tpu.memory_space<hbm>>
      %dma_wait3A_277 = tpu.memref_squeeze %dma_wait3A_276 : memref<1x2048xi32, #tpu.memory_space<hbm>> -> memref<2048xi32, #tpu.memory_space<hbm>>
      %dma_wait3A_278 = arith.constant 0 : i32
      %dma_wait3A_279 = tpu.memref_slice %arg2[%dma_wait3A_274, %dma_wait3A_278] : memref<2x6400000xi32, #tpu.memory_space<hbm>> -> memref<1x2048xi32, #tpu.memory_space<hbm>>
      %dma_wait3A_280 = tpu.memref_squeeze %dma_wait3A_279 : memref<1x2048xi32, #tpu.memory_space<hbm>> -> memref<2048xi32, #tpu.memory_space<hbm>>
      tpu.wait_dma2 semaphore(%arg22 : memref<!tpu.dma_semaphore, #tpu.memory_space<semaphore_mem>>) src(%dma_wait3A_280 : memref<2048xi32, #tpu.memory_space<hbm>>) dst(%arg8 : memref<2048xi32, #tpu.memory_space<vmem>>)
      %dma_wait3A_281 = arith.constant 1 : i32
      %dma_wait3A_282 = arith.constant 0 : i32
      %dma_wait3A_283 = tpu.memref_slice %arg2[%dma_wait3A_281, %dma_wait3A_282] : memref<2x6400000xi32, #tpu.memory_space<hbm>> -> memref<1x2048xi32, #tpu.memory_space<hbm>>
      %dma_wait3A_284 = tpu.memref_squeeze %dma_wait3A_283 : memref<1x2048xi32, #tpu.memory_space<hbm>> -> memref<2048xi32, #tpu.memory_space<hbm>>
      %dma_wait3A_285 = arith.constant 0 : i32
      %dma_wait3A_286 = tpu.memref_slice %arg2[%dma_wait3A_281, %dma_wait3A_285] : memref<2x6400000xi32, #tpu.memory_space<hbm>> -> memref<1x2048xi32, #tpu.memory_space<hbm>>
      %dma_wait3A_287 = tpu.memref_squeeze %dma_wait3A_286 : memref<1x2048xi32, #tpu.memory_space<hbm>> -> memref<2048xi32, #tpu.memory_space<hbm>>
      tpu.wait_dma2 semaphore(%arg22 : memref<!tpu.dma_semaphore, #tpu.memory_space<semaphore_mem>>) src(%dma_wait3A_287 : memref<2048xi32, #tpu.memory_space<hbm>>) dst(%arg12 : memref<2048xi32, #tpu.memory_space<vmem>>)
      %parallel_loop3A_288 = arith.constant 0 : i32
      %parallel_loop3A_289 = arith.constant 128 : i32
      %parallel_loop3A_290 = arith.constant 1 : i32
      scf.for %parallel_loop3A_305 = %parallel_loop3A_288 to %parallel_loop3A_289 step %parallel_loop3A_290  : i32 {
        %parallel_loop3A_306 = arith.constant 16 : i32
        %parallel_loop3A_307 = arith.muli %parallel_loop3A_305, %parallel_loop3A_306 : i32
        %parallel_loop3A_308 = arith.index_cast %parallel_loop3A_307 : i32 to index
        %parallel_loop3A_309 = tpu.vector_load %arg8[%parallel_loop3A_308] {strides = array<i32>} : memref<2048xi32, #tpu.memory_space<vmem>>, vector<16xi32>,
        %parallel_loop3A_310 = tpu.vector_load_idx %arg17[%parallel_loop3A_309] : memref<100000xf32, #tpu.memory_space<vmem>>[vector<16xi32>], vector<16xf32>,
        %parallel_loop3A_311 = arith.index_cast %parallel_loop3A_307 : i32 to index
        %parallel_loop3A_312 = tpu.vector_load %arg16[%parallel_loop3A_311] {strides = array<i32>} : memref<2048xf32, #tpu.memory_space<vmem>>, vector<16xf32>,
        tpu.vector_store %arg16[%parallel_loop3A_311], %parallel_loop3A_310 {strides = array<i32>} : memref<2048xf32, #tpu.memory_space<vmem>>, vector<16xf32>,
      } {sc.loop_unroll_factor = 8 : i64, sc.parallel_access}
      %ge3A_291 = arith.constant 2 : i32
      %ge3A_292 = arith.cmpi sge, %add3A_273, %ge3A_291 : i32
      %convert_element_type3A_293 = arith.extui %ge3A_292 : i1 to i32
      %cond3A_294 = arith.constant 0 : i32
      %cond3A_295 = arith.cmpi ne, %convert_element_type3A_293, %cond3A_294 : i32
      scf.if %cond3A_295 {
        %dma_wait3A_305 = arith.constant 0 : i32
        %dma_wait3A_306 = tpu.memref_slice %arg18[%dma_wait3A_305] : memref<100352xf32, #tpu.memory_space<vmem_shared>> -> memref<100352xf32, #tpu.memory_space<vmem_shared>>
        tpu.wait_indirect_dma semaphore(%arg24 : memref<!tpu.dma_semaphore, #tpu.memory_space<semaphore_mem>>) src(%arg14 : memref<2048xf32, #tpu.memory_space<vmem>>) dst(%dma_wait3A_306 : memref<100352xf32, #tpu.memory_space<vmem_shared>>)
      } else {
      }
      %add3A_296 = arith.constant 2 : i32
      %add3A_297 = arith.addi %add3A_273, %add3A_296 : i32
      %lt3A_298 = arith.cmpi slt, %add3A_297, %select_n3A : i32
      %convert_element_type3A_299 = arith.extui %lt3A_298 : i1 to i32
      %cond3A_300 = arith.constant 0 : i32
      %cond3A_301 = arith.cmpi ne, %convert_element_type3A_299, %cond3A_300 : i32
      scf.if %cond3A_301 {
        %add3A_305 = arith.constant 2 : i32
        %add3A_306 = arith.addi %add3A_273, %add3A_305 : i32
        %mul3A_307 = arith.constant 2048 : i32
        %mul3A_308 = arith.muli %add3A_306, %mul3A_307 : i32
        %add3A_309 = arith.addi %mul3A_2, %mul3A_308 : i32
        %dma_start3A_310 = arith.constant 0 : i32
        %dma_start3A_311 = tpu.memref_slice %arg2[%dma_start3A_310, %add3A_309] : memref<2x6400000xi32, #tpu.memory_space<hbm>> -> memref<1x2048xi32, #tpu.memory_space<hbm>>
        %dma_start3A_312 = tpu.memref_squeeze %dma_start3A_311 : memref<1x2048xi32, #tpu.memory_space<hbm>> -> memref<2048xi32, #tpu.memory_space<hbm>>
        %dma_start3A_313 = tpu.memref_slice %arg2[%dma_start3A_310, %add3A_309] : memref<2x6400000xi32, #tpu.memory_space<hbm>> -> memref<1x2048xi32, #tpu.memory_space<hbm>>
        %dma_start3A_314 = tpu.memref_squeeze %dma_start3A_313 : memref<1x2048xi32, #tpu.memory_space<hbm>> -> memref<2048xi32, #tpu.memory_space<hbm>>
        tpu.enqueue_dma source(%dma_start3A_314 : memref<2048xi32, #tpu.memory_space<hbm>>) target(%arg6 : memref<2048xi32, #tpu.memory_space<vmem>>) target_semaphore(%arg20 : memref<!tpu.dma_semaphore, #tpu.memory_space<semaphore_mem>>)
        %dma_start3A_315 = arith.constant 1 : i32
        %dma_start3A_316 = tpu.memref_slice %arg2[%dma_start3A_315, %add3A_309] : memref<2x6400000xi32, #tpu.memory_space<hbm>> -> memref<1x2048xi32, #tpu.memory_space<hbm>>
        %dma_start3A_317 = tpu.memref_squeeze %dma_start3A_316 : memref<1x2048xi32, #tpu.memory_space<hbm>> -> memref<2048xi32, #tpu.memory_space<hbm>>
        %dma_start3A_318 = tpu.memref_slice %arg2[%dma_start3A_315, %add3A_309] : memref<2x6400000xi32, #tpu.memory_space<hbm>> -> memref<1x2048xi32, #tpu.memory_space<hbm>>
        %dma_start3A_319 = tpu.memref_squeeze %dma_start3A_318 : memref<1x2048xi32, #tpu.memory_space<hbm>> -> memref<2048xi32, #tpu.memory_space<hbm>>
        tpu.enqueue_dma source(%dma_start3A_319 : memref<2048xi32, #tpu.memory_space<hbm>>) target(%arg10 : memref<2048xi32, #tpu.memory_space<vmem>>) target_semaphore(%arg20 : memref<!tpu.dma_semaphore, #tpu.memory_space<semaphore_mem>>)
      } else {
      }
      %dma_start3A_302 = arith.constant 0 : i32
      %dma_start3A_303 = tpu.memref_slice %arg18[%dma_start3A_302] : memref<100352xf32, #tpu.memory_space<vmem_shared>> -> memref<100352xf32, #tpu.memory_space<vmem_shared>>
      tpu.enqueue_indirect_dma source(%arg16 : memref<2048xf32, #tpu.memory_space<vmem>>) target(%dma_start3A_303 : memref<100352xf32, #tpu.memory_space<vmem_shared>>) offsets(%arg12 : memref<2048xi32, #tpu.memory_space<vmem>>) semaphore(%arg26 : memref<!tpu.dma_semaphore, #tpu.memory_space<semaphore_mem>>) {add = true}
      %while3A_304 = arith.constant 0 : i32
      scf.yield %while3A_304 : i32
    }
    %jit3A_80 = arith.constant 4 : i32
    %eq3A_81 = arith.constant 0 : i32
    %eq3A_82 = arith.cmpi eq, %jit3A_80, %eq3A_81 : i32
    %jit3A_83 = arith.constant 1 : i32
    %select_n3A_84 = arith.select %eq3A_82, %jit3A_83, %jit3A_80 : i32
    %rem3A_85 = arith.remsi %select_n3A, %select_n3A_84 : i32
    %ne3A_86 = arith.constant 0 : i32
    %ne3A_87 = arith.cmpi ne, %rem3A_85, %ne3A_86 : i32
    %lt3A = arith.constant 0 : i32
    %lt3A_88 = arith.cmpi slt, %rem3A_85, %lt3A : i32
    %lt3A_89 = arith.constant 0 : i32
    %lt3A_90 = arith.cmpi slt, %select_n3A_84, %lt3A_89 : i32
    %ne3A_91 = arith.xori %lt3A_88, %lt3A_90 : i1
    %and3A_92 = arith.andi %ne3A_91, %ne3A_87 : i1
    %add3A_93 = arith.addi %rem3A_85, %select_n3A_84 : i32
    %select_n3A_94 = arith.select %and3A_92, %add3A_93, %rem3A_85 : i32
    %gt3A = arith.constant 0 : i32
    %gt3A_95 = arith.cmpi sgt, %select_n3A_94, %gt3A : i32
    %convert_element_type3A = arith.extui %gt3A_95 : i1 to i32
    %cond3A = arith.constant 0 : i32
    %cond3A_96 = arith.cmpi ne, %convert_element_type3A, %cond3A : i32
    scf.if %cond3A_96 {
      %jit3A_168 = arith.constant 4 : i32
      %div3A_169 = arith.divsi %select_n3A, %jit3A_168 : i32
      %sign3A_170 = arith.constant 0 : i32
      %sign3A_171 = arith.cmpi sgt, %select_n3A, %sign3A_170 : i32
      %sign3A_172 = arith.extui %sign3A_171 : i1 to i32
      %sign3A_173 = arith.constant 0 : i32
      %sign3A_174 = arith.cmpi slt, %select_n3A, %sign3A_173 : i32
      %sign3A_175 = arith.extui %sign3A_174 : i1 to i32
      %sign3A_176 = arith.subi %sign3A_172, %sign3A_175 : i32
      %sign3A_177 = arith.constant 0 : i32
      %sign3A_178 = arith.cmpi sgt, %jit3A_168, %sign3A_177 : i32
      %sign3A_179 = arith.extui %sign3A_178 : i1 to i32
      %sign3A_180 = arith.constant 0 : i32
      %sign3A_181 = arith.cmpi slt, %jit3A_168, %sign3A_180 : i32
      %sign3A_182 = arith.extui %sign3A_181 : i1 to i32
      %sign3A_183 = arith.subi %sign3A_179, %sign3A_182 : i32
      %ne3A_184 = arith.cmpi ne, %sign3A_176, %sign3A_183 : i32
      %rem3A_185 = arith.remsi %select_n3A, %jit3A_168 : i32
      %ne3A_186 = arith.constant 0 : i32
      %ne3A_187 = arith.cmpi ne, %rem3A_185, %ne3A_186 : i32
      %and3A_188 = arith.andi %ne3A_184, %ne3A_187 : i1
      %sub3A_189 = arith.constant 1 : i32
      %sub3A_190 = arith.subi %div3A_169, %sub3A_189 : i32
      %select_n3A_191 = arith.select %and3A_188, %sub3A_190, %div3A_169 : i32
      %mul3A_192 = arith.constant 4 : i32
      %mul3A_193 = arith.muli %select_n3A_191, %mul3A_192 : i32
      %add3A_194 = arith.constant 0 : i32
      %add3A_195 = arith.addi %mul3A_193, %add3A_194 : i32
      %dma_wait3A_196 = arith.constant 0 : i32
      %dma_wait3A_197 = arith.constant 0 : i32
      %dma_wait3A_198 = tpu.memref_slice %arg2[%dma_wait3A_196, %dma_wait3A_197] : memref<2x6400000xi32, #tpu.memory_space<hbm>> -> memref<1x2048xi32, #tpu.memory_space<hbm>>
      %dma_wait3A_199 = tpu.memref_squeeze %dma_wait3A_198 : memref<1x2048xi32, #tpu.memory_space<hbm>> -> memref<2048xi32, #tpu.memory_space<hbm>>
      %dma_wait3A_200 = arith.constant 0 : i32
      %dma_wait3A_201 = tpu.memref_slice %arg2[%dma_wait3A_196, %dma_wait3A_200] : memref<2x6400000xi32, #tpu.memory_space<hbm>> -> memref<1x2048xi32, #tpu.memory_space<hbm>>
      %dma_wait3A_202 = tpu.memref_squeeze %dma_wait3A_201 : memref<1x2048xi32, #tpu.memory_space<hbm>> -> memref<2048xi32, #tpu.memory_space<hbm>>
      tpu.wait_dma2 semaphore(%arg19 : memref<!tpu.dma_semaphore, #tpu.memory_space<semaphore_mem>>) src(%dma_wait3A_202 : memref<2048xi32, #tpu.memory_space<hbm>>) dst(%arg5 : memref<2048xi32, #tpu.memory_space<vmem>>)
      %dma_wait3A_203 = arith.constant 1 : i32
      %dma_wait3A_204 = arith.constant 0 : i32
      %dma_wait3A_205 = tpu.memref_slice %arg2[%dma_wait3A_203, %dma_wait3A_204] : memref<2x6400000xi32, #tpu.memory_space<hbm>> -> memref<1x2048xi32, #tpu.memory_space<hbm>>
      %dma_wait3A_206 = tpu.memref_squeeze %dma_wait3A_205 : memref<1x2048xi32, #tpu.memory_space<hbm>> -> memref<2048xi32, #tpu.memory_space<hbm>>
      %dma_wait3A_207 = arith.constant 0 : i32
      %dma_wait3A_208 = tpu.memref_slice %arg2[%dma_wait3A_203, %dma_wait3A_207] : memref<2x6400000xi32, #tpu.memory_space<hbm>> -> memref<1x2048xi32, #tpu.memory_space<hbm>>
      %dma_wait3A_209 = tpu.memref_squeeze %dma_wait3A_208 : memref<1x2048xi32, #tpu.memory_space<hbm>> -> memref<2048xi32, #tpu.memory_space<hbm>>
      tpu.wait_dma2 semaphore(%arg19 : memref<!tpu.dma_semaphore, #tpu.memory_space<semaphore_mem>>) src(%dma_wait3A_209 : memref<2048xi32, #tpu.memory_space<hbm>>) dst(%arg9 : memref<2048xi32, #tpu.memory_space<vmem>>)
      %parallel_loop3A = arith.constant 0 : i32
      %parallel_loop3A_210 = arith.constant 128 : i32
      %parallel_loop3A_211 = arith.constant 1 : i32
      scf.for %parallel_loop3A_224 = %parallel_loop3A to %parallel_loop3A_210 step %parallel_loop3A_211  : i32 {
        %parallel_loop3A_225 = arith.constant 16 : i32
        %parallel_loop3A_226 = arith.muli %parallel_loop3A_224, %parallel_loop3A_225 : i32
        %parallel_loop3A_227 = arith.index_cast %parallel_loop3A_226 : i32 to index
        %parallel_loop3A_228 = tpu.vector_load %arg5[%parallel_loop3A_227] {strides = array<i32>} : memref<2048xi32, #tpu.memory_space<vmem>>, vector<16xi32>,
        %parallel_loop3A_229 = tpu.vector_load_idx %arg17[%parallel_loop3A_228] : memref<100000xf32, #tpu.memory_space<vmem>>[vector<16xi32>], vector<16xf32>,
        %parallel_loop3A_230 = arith.index_cast %parallel_loop3A_226 : i32 to index
        %parallel_loop3A_231 = tpu.vector_load %arg13[%parallel_loop3A_230] {strides = array<i32>} : memref<2048xf32, #tpu.memory_space<vmem>>, vector<16xf32>,
        tpu.vector_store %arg13[%parallel_loop3A_230], %parallel_loop3A_229 {strides = array<i32>} : memref<2048xf32, #tpu.memory_space<vmem>>, vector<16xf32>,
      } {sc.loop_unroll_factor = 8 : i64, sc.parallel_access}
      %ge3A = arith.constant 2 : i32
      %ge3A_212 = arith.cmpi sge, %add3A_195, %ge3A : i32
      %convert_element_type3A_213 = arith.extui %ge3A_212 : i1 to i32
      %cond3A_214 = arith.constant 0 : i32
      %cond3A_215 = arith.cmpi ne, %convert_element_type3A_213, %cond3A_214 : i32
      scf.if %cond3A_215 {
        %dma_wait3A_224 = arith.constant 0 : i32
        %dma_wait3A_225 = tpu.memref_slice %arg18[%dma_wait3A_224] : memref<100352xf32, #tpu.memory_space<vmem_shared>> -> memref<100352xf32, #tpu.memory_space<vmem_shared>>
        tpu.wait_indirect_dma semaphore(%arg25 : memref<!tpu.dma_semaphore, #tpu.memory_space<semaphore_mem>>) src(%arg15 : memref<2048xf32, #tpu.memory_space<vmem>>) dst(%dma_wait3A_225 : memref<100352xf32, #tpu.memory_space<vmem_shared>>)
      } else {
      }
      %add3A_216 = arith.constant 2 : i32
      %add3A_217 = arith.addi %add3A_195, %add3A_216 : i32
      %lt3A_218 = arith.cmpi slt, %add3A_217, %select_n3A : i32
      %convert_element_type3A_219 = arith.extui %lt3A_218 : i1 to i32
      %cond3A_220 = arith.constant 0 : i32
      %cond3A_221 = arith.cmpi ne, %convert_element_type3A_219, %cond3A_220 : i32
      scf.if %cond3A_221 {
        %add3A_224 = arith.constant 2 : i32
        %add3A_225 = arith.addi %add3A_195, %add3A_224 : i32
        %mul3A_226 = arith.constant 2048 : i32
        %mul3A_227 = arith.muli %add3A_225, %mul3A_226 : i32
        %add3A_228 = arith.addi %mul3A_2, %mul3A_227 : i32
        %dma_start3A_229 = arith.constant 0 : i32
        %dma_start3A_230 = tpu.memref_slice %arg2[%dma_start3A_229, %add3A_228] : memref<2x6400000xi32, #tpu.memory_space<hbm>> -> memref<1x2048xi32, #tpu.memory_space<hbm>>
        %dma_start3A_231 = tpu.memref_squeeze %dma_start3A_230 : memref<1x2048xi32, #tpu.memory_space<hbm>> -> memref<2048xi32, #tpu.memory_space<hbm>>
        %dma_start3A_232 = tpu.memref_slice %arg2[%dma_start3A_229, %add3A_228] : memref<2x6400000xi32, #tpu.memory_space<hbm>> -> memref<1x2048xi32, #tpu.memory_space<hbm>>
        %dma_start3A_233 = tpu.memref_squeeze %dma_start3A_232 : memref<1x2048xi32, #tpu.memory_space<hbm>> -> memref<2048xi32, #tpu.memory_space<hbm>>
        tpu.enqueue_dma source(%dma_start3A_233 : memref<2048xi32, #tpu.memory_space<hbm>>) target(%arg7 : memref<2048xi32, #tpu.memory_space<vmem>>) target_semaphore(%arg21 : memref<!tpu.dma_semaphore, #tpu.memory_space<semaphore_mem>>)
        %dma_start3A_234 = arith.constant 1 : i32
        %dma_start3A_235 = tpu.memref_slice %arg2[%dma_start3A_234, %add3A_228] : memref<2x6400000xi32, #tpu.memory_space<hbm>> -> memref<1x2048xi32, #tpu.memory_space<hbm>>
        %dma_start3A_236 = tpu.memref_squeeze %dma_start3A_235 : memref<1x2048xi32, #tpu.memory_space<hbm>> -> memref<2048xi32, #tpu.memory_space<hbm>>
        %dma_start3A_237 = tpu.memref_slice %arg2[%dma_start3A_234, %add3A_228] : memref<2x6400000xi32, #tpu.memory_space<hbm>> -> memref<1x2048xi32, #tpu.memory_space<hbm>>
        %dma_start3A_238 = tpu.memref_squeeze %dma_start3A_237 : memref<1x2048xi32, #tpu.memory_space<hbm>> -> memref<2048xi32, #tpu.memory_space<hbm>>
        tpu.enqueue_dma source(%dma_start3A_238 : memref<2048xi32, #tpu.memory_space<hbm>>) target(%arg11 : memref<2048xi32, #tpu.memory_space<vmem>>) target_semaphore(%arg21 : memref<!tpu.dma_semaphore, #tpu.memory_space<semaphore_mem>>)
      } else {
      }
      %dma_start3A_222 = arith.constant 0 : i32
      %dma_start3A_223 = tpu.memref_slice %arg18[%dma_start3A_222] : memref<100352xf32, #tpu.memory_space<vmem_shared>> -> memref<100352xf32, #tpu.memory_space<vmem_shared>>
      tpu.enqueue_indirect_dma source(%arg13 : memref<2048xf32, #tpu.memory_space<vmem>>) target(%dma_start3A_223 : memref<100352xf32, #tpu.memory_space<vmem_shared>>) offsets(%arg9 : memref<2048xi32, #tpu.memory_space<vmem>>) semaphore(%arg23 : memref<!tpu.dma_semaphore, #tpu.memory_space<semaphore_mem>>) {add = true}
    } else {
    }
    %jit3A_97 = arith.constant 4 : i32
    %eq3A_98 = arith.constant 0 : i32
    %eq3A_99 = arith.cmpi eq, %jit3A_97, %eq3A_98 : i32
    %jit3A_100 = arith.constant 1 : i32
    %select_n3A_101 = arith.select %eq3A_99, %jit3A_100, %jit3A_97 : i32
    %rem3A_102 = arith.remsi %select_n3A, %select_n3A_101 : i32
    %ne3A_103 = arith.constant 0 : i32
    %ne3A_104 = arith.cmpi ne, %rem3A_102, %ne3A_103 : i32
    %lt3A_105 = arith.constant 0 : i32
    %lt3A_106 = arith.cmpi slt, %rem3A_102, %lt3A_105 : i32
    %lt3A_107 = arith.constant 0 : i32
    %lt3A_108 = arith.cmpi slt, %select_n3A_101, %lt3A_107 : i32
    %ne3A_109 = arith.xori %lt3A_106, %lt3A_108 : i1
    %and3A_110 = arith.andi %ne3A_109, %ne3A_104 : i1
    %add3A_111 = arith.addi %rem3A_102, %select_n3A_101 : i32
    %select_n3A_112 = arith.select %and3A_110, %add3A_111, %rem3A_102 : i32
    %gt3A_113 = arith.constant 1 : i32
    %gt3A_114 = arith.cmpi sgt, %select_n3A_112, %gt3A_113 : i32
    %convert_element_type3A_115 = arith.extui %gt3A_114 : i1 to i32
    %cond3A_116 = arith.constant 0 : i32
    %cond3A_117 = arith.cmpi ne, %convert_element_type3A_115, %cond3A_116 : i32
    scf.if %cond3A_117 {
      %jit3A_168 = arith.constant 4 : i32
      %div3A_169 = arith.divsi %select_n3A, %jit3A_168 : i32
      %sign3A_170 = arith.constant 0 : i32
      %sign3A_171 = arith.cmpi sgt, %select_n3A, %sign3A_170 : i32
      %sign3A_172 = arith.extui %sign3A_171 : i1 to i32
      %sign3A_173 = arith.constant 0 : i32
      %sign3A_174 = arith.cmpi slt, %select_n3A, %sign3A_173 : i32
      %sign3A_175 = arith.extui %sign3A_174 : i1 to i32
      %sign3A_176 = arith.subi %sign3A_172, %sign3A_175 : i32
      %sign3A_177 = arith.constant 0 : i32
      %sign3A_178 = arith.cmpi sgt, %jit3A_168, %sign3A_177 : i32
      %sign3A_179 = arith.extui %sign3A_178 : i1 to i32
      %sign3A_180 = arith.constant 0 : i32
      %sign3A_181 = arith.cmpi slt, %jit3A_168, %sign3A_180 : i32
      %sign3A_182 = arith.extui %sign3A_181 : i1 to i32
      %sign3A_183 = arith.subi %sign3A_179, %sign3A_182 : i32
      %ne3A_184 = arith.cmpi ne, %sign3A_176, %sign3A_183 : i32
      %rem3A_185 = arith.remsi %select_n3A, %jit3A_168 : i32
      %ne3A_186 = arith.constant 0 : i32
      %ne3A_187 = arith.cmpi ne, %rem3A_185, %ne3A_186 : i32
      %and3A_188 = arith.andi %ne3A_184, %ne3A_187 : i1
      %sub3A_189 = arith.constant 1 : i32
      %sub3A_190 = arith.subi %div3A_169, %sub3A_189 : i32
      %select_n3A_191 = arith.select %and3A_188, %sub3A_190, %div3A_169 : i32
      %mul3A_192 = arith.constant 4 : i32
      %mul3A_193 = arith.muli %select_n3A_191, %mul3A_192 : i32
      %add3A_194 = arith.constant 1 : i32
      %add3A_195 = arith.addi %mul3A_193, %add3A_194 : i32
      %dma_wait3A_196 = arith.constant 0 : i32
      %dma_wait3A_197 = arith.constant 0 : i32
      %dma_wait3A_198 = tpu.memref_slice %arg2[%dma_wait3A_196, %dma_wait3A_197] : memref<2x6400000xi32, #tpu.memory_space<hbm>> -> memref<1x2048xi32, #tpu.memory_space<hbm>>
      %dma_wait3A_199 = tpu.memref_squeeze %dma_wait3A_198 : memref<1x2048xi32, #tpu.memory_space<hbm>> -> memref<2048xi32, #tpu.memory_space<hbm>>
      %dma_wait3A_200 = arith.constant 0 : i32
      %dma_wait3A_201 = tpu.memref_slice %arg2[%dma_wait3A_196, %dma_wait3A_200] : memref<2x6400000xi32, #tpu.memory_space<hbm>> -> memref<1x2048xi32, #tpu.memory_space<hbm>>
      %dma_wait3A_202 = tpu.memref_squeeze %dma_wait3A_201 : memref<1x2048xi32, #tpu.memory_space<hbm>> -> memref<2048xi32, #tpu.memory_space<hbm>>
      tpu.wait_dma2 semaphore(%arg20 : memref<!tpu.dma_semaphore, #tpu.memory_space<semaphore_mem>>) src(%dma_wait3A_202 : memref<2048xi32, #tpu.memory_space<hbm>>) dst(%arg6 : memref<2048xi32, #tpu.memory_space<vmem>>)
      %dma_wait3A_203 = arith.constant 1 : i32
      %dma_wait3A_204 = arith.constant 0 : i32
      %dma_wait3A_205 = tpu.memref_slice %arg2[%dma_wait3A_203, %dma_wait3A_204] : memref<2x6400000xi32, #tpu.memory_space<hbm>> -> memref<1x2048xi32, #tpu.memory_space<hbm>>
      %dma_wait3A_206 = tpu.memref_squeeze %dma_wait3A_205 : memref<1x2048xi32, #tpu.memory_space<hbm>> -> memref<2048xi32, #tpu.memory_space<hbm>>
      %dma_wait3A_207 = arith.constant 0 : i32
      %dma_wait3A_208 = tpu.memref_slice %arg2[%dma_wait3A_203, %dma_wait3A_207] : memref<2x6400000xi32, #tpu.memory_space<hbm>> -> memref<1x2048xi32, #tpu.memory_space<hbm>>
      %dma_wait3A_209 = tpu.memref_squeeze %dma_wait3A_208 : memref<1x2048xi32, #tpu.memory_space<hbm>> -> memref<2048xi32, #tpu.memory_space<hbm>>
      tpu.wait_dma2 semaphore(%arg20 : memref<!tpu.dma_semaphore, #tpu.memory_space<semaphore_mem>>) src(%dma_wait3A_209 : memref<2048xi32, #tpu.memory_space<hbm>>) dst(%arg10 : memref<2048xi32, #tpu.memory_space<vmem>>)
      %parallel_loop3A = arith.constant 0 : i32
      %parallel_loop3A_210 = arith.constant 128 : i32
      %parallel_loop3A_211 = arith.constant 1 : i32
      scf.for %parallel_loop3A_224 = %parallel_loop3A to %parallel_loop3A_210 step %parallel_loop3A_211  : i32 {
        %parallel_loop3A_225 = arith.constant 16 : i32
        %parallel_loop3A_226 = arith.muli %parallel_loop3A_224, %parallel_loop3A_225 : i32
        %parallel_loop3A_227 = arith.index_cast %parallel_loop3A_226 : i32 to index
        %parallel_loop3A_228 = tpu.vector_load %arg6[%parallel_loop3A_227] {strides = array<i32>} : memref<2048xi32, #tpu.memory_space<vmem>>, vector<16xi32>,
        %parallel_loop3A_229 = tpu.vector_load_idx %arg17[%parallel_loop3A_228] : memref<100000xf32, #tpu.memory_space<vmem>>[vector<16xi32>], vector<16xf32>,
        %parallel_loop3A_230 = arith.index_cast %parallel_loop3A_226 : i32 to index
        %parallel_loop3A_231 = tpu.vector_load %arg14[%parallel_loop3A_230] {strides = array<i32>} : memref<2048xf32, #tpu.memory_space<vmem>>, vector<16xf32>,
        tpu.vector_store %arg14[%parallel_loop3A_230], %parallel_loop3A_229 {strides = array<i32>} : memref<2048xf32, #tpu.memory_space<vmem>>, vector<16xf32>,
      } {sc.loop_unroll_factor = 8 : i64, sc.parallel_access}
      %ge3A = arith.constant 2 : i32
      %ge3A_212 = arith.cmpi sge, %add3A_195, %ge3A : i32
      %convert_element_type3A_213 = arith.extui %ge3A_212 : i1 to i32
      %cond3A_214 = arith.constant 0 : i32
      %cond3A_215 = arith.cmpi ne, %convert_element_type3A_213, %cond3A_214 : i32
      scf.if %cond3A_215 {
        %dma_wait3A_224 = arith.constant 0 : i32
        %dma_wait3A_225 = tpu.memref_slice %arg18[%dma_wait3A_224] : memref<100352xf32, #tpu.memory_space<vmem_shared>> -> memref<100352xf32, #tpu.memory_space<vmem_shared>>
        tpu.wait_indirect_dma semaphore(%arg26 : memref<!tpu.dma_semaphore, #tpu.memory_space<semaphore_mem>>) src(%arg16 : memref<2048xf32, #tpu.memory_space<vmem>>) dst(%dma_wait3A_225 : memref<100352xf32, #tpu.memory_space<vmem_shared>>)
      } else {
      }
      %add3A_216 = arith.constant 2 : i32
      %add3A_217 = arith.addi %add3A_195, %add3A_216 : i32
      %lt3A_218 = arith.cmpi slt, %add3A_217, %select_n3A : i32
      %convert_element_type3A_219 = arith.extui %lt3A_218 : i1 to i32
      %cond3A_220 = arith.constant 0 : i32
      %cond3A_221 = arith.cmpi ne, %convert_element_type3A_219, %cond3A_220 : i32
      scf.if %cond3A_221 {
        %add3A_224 = arith.constant 2 : i32
        %add3A_225 = arith.addi %add3A_195, %add3A_224 : i32
        %mul3A_226 = arith.constant 2048 : i32
        %mul3A_227 = arith.muli %add3A_225, %mul3A_226 : i32
        %add3A_228 = arith.addi %mul3A_2, %mul3A_227 : i32
        %dma_start3A_229 = arith.constant 0 : i32
        %dma_start3A_230 = tpu.memref_slice %arg2[%dma_start3A_229, %add3A_228] : memref<2x6400000xi32, #tpu.memory_space<hbm>> -> memref<1x2048xi32, #tpu.memory_space<hbm>>
        %dma_start3A_231 = tpu.memref_squeeze %dma_start3A_230 : memref<1x2048xi32, #tpu.memory_space<hbm>> -> memref<2048xi32, #tpu.memory_space<hbm>>
        %dma_start3A_232 = tpu.memref_slice %arg2[%dma_start3A_229, %add3A_228] : memref<2x6400000xi32, #tpu.memory_space<hbm>> -> memref<1x2048xi32, #tpu.memory_space<hbm>>
        %dma_start3A_233 = tpu.memref_squeeze %dma_start3A_232 : memref<1x2048xi32, #tpu.memory_space<hbm>> -> memref<2048xi32, #tpu.memory_space<hbm>>
        tpu.enqueue_dma source(%dma_start3A_233 : memref<2048xi32, #tpu.memory_space<hbm>>) target(%arg8 : memref<2048xi32, #tpu.memory_space<vmem>>) target_semaphore(%arg22 : memref<!tpu.dma_semaphore, #tpu.memory_space<semaphore_mem>>)
        %dma_start3A_234 = arith.constant 1 : i32
        %dma_start3A_235 = tpu.memref_slice %arg2[%dma_start3A_234, %add3A_228] : memref<2x6400000xi32, #tpu.memory_space<hbm>> -> memref<1x2048xi32, #tpu.memory_space<hbm>>
        %dma_start3A_236 = tpu.memref_squeeze %dma_start3A_235 : memref<1x2048xi32, #tpu.memory_space<hbm>> -> memref<2048xi32, #tpu.memory_space<hbm>>
        %dma_start3A_237 = tpu.memref_slice %arg2[%dma_start3A_234, %add3A_228] : memref<2x6400000xi32, #tpu.memory_space<hbm>> -> memref<1x2048xi32, #tpu.memory_space<hbm>>
        %dma_start3A_238 = tpu.memref_squeeze %dma_start3A_237 : memref<1x2048xi32, #tpu.memory_space<hbm>> -> memref<2048xi32, #tpu.memory_space<hbm>>
        tpu.enqueue_dma source(%dma_start3A_238 : memref<2048xi32, #tpu.memory_space<hbm>>) target(%arg12 : memref<2048xi32, #tpu.memory_space<vmem>>) target_semaphore(%arg22 : memref<!tpu.dma_semaphore, #tpu.memory_space<semaphore_mem>>)
      } else {
      }
      %dma_start3A_222 = arith.constant 0 : i32
      %dma_start3A_223 = tpu.memref_slice %arg18[%dma_start3A_222] : memref<100352xf32, #tpu.memory_space<vmem_shared>> -> memref<100352xf32, #tpu.memory_space<vmem_shared>>
      tpu.enqueue_indirect_dma source(%arg14 : memref<2048xf32, #tpu.memory_space<vmem>>) target(%dma_start3A_223 : memref<100352xf32, #tpu.memory_space<vmem_shared>>) offsets(%arg10 : memref<2048xi32, #tpu.memory_space<vmem>>) semaphore(%arg24 : memref<!tpu.dma_semaphore, #tpu.memory_space<semaphore_mem>>) {add = true}
    } else {
    }
    %jit3A_118 = arith.constant 4 : i32
    %eq3A_119 = arith.constant 0 : i32
    %eq3A_120 = arith.cmpi eq, %jit3A_118, %eq3A_119 : i32
    %jit3A_121 = arith.constant 1 : i32
    %select_n3A_122 = arith.select %eq3A_120, %jit3A_121, %jit3A_118 : i32
    %rem3A_123 = arith.remsi %select_n3A, %select_n3A_122 : i32
    %ne3A_124 = arith.constant 0 : i32
    %ne3A_125 = arith.cmpi ne, %rem3A_123, %ne3A_124 : i32
    %lt3A_126 = arith.constant 0 : i32
    %lt3A_127 = arith.cmpi slt, %rem3A_123, %lt3A_126 : i32
    %lt3A_128 = arith.constant 0 : i32
    %lt3A_129 = arith.cmpi slt, %select_n3A_122, %lt3A_128 : i32
    %ne3A_130 = arith.xori %lt3A_127, %lt3A_129 : i1
    %and3A_131 = arith.andi %ne3A_130, %ne3A_125 : i1
    %add3A_132 = arith.addi %rem3A_123, %select_n3A_122 : i32
    %select_n3A_133 = arith.select %and3A_131, %add3A_132, %rem3A_123 : i32
    %gt3A_134 = arith.constant 2 : i32
    %gt3A_135 = arith.cmpi sgt, %select_n3A_133, %gt3A_134 : i32
    %convert_element_type3A_136 = arith.extui %gt3A_135 : i1 to i32
    %cond3A_137 = arith.constant 0 : i32
    %cond3A_138 = arith.cmpi ne, %convert_element_type3A_136, %cond3A_137 : i32
    scf.if %cond3A_138 {
      %jit3A_168 = arith.constant 4 : i32
      %div3A_169 = arith.divsi %select_n3A, %jit3A_168 : i32
      %sign3A_170 = arith.constant 0 : i32
      %sign3A_171 = arith.cmpi sgt, %select_n3A, %sign3A_170 : i32
      %sign3A_172 = arith.extui %sign3A_171 : i1 to i32
      %sign3A_173 = arith.constant 0 : i32
      %sign3A_174 = arith.cmpi slt, %select_n3A, %sign3A_173 : i32
      %sign3A_175 = arith.extui %sign3A_174 : i1 to i32
      %sign3A_176 = arith.subi %sign3A_172, %sign3A_175 : i32
      %sign3A_177 = arith.constant 0 : i32
      %sign3A_178 = arith.cmpi sgt, %jit3A_168, %sign3A_177 : i32
      %sign3A_179 = arith.extui %sign3A_178 : i1 to i32
      %sign3A_180 = arith.constant 0 : i32
      %sign3A_181 = arith.cmpi slt, %jit3A_168, %sign3A_180 : i32
      %sign3A_182 = arith.extui %sign3A_181 : i1 to i32
      %sign3A_183 = arith.subi %sign3A_179, %sign3A_182 : i32
      %ne3A_184 = arith.cmpi ne, %sign3A_176, %sign3A_183 : i32
      %rem3A_185 = arith.remsi %select_n3A, %jit3A_168 : i32
      %ne3A_186 = arith.constant 0 : i32
      %ne3A_187 = arith.cmpi ne, %rem3A_185, %ne3A_186 : i32
      %and3A_188 = arith.andi %ne3A_184, %ne3A_187 : i1
      %sub3A_189 = arith.constant 1 : i32
      %sub3A_190 = arith.subi %div3A_169, %sub3A_189 : i32
      %select_n3A_191 = arith.select %and3A_188, %sub3A_190, %div3A_169 : i32
      %mul3A_192 = arith.constant 4 : i32
      %mul3A_193 = arith.muli %select_n3A_191, %mul3A_192 : i32
      %add3A_194 = arith.constant 2 : i32
      %add3A_195 = arith.addi %mul3A_193, %add3A_194 : i32
      %dma_wait3A_196 = arith.constant 0 : i32
      %dma_wait3A_197 = arith.constant 0 : i32
      %dma_wait3A_198 = tpu.memref_slice %arg2[%dma_wait3A_196, %dma_wait3A_197] : memref<2x6400000xi32, #tpu.memory_space<hbm>> -> memref<1x2048xi32, #tpu.memory_space<hbm>>
      %dma_wait3A_199 = tpu.memref_squeeze %dma_wait3A_198 : memref<1x2048xi32, #tpu.memory_space<hbm>> -> memref<2048xi32, #tpu.memory_space<hbm>>
      %dma_wait3A_200 = arith.constant 0 : i32
      %dma_wait3A_201 = tpu.memref_slice %arg2[%dma_wait3A_196, %dma_wait3A_200] : memref<2x6400000xi32, #tpu.memory_space<hbm>> -> memref<1x2048xi32, #tpu.memory_space<hbm>>
      %dma_wait3A_202 = tpu.memref_squeeze %dma_wait3A_201 : memref<1x2048xi32, #tpu.memory_space<hbm>> -> memref<2048xi32, #tpu.memory_space<hbm>>
      tpu.wait_dma2 semaphore(%arg21 : memref<!tpu.dma_semaphore, #tpu.memory_space<semaphore_mem>>) src(%dma_wait3A_202 : memref<2048xi32, #tpu.memory_space<hbm>>) dst(%arg7 : memref<2048xi32, #tpu.memory_space<vmem>>)
      %dma_wait3A_203 = arith.constant 1 : i32
      %dma_wait3A_204 = arith.constant 0 : i32
      %dma_wait3A_205 = tpu.memref_slice %arg2[%dma_wait3A_203, %dma_wait3A_204] : memref<2x6400000xi32, #tpu.memory_space<hbm>> -> memref<1x2048xi32, #tpu.memory_space<hbm>>
      %dma_wait3A_206 = tpu.memref_squeeze %dma_wait3A_205 : memref<1x2048xi32, #tpu.memory_space<hbm>> -> memref<2048xi32, #tpu.memory_space<hbm>>
      %dma_wait3A_207 = arith.constant 0 : i32
      %dma_wait3A_208 = tpu.memref_slice %arg2[%dma_wait3A_203, %dma_wait3A_207] : memref<2x6400000xi32, #tpu.memory_space<hbm>> -> memref<1x2048xi32, #tpu.memory_space<hbm>>
      %dma_wait3A_209 = tpu.memref_squeeze %dma_wait3A_208 : memref<1x2048xi32, #tpu.memory_space<hbm>> -> memref<2048xi32, #tpu.memory_space<hbm>>
      tpu.wait_dma2 semaphore(%arg21 : memref<!tpu.dma_semaphore, #tpu.memory_space<semaphore_mem>>) src(%dma_wait3A_209 : memref<2048xi32, #tpu.memory_space<hbm>>) dst(%arg11 : memref<2048xi32, #tpu.memory_space<vmem>>)
      %parallel_loop3A = arith.constant 0 : i32
      %parallel_loop3A_210 = arith.constant 128 : i32
      %parallel_loop3A_211 = arith.constant 1 : i32
      scf.for %parallel_loop3A_224 = %parallel_loop3A to %parallel_loop3A_210 step %parallel_loop3A_211  : i32 {
        %parallel_loop3A_225 = arith.constant 16 : i32
        %parallel_loop3A_226 = arith.muli %parallel_loop3A_224, %parallel_loop3A_225 : i32
        %parallel_loop3A_227 = arith.index_cast %parallel_loop3A_226 : i32 to index
        %parallel_loop3A_228 = tpu.vector_load %arg7[%parallel_loop3A_227] {strides = array<i32>} : memref<2048xi32, #tpu.memory_space<vmem>>, vector<16xi32>,
        %parallel_loop3A_229 = tpu.vector_load_idx %arg17[%parallel_loop3A_228] : memref<100000xf32, #tpu.memory_space<vmem>>[vector<16xi32>], vector<16xf32>,
        %parallel_loop3A_230 = arith.index_cast %parallel_loop3A_226 : i32 to index
        %parallel_loop3A_231 = tpu.vector_load %arg15[%parallel_loop3A_230] {strides = array<i32>} : memref<2048xf32, #tpu.memory_space<vmem>>, vector<16xf32>,
        tpu.vector_store %arg15[%parallel_loop3A_230], %parallel_loop3A_229 {strides = array<i32>} : memref<2048xf32, #tpu.memory_space<vmem>>, vector<16xf32>,
      } {sc.loop_unroll_factor = 8 : i64, sc.parallel_access}
      %ge3A = arith.constant 2 : i32
      %ge3A_212 = arith.cmpi sge, %add3A_195, %ge3A : i32
      %convert_element_type3A_213 = arith.extui %ge3A_212 : i1 to i32
      %cond3A_214 = arith.constant 0 : i32
      %cond3A_215 = arith.cmpi ne, %convert_element_type3A_213, %cond3A_214 : i32
      scf.if %cond3A_215 {
        %dma_wait3A_224 = arith.constant 0 : i32
        %dma_wait3A_225 = tpu.memref_slice %arg18[%dma_wait3A_224] : memref<100352xf32, #tpu.memory_space<vmem_shared>> -> memref<100352xf32, #tpu.memory_space<vmem_shared>>
        tpu.wait_indirect_dma semaphore(%arg23 : memref<!tpu.dma_semaphore, #tpu.memory_space<semaphore_mem>>) src(%arg13 : memref<2048xf32, #tpu.memory_space<vmem>>) dst(%dma_wait3A_225 : memref<100352xf32, #tpu.memory_space<vmem_shared>>)
      } else {
      }
      %add3A_216 = arith.constant 2 : i32
      %add3A_217 = arith.addi %add3A_195, %add3A_216 : i32
      %lt3A_218 = arith.cmpi slt, %add3A_217, %select_n3A : i32
      %convert_element_type3A_219 = arith.extui %lt3A_218 : i1 to i32
      %cond3A_220 = arith.constant 0 : i32
      %cond3A_221 = arith.cmpi ne, %convert_element_type3A_219, %cond3A_220 : i32
      scf.if %cond3A_221 {
        %add3A_224 = arith.constant 2 : i32
        %add3A_225 = arith.addi %add3A_195, %add3A_224 : i32
        %mul3A_226 = arith.constant 2048 : i32
        %mul3A_227 = arith.muli %add3A_225, %mul3A_226 : i32
        %add3A_228 = arith.addi %mul3A_2, %mul3A_227 : i32
        %dma_start3A_229 = arith.constant 0 : i32
        %dma_start3A_230 = tpu.memref_slice %arg2[%dma_start3A_229, %add3A_228] : memref<2x6400000xi32, #tpu.memory_space<hbm>> -> memref<1x2048xi32, #tpu.memory_space<hbm>>
        %dma_start3A_231 = tpu.memref_squeeze %dma_start3A_230 : memref<1x2048xi32, #tpu.memory_space<hbm>> -> memref<2048xi32, #tpu.memory_space<hbm>>
        %dma_start3A_232 = tpu.memref_slice %arg2[%dma_start3A_229, %add3A_228] : memref<2x6400000xi32, #tpu.memory_space<hbm>> -> memref<1x2048xi32, #tpu.memory_space<hbm>>
        %dma_start3A_233 = tpu.memref_squeeze %dma_start3A_232 : memref<1x2048xi32, #tpu.memory_space<hbm>> -> memref<2048xi32, #tpu.memory_space<hbm>>
        tpu.enqueue_dma source(%dma_start3A_233 : memref<2048xi32, #tpu.memory_space<hbm>>) target(%arg5 : memref<2048xi32, #tpu.memory_space<vmem>>) target_semaphore(%arg19 : memref<!tpu.dma_semaphore, #tpu.memory_space<semaphore_mem>>)
        %dma_start3A_234 = arith.constant 1 : i32
        %dma_start3A_235 = tpu.memref_slice %arg2[%dma_start3A_234, %add3A_228] : memref<2x6400000xi32, #tpu.memory_space<hbm>> -> memref<1x2048xi32, #tpu.memory_space<hbm>>
        %dma_start3A_236 = tpu.memref_squeeze %dma_start3A_235 : memref<1x2048xi32, #tpu.memory_space<hbm>> -> memref<2048xi32, #tpu.memory_space<hbm>>
        %dma_start3A_237 = tpu.memref_slice %arg2[%dma_start3A_234, %add3A_228] : memref<2x6400000xi32, #tpu.memory_space<hbm>> -> memref<1x2048xi32, #tpu.memory_space<hbm>>
        %dma_start3A_238 = tpu.memref_squeeze %dma_start3A_237 : memref<1x2048xi32, #tpu.memory_space<hbm>> -> memref<2048xi32, #tpu.memory_space<hbm>>
        tpu.enqueue_dma source(%dma_start3A_238 : memref<2048xi32, #tpu.memory_space<hbm>>) target(%arg9 : memref<2048xi32, #tpu.memory_space<vmem>>) target_semaphore(%arg19 : memref<!tpu.dma_semaphore, #tpu.memory_space<semaphore_mem>>)
      } else {
      }
      %dma_start3A_222 = arith.constant 0 : i32
      %dma_start3A_223 = tpu.memref_slice %arg18[%dma_start3A_222] : memref<100352xf32, #tpu.memory_space<vmem_shared>> -> memref<100352xf32, #tpu.memory_space<vmem_shared>>
      tpu.enqueue_indirect_dma source(%arg15 : memref<2048xf32, #tpu.memory_space<vmem>>) target(%dma_start3A_223 : memref<100352xf32, #tpu.memory_space<vmem_shared>>) offsets(%arg11 : memref<2048xi32, #tpu.memory_space<vmem>>) semaphore(%arg25 : memref<!tpu.dma_semaphore, #tpu.memory_space<semaphore_mem>>) {add = true}
    } else {
    }
    %ne3A_139 = arith.constant 31 : i32
    %ne3A_140 = arith.cmpi ne, %add3A, %ne3A_139 : i32
    %convert_element_type3A_141 = arith.extui %ne3A_140 : i1 to i32
    %cond3A_142 = arith.constant 0 : i32
    %cond3A_143 = arith.cmpi ne, %convert_element_type3A_141, %cond3A_142 : i32
    scf.if %cond3A_143 {
      %dma_wait3A_168 = arith.constant 0 : i32
      %dma_wait3A_169 = tpu.memref_slice %arg18[%dma_wait3A_168] : memref<100352xf32, #tpu.memory_space<vmem_shared>> -> memref<100352xf32, #tpu.memory_space<vmem_shared>>
      tpu.wait_indirect_dma semaphore(%arg23 : memref<!tpu.dma_semaphore, #tpu.memory_space<semaphore_mem>>) src(%arg13 : memref<2048xf32, #tpu.memory_space<vmem>>) dst(%dma_wait3A_169 : memref<100352xf32, #tpu.memory_space<vmem_shared>>)
      %dma_wait3A_170 = arith.constant 0 : i32
      %dma_wait3A_171 = tpu.memref_slice %arg18[%dma_wait3A_170] : memref<100352xf32, #tpu.memory_space<vmem_shared>> -> memref<100352xf32, #tpu.memory_space<vmem_shared>>
      tpu.wait_indirect_dma semaphore(%arg24 : memref<!tpu.dma_semaphore, #tpu.memory_space<semaphore_mem>>) src(%arg14 : memref<2048xf32, #tpu.memory_space<vmem>>) dst(%dma_wait3A_171 : memref<100352xf32, #tpu.memory_space<vmem_shared>>)
    } else {
    }
    %eq3A_144 = arith.constant 31 : i32
    %eq3A_145 = arith.cmpi eq, %add3A, %eq3A_144 : i32
    %convert_element_type3A_146 = arith.extui %eq3A_145 : i1 to i32
    %cond3A_147 = arith.constant 0 : i32
    %cond3A_148 = arith.cmpi ne, %convert_element_type3A_146, %cond3A_147 : i32
    scf.if %cond3A_148 {
      %dma_wait3A_168 = arith.constant 0 : i32
      %dma_wait3A_169 = tpu.memref_slice %arg18[%dma_wait3A_168] : memref<100352xf32, #tpu.memory_space<vmem_shared>> -> memref<100352xf32, #tpu.memory_space<vmem_shared>>
      tpu.wait_indirect_dma semaphore(%arg24 : memref<!tpu.dma_semaphore, #tpu.memory_space<semaphore_mem>>) src(%arg14 : memref<2048xf32, #tpu.memory_space<vmem>>) dst(%dma_wait3A_169 : memref<100352xf32, #tpu.memory_space<vmem_shared>>)
      %dma_wait3A_170 = arith.constant 0 : i32
      %dma_wait3A_171 = tpu.memref_slice %arg18[%dma_wait3A_170] : memref<100352xf32, #tpu.memory_space<vmem_shared>> -> memref<100352xf32, #tpu.memory_space<vmem_shared>>
      tpu.wait_indirect_dma semaphore(%arg25 : memref<!tpu.dma_semaphore, #tpu.memory_space<semaphore_mem>>) src(%arg15 : memref<2048xf32, #tpu.memory_space<vmem>>) dst(%dma_wait3A_171 : memref<100352xf32, #tpu.memory_space<vmem_shared>>)
    } else {
    }
    %barrier3A_149 = arith.constant 0 : index
    tpu.barrier barrier_id(%barrier3A_149)
    %mul3A_150 = arith.constant 6272 : i32
    %mul3A_151 = arith.muli %arg1, %mul3A_150 : i32
    %add3A_152 = arith.constant 0 : i32
    %add3A_153 = arith.addi %mul3A_151, %add3A_152 : i32
    "tpu.region"() ({
      %run_scoped3A = tpu.sem_alloc : memref<!tpu.dma_semaphore, #tpu.memory_space<semaphore_mem>>
      %dma_start3A_168 = tpu.memref_slice %arg18[%add3A_153] : memref<100352xf32, #tpu.memory_space<vmem_shared>> -> memref<2048xf32, #tpu.memory_space<vmem_shared>>
      %dma_start3A_169 = tpu.memref_slice %arg18[%add3A_153] : memref<100352xf32, #tpu.memory_space<vmem_shared>> -> memref<2048xf32, #tpu.memory_space<vmem_shared>>
      tpu.enqueue_dma source(%dma_start3A_169 : memref<2048xf32, #tpu.memory_space<vmem_shared>>) target(%arg13 : memref<2048xf32, #tpu.memory_space<vmem>>) target_semaphore(%run_scoped3A : memref<!tpu.dma_semaphore, #tpu.memory_space<semaphore_mem>>)
      %dma_wait3A_170 = tpu.memref_slice %arg18[%add3A_153] : memref<100352xf32, #tpu.memory_space<vmem_shared>> -> memref<2048xf32, #tpu.memory_space<vmem_shared>>
      %dma_wait3A_171 = tpu.memref_slice %arg18[%add3A_153] : memref<100352xf32, #tpu.memory_space<vmem_shared>> -> memref<2048xf32, #tpu.memory_space<vmem_shared>>
      tpu.wait_dma2 semaphore(%run_scoped3A : memref<!tpu.dma_semaphore, #tpu.memory_space<semaphore_mem>>) src(%dma_wait3A_171 : memref<2048xf32, #tpu.memory_space<vmem_shared>>) dst(%arg13 : memref<2048xf32, #tpu.memory_space<vmem>>)
      tpu.yield
    }) : () -> ()
    %add3A_154 = arith.constant 0 : i32
    %add3A_155 = arith.addi %mul3A_151, %add3A_154 : i32
    "tpu.region"() ({
      %run_scoped3A = tpu.sem_alloc : memref<!tpu.dma_semaphore, #tpu.memory_space<semaphore_mem>>
      %dma_start3A_168 = tpu.memref_slice %arg4[%arg0, %add3A_155] : memref<2x100352xf32, #tpu.memory_space<hbm>> -> memref<1x2048xf32, #tpu.memory_space<hbm>>
      %dma_start3A_169 = tpu.memref_squeeze %dma_start3A_168 : memref<1x2048xf32, #tpu.memory_space<hbm>> -> memref<2048xf32, #tpu.memory_space<hbm>>
      %dma_start3A_170 = tpu.memref_slice %arg4[%arg0, %add3A_155] : memref<2x100352xf32, #tpu.memory_space<hbm>> -> memref<1x2048xf32, #tpu.memory_space<hbm>>
      %dma_start3A_171 = tpu.memref_squeeze %dma_start3A_170 : memref<1x2048xf32, #tpu.memory_space<hbm>> -> memref<2048xf32, #tpu.memory_space<hbm>>
      tpu.enqueue_dma source(%arg13 : memref<2048xf32, #tpu.memory_space<vmem>>) target(%dma_start3A_171 : memref<2048xf32, #tpu.memory_space<hbm>>) target_semaphore(%run_scoped3A : memref<!tpu.dma_semaphore, #tpu.memory_space<semaphore_mem>>)
      %dma_wait3A_172 = tpu.memref_slice %arg4[%arg0, %add3A_155] : memref<2x100352xf32, #tpu.memory_space<hbm>> -> memref<1x2048xf32, #tpu.memory_space<hbm>>
      %dma_wait3A_173 = tpu.memref_squeeze %dma_wait3A_172 : memref<1x2048xf32, #tpu.memory_space<hbm>> -> memref<2048xf32, #tpu.memory_space<hbm>>
      %dma_wait3A_174 = tpu.memref_slice %arg4[%arg0, %add3A_155] : memref<2x100352xf32, #tpu.memory_space<hbm>> -> memref<1x2048xf32, #tpu.memory_space<hbm>>
      %dma_wait3A_175 = tpu.memref_squeeze %dma_wait3A_174 : memref<1x2048xf32, #tpu.memory_space<hbm>> -> memref<2048xf32, #tpu.memory_space<hbm>>
      tpu.wait_dma2 semaphore(%run_scoped3A : memref<!tpu.dma_semaphore, #tpu.memory_space<semaphore_mem>>) src(%arg13 : memref<2048xf32, #tpu.memory_space<vmem>>) dst(%dma_wait3A_175 : memref<2048xf32, #tpu.memory_space<hbm>>)
      tpu.yield
    }) : () -> ()
    %add3A_156 = arith.constant 2048 : i32
    %add3A_157 = arith.addi %mul3A_151, %add3A_156 : i32
    "tpu.region"() ({
      %run_scoped3A = tpu.sem_alloc : memref<!tpu.dma_semaphore, #tpu.memory_space<semaphore_mem>>
      %dma_start3A_168 = tpu.memref_slice %arg18[%add3A_157] : memref<100352xf32, #tpu.memory_space<vmem_shared>> -> memref<2048xf32, #tpu.memory_space<vmem_shared>>
      %dma_start3A_169 = tpu.memref_slice %arg18[%add3A_157] : memref<100352xf32, #tpu.memory_space<vmem_shared>> -> memref<2048xf32, #tpu.memory_space<vmem_shared>>
      tpu.enqueue_dma source(%dma_start3A_169 : memref<2048xf32, #tpu.memory_space<vmem_shared>>) target(%arg13 : memref<2048xf32, #tpu.memory_space<vmem>>) target_semaphore(%run_scoped3A : memref<!tpu.dma_semaphore, #tpu.memory_space<semaphore_mem>>)
      %dma_wait3A_170 = tpu.memref_slice %arg18[%add3A_157] : memref<100352xf32, #tpu.memory_space<vmem_shared>> -> memref<2048xf32, #tpu.memory_space<vmem_shared>>
      %dma_wait3A_171 = tpu.memref_slice %arg18[%add3A_157] : memref<100352xf32, #tpu.memory_space<vmem_shared>> -> memref<2048xf32, #tpu.memory_space<vmem_shared>>
      tpu.wait_dma2 semaphore(%run_scoped3A : memref<!tpu.dma_semaphore, #tpu.memory_space<semaphore_mem>>) src(%dma_wait3A_171 : memref<2048xf32, #tpu.memory_space<vmem_shared>>) dst(%arg13 : memref<2048xf32, #tpu.memory_space<vmem>>)
      tpu.yield
    }) : () -> ()
    %add3A_158 = arith.constant 2048 : i32
    %add3A_159 = arith.addi %mul3A_151, %add3A_158 : i32
    "tpu.region"() ({
      %run_scoped3A = tpu.sem_alloc : memref<!tpu.dma_semaphore, #tpu.memory_space<semaphore_mem>>
      %dma_start3A_168 = tpu.memref_slice %arg4[%arg0, %add3A_159] : memref<2x100352xf32, #tpu.memory_space<hbm>> -> memref<1x2048xf32, #tpu.memory_space<hbm>>
      %dma_start3A_169 = tpu.memref_squeeze %dma_start3A_168 : memref<1x2048xf32, #tpu.memory_space<hbm>> -> memref<2048xf32, #tpu.memory_space<hbm>>
      %dma_start3A_170 = tpu.memref_slice %arg4[%arg0, %add3A_159] : memref<2x100352xf32, #tpu.memory_space<hbm>> -> memref<1x2048xf32, #tpu.memory_space<hbm>>
      %dma_start3A_171 = tpu.memref_squeeze %dma_start3A_170 : memref<1x2048xf32, #tpu.memory_space<hbm>> -> memref<2048xf32, #tpu.memory_space<hbm>>
      tpu.enqueue_dma source(%arg13 : memref<2048xf32, #tpu.memory_space<vmem>>) target(%dma_start3A_171 : memref<2048xf32, #tpu.memory_space<hbm>>) target_semaphore(%run_scoped3A : memref<!tpu.dma_semaphore, #tpu.memory_space<semaphore_mem>>)
      %dma_wait3A_172 = tpu.memref_slice %arg4[%arg0, %add3A_159] : memref<2x100352xf32, #tpu.memory_space<hbm>> -> memref<1x2048xf32, #tpu.memory_space<hbm>>
      %dma_wait3A_173 = tpu.memref_squeeze %dma_wait3A_172 : memref<1x2048xf32, #tpu.memory_space<hbm>> -> memref<2048xf32, #tpu.memory_space<hbm>>
      %dma_wait3A_174 = tpu.memref_slice %arg4[%arg0, %add3A_159] : memref<2x100352xf32, #tpu.memory_space<hbm>> -> memref<1x2048xf32, #tpu.memory_space<hbm>>
      %dma_wait3A_175 = tpu.memref_squeeze %dma_wait3A_174 : memref<1x2048xf32, #tpu.memory_space<hbm>> -> memref<2048xf32, #tpu.memory_space<hbm>>
      tpu.wait_dma2 semaphore(%run_scoped3A : memref<!tpu.dma_semaphore, #tpu.memory_space<semaphore_mem>>) src(%arg13 : memref<2048xf32, #tpu.memory_space<vmem>>) dst(%dma_wait3A_175 : memref<2048xf32, #tpu.memory_space<hbm>>)
      tpu.yield
    }) : () -> ()
    %add3A_160 = arith.constant 4096 : i32
    %add3A_161 = arith.addi %mul3A_151, %add3A_160 : i32
    "tpu.region"() ({
      %run_scoped3A = tpu.sem_alloc : memref<!tpu.dma_semaphore, #tpu.memory_space<semaphore_mem>>
      %dma_start3A_168 = tpu.memref_slice %arg18[%add3A_161] : memref<100352xf32, #tpu.memory_space<vmem_shared>> -> memref<2048xf32, #tpu.memory_space<vmem_shared>>
      %dma_start3A_169 = tpu.memref_slice %arg18[%add3A_161] : memref<100352xf32, #tpu.memory_space<vmem_shared>> -> memref<2048xf32, #tpu.memory_space<vmem_shared>>
      tpu.enqueue_dma source(%dma_start3A_169 : memref<2048xf32, #tpu.memory_space<vmem_shared>>) target(%arg13 : memref<2048xf32, #tpu.memory_space<vmem>>) target_semaphore(%run_scoped3A : memref<!tpu.dma_semaphore, #tpu.memory_space<semaphore_mem>>)
      %dma_wait3A_170 = tpu.memref_slice %arg18[%add3A_161] : memref<100352xf32, #tpu.memory_space<vmem_shared>> -> memref<2048xf32, #tpu.memory_space<vmem_shared>>
      %dma_wait3A_171 = tpu.memref_slice %arg18[%add3A_161] : memref<100352xf32, #tpu.memory_space<vmem_shared>> -> memref<2048xf32, #tpu.memory_space<vmem_shared>>
      tpu.wait_dma2 semaphore(%run_scoped3A : memref<!tpu.dma_semaphore, #tpu.memory_space<semaphore_mem>>) src(%dma_wait3A_171 : memref<2048xf32, #tpu.memory_space<vmem_shared>>) dst(%arg13 : memref<2048xf32, #tpu.memory_space<vmem>>)
      tpu.yield
    }) : () -> ()
    %add3A_162 = arith.constant 4096 : i32
    %add3A_163 = arith.addi %mul3A_151, %add3A_162 : i32
    "tpu.region"() ({
      %run_scoped3A = tpu.sem_alloc : memref<!tpu.dma_semaphore, #tpu.memory_space<semaphore_mem>>
      %dma_start3A_168 = tpu.memref_slice %arg4[%arg0, %add3A_163] : memref<2x100352xf32, #tpu.memory_space<hbm>> -> memref<1x2048xf32, #tpu.memory_space<hbm>>
      %dma_start3A_169 = tpu.memref_squeeze %dma_start3A_168 : memref<1x2048xf32, #tpu.memory_space<hbm>> -> memref<2048xf32, #tpu.memory_space<hbm>>
      %dma_start3A_170 = tpu.memref_slice %arg4[%arg0, %add3A_163] : memref<2x100352xf32, #tpu.memory_space<hbm>> -> memref<1x2048xf32, #tpu.memory_space<hbm>>
      %dma_start3A_171 = tpu.memref_squeeze %dma_start3A_170 : memref<1x2048xf32, #tpu.memory_space<hbm>> -> memref<2048xf32, #tpu.memory_space<hbm>>
      tpu.enqueue_dma source(%arg13 : memref<2048xf32, #tpu.memory_space<vmem>>) target(%dma_start3A_171 : memref<2048xf32, #tpu.memory_space<hbm>>) target_semaphore(%run_scoped3A : memref<!tpu.dma_semaphore, #tpu.memory_space<semaphore_mem>>)
      %dma_wait3A_172 = tpu.memref_slice %arg4[%arg0, %add3A_163] : memref<2x100352xf32, #tpu.memory_space<hbm>> -> memref<1x2048xf32, #tpu.memory_space<hbm>>
      %dma_wait3A_173 = tpu.memref_squeeze %dma_wait3A_172 : memref<1x2048xf32, #tpu.memory_space<hbm>> -> memref<2048xf32, #tpu.memory_space<hbm>>
      %dma_wait3A_174 = tpu.memref_slice %arg4[%arg0, %add3A_163] : memref<2x100352xf32, #tpu.memory_space<hbm>> -> memref<1x2048xf32, #tpu.memory_space<hbm>>
      %dma_wait3A_175 = tpu.memref_squeeze %dma_wait3A_174 : memref<1x2048xf32, #tpu.memory_space<hbm>> -> memref<2048xf32, #tpu.memory_space<hbm>>
      tpu.wait_dma2 semaphore(%run_scoped3A : memref<!tpu.dma_semaphore, #tpu.memory_space<semaphore_mem>>) src(%arg13 : memref<2048xf32, #tpu.memory_space<vmem>>) dst(%dma_wait3A_175 : memref<2048xf32, #tpu.memory_space<hbm>>)
      tpu.yield
    }) : () -> ()
    %add3A_164 = arith.constant 6144 : i32
    %add3A_165 = arith.addi %mul3A_151, %add3A_164 : i32
    "tpu.region"() ({
      %run_scoped3A = tpu.sem_alloc : memref<!tpu.dma_semaphore, #tpu.memory_space<semaphore_mem>>
      %dma_start3A_168 = arith.constant 0 : i32
      %dma_start3A_169 = tpu.memref_slice %arg13[%dma_start3A_168] : memref<2048xf32, #tpu.memory_space<vmem>> -> memref<128xf32, #tpu.memory_space<vmem>>
      %dma_start3A_170 = tpu.memref_slice %arg18[%add3A_165] : memref<100352xf32, #tpu.memory_space<vmem_shared>> -> memref<128xf32, #tpu.memory_space<vmem_shared>>
      %dma_start3A_171 = arith.constant 0 : i32
      %dma_start3A_172 = tpu.memref_slice %arg13[%dma_start3A_171] : memref<2048xf32, #tpu.memory_space<vmem>> -> memref<128xf32, #tpu.memory_space<vmem>>
      %dma_start3A_173 = tpu.memref_slice %arg18[%add3A_165] : memref<100352xf32, #tpu.memory_space<vmem_shared>> -> memref<128xf32, #tpu.memory_space<vmem_shared>>
      tpu.enqueue_dma source(%dma_start3A_173 : memref<128xf32, #tpu.memory_space<vmem_shared>>) target(%dma_start3A_172 : memref<128xf32, #tpu.memory_space<vmem>>) target_semaphore(%run_scoped3A : memref<!tpu.dma_semaphore, #tpu.memory_space<semaphore_mem>>)
      %dma_wait3A_174 = arith.constant 0 : i32
      %dma_wait3A_175 = tpu.memref_slice %arg13[%dma_wait3A_174] : memref<2048xf32, #tpu.memory_space<vmem>> -> memref<128xf32, #tpu.memory_space<vmem>>
      %dma_wait3A_176 = tpu.memref_slice %arg18[%add3A_165] : memref<100352xf32, #tpu.memory_space<vmem_shared>> -> memref<128xf32, #tpu.memory_space<vmem_shared>>
      %dma_wait3A_177 = arith.constant 0 : i32
      %dma_wait3A_178 = tpu.memref_slice %arg13[%dma_wait3A_177] : memref<2048xf32, #tpu.memory_space<vmem>> -> memref<128xf32, #tpu.memory_space<vmem>>
      %dma_wait3A_179 = tpu.memref_slice %arg18[%add3A_165] : memref<100352xf32, #tpu.memory_space<vmem_shared>> -> memref<128xf32, #tpu.memory_space<vmem_shared>>
      tpu.wait_dma2 semaphore(%run_scoped3A : memref<!tpu.dma_semaphore, #tpu.memory_space<semaphore_mem>>) src(%dma_wait3A_179 : memref<128xf32, #tpu.memory_space<vmem_shared>>) dst(%dma_wait3A_178 : memref<128xf32, #tpu.memory_space<vmem>>)
      tpu.yield
    }) : () -> ()
    %add3A_166 = arith.constant 6144 : i32
    %add3A_167 = arith.addi %mul3A_151, %add3A_166 : i32
    "tpu.region"() ({
      %run_scoped3A = tpu.sem_alloc : memref<!tpu.dma_semaphore, #tpu.memory_space<semaphore_mem>>
      %dma_start3A_168 = arith.constant 0 : i32
      %dma_start3A_169 = tpu.memref_slice %arg13[%dma_start3A_168] : memref<2048xf32, #tpu.memory_space<vmem>> -> memref<128xf32, #tpu.memory_space<vmem>>
      %dma_start3A_170 = tpu.memref_slice %arg4[%arg0, %add3A_167] : memref<2x100352xf32, #tpu.memory_space<hbm>> -> memref<1x128xf32, #tpu.memory_space<hbm>>
      %dma_start3A_171 = tpu.memref_squeeze %dma_start3A_170 : memref<1x128xf32, #tpu.memory_space<hbm>> -> memref<128xf32, #tpu.memory_space<hbm>>
      %dma_start3A_172 = tpu.memref_slice %arg4[%arg0, %add3A_167] : memref<2x100352xf32, #tpu.memory_space<hbm>> -> memref<1x128xf32, #tpu.memory_space<hbm>>
      %dma_start3A_173 = tpu.memref_squeeze %dma_start3A_172 : memref<1x128xf32, #tpu.memory_space<hbm>> -> memref<128xf32, #tpu.memory_space<hbm>>
      %dma_start3A_174 = arith.constant 0 : i32
      %dma_start3A_175 = tpu.memref_slice %arg13[%dma_start3A_174] : memref<2048xf32, #tpu.memory_space<vmem>> -> memref<128xf32, #tpu.memory_space<vmem>>
      tpu.enqueue_dma source(%dma_start3A_175 : memref<128xf32, #tpu.memory_space<vmem>>) target(%dma_start3A_173 : memref<128xf32, #tpu.memory_space<hbm>>) target_semaphore(%run_scoped3A : memref<!tpu.dma_semaphore, #tpu.memory_space<semaphore_mem>>)
      %dma_wait3A_176 = arith.constant 0 : i32
      %dma_wait3A_177 = tpu.memref_slice %arg13[%dma_wait3A_176] : memref<2048xf32, #tpu.memory_space<vmem>> -> memref<128xf32, #tpu.memory_space<vmem>>
      %dma_wait3A_178 = tpu.memref_slice %arg4[%arg0, %add3A_167] : memref<2x100352xf32, #tpu.memory_space<hbm>> -> memref<1x128xf32, #tpu.memory_space<hbm>>
      %dma_wait3A_179 = tpu.memref_squeeze %dma_wait3A_178 : memref<1x128xf32, #tpu.memory_space<hbm>> -> memref<128xf32, #tpu.memory_space<hbm>>
      %dma_wait3A_180 = tpu.memref_slice %arg4[%arg0, %add3A_167] : memref<2x100352xf32, #tpu.memory_space<hbm>> -> memref<1x128xf32, #tpu.memory_space<hbm>>
      %dma_wait3A_181 = tpu.memref_squeeze %dma_wait3A_180 : memref<1x128xf32, #tpu.memory_space<hbm>> -> memref<128xf32, #tpu.memory_space<hbm>>
      %dma_wait3A_182 = arith.constant 0 : i32
      %dma_wait3A_183 = tpu.memref_slice %arg13[%dma_wait3A_182] : memref<2048xf32, #tpu.memory_space<vmem>> -> memref<128xf32, #tpu.memory_space<vmem>>
      tpu.wait_dma2 semaphore(%run_scoped3A : memref<!tpu.dma_semaphore, #tpu.memory_space<semaphore_mem>>) src(%dma_wait3A_183 : memref<128xf32, #tpu.memory_space<vmem>>) dst(%dma_wait3A_181 : memref<128xf32, #tpu.memory_space<hbm>>)
      tpu.yield
    }) : () -> ()
    return
  }
}

module attributes {stable_mosaic.version = 14 : i64} {
  func.func @_dinv_u1_body(%arg0: memref<2x784x128xf32, #tpu.memory_space<vmem>>, %arg1: memref<784x128xf32, #tpu.memory_space<vmem>>, %arg2: memref<784x128xf32, #tpu.memory_space<vmem>>, %arg3: memref<784x128xf32, #tpu.memory_space<vmem>>) attributes {dimension_semantics = [], scalar_prefetch = 0 : i64, scratch_operands = 0 : i64, tpu.core_type = #tpu.core_type<tc>} {
    %get3A = arith.constant 0 : index
    %get3A_0 = arith.constant 0 : index
    %get3A_1 = arith.constant 0 : index
    %get3A_2 = vector.load %arg0[%get3A, %get3A_0, %get3A_1] : memref<2x784x128xf32, #tpu.memory_space<vmem>>, vector<1x784x128xf32>
    %get3A_3 = vector.shape_cast %get3A_2 : vector<1x784x128xf32> to vector<784x128xf32>
    %get3A_4 = arith.constant 1 : index
    %get3A_5 = arith.constant 0 : index
    %get3A_6 = arith.constant 0 : index
    %get3A_7 = vector.load %arg0[%get3A_4, %get3A_5, %get3A_6] : memref<2x784x128xf32, #tpu.memory_space<vmem>>, vector<1x784x128xf32>
    %get3A_8 = vector.shape_cast %get3A_7 : vector<1x784x128xf32> to vector<784x128xf32>
    %add3A = arith.addf %get3A_3, %get3A_8 : vector<784x128xf32>
    %add3A_9 = arith.constant 1.000000e+00 : f32
    %add3A_10 = vector.broadcast %add3A_9 : f32 to vector<784x128xf32>
    %add3A_11 = arith.addf %add3A, %add3A_10 : vector<784x128xf32>
    %rsqrt3A = math.rsqrt %add3A_11 : vector<784x128xf32>
    %swap3A = arith.constant 0 : index
    %swap3A_12 = arith.constant 0 : index
    %swap3A_13 = vector.load %arg2[%swap3A, %swap3A_12] : memref<784x128xf32, #tpu.memory_space<vmem>>, vector<784x128xf32>
    tpu.vector_store %arg2[%swap3A, %swap3A_12], %rsqrt3A {strides = array<i32>} : memref<784x128xf32, #tpu.memory_space<vmem>>, vector<784x128xf32>,
    %get3A_14 = arith.constant 0 : index
    %get3A_15 = arith.constant 0 : index
    %get3A_16 = vector.load %arg1[%get3A_14, %get3A_15] : memref<784x128xf32, #tpu.memory_space<vmem>>, vector<784x128xf32>
    %mul3A = arith.mulf %get3A_16, %rsqrt3A : vector<784x128xf32>
    %swap3A_17 = arith.constant 0 : index
    %swap3A_18 = arith.constant 0 : index
    %swap3A_19 = vector.load %arg3[%swap3A_17, %swap3A_18] : memref<784x128xf32, #tpu.memory_space<vmem>>, vector<784x128xf32>
    tpu.vector_store %arg3[%swap3A_17, %swap3A_18], %mul3A {strides = array<i32>} : memref<784x128xf32, #tpu.memory_space<vmem>>, vector<784x128xf32>,
    return
  }
}

module attributes {stable_mosaic.version = 14 : i64} {
  func.func @_mid_body(%arg0: memref<2x784x128xf32, #tpu.memory_space<vmem>>, %arg1: memref<784x128xf32, #tpu.memory_space<vmem>>, %arg2: memref<784x128xf32, #tpu.memory_space<vmem>>, %arg3: memref<3x1xf32, #tpu.memory_space<smem>>, %arg4: memref<3xf32, #tpu.memory_space<smem>>, %arg5: memref<1x3xf32, #tpu.memory_space<smem>>, %arg6: memref<784x128xf32, #tpu.memory_space<vmem>>, %arg7: memref<784x128xf32, #tpu.memory_space<vmem>>) attributes {dimension_semantics = [], scalar_prefetch = 0 : i64, scratch_operands = 0 : i64, tpu.core_type = #tpu.core_type<tc>} {
    %get3A = arith.constant 0 : index
    %get3A_0 = arith.constant 0 : index
    %get3A_1 = vector.load %arg1[%get3A, %get3A_0] : memref<784x128xf32, #tpu.memory_space<vmem>>, vector<784x128xf32>
    %get3A_2 = arith.constant 0 : index
    %get3A_3 = arith.constant 0 : index
    %get3A_4 = arith.constant 0 : index
    %get3A_5 = vector.load %arg0[%get3A_2, %get3A_3, %get3A_4] : memref<2x784x128xf32, #tpu.memory_space<vmem>>, vector<1x784x128xf32>
    %get3A_6 = vector.shape_cast %get3A_5 : vector<1x784x128xf32> to vector<784x128xf32>
    %get3A_7 = arith.constant 1 : index
    %get3A_8 = arith.constant 0 : index
    %get3A_9 = arith.constant 0 : index
    %get3A_10 = vector.load %arg0[%get3A_7, %get3A_8, %get3A_9] : memref<2x784x128xf32, #tpu.memory_space<vmem>>, vector<1x784x128xf32>
    %get3A_11 = vector.shape_cast %get3A_10 : vector<1x784x128xf32> to vector<784x128xf32>
    %add3A = arith.addf %get3A_6, %get3A_11 : vector<784x128xf32>
    %mul3A = arith.mulf %get3A_1, %add3A : vector<784x128xf32>
    %get3A_12 = arith.constant 0 : index
    %get3A_13 = arith.constant 0 : index
    %get3A_14 = vector.load %arg2[%get3A_12, %get3A_13] : memref<784x128xf32, #tpu.memory_space<vmem>>, vector<784x128xf32>
    %mul3A_15 = arith.mulf %get3A_14, %get3A_1 : vector<784x128xf32>
    %mul3A_16 = arith.mulf %mul3A_15, %get3A_1 : vector<784x128xf32>
    %add3A_17 = arith.addf %mul3A, %mul3A_16 : vector<784x128xf32>
    %broadcast_in_dim3A = arith.constant 0.000000e+00 : f32
    %broadcast_in_dim3A_18 = vector.broadcast %broadcast_in_dim3A : f32 to vector<784x128xf32>
    %get3A_19 = arith.constant 0 : index
    %get3A_20 = arith.constant 0 : index
    %get3A_21 = memref.load %arg5[%get3A_19, %get3A_20] : memref<1x3xf32, #tpu.memory_space<smem>>
    %get3A_22 = arith.constant 0 : index
    %get3A_23 = arith.constant 0 : index
    %get3A_24 = memref.load %arg3[%get3A_22, %get3A_23] : memref<3x1xf32, #tpu.memory_space<smem>>
    %mul3A_25 = vector.broadcast %get3A_24 : f32 to vector<784x128xf32>
    %mul3A_26 = arith.mulf %mul3A_25, %add3A_17 : vector<784x128xf32>
    %get3A_27 = arith.constant 0 : index
    %get3A_28 = memref.load %arg4[%get3A_27] : memref<3xf32, #tpu.memory_space<smem>>
    %add3A_29 = vector.broadcast %get3A_28 : f32 to vector<784x128xf32>
    %add3A_30 = arith.addf %mul3A_26, %add3A_29 : vector<784x128xf32>
    %max3A = arith.constant 0.000000e+00 : f32
    %max3A_31 = vector.broadcast %max3A : f32 to vector<784x128xf32>
    %max3A_32 = arith.maximumf %add3A_30, %max3A_31 : vector<784x128xf32>
    %mul3A_33 = vector.broadcast %get3A_21 : f32 to vector<784x128xf32>
    %mul3A_34 = arith.mulf %mul3A_33, %max3A_32 : vector<784x128xf32>
    %add3A_35 = arith.addf %broadcast_in_dim3A_18, %mul3A_34 : vector<784x128xf32>
    %get3A_36 = arith.constant 0 : index
    %get3A_37 = arith.constant 1 : index
    %get3A_38 = memref.load %arg5[%get3A_36, %get3A_37] : memref<1x3xf32, #tpu.memory_space<smem>>
    %get3A_39 = arith.constant 1 : index
    %get3A_40 = arith.constant 0 : index
    %get3A_41 = memref.load %arg3[%get3A_39, %get3A_40] : memref<3x1xf32, #tpu.memory_space<smem>>
    %mul3A_42 = vector.broadcast %get3A_41 : f32 to vector<784x128xf32>
    %mul3A_43 = arith.mulf %mul3A_42, %add3A_17 : vector<784x128xf32>
    %get3A_44 = arith.constant 1 : index
    %get3A_45 = memref.load %arg4[%get3A_44] : memref<3xf32, #tpu.memory_space<smem>>
    %add3A_46 = vector.broadcast %get3A_45 : f32 to vector<784x128xf32>
    %add3A_47 = arith.addf %mul3A_43, %add3A_46 : vector<784x128xf32>
    %max3A_48 = arith.constant 0.000000e+00 : f32
    %max3A_49 = vector.broadcast %max3A_48 : f32 to vector<784x128xf32>
    %max3A_50 = arith.maximumf %add3A_47, %max3A_49 : vector<784x128xf32>
    %mul3A_51 = vector.broadcast %get3A_38 : f32 to vector<784x128xf32>
    %mul3A_52 = arith.mulf %mul3A_51, %max3A_50 : vector<784x128xf32>
    %add3A_53 = arith.addf %add3A_35, %mul3A_52 : vector<784x128xf32>
    %get3A_54 = arith.constant 0 : index
    %get3A_55 = arith.constant 2 : index
    %get3A_56 = memref.load %arg5[%get3A_54, %get3A_55] : memref<1x3xf32, #tpu.memory_space<smem>>
    %get3A_57 = arith.constant 2 : index
    %get3A_58 = arith.constant 0 : index
    %get3A_59 = memref.load %arg3[%get3A_57, %get3A_58] : memref<3x1xf32, #tpu.memory_space<smem>>
    %mul3A_60 = vector.broadcast %get3A_59 : f32 to vector<784x128xf32>
    %mul3A_61 = arith.mulf %mul3A_60, %add3A_17 : vector<784x128xf32>
    %get3A_62 = arith.constant 2 : index
    %get3A_63 = memref.load %arg4[%get3A_62] : memref<3xf32, #tpu.memory_space<smem>>
    %add3A_64 = vector.broadcast %get3A_63 : f32 to vector<784x128xf32>
    %add3A_65 = arith.addf %mul3A_61, %add3A_64 : vector<784x128xf32>
    %max3A_66 = arith.constant 0.000000e+00 : f32
    %max3A_67 = vector.broadcast %max3A_66 : f32 to vector<784x128xf32>
    %max3A_68 = arith.maximumf %add3A_65, %max3A_67 : vector<784x128xf32>
    %mul3A_69 = vector.broadcast %get3A_56 : f32 to vector<784x128xf32>
    %mul3A_70 = arith.mulf %mul3A_69, %max3A_68 : vector<784x128xf32>
    %add3A_71 = arith.addf %add3A_53, %mul3A_70 : vector<784x128xf32>
    %swap3A = arith.constant 0 : index
    %swap3A_72 = arith.constant 0 : index
    %swap3A_73 = vector.load %arg6[%swap3A, %swap3A_72] : memref<784x128xf32, #tpu.memory_space<vmem>>, vector<784x128xf32>
    tpu.vector_store %arg6[%swap3A, %swap3A_72], %add3A_71 {strides = array<i32>} : memref<784x128xf32, #tpu.memory_space<vmem>>, vector<784x128xf32>,
    %mul3A_74 = arith.mulf %add3A_71, %get3A_1 : vector<784x128xf32>
    %swap3A_75 = arith.constant 0 : index
    %swap3A_76 = arith.constant 0 : index
    %swap3A_77 = vector.load %arg7[%swap3A_75, %swap3A_76] : memref<784x128xf32, #tpu.memory_space<vmem>>, vector<784x128xf32>
    tpu.vector_store %arg7[%swap3A_75, %swap3A_76], %mul3A_74 {strides = array<i32>} : memref<784x128xf32, #tpu.memory_space<vmem>>, vector<784x128xf32>,
    return
  }
}

module attributes {stable_mosaic.version = 14 : i64} {
  func.func @_final_body(%arg0: memref<2x784x128xf32, #tpu.memory_space<vmem>>, %arg1: memref<784x128xf32, #tpu.memory_space<vmem>>, %arg2: memref<784x128xf32, #tpu.memory_space<vmem>>, %arg3: memref<1xf32, #tpu.memory_space<smem>>, %arg4: memref<784x128xf32, #tpu.memory_space<vmem>>) attributes {dimension_semantics = [], scalar_prefetch = 0 : i64, scratch_operands = 0 : i64, tpu.core_type = #tpu.core_type<tc>} {
    %get3A = arith.constant 0 : index
    %get3A_0 = arith.constant 0 : index
    %get3A_1 = vector.load %arg1[%get3A, %get3A_0] : memref<784x128xf32, #tpu.memory_space<vmem>>, vector<784x128xf32>
    %get3A_2 = arith.constant 0 : index
    %get3A_3 = arith.constant 0 : index
    %get3A_4 = arith.constant 0 : index
    %get3A_5 = vector.load %arg0[%get3A_2, %get3A_3, %get3A_4] : memref<2x784x128xf32, #tpu.memory_space<vmem>>, vector<1x784x128xf32>
    %get3A_6 = vector.shape_cast %get3A_5 : vector<1x784x128xf32> to vector<784x128xf32>
    %get3A_7 = arith.constant 1 : index
    %get3A_8 = arith.constant 0 : index
    %get3A_9 = arith.constant 0 : index
    %get3A_10 = vector.load %arg0[%get3A_7, %get3A_8, %get3A_9] : memref<2x784x128xf32, #tpu.memory_space<vmem>>, vector<1x784x128xf32>
    %get3A_11 = vector.shape_cast %get3A_10 : vector<1x784x128xf32> to vector<784x128xf32>
    %add3A = arith.addf %get3A_6, %get3A_11 : vector<784x128xf32>
    %mul3A = arith.mulf %get3A_1, %add3A : vector<784x128xf32>
    %get3A_12 = arith.constant 0 : index
    %get3A_13 = arith.constant 0 : index
    %get3A_14 = vector.load %arg2[%get3A_12, %get3A_13] : memref<784x128xf32, #tpu.memory_space<vmem>>, vector<784x128xf32>
    %mul3A_15 = arith.mulf %get3A_14, %get3A_1 : vector<784x128xf32>
    %mul3A_16 = arith.mulf %mul3A_15, %get3A_1 : vector<784x128xf32>
    %add3A_17 = arith.addf %mul3A, %mul3A_16 : vector<784x128xf32>
    %get3A_18 = arith.constant 0 : index
    %get3A_19 = memref.load %arg3[%get3A_18] : memref<1xf32, #tpu.memory_space<smem>>
    %add3A_20 = vector.broadcast %get3A_19 : f32 to vector<784x128xf32>
    %add3A_21 = arith.addf %add3A_17, %add3A_20 : vector<784x128xf32>
    %iota3A = tpu.iota {dimensions = array<i32: 0>} : vector<784x128xi32>
    %mul3A_22 = arith.constant 128 : i32
    %mul3A_23 = vector.broadcast %mul3A_22 : i32 to vector<784x128xi32>
    %mul3A_24 = arith.muli %iota3A, %mul3A_23 : vector<784x128xi32>
    %iota3A_25 = tpu.iota {dimensions = array<i32: 1>} : vector<784x128xi32>
    %add3A_26 = arith.addi %mul3A_24, %iota3A_25 : vector<784x128xi32>
    %lt3A = arith.constant 100000 : i32
    %lt3A_27 = vector.broadcast %lt3A : i32 to vector<784x128xi32>
    %lt3A_28 = arith.cmpi slt, %add3A_26, %lt3A_27 : vector<784x128xi32>
    %jit3A = arith.constant 0xFF800000 : f32
    %broadcast_in_dim3A = vector.broadcast %jit3A : f32 to vector<784x128xf32>
    %select_n3A = arith.select %lt3A_28, %add3A_21, %broadcast_in_dim3A : vector<784x128xi1>, vector<784x128xf32>
    %reduce_max3A = vector.shape_cast %select_n3A : vector<784x128xf32> to vector<1x784x128xf32>
    %reduce_max3A_29 = arith.constant dense<0xFF800000> : vector<1xf32>
    %reduce_max3A_30 = vector.multi_reduction <maximumf>, %reduce_max3A, %reduce_max3A_29 [1, 2] : vector<1x784x128xf32> to vector<1xf32>
    %reduce_max3A_31 = vector.shape_cast %reduce_max3A_30 : vector<1xf32> to vector<1x1x1xf32>
    %reduce_max3A_32 = vector.extract %reduce_max3A_31[0, 0, 0] : f32 from vector<1x1x1xf32>
    %sub3A = vector.broadcast %reduce_max3A_32 : f32 to vector<784x128xf32>
    %sub3A_33 = arith.subf %select_n3A, %sub3A : vector<784x128xf32>
    %exp3A = math.exp %sub3A_33 : vector<784x128xf32>
    %reduce_sum3A = vector.shape_cast %exp3A : vector<784x128xf32> to vector<1x784x128xf32>
    %reduce_sum3A_34 = arith.constant dense<0.000000e+00> : vector<1xf32>
    %reduce_sum3A_35 = vector.multi_reduction <add>, %reduce_sum3A, %reduce_sum3A_34 [1, 2] : vector<1x784x128xf32> to vector<1xf32>
    %reduce_sum3A_36 = vector.shape_cast %reduce_sum3A_35 : vector<1xf32> to vector<1x1x1xf32>
    %reduce_sum3A_37 = vector.extract %reduce_sum3A_36[0, 0, 0] : f32 from vector<1x1x1xf32>
    %div3A = vector.broadcast %reduce_sum3A_37 : f32 to vector<784x128xf32>
    %div3A_38 = arith.divf %exp3A, %div3A : vector<784x128xf32>
    %swap3A = arith.constant 0 : index
    %swap3A_39 = arith.constant 0 : index
    %swap3A_40 = vector.load %arg4[%swap3A, %swap3A_39] : memref<784x128xf32, #tpu.memory_space<vmem>>, vector<784x128xf32>
    tpu.vector_store %arg4[%swap3A, %swap3A_39], %div3A_38 {strides = array<i32>} : memref<784x128xf32, #tpu.memory_space<vmem>>, vector<784x128xf32>,
    return
  }
}

</mosaic_0001>

<sc_bundles>
// kernel: kernel.11.cloned.1.call-start
scs
__scs_entry_jumppad:
0x0: {  	(pc) =	sbr.rel $0x88, $3  }
0x1: {  	(tag) =	ssettag $0x0;
	lr =	simm.s32 $0x1  }
0x2: {  	[smem:$0x3F9B] =	sst lr;
	_ =	strace $0xD0000000  }
0x3: {  	_ = 	snop  }
0x4: {  	_ = 	snop  }
0x5: {  	_ = 	snop  }
0x6: {  	_ = 	snop  }
0x7: {  	_ = 	snop  }
__scs_overlays_trampoline_lowered:
0x8: {  	[smem:$0x3FAA] =	sst s0  }
0x9: {  	[smem:$0x3FAB] =	sst s1  }
0xa: {  	[smem:$0x3FAC] =	sst s2  }
0xb: {  	[smem:$0x3FAD] =	sst s3  }
0xc: {  	[smem:$0x3FAE] =	sst s4  }
0xd: {  	[smem:$0x3FAF] =	sst s5  }
0xe: {  	[smem:$0x3FB0] =	sst s6  }
0xf: {  	[smem:$0x3FB1] =	sst s7  }
0x10: {  	[smem:$0x3FB2] =	sst s8  }
0x11: {  	[smem:$0x3FB3] =	sst s9;
	s0 =	simm.s32 @!p0 $0x0  }
0x12: {  	s1 =	sld [smem:$0x3F99];
	s0 =	simm.s32 @p0 $0x1  }
0x13: {  	[smem:$0x3FB4] =	sst s0;
	s0 =	simm.s32 @!p1 $0x0  }
0x14: {  	s2 =	sld [smem:$0x3F98];
	s0 =	simm.s32 @p1 $0x1  }
0x15: {  	[smem:$0x3FB5] =	sst s0;
	s0 =	simm.s32 @!p2 $0x0  }
0x16: {  	s3 =	sld [smem:$0x3FDB];
	s0 =	simm.s32 @p2 $0x1  }
0x17: {  	s4 =	simm.s32 $0x1BF5;
	[smem:$0x3FB7] =	sst s0  }
0x18: {  	s0 =	sld [smem:$0x3F9A];
	_ =	swait.ge [sflag:s4], $0x0  }
0x19: {  	s7 =	sld [smem:$0x3F9B]  }
0x1a: {  	s8 =	sadd.s32 $0xFFFFE003, lr  }
0x1b: {  	s9 =	sadd.s32 $0xFFFFFEF7, lr;
	s5 =	simm.s32 $0xFFFFFFFF;
	p2 =	slt.u32 s8, $0xFFFFF086  }
0x1c: {  	p1 =	slt.u32 s9, $0xF7A;
	s5 =	simm.s32 @!p2 $0x0  }
0x1d: {  	s5 =	simm.s32 @p1 $0x1;
	p0 =	seq.s32 s7, s2  }
0x1e: {  	s7 =	smul.u32 @!p0 $0xF7A, s2;
	p2 =	seq.s32 @!p0 s5, $0x0  }
0x1f: {  	s9 =	smul.u32 $0xF7A, s1;
	s8 =	simm.s32 @!p0 $0x1BF5;
	p2 =	por !p2, p0  }
0x20: {  	[sflag:s8] =	ssyncset.s32 @!p0 $0xFFFFF086;
	s6 =	sadd.s32 @!p0 s3, s7;
	s7 =	simm.s32 @!p0 $0x108  }
0x21: {  	s3 =	sadd.s32 s3, s9;
	s6 =	sadd.s32 @!p0 $0x88, s6;
	s7 =	simm.s32 @p2 $0x1082  }
0x22: {  	[simem:s7], [sflag:s8] =	dma.local @!p0 [hbm:s6], $0xF7A  }
0x23: {  	s9 =	sor.u32 $0xD0000000, s2;
	s6 =	simm.s32 $0x108;
	_ =	swait.ge @!p0 [sflag:s8], $0x0  }
0x24: {  	s3 =	sadd.s32 $0x88, s3;
	s6 =	simm.s32 @!p1 $0x1082;
	[sflag:s4] =	ssyncset.s32 $0xFFFFF086  }
0x25: {  	[simem:s6], [sflag:s4] =	dma.local [hbm:s3], $0xF7A  }
0x26: {  	[smem:$0x3F9B] =	sst s1;
	(tag) =	ssettag s2;
	_ =	strace s9  }
0x27: {  	s1 =	sld [smem:$0x3FAB]  }
0x28: {  	s2 =	sld [smem:$0x3FAC]  }
0x29: {  	s4 =	sld [smem:$0x3FAE]  }
0x2a: {  	p0 =	seq.s32 s5, $0x0;
	s5 =	sld [smem:$0x3FAF]  }
0x2b: {  	s6 =	sld [smem:$0x3FB0]  }
0x2c: {  	s7 =	sld [smem:$0x3FB1]  }
0x2d: {  	s3 =	simm.s32 $0x108;
	s8 =	sld [smem:$0x3FB2]  }
0x2e: {  	s3 =	simm.s32 @!p0 $0x1082;
	s9 =	sld [smem:$0x3FB3]  }
0x2f: {  	lr =	sadd.s32 s0, s3;
	s0 =	sld [smem:$0x3FAA]  }
0x30: {  	s3 =	sld [smem:$0x3FAD]  }
0x31: {  	[smem:$0x3FB6] =	sst s10  }
0x32: {  	s10 =	sld [smem:$0x3FB4];
	_ =	sdelay $0x3  }
0x33: {  	p0 =	seq.s32 s10, $0x1;
	s10 =	sld [smem:$0x3FB6];
	_ =	sdelay $0x3  }
0x34: {  	[smem:$0x3FB6] =	sst s10  }
0x35: {  	s10 =	sld [smem:$0x3FB5];
	_ =	sdelay $0x3  }
0x36: {  	p1 =	seq.s32 s10, $0x1;
	s10 =	sld [smem:$0x3FB6];
	_ =	sdelay $0x3  }
0x37: {  	[smem:$0x3FB6] =	sst s10  }
0x38: {  	s10 =	sld [smem:$0x3FB7]  }
0x39: {  	_ = 	snop;
	(pc) =	sbr.ind lr, $3  }
0x3a: {  	_ = 	snop  }
0x3b: {  	_ = 	snop  }
0x3c: {  	p2 =	seq.s32 s10, $0x1;
	s10 =	sld [smem:$0x3FB6]  }
0x3d: {  	_ =	shalt  }
0x3e: {  	_ =	shalt  }
0x3f: {  	_ =	shalt  }
0x40: {  	_ =	shalt  }
0x41: {  	_ =	shalt  }
0x42: {  	_ =	shalt  }
0x43: {  	_ =	shalt  }
0x44: {  	_ =	shalt  }
0x45: {  	_ =	shalt  }
0x46: {  	_ =	shalt  }
0x47: {  	_ =	shalt  }
0x48: {  	_ =	shalt  }
0x49: {  	_ =	shalt  }
0x4a: {  	_ =	shalt  }
0x4b: {  	_ =	shalt  }
0x4c: {  	_ =	shalt  }
0x4d: {  	_ =	shalt  }
0x4e: {  	_ =	shalt  }
0x4f: {  	_ =	shalt  }
0x50: {  	_ =	shalt  }
0x51: {  	_ =	shalt  }
0x52: {  	_ =	shalt  }
0x53: {  	_ =	shalt  }
0x54: {  	_ =	shalt  }
0x55: {  	_ =	shalt  }
0x56: {  	_ =	shalt  }
0x57: {  	_ =	shalt  }
0x58: {  	_ =	shalt  }
0x59: {  	_ =	shalt  }
0x5a: {  	_ =	shalt  }
0x5b: {  	_ =	shalt  }
0x5c: {  	_ =	shalt  }
0x5d: {  	_ =	shalt  }
0x5e: {  	_ =	shalt  }
0x5f: {  	_ =	shalt  }
0x60: {  	_ =	shalt  }
0x61: {  	_ =	shalt  }
0x62: {  	_ =	shalt  }
0x63: {  	_ =	shalt  }
0x64: {  	_ =	shalt  }
0x65: {  	_ =	shalt  }
0x66: {  	_ =	shalt  }
0x67: {  	_ =	shalt  }
0x68: {  	_ =	shalt  }
0x69: {  	_ =	shalt  }
0x6a: {  	_ =	shalt  }
0x6b: {  	_ =	shalt  }
0x6c: {  	_ =	shalt  }
0x6d: {  	_ =	shalt  }
0x6e: {  	_ =	shalt  }
0x6f: {  	_ =	shalt  }
0x70: {  	_ =	shalt  }
0x71: {  	_ =	shalt  }
0x72: {  	_ =	shalt  }
0x73: {  	_ =	shalt  }
0x74: {  	_ =	shalt  }
0x75: {  	_ =	shalt  }
0x76: {  	_ =	shalt  }
0x77: {  	_ =	shalt  }
0x78: {  	_ =	shalt  }
0x79: {  	_ =	shalt  }
0x7a: {  	_ =	shalt  }
0x7b: {  	_ =	shalt  }
0x7c: {  	_ =	shalt  }
0x7d: {  	_ =	shalt  }
0x7e: {  	_ =	shalt  }
0x7f: {  	_ =	shalt  }
0x80: {  	_ =	shalt  }
0x81: {  	_ =	shalt  }
0x82: {  	_ =	shalt  }
0x83: {  	_ =	shalt  }
0x84: {  	_ =	shalt  }
0x85: {  	_ =	shalt  }
0x86: {  	_ =	shalt  }
0x87: {  	_ =	shalt  }
.Lfunc_end0:
.L_simem_size_0:
called_computation.1_lowered:
.L_overlay_start_0:
0x88: {  	s2 =	sld [smem:$0x3FD9]  }
0x89: {  	s3 =	sld [smem:$0x3FFE];
	_ =	sdelay $0x1  }
0x8a: {  	s1 =	srdreg.scid  }
0x8b: {  	s0 =	sand.u32 $0x1, s1  }
0x8c: {  	s17 =	sshll.u32 s0, $0xA;
	s2 =	sadd.s32 s3, s2  }
0x8d: {  	s2 =	sadd.s32 s2, s17  }
0x8e: {  	[smem:$0x3FC2] =	sst s2  }
0x8f: {  	_ = 	snop  }
0x90: {  	s2 =	sld [smem:$0x3FC8];
	(tm) =	ssettm $0x1  }
0x91: {  	s18 =	sld [smem:$0x3FFB];
	_ =	sdelay $0x3  }
0x92: {  	_ =	strace s18  }
0x93: {  	s3 =	sld [smem:$0x3FFC];
	_ =	sdelay $0x3  }
0x94: {  	_ =	strace s3  }
0x95: {  	s3 =	sld [smem:$0x3FFD];
	_ =	sdelay $0x3  }
0x96: {  	_ =	strace s3  }
0x97: {  	_ =	strace $0x8FFFFFFF  }
0x98: {  	s19 =	sld [smem:$0x3FDB];
	_ =	sdelay $0x1  }
0x99: {  	s4 =	simm.s32 $_scs_section_size  }
0x9a: {  	s5 =	simm.s32 $_size__tile_overlayer_lowered;
	s6 =	simm.s32 $_tile_overlayer_lowered  }
0x9b: {  	s22 =	simm.s32 $0x1BFF;
	s21 =	sshll.u32 s6, $0x1;
	s3 =	sadd.s32 s4, s19  }
0x9c: {  	s7 =	simm.s32 $0x0;
	s20 =	sshll.u32 s5, $0x1;
	s5 =	sadd.s32 s21, s3  }
0x9d: {  	[timem:s7], [sflag:s22] =	dma.local [hbm:s5], s20  }
0x9e: {  	_ =	swait.ge [sflag:s22], s20  }
0x9f: {  	s4 =	ssub.s32 $0x0, s20;
	[sflag:s22] =	ssyncset.done $0x0  }
0xa0: {  	[sflag:s22] =	ssyncadd.s32 s4;
	_ =	sdelay $0x1  }
0xa1: {  	s23 =	simm.s32 $0x1B8B  }
0xa2: {  	_ =	swait.ge [sflag:s23], $0x1  }
0xa3: {  	[sflag:s23] =	ssyncset.done $0x0  }
0xa4: {  	s25 =	simm.s32 $0x1B8E;
	s24 =	sld [smem:$0x3FFE];
	[sflag:s23] =	ssyncadd.s32 $0xFFFFFFFF  }
0xa5: {  	s26 =	simm.s32 $execute0_lowered;
	[smem:$0x3FD2] =	sst s25  }
0xa6: {  	s5 =	sshll.u32 s26, $0x1;
	_ =	strace $0x80000049;
	[dreg:$0x1] =	wrdreg $0xFFFFFFFF  }
0xa7: {  	s28 =	simm.s32 $_size_execute0_lowered;
	s3 =	sadd.s32 s3, s5;
	[dreg:$0x0] =	wrdreg $0x0  }
0xa8: {  	s5 =	sshll.u32 s28, $0x1;
	[dreg:$0x2] =	wrdreg s3  }
0xa9: {  	[dreg:$0x3] =	wrdreg s5  }
0xaa: {  	[dreg:$0x4] =	wrdreg $0xC0  }
0xab: {  	_ =	task [dreg:s7], $0x5FFFF  }
0xac: {  	[dreg:$0x1] =	wrdreg $0xFFFFFFFF  }
0xad: {  	[dreg:$0x0] =	wrdreg $0x60  }
0xae: {  	[dreg:$0x2] =	wrdreg s2  }
0xaf: {  	[dreg:$0x3] =	wrdreg s24  }
0xb0: {  	[dreg:$0x4] =	wrdreg $0x1E7000  }
0xb1: {  	[dreg:$0x5] =	wrdreg $0x9  }
0xb2: {  	_ =	task.clear_ibuf [dreg:s7], $0x6FFFF;
	_ =	strace $0x90000049  }
0xb3: {  	s29 =	simm.s32 $0x9;
	_ =	strace $0x8000004B  }
0xb4: {  	_ =	swait.ge [sflag:s29], $0x1  }
0xb5: {  	[sflag:s29] =	ssyncadd.s32 $0xFFFFFFFF  }
0xb6: {  	_ =	strace $0x9000004B  }
0xb7: {  	_ =	sfence  }
0xb8: {  	s30 =	sld [smem:$0x0];
	_ =	sdelay $0x2  }
0xb9: {  	s31 =	sshll.u32 s1, $0xD;
	s1 =	sshrl.u32 s1, $0x2  }
0xba: {  	s3 =	sand.u32 $0x4000, s31;
	s1 =	sadd.s32 s1, s30  }
0xbb: {  	s0 =	sor.u32 s3, s0;
	s1 =	sshll.u32 s1, $0x11  }
0xbc: {  	s0 =	sor.u32 s1, s0  }
0xbd: {  	s0 =	sadd.s32 $0x8F2B, s0  }
0xbe: {  	[sflag:s0] =	ssyncadd.remote.s32 $0x1  }
0xbf: {  	_ =	sfence.sel $0xFFFF  }
0xc0: {  	[dreg:$0x0] =	wrdreg $0xFFFFFFFF;
	(pc) =	sbr.abs _section_cstart, $3  }
0xc1: {  	[dreg:$0x1] =	wrdreg $0xFFFFFFFF  }
0xc2: {  	_ =	task.clear_ibuf [dreg:s7], $0x2FFFF;
	_ =	strace $0x9FFFFFFF  }
0xc3: {  	(tm) =	ssettm $0x7FFFFFFF  }
tec
execute0_lowered:
.L_overlay_start_1:
0x0: {  	(tag) =	ssettag $0x1  }
0x1: {  	s1 =	rddreg [dreg:$0x0]  }
0x2: {  	s0 =	rddreg [dreg:$0x1]  }
0x3: {  	s2 =	rddreg [dreg:$0x2];
	s3 =	srdreg.scid  }
0x4: {  	s17 =	simm.s32 $0x0;
	s14 =	stileid.u32;
	s30 =	simm.s32 $0x6  }
0x5: {  	s28 =	simm.s32 $0x5000;
	s31 =	simm.s32 $0x3800;
	s3 =	sand.u32 $0x1, s3  }
0x6: {  	[smem:$0x7FF] =	sst s17;
	s6 =	sadd.s32 $0x1800, s0;
	s0 =	sadd.s32 $0x4A00, s0  }
0x7: {  	s8 =	smul.u32 $0x1880, s14;
	s9 =	sadd.s32 $0x10, s1;
	s4 =	sshll.u32 s3, $0x4  }
0x8: {  	_ =	strace $0x8000004A;
	s5 =	ssub.s32 $0x2, s3;
	[dreg:$0x4] =	wrdreg s6  }
0x9: {  	s3 =	sshll.u32 s3, $0x7;
	s4 =	sor.u32 s14, s4;
	s7 =	sshrl.u32 s5, $0x1  }
0xa: {  	s21 =	sadd.s32 s8, s2;
	s23 =	sadd.s32 $0x800, s8;
	s14 =	smul.u32 $0x3100, s14  }
0xb: {  	s10 =	sadd.s32 $0x1000, s8;
	s8 =	sadd.s32 $0x1800, s8;
	s6 =	smul.u32 $0x62000, s4  }
0xc: {  	s5 =	ssub.s32 s5, s7;
	p2 =	seq.s32 s4, $0x1F;
	s7 =	simm.s32 $0x57  }
0xd: {  	s11 =	sadd.s32 s10, s2;
	s24 =	sadd.s32 s8, s2;
	[dreg:$0x7] =	wrdreg s21  }
0xe: {  	s10 =	sshll.u32 s10, $0x1;
	s8 =	sshll.u32 s8, $0x1;
	[dreg:$0x9] =	wrdreg s11  }
0xf: {  	s7 =	simm.s32 @!p2 $0x62;
	[dreg:$0xa] =	wrdreg s24;
	s14 =	sor.u32 s3, s14  }
0x10: {  	s10 =	sor.u32 s3, s10;
	s24 =	smax.u32 s5, $0x1;
	s5 =	simm.s32 $0x2800  }
0x11: {  	s11 =	simm.s32 $0x5800;
	s22 =	sshrl.u32 s6, $0x3;
	s25 =	sand.u32 $0x76, s7  }
0x12: {  	s12 =	sand.u32 $0x3, s7;
	s15 =	sand.u32 $0x74, s7;
	s14 =	sshrl.u32 s14, $0x3  }
0x13: {  	s10 =	sshrl.u32 s10, $0x3;
	[dreg:$0x15] =	wrdreg s24;
	s29 =	sshrl.u32 s7, $0x2  }
0x14: {  	s24 =	simm.s32 $0x800;
	s16 =	sadd.s32 s1, s22;
	s4 =	sadd.s32 s22, s9  }
0x15: {  	s22 =	sadd.s32 s23, s2;
	s13 =	sshll.u32 s25, $0xC;
	s15 =	sadd.s32 $0x4, s15  }
0x16: {  	s14 =	sadd.s32 s0, s14;
	p0 =	seq.s32 s25, s7;
	p1 =	seq.s32 s12, $0x2  }
0x17: {  	s12 =	simm.s32 $0x0;
	[dreg:$0x6] =	wrdreg s4;
	s13 =	sadd.s32 s6, s13  }
0x18: {  	s4 =	sshll.u32 s23, $0x1;
	s26 =	sshll.u32 s15, $0xC;
	[dreg:$0xb] =	wrdreg s14  }
0x19: {  	s14 =	sadd.s32 s0, s10;
	s25 =	sadd.s32 $0x200, s16;
	[dreg:$0x5] =	wrdreg s16  }
0x1a: {  	s10 =	simm.s32 $0x6000;
	[dreg:$0x8] =	wrdreg s22;
	s13 =	sshrl.u32 s13, $0x3  }
0x1b: {  	s4 =	sor.u32 s3, s4;
	s3 =	sor.u32 s3, s8;
	[dreg:$0xd] =	wrdreg s14  }
0x1c: {  	s20 =	sadd.s32 s6, s26;
	[dreg:$0x16] =	wrdreg s25;
	s26 =	sadd.s32 $0x210, s16  }
0x1d: {  	s16 =	simm.s32 $0x9;
	s25 =	simm.s32 $0x3;
	s8 =	simm.s32 $0x3000  }
0x1e: {  	s4 =	sshrl.u32 s4, $0x3;
	s3 =	sshrl.u32 s3, $0x3;
	s18 =	sadd.s32 s1, s13  }
0x1f: {  	s19 =	sadd.s32 s13, s9;
	[dreg:$0x17] =	wrdreg s26;
	s13 =	simm.s32 $0x100  }
0x20: {  	s26 =	simm.s32 $0x5;
	s4 =	sadd.s32 s0, s4;
	[dreg:$0xf] =	wrdreg s18  }
0x21: {  	s0 =	sadd.s32 s0, s3;
	[dreg:$0x10] =	wrdreg s19;
	s3 =	simm.s32 $0x6  }
0x22: {  	s18 =	simm.s32 $0x1;
	s19 =	simm.s32 $0x2;
	[dreg:$0xc] =	wrdreg s4  }
0x23: {  	[dreg:$0xe] =	wrdreg s0;
	s0 =	sshrl.u32 s20, $0x3;
	s3 =	simm.s32 @!p2 $0x5  }
.Ltmp0:
0x24: {  	s20 =	simm.s32 $0x4800;
	s4 =	simm.s32 $0x4;
	(pc) =	sbr.rel .LBB2_1-.Ltmp0, $4  }
0x25: {  	[dreg:$0x11] =	wrdreg s3;
	s3 =	simm.s32 $0x7;
	s23 =	sadd.s32 s1, s0  }
0x26: {  	s0 =	sadd.s32 s0, s9;
	s3 =	simm.s32 @!p2 $0x6;
	[dreg:$0x13] =	wrdreg s23  }
0x27: {  	p2 =	sge.u32 s15, s7;
	[dreg:$0x14] =	wrdreg s0;
	s23 =	simm.s32 $0x2000  }
0x28: {  	v0 =	vimm.f32 $0.0e+00;
	s15 =	simm.s32 $0x4000;
	[dreg:$0x12] =	wrdreg s3;
	s3 =	simm.s32 $0x80  }
.LBB2_21:
0x29: {  	s0 =	rddreg [dreg:$0x11]  }
0x2a: {  	_ =	swait.ge [sflag:s0], $0x800  }
0x2b: {  	[sflag:s0] =	ssyncset.done $0x0  }
0x2c: {  	s14 =	rddreg [dreg:$0x12];
	[sflag:s0] =	ssyncadd.s32 $0xFFFFF800  }
0x2d: {  	_ =	swait.ge [sflag:s14], $0x800  }
0x2e: {  	[sflag:s14] =	ssyncset.done $0x0  }
0x2f: {  	[sflag:s14] =	ssyncadd.s32 $0xFFFFF800  }
0x30: {  	[bflag:$0x0] =	sbarrier.arrive $0xFFFF  }
0x31: {  	[tilespmem:s15], [sflag:$0x9] =	stream.linear.gather [spmem:s21], $0x800, $0x38;
	[tilespmem:$0x1FF80] =	vst v63  }
0x32: {  	_ =	swait.ge [sflag:s16], $0x800  }
0x33: {  	s3 =	simm.s32 $0x80;
	[sflag:s16] =	ssyncset.done $0x0  }
0x34: {  	s13 =	simm.s32 $0x100;
	s17 =	rddreg [dreg:$0xb];
	[sflag:s16] =	ssyncadd.s32 $0xFFFFF800  }
0x35: {  	[hbm4b:s17+s3] =	stream.strided.scatter [tilespmem:s15], [sflag:$0x9], $0x800, s13, s3, $0x38;
	[tilespmem:$0x1FF80] =	vst v63  }
0x36: {  	_ =	swait.ge [sflag:s16], $0x800  }
0x37: {  	[sflag:s16] =	ssyncset.done $0x0  }
0x38: {  	[sflag:s16] =	ssyncadd.s32 $0xFFFFF800  }
0x39: {  	[tilespmem:s15], [sflag:$0x9] =	stream.linear.gather [spmem:s22], $0x800, $0x38;
	[tilespmem:$0x1FF80] =	vst v63  }
0x3a: {  	_ =	swait.ge [sflag:s16], $0x800  }
0x3b: {  	[sflag:s16] =	ssyncset.done $0x0  }
0x3c: {  	s14 =	rddreg [dreg:$0xc];
	[sflag:s16] =	ssyncadd.s32 $0xFFFFF800  }
0x3d: {  	[hbm4b:s14+s3] =	stream.strided.scatter [tilespmem:s15], [sflag:$0x9], $0x800, s13, s3, $0x38;
	[tilespmem:$0x1FF80] =	vst v63  }
0x3e: {  	_ =	swait.ge [sflag:s16], $0x800  }
0x3f: {  	[sflag:s16] =	ssyncset.done $0x0  }
0x40: {  	s17 =	rddreg [dreg:$0x9];
	[sflag:s16] =	ssyncadd.s32 $0xFFFFF800  }
0x41: {  	[tilespmem:s15], [sflag:$0x9] =	stream.linear.gather [spmem:s17], $0x800, $0x38;
	[tilespmem:$0x1FF80] =	vst v63  }
0x42: {  	_ =	swait.ge [sflag:s16], $0x800  }
0x43: {  	[sflag:s16] =	ssyncset.done $0x0  }
0x44: {  	s14 =	rddreg [dreg:$0xd];
	[sflag:s16] =	ssyncadd.s32 $0xFFFFF800  }
0x45: {  	[hbm4b:s14+s3] =	stream.strided.scatter [tilespmem:s15], [sflag:$0x9], $0x800, s13, s3, $0x38;
	[tilespmem:$0x1FF80] =	vst v63  }
0x46: {  	_ =	swait.ge [sflag:s16], $0x800  }
0x47: {  	[sflag:s16] =	ssyncset.done $0x0  }
0x48: {  	s17 =	rddreg [dreg:$0xa];
	[sflag:s16] =	ssyncadd.s32 $0xFFFFF800  }
0x49: {  	[tilespmem:s15], [sflag:$0x9] =	stream.linear.gather [spmem:s17], $0x80, $0x38;
	[tilespmem:$0x1FF80] =	vst v63  }
0x4a: {  	_ =	swait.ge [sflag:s16], $0x80  }
0x4b: {  	[sflag:s16] =	ssyncset.done $0x0  }
0x4c: {  	s17 =	simm.s32 $0x0;
	s14 =	rddreg [dreg:$0xe];
	[sflag:s16] =	ssyncadd.s32 $0xFFFFFF80  }
0x4d: {  	[hbm4b:s14+s17] =	stream.linear.scatter [tilespmem:s15], [sflag:$0x9], $0x80, $0x38;
	[tilespmem:$0x1FF80] =	vst v63  }
0x4e: {  	_ =	swait.ge [sflag:s16], $0x80  }
0x4f: {  	s12 =	sadd.s32 $0x1, s12;
	s14 =	rddreg [dreg:$0x15]  }
0x50: {  	p3 =	sne.s32 s12, s14  }
.Ltmp1:
0x51: {  	_ = 	snop;
	(pc) =	sbr.rel @!p3 .LBB2_22-.Ltmp1, $3  }
0x52: {  	_ =	sdelay $0x1  }
0x53: {  	[sflag:s16] =	ssyncset.done $0x0  }
0x54: {  	[sflag:s16] =	ssyncadd.s32 $0xFFFFFF80  }
.LBB2_1:
0x55: {  	s0 =	rddreg [dreg:$0x5]  }
0x56: {  	[tilespmem:s17], [sflag:$0x1] =	stream.strided.gather [hbm4b:s0+s3], $0x800, s13, s3, $0x38;
	[tilespmem:$0x1FF80] =	vst v63  }
0x57: {  	s14 =	rddreg [dreg:$0x6]  }
0x58: {  	[tilespmem:s23], [sflag:$0x1] =	stream.strided.gather [hbm4b:s14+s3], $0x800, s13, s3, $0x38;
	[tilespmem:$0x1FF80] =	vst v63  }
0x59: {  	s14 =	rddreg [dreg:$0x16]  }
0x5a: {  	[tilespmem:s24], [sflag:$0x2] =	stream.strided.gather [hbm4b:s14+s3], $0x800, s13, s3, $0x38;
	[tilespmem:$0x1FF80] =	vst v63  }
0x5b: {  	s14 =	rddreg [dreg:$0x17]  }
0x5c: {  	[tilespmem:s5], [sflag:$0x2] =	stream.strided.gather [hbm4b:s14+s3], $0x800, s13, s3, $0x38;
	[tilespmem:$0x1FF80] =	vst v63  }
0x5d: {  	s14 =	rddreg [dreg:$0x4]  }
0x5e: {  	[tilespmem:s10], [sflag:$0x8] =	stream.linear.gather [hbm4b:s14+s17], $0x186A0, $0x38;
	[tilespmem:$0x1FF80] =	vst v63  }
0x5f: {  	s13 =	simm.s32 $0x40;
	s14 =	simm.s32 $0x0  }
.LBB2_2:
0x60: {  	p3 =	sne.s32 s13, $0x1FC0;
	[tilespmem:s14+$0x4000] =	vst v0;
	s14 =	smov.u32 s13;
	s13 =	sadd.s32 $0x40, s13  }
.Ltmp2:
0x61: {  	(pc) =	sbr.rel @p3 .LBB2_2-.Ltmp2, $2  }
0x62: {  	_ =	sdelay $0x2  }
0x63: {  	s14 =	sshra.s32 s14, $0x2  }
0x64: {  	[tilespmem:s14+$0x4000] =	vst v0  }
0x65: {  	[spmem:s21] =	stream.linear.scatter [tilespmem:s15], [sflag:$0x9], $0x800, $0x38;
	[tilespmem:$0x1FF80] =	vst v63  }
0x66: {  	_ =	swait.ge [sflag:s16], $0x800  }
0x67: {  	[sflag:s16] =	ssyncset.done $0x0  }
0x68: {  	[sflag:s16] =	ssyncadd.s32 $0xFFFFF800  }
0x69: {  	[spmem:s22] =	stream.linear.scatter [tilespmem:s15], [sflag:$0x9], $0x800, $0x38;
	[tilespmem:$0x1FF80] =	vst v63  }
0x6a: {  	_ =	swait.ge [sflag:s16], $0x800  }
0x6b: {  	[sflag:s16] =	ssyncset.done $0x0  }
0x6c: {  	s0 =	rddreg [dreg:$0x9];
	[sflag:s16] =	ssyncadd.s32 $0xFFFFF800  }
0x6d: {  	[spmem:s0] =	stream.linear.scatter [tilespmem:s15], [sflag:$0x9], $0x800, $0x38;
	[tilespmem:$0x1FF80] =	vst v63  }
0x6e: {  	_ =	swait.ge [sflag:s16], $0x800  }
0x6f: {  	[sflag:s16] =	ssyncset.done $0x0  }
0x70: {  	s21 =	rddreg [dreg:$0xa];
	[sflag:s16] =	ssyncadd.s32 $0xFFFFF800  }
0x71: {  	[spmem:s21] =	stream.linear.scatter [tilespmem:s15], [sflag:$0x9], $0x80, $0x38;
	[tilespmem:$0x1FF80] =	vst v63  }
0x72: {  	_ =	swait.ge [sflag:s16], $0x80  }
0x73: {  	[sflag:s16] =	ssyncset.done $0x0  }
0x74: {  	[sflag:s16] =	ssyncadd.s32 $0xFFFFFF80  }
0x75: {  	s22 =	simm.s32 $0x8;
	[bflag:$0x0] =	sbarrier.arrive $0xFFFF  }
0x76: {  	_ =	swait.ge [sflag:s22], $0x186A0  }
0x77: {  	[sflag:s22] =	ssyncset.done $0x0  }
0x78: {  	s13 =	simm.s32 $0x0;
	[sflag:s22] =	ssyncadd.s32 $0xFFFE7960  }
.LBB2_4:
0x79: {  	_ =	swait.ge [sflag:s18], $0x800  }
0x7a: {  	[sflag:s18] =	ssyncset.done $0x0  }
0x7b: {  	[sflag:s18] =	ssyncadd.s32 $0xFFFFF800  }
0x7c: {  	_ =	swait.ge [sflag:s18], $0x800  }
0x7d: {  	[sflag:s18] =	ssyncset.done $0x0  }
0x7e: {  	s14 =	simm.s32 $0x40;
	[sflag:s18] =	ssyncadd.s32 $0xFFFFF800  }
0x7f: {  	v1 =	vld [tilespmem:s14+$0x30]  }
0x80: {  	v2 =	vld [tilespmem:s14+$0xFFFFFFD0]  }
0x81: {  	v3 =	vld [tilespmem:s14+$0xFFFFFFE0]  }
0x82: {  	v4 =	vld [tilespmem:s14+$0xFFFFFFF0]  }
0x83: {  	v7 =	vld [tilespmem:s14+$0x0]  }
0x84: {  	v8 =	vld [tilespmem:s14+$0x10]  }
0x85: {  	v9 =	vld [tilespmem:s14+$0x20]  }
0x86: {  	v10 =	vld [tilespmem:s14+$0xFFFFFFC0]  }
0x87: {  	v11 =	vld.idx.msk [tilespmem:v1+s10+$0x0], $0xffff  }
0x88: {  	v12 =	vld.idx.msk [tilespmem:v2+s10+$0x0], $0xffff  }
0x89: {  	v6 =	vld.idx.msk [tilespmem:v3+s10+$0x0], $0xffff  }
0x8a: {  	v5 =	vld.idx.msk [tilespmem:v4+s10+$0x0], $0xffff  }
0x8b: {  	v4 =	vld.idx.msk [tilespmem:v7+s10+$0x0], $0xffff  }
0x8c: {  	s21 =	simm.s32 $0x4040;
	v3 =	vld.idx.msk [tilespmem:v8+s10+$0x0], $0xffff  }
0x8d: {  	v1 =	vld.idx.msk [tilespmem:v9+s10+$0x0], $0xffff;
	[tilespmem:s21+$0x30] =	vst v11  }
0x8e: {  	s17 =	simm.s32 $0xC0;
	s14 =	simm.s32 $0x0;
	v2 =	vld.idx.msk [tilespmem:v10+s10+$0x0], $0xffff;
	[tilespmem:s21+$0xFFFFFFD0] =	vst v12  }
.LBB2_5:
0x8f: {  	v7 =	vld [tilespmem:s17+$0x30];
	s14 =	sadd.s32 $0x8, s14;
	[tilespmem:s21+$0xFFFFFFE0] =	vst v6  }
0x90: {  	v6 =	vld [tilespmem:s17+$0xFFFFFFD0];
	p3 =	slt.u32 s14, $0x78;
	[tilespmem:s21+$0xFFFFFFF0] =	vst v5  }
0x91: {  	v5 =	vld [tilespmem:s17+$0xFFFFFFE0];
	[tilespmem:s21+$0x0] =	vst v4  }
0x92: {  	v4 =	vld [tilespmem:s17+$0xFFFFFFF0];
	[tilespmem:s21+$0x10] =	vst v3  }
0x93: {  	v3 =	vld [tilespmem:s17+$0x0];
	[tilespmem:s21+$0x20] =	vst v1  }
0x94: {  	v1 =	vld [tilespmem:s17+$0x10];
	[tilespmem:s21+$0xFFFFFFC0] =	vst v2  }
0x95: {  	v2 =	vld [tilespmem:s17+$0x20]  }
0x96: {  	v8 =	vld [tilespmem:s17+$0xFFFFFFC0]  }
0x97: {  	v7 =	vld.idx.msk [tilespmem:v7+s10+$0x0], $0xffff  }
0x98: {  	v9 =	vld.idx.msk [tilespmem:v6+s10+$0x0], $0xffff  }
0x99: {  	v6 =	vld.idx.msk [tilespmem:v5+s10+$0x0], $0xffff  }
.Ltmp3:
0x9a: {  	v5 =	vld.idx.msk [tilespmem:v4+s10+$0x0], $0xffff;
	(pc) =	sbr.rel @p3 .LBB2_5-.Ltmp3, $4  }
0x9b: {  	v4 =	vld.idx.msk [tilespmem:v3+s10+$0x0], $0xffff  }
0x9c: {  	s21 =	sadd.s32 $0x80, s21;
	v3 =	vld.idx.msk [tilespmem:v1+s10+$0x0], $0xffff  }
0x9d: {  	v1 =	vld.idx.msk [tilespmem:v2+s10+$0x0], $0xffff;
	[tilespmem:s21+$0x30] =	vst v7  }
0x9e: {  	s17 =	sadd.s32 $0x80, s17;
	v2 =	vld.idx.msk [tilespmem:v8+s10+$0x0], $0xffff;
	[tilespmem:s21+$0xFFFFFFD0] =	vst v9  }
0x9f: {  	[tilespmem:s21+$0xFFFFFFE0] =	vst v6  }
0xa0: {  	[tilespmem:s21+$0xFFFFFFF0] =	vst v5  }
0xa1: {  	s14 =	sshll.u32 s13, $0x2;
	[tilespmem:s21+$0x0] =	vst v4  }
0xa2: {  	s17 =	sor.u32 $0x2, s14;
	[tilespmem:s21+$0x10] =	vst v3  }
0xa3: {  	p3 =	seq.s32 s14, $0x0;
	p4 =	sge.u32 s17, s7;
	[tilespmem:s21+$0x20] =	vst v1  }
0xa4: {  	s17 =	sshll.u32 @!p4 s17, $0xC;
	[tilespmem:s21+$0xFFFFFFC0] =	vst v2;
	s21 =	simm.s32 @!p3 $0x7  }
0xa5: {  	s22 =	simm.s32 @!p4 $0x80;
	s17 =	sadd.s32 @!p4 s6, s17;
	_ =	swait.ge @!p3 [sflag:s21], $0x800  }
0xa6: {  	s0 =	simm.s32 @!p4 $0x100;
	s17 =	sshrl.u32 @!p4 s17, $0x3;
	[sflag:s21] =	ssyncset.done @!p3 $0x0  }
0xa7: {  	s3 =	simm.s32 @!p4 $0x1000;
	[sflag:s21] =	ssyncadd.s32 @!p3 $0xFFFFF800;
	s21 =	sadd.s32 @!p4 s1, s17  }
0xa8: {  	[tilespmem:s3], [sflag:$0x3] =	stream.strided.gather @!p4 [hbm4b:s21+s22], $0x800, s0, s22, $0x38;
	[tilespmem:$0x1FF80] =	vst v63  }
0xa9: {  	s3 =	sadd.s32 @!p4 s17, s9;
	s17 =	simm.s32 @!p4 $0x3000  }
0xaa: {  	[tilespmem:s17], [sflag:$0x3] =	stream.strided.gather @!p4 [hbm4b:s3+s22], $0x800, s0, s22, $0x38;
	[tilespmem:$0x1FF80] =	vst v63  }
0xab: {  	_ = 	snop  }
0xac: {  	[spmem:s2] =	stream.indirect.scatter.add.f32 [tilespmem:s15], [sflag:$0x5], $0x1, s23, s24, $0xb8;
	[tilespmem:$0x1FF80] =	vst v63  }
0xad: {  	_ =	swait.ge [sflag:s19], $0x800  }
0xae: {  	[sflag:s19] =	ssyncset.done $0x0  }
0xaf: {  	[sflag:s19] =	ssyncadd.s32 $0xFFFFF800  }
0xb0: {  	_ =	swait.ge [sflag:s19], $0x800  }
0xb1: {  	[sflag:s19] =	ssyncset.done $0x0  }
0xb2: {  	s22 =	simm.s32 $0x840;
	[sflag:s19] =	ssyncadd.s32 $0xFFFFF800  }
0xb3: {  	v1 =	vld [tilespmem:s22+$0x30]  }
0xb4: {  	v2 =	vld [tilespmem:s22+$0xFFFFFFD0]  }
0xb5: {  	v3 =	vld [tilespmem:s22+$0xFFFFFFE0]  }
0xb6: {  	v4 =	vld [tilespmem:s22+$0xFFFFFFF0]  }
0xb7: {  	v7 =	vld [tilespmem:s22+$0x0]  }
0xb8: {  	v8 =	vld [tilespmem:s22+$0x10]  }
0xb9: {  	v9 =	vld [tilespmem:s22+$0x20]  }
0xba: {  	v10 =	vld [tilespmem:s22+$0xFFFFFFC0]  }
0xbb: {  	v11 =	vld.idx.msk [tilespmem:v1+s10+$0x0], $0xffff  }
0xbc: {  	v12 =	vld.idx.msk [tilespmem:v2+s10+$0x0], $0xffff  }
0xbd: {  	v6 =	vld.idx.msk [tilespmem:v3+s10+$0x0], $0xffff  }
0xbe: {  	v5 =	vld.idx.msk [tilespmem:v4+s10+$0x0], $0xffff  }
0xbf: {  	v2 =	vld.idx.msk [tilespmem:v7+s10+$0x0], $0xffff  }
0xc0: {  	s21 =	simm.s32 $0x4840;
	v3 =	vld.idx.msk [tilespmem:v8+s10+$0x0], $0xffff  }
0xc1: {  	v1 =	vld.idx.msk [tilespmem:v9+s10+$0x0], $0xffff;
	[tilespmem:s21+$0x30] =	vst v11  }
0xc2: {  	s17 =	simm.s32 $0x0;
	s22 =	simm.s32 $0x8C0;
	v4 =	vld.idx.msk [tilespmem:v10+s10+$0x0], $0xffff;
	[tilespmem:s21+$0xFFFFFFD0] =	vst v12  }
.LBB2_7:
0xc3: {  	v7 =	vld [tilespmem:s22+$0x30];
	s17 =	sadd.s32 $0x8, s17;
	[tilespmem:s21+$0xFFFFFFE0] =	vst v6  }
0xc4: {  	v6 =	vld [tilespmem:s22+$0xFFFFFFD0];
	p4 =	slt.u32 s17, $0x78;
	[tilespmem:s21+$0xFFFFFFF0] =	vst v5  }
0xc5: {  	v5 =	vld [tilespmem:s22+$0xFFFFFFE0];
	[tilespmem:s21+$0x0] =	vst v2  }
0xc6: {  	v2 =	vld [tilespmem:s22+$0xFFFFFFF0];
	[tilespmem:s21+$0x10] =	vst v3  }
0xc7: {  	v3 =	vld [tilespmem:s22+$0x0];
	[tilespmem:s21+$0x20] =	vst v1  }
0xc8: {  	v1 =	vld [tilespmem:s22+$0x10];
	[tilespmem:s21+$0xFFFFFFC0] =	vst v4  }
0xc9: {  	v4 =	vld [tilespmem:s22+$0x20]  }
0xca: {  	v8 =	vld [tilespmem:s22+$0xFFFFFFC0]  }
0xcb: {  	v7 =	vld.idx.msk [tilespmem:v7+s10+$0x0], $0xffff  }
0xcc: {  	v9 =	vld.idx.msk [tilespmem:v6+s10+$0x0], $0xffff  }
0xcd: {  	v6 =	vld.idx.msk [tilespmem:v5+s10+$0x0], $0xffff  }
.Ltmp4:
0xce: {  	v5 =	vld.idx.msk [tilespmem:v2+s10+$0x0], $0xffff;
	(pc) =	sbr.rel @p4 .LBB2_7-.Ltmp4, $4  }
0xcf: {  	v2 =	vld.idx.msk [tilespmem:v3+s10+$0x0], $0xffff  }
0xd0: {  	s21 =	sadd.s32 $0x80, s21;
	v3 =	vld.idx.msk [tilespmem:v1+s10+$0x0], $0xffff  }
0xd1: {  	v1 =	vld.idx.msk [tilespmem:v4+s10+$0x0], $0xffff;
	[tilespmem:s21+$0x30] =	vst v7  }
0xd2: {  	s22 =	sadd.s32 $0x80, s22;
	v4 =	vld.idx.msk [tilespmem:v8+s10+$0x0], $0xffff;
	[tilespmem:s21+$0xFFFFFFD0] =	vst v9  }
0xd3: {  	[tilespmem:s21+$0xFFFFFFE0] =	vst v6  }
0xd4: {  	[tilespmem:s21+$0xFFFFFFF0] =	vst v5  }
0xd5: {  	[tilespmem:s21+$0x0] =	vst v2  }
0xd6: {  	s0 =	sor.u32 $0x3, s14;
	[tilespmem:s21+$0x10] =	vst v3  }
0xd7: {  	p4 =	sge.u32 s0, s7;
	[tilespmem:s21+$0x20] =	vst v1  }
0xd8: {  	s3 =	simm.s32 @!p3 $0x8;
	s0 =	sshll.u32 @!p4 s0, $0xC;
	[tilespmem:s21+$0xFFFFFFC0] =	vst v4  }
0xd9: {  	s17 =	simm.s32 @!p4 $0x80;
	s0 =	sadd.s32 @!p4 s6, s0;
	_ =	swait.ge @!p3 [sflag:s3], $0x800  }
0xda: {  	s22 =	simm.s32 @!p4 $0x1800;
	s0 =	sshrl.u32 @!p4 s0, $0x3;
	[sflag:s3] =	ssyncset.done @!p3 $0x0  }
0xdb: {  	s21 =	simm.s32 @!p4 $0x100;
	[sflag:s3] =	ssyncadd.s32 @!p3 $0xFFFFF800;
	s3 =	sadd.s32 @!p4 s1, s0  }
0xdc: {  	[tilespmem:s22], [sflag:$0x4] =	stream.strided.gather @!p4 [hbm4b:s3+s17], $0x800, s21, s17, $0x38;
	[tilespmem:$0x1FF80] =	vst v63  }
0xdd: {  	s0 =	sadd.s32 @!p4 s0, s9;
	s3 =	simm.s32 @!p4 $0x3800  }
0xde: {  	[tilespmem:s3], [sflag:$0x4] =	stream.strided.gather @!p4 [hbm4b:s0+s17], $0x800, s21, s17, $0x38;
	[tilespmem:$0x1FF80] =	vst v63  }
0xdf: {  	_ = 	snop  }
0xe0: {  	[spmem:s2] =	stream.indirect.scatter.add.f32 [tilespmem:s20], [sflag:$0x6], $0x1, s5, s24, $0xb8;
	[tilespmem:$0x1FF80] =	vst v63  }
0xe1: {  	_ =	swait.ge [sflag:s25], $0x800  }
0xe2: {  	[sflag:s25] =	ssyncset.done $0x0  }
0xe3: {  	[sflag:s25] =	ssyncadd.s32 $0xFFFFF800  }
0xe4: {  	_ =	swait.ge [sflag:s25], $0x800  }
0xe5: {  	[sflag:s25] =	ssyncset.done $0x0  }
0xe6: {  	s22 =	simm.s32 $0x1040;
	[sflag:s25] =	ssyncadd.s32 $0xFFFFF800  }
0xe7: {  	v1 =	vld [tilespmem:s22+$0x30]  }
0xe8: {  	v2 =	vld [tilespmem:s22+$0xFFFFFFD0]  }
0xe9: {  	v3 =	vld [tilespmem:s22+$0xFFFFFFE0]  }
0xea: {  	v4 =	vld [tilespmem:s22+$0xFFFFFFF0]  }
0xeb: {  	v7 =	vld [tilespmem:s22+$0x0]  }
0xec: {  	v8 =	vld [tilespmem:s22+$0x10]  }
0xed: {  	v9 =	vld [tilespmem:s22+$0x20]  }
0xee: {  	v10 =	vld [tilespmem:s22+$0xFFFFFFC0]  }
0xef: {  	v11 =	vld.idx.msk [tilespmem:v1+s10+$0x0], $0xffff  }
0xf0: {  	v12 =	vld.idx.msk [tilespmem:v2+s10+$0x0], $0xffff  }
0xf1: {  	v6 =	vld.idx.msk [tilespmem:v3+s10+$0x0], $0xffff  }
0xf2: {  	v5 =	vld.idx.msk [tilespmem:v4+s10+$0x0], $0xffff  }
0xf3: {  	v2 =	vld.idx.msk [tilespmem:v7+s10+$0x0], $0xffff  }
0xf4: {  	s21 =	simm.s32 $0x5040;
	v3 =	vld.idx.msk [tilespmem:v8+s10+$0x0], $0xffff  }
0xf5: {  	v1 =	vld.idx.msk [tilespmem:v9+s10+$0x0], $0xffff;
	[tilespmem:s21+$0x30] =	vst v11  }
0xf6: {  	s17 =	simm.s32 $0x0;
	s22 =	simm.s32 $0x10C0;
	v4 =	vld.idx.msk [tilespmem:v10+s10+$0x0], $0xffff;
	[tilespmem:s21+$0xFFFFFFD0] =	vst v12  }
.LBB2_9:
0xf7: {  	v7 =	vld [tilespmem:s22+$0x30];
	s17 =	sadd.s32 $0x8, s17;
	[tilespmem:s21+$0xFFFFFFE0] =	vst v6  }
0xf8: {  	v6 =	vld [tilespmem:s22+$0xFFFFFFD0];
	p3 =	slt.u32 s17, $0x78;
	[tilespmem:s21+$0xFFFFFFF0] =	vst v5  }
0xf9: {  	v5 =	vld [tilespmem:s22+$0xFFFFFFE0];
	[tilespmem:s21+$0x0] =	vst v2  }
0xfa: {  	v2 =	vld [tilespmem:s22+$0xFFFFFFF0];
	[tilespmem:s21+$0x10] =	vst v3  }
0xfb: {  	v3 =	vld [tilespmem:s22+$0x0];
	[tilespmem:s21+$0x20] =	vst v1  }
0xfc: {  	v1 =	vld [tilespmem:s22+$0x10];
	[tilespmem:s21+$0xFFFFFFC0] =	vst v4  }
0xfd: {  	v4 =	vld [tilespmem:s22+$0x20]  }
0xfe: {  	v8 =	vld [tilespmem:s22+$0xFFFFFFC0]  }
0xff: {  	v7 =	vld.idx.msk [tilespmem:v7+s10+$0x0], $0xffff  }
0x100: {  	v9 =	vld.idx.msk [tilespmem:v6+s10+$0x0], $0xffff  }
0x101: {  	v6 =	vld.idx.msk [tilespmem:v5+s10+$0x0], $0xffff  }
.Ltmp5:
0x102: {  	v5 =	vld.idx.msk [tilespmem:v2+s10+$0x0], $0xffff;
	(pc) =	sbr.rel @p3 .LBB2_9-.Ltmp5, $4  }
0x103: {  	v2 =	vld.idx.msk [tilespmem:v3+s10+$0x0], $0xffff  }
0x104: {  	s21 =	sadd.s32 $0x80, s21;
	v3 =	vld.idx.msk [tilespmem:v1+s10+$0x0], $0xffff  }
0x105: {  	v1 =	vld.idx.msk [tilespmem:v4+s10+$0x0], $0xffff;
	[tilespmem:s21+$0x30] =	vst v7  }
0x106: {  	s22 =	sadd.s32 $0x80, s22;
	v4 =	vld.idx.msk [tilespmem:v8+s10+$0x0], $0xffff;
	[tilespmem:s21+$0xFFFFFFD0] =	vst v9  }
0x107: {  	[tilespmem:s21+$0xFFFFFFE0] =	vst v6  }
0x108: {  	[tilespmem:s21+$0xFFFFFFF0] =	vst v5  }
0x109: {  	[tilespmem:s21+$0x0] =	vst v2  }
0x10a: {  	s0 =	sadd.s32 $0x4, s14;
	[tilespmem:s21+$0x10] =	vst v3  }
0x10b: {  	p3 =	sge.u32 s0, s7;
	[tilespmem:s21+$0x20] =	vst v1  }
0x10c: {  	s0 =	sshll.u32 @!p3 s0, $0xC;
	[tilespmem:s21+$0xFFFFFFC0] =	vst v4  }
0x10d: {  	s17 =	simm.s32 @!p3 $0x80;
	s0 =	sadd.s32 @!p3 s6, s0;
	_ =	swait.ge [sflag:s26], $0x800  }
0x10e: {  	s22 =	simm.s32 @!p3 $0x0;
	s0 =	sshrl.u32 @!p3 s0, $0x3;
	[sflag:s26] =	ssyncset.done $0x0  }
0x10f: {  	s21 =	simm.s32 @!p3 $0x100;
	s3 =	sadd.s32 @!p3 s1, s0;
	[sflag:s26] =	ssyncadd.s32 $0xFFFFF800  }
0x110: {  	[tilespmem:s22], [sflag:$0x1] =	stream.strided.gather @!p3 [hbm4b:s3+s17], $0x800, s21, s17, $0x38;
	[tilespmem:$0x1FF80] =	vst v63  }
0x111: {  	s0 =	sadd.s32 @!p3 s0, s9;
	s3 =	simm.s32 @!p3 $0x2000  }
0x112: {  	[tilespmem:s3], [sflag:$0x1] =	stream.strided.gather @!p3 [hbm4b:s0+s17], $0x800, s21, s17, $0x38;
	[tilespmem:$0x1FF80] =	vst v63  }
0x113: {  	_ = 	snop  }
0x114: {  	[spmem:s2] =	stream.indirect.scatter.add.f32 [tilespmem:s28], [sflag:$0x7], $0x1, s8, s24, $0xb8;
	[tilespmem:$0x1FF80] =	vst v63  }
0x115: {  	_ =	swait.ge [sflag:s4], $0x800  }
0x116: {  	[sflag:s4] =	ssyncset.done $0x0  }
0x117: {  	[sflag:s4] =	ssyncadd.s32 $0xFFFFF800  }
0x118: {  	_ =	swait.ge [sflag:s4], $0x800  }
0x119: {  	[sflag:s4] =	ssyncset.done $0x0  }
0x11a: {  	s22 =	simm.s32 $0x1840;
	[sflag:s4] =	ssyncadd.s32 $0xFFFFF800  }
0x11b: {  	v1 =	vld [tilespmem:s22+$0x30]  }
0x11c: {  	v2 =	vld [tilespmem:s22+$0xFFFFFFD0]  }
0x11d: {  	v3 =	vld [tilespmem:s22+$0xFFFFFFE0]  }
0x11e: {  	v4 =	vld [tilespmem:s22+$0xFFFFFFF0]  }
0x11f: {  	v7 =	vld [tilespmem:s22+$0x0]  }
0x120: {  	v8 =	vld [tilespmem:s22+$0x10]  }
0x121: {  	v9 =	vld [tilespmem:s22+$0x20]  }
0x122: {  	v10 =	vld [tilespmem:s22+$0xFFFFFFC0]  }
0x123: {  	v11 =	vld.idx.msk [tilespmem:v1+s10+$0x0], $0xffff  }
0x124: {  	v12 =	vld.idx.msk [tilespmem:v2+s10+$0x0], $0xffff  }
0x125: {  	v6 =	vld.idx.msk [tilespmem:v3+s10+$0x0], $0xffff  }
0x126: {  	v5 =	vld.idx.msk [tilespmem:v4+s10+$0x0], $0xffff  }
0x127: {  	v2 =	vld.idx.msk [tilespmem:v7+s10+$0x0], $0xffff  }
0x128: {  	s21 =	simm.s32 $0x5840;
	v3 =	vld.idx.msk [tilespmem:v8+s10+$0x0], $0xffff  }
0x129: {  	v1 =	vld.idx.msk [tilespmem:v9+s10+$0x0], $0xffff;
	[tilespmem:s21+$0x30] =	vst v11  }
0x12a: {  	s17 =	simm.s32 $0x0;
	s22 =	simm.s32 $0x18C0;
	v4 =	vld.idx.msk [tilespmem:v10+s10+$0x0], $0xffff;
	[tilespmem:s21+$0xFFFFFFD0] =	vst v12  }
.LBB2_11:
0x12b: {  	v7 =	vld [tilespmem:s22+$0x30];
	s17 =	sadd.s32 $0x8, s17;
	[tilespmem:s21+$0xFFFFFFE0] =	vst v6  }
0x12c: {  	v6 =	vld [tilespmem:s22+$0xFFFFFFD0];
	p3 =	slt.u32 s17, $0x78;
	[tilespmem:s21+$0xFFFFFFF0] =	vst v5  }
0x12d: {  	v5 =	vld [tilespmem:s22+$0xFFFFFFE0];
	[tilespmem:s21+$0x0] =	vst v2  }
0x12e: {  	v2 =	vld [tilespmem:s22+$0xFFFFFFF0];
	[tilespmem:s21+$0x10] =	vst v3  }
0x12f: {  	v3 =	vld [tilespmem:s22+$0x0];
	[tilespmem:s21+$0x20] =	vst v1  }
0x130: {  	v1 =	vld [tilespmem:s22+$0x10];
	[tilespmem:s21+$0xFFFFFFC0] =	vst v4  }
0x131: {  	v4 =	vld [tilespmem:s22+$0x20]  }
0x132: {  	v8 =	vld [tilespmem:s22+$0xFFFFFFC0]  }
0x133: {  	v7 =	vld.idx.msk [tilespmem:v7+s10+$0x0], $0xffff  }
0x134: {  	v9 =	vld.idx.msk [tilespmem:v6+s10+$0x0], $0xffff  }
0x135: {  	v6 =	vld.idx.msk [tilespmem:v5+s10+$0x0], $0xffff  }
.Ltmp6:
0x136: {  	v5 =	vld.idx.msk [tilespmem:v2+s10+$0x0], $0xffff;
	(pc) =	sbr.rel @p3 .LBB2_11-.Ltmp6, $4  }
0x137: {  	v2 =	vld.idx.msk [tilespmem:v3+s10+$0x0], $0xffff  }
0x138: {  	s21 =	sadd.s32 $0x80, s21;
	v3 =	vld.idx.msk [tilespmem:v1+s10+$0x0], $0xffff  }
0x139: {  	v1 =	vld.idx.msk [tilespmem:v4+s10+$0x0], $0xffff;
	[tilespmem:s21+$0x30] =	vst v7  }
0x13a: {  	s22 =	sadd.s32 $0x80, s22;
	v4 =	vld.idx.msk [tilespmem:v8+s10+$0x0], $0xffff;
	[tilespmem:s21+$0xFFFFFFD0] =	vst v9  }
0x13b: {  	[tilespmem:s21+$0xFFFFFFE0] =	vst v6  }
0x13c: {  	[tilespmem:s21+$0xFFFFFFF0] =	vst v5  }
0x13d: {  	[tilespmem:s21+$0x0] =	vst v2  }
0x13e: {  	s0 =	sadd.s32 $0x5, s14;
	[tilespmem:s21+$0x10] =	vst v3  }
0x13f: {  	p3 =	sge.u32 s0, s7;
	[tilespmem:s21+$0x20] =	vst v1  }
0x140: {  	s0 =	sshll.u32 @!p3 s0, $0xC;
	[tilespmem:s21+$0xFFFFFFC0] =	vst v4  }
0x141: {  	s14 =	simm.s32 @!p3 $0x80;
	s0 =	sadd.s32 @!p3 s6, s0;
	_ =	swait.ge [sflag:s30], $0x800  }
0x142: {  	s17 =	simm.s32 @!p3 $0x100;
	s0 =	sshrl.u32 @!p3 s0, $0x3;
	[sflag:s30] =	ssyncset.done $0x0  }
0x143: {  	s21 =	simm.s32 @!p3 $0x800;
	s3 =	sadd.s32 @!p3 s1, s0;
	[sflag:s30] =	ssyncadd.s32 $0xFFFFF800  }
0x144: {  	[tilespmem:s21], [sflag:$0x2] =	stream.strided.gather @!p3 [hbm4b:s3+s14], $0x800, s17, s14, $0x38;
	[tilespmem:$0x1FF80] =	vst v63  }
0x145: {  	s13 =	sadd.s32 $0x1, s13;
	s0 =	sadd.s32 @!p3 s0, s9;
	s3 =	simm.s32 @!p3 $0x2800  }
0x146: {  	[tilespmem:s3], [sflag:$0x2] =	stream.strided.gather @!p3 [hbm4b:s0+s14], $0x800, s17, s14, $0x38;
	[tilespmem:$0x1FF80] =	vst v63  }
0x147: {  	p3 =	sne.s32 s13, s29  }
.Ltmp7:
0x148: {  	_ = 	snop;
	(pc) =	sbr.rel @p3 .LBB2_4-.Ltmp7, $2  }
0x149: {  	_ =	sdelay $0x2  }
0x14a: {  	[spmem:s2] =	stream.indirect.scatter.add.f32 [tilespmem:s11], [sflag:$0x8], $0x1, s31, s24, $0xb8;
	[tilespmem:$0x1FF80] =	vst v63  }
0x14b: {  	_ =	swait.ge [sflag:s18], $0x800  }
0x14c: {  	[sflag:s18] =	ssyncset.done $0x0  }
0x14d: {  	[sflag:s18] =	ssyncadd.s32 $0xFFFFF800  }
0x14e: {  	_ =	swait.ge [sflag:s18], $0x800  }
0x14f: {  	[sflag:s18] =	ssyncset.done $0x0  }
0x150: {  	s0 =	simm.s32 $0x40;
	[sflag:s18] =	ssyncadd.s32 $0xFFFFF800  }
0x151: {  	v1 =	vld [tilespmem:s0+$0x30]  }
0x152: {  	v2 =	vld [tilespmem:s0+$0xFFFFFFD0]  }
0x153: {  	v3 =	vld [tilespmem:s0+$0xFFFFFFE0]  }
0x154: {  	v4 =	vld [tilespmem:s0+$0xFFFFFFF0]  }
0x155: {  	v5 =	vld [tilespmem:s0+$0x0]  }
0x156: {  	v7 =	vld [tilespmem:s0+$0x10]  }
0x157: {  	v8 =	vld [tilespmem:s0+$0x20]  }
0x158: {  	v9 =	vld [tilespmem:s0+$0xFFFFFFC0]  }
0x159: {  	v10 =	vld.idx.msk [tilespmem:v1+s10+$0x0], $0xffff  }
0x15a: {  	v11 =	vld.idx.msk [tilespmem:v2+s10+$0x0], $0xffff  }
0x15b: {  	v6 =	vld.idx.msk [tilespmem:v3+s10+$0x0], $0xffff  }
0x15c: {  	v4 =	vld.idx.msk [tilespmem:v4+s10+$0x0], $0xffff  }
0x15d: {  	v1 =	vld.idx.msk [tilespmem:v5+s10+$0x0], $0xffff  }
0x15e: {  	s13 =	simm.s32 $0x4040;
	v2 =	vld.idx.msk [tilespmem:v7+s10+$0x0], $0xffff  }
0x15f: {  	v3 =	vld.idx.msk [tilespmem:v8+s10+$0x0], $0xffff;
	[tilespmem:s13+$0x30] =	vst v10  }
0x160: {  	s14 =	simm.s32 $0x0;
	s17 =	simm.s32 $0xC0;
	v5 =	vld.idx.msk [tilespmem:v9+s10+$0x0], $0xffff;
	[tilespmem:s13+$0xFFFFFFD0] =	vst v11  }
.LBB2_14:
0x161: {  	v7 =	vld [tilespmem:s17+$0x30];
	s14 =	sadd.s32 $0x8, s14;
	[tilespmem:s13+$0xFFFFFFE0] =	vst v6  }
0x162: {  	v6 =	vld [tilespmem:s17+$0xFFFFFFD0];
	p3 =	slt.u32 s14, $0x78;
	[tilespmem:s13+$0xFFFFFFF0] =	vst v4  }
0x163: {  	v4 =	vld [tilespmem:s17+$0xFFFFFFE0];
	[tilespmem:s13+$0x0] =	vst v1  }
0x164: {  	v1 =	vld [tilespmem:s17+$0xFFFFFFF0];
	[tilespmem:s13+$0x10] =	vst v2  }
0x165: {  	v2 =	vld [tilespmem:s17+$0x0];
	[tilespmem:s13+$0x20] =	vst v3  }
0x166: {  	v3 =	vld [tilespmem:s17+$0x10];
	[tilespmem:s13+$0xFFFFFFC0] =	vst v5  }
0x167: {  	v5 =	vld [tilespmem:s17+$0x20]  }
0x168: {  	v8 =	vld [tilespmem:s17+$0xFFFFFFC0]  }
0x169: {  	v7 =	vld.idx.msk [tilespmem:v7+s10+$0x0], $0xffff  }
0x16a: {  	v9 =	vld.idx.msk [tilespmem:v6+s10+$0x0], $0xffff  }
0x16b: {  	v6 =	vld.idx.msk [tilespmem:v4+s10+$0x0], $0xffff  }
.Ltmp8:
0x16c: {  	v4 =	vld.idx.msk [tilespmem:v1+s10+$0x0], $0xffff;
	(pc) =	sbr.rel @p3 .LBB2_14-.Ltmp8, $4  }
0x16d: {  	v1 =	vld.idx.msk [tilespmem:v2+s10+$0x0], $0xffff  }
0x16e: {  	s13 =	sadd.s32 $0x80, s13;
	v2 =	vld.idx.msk [tilespmem:v3+s10+$0x0], $0xffff  }
0x16f: {  	v3 =	vld.idx.msk [tilespmem:v5+s10+$0x0], $0xffff;
	[tilespmem:s13+$0x30] =	vst v7  }
0x170: {  	s17 =	sadd.s32 $0x80, s17;
	v5 =	vld.idx.msk [tilespmem:v8+s10+$0x0], $0xffff;
	[tilespmem:s13+$0xFFFFFFD0] =	vst v9  }
0x171: {  	[tilespmem:s13+$0xFFFFFFE0] =	vst v6  }
0x172: {  	[tilespmem:s13+$0xFFFFFFF0] =	vst v4  }
0x173: {  	[tilespmem:s13+$0x0] =	vst v1  }
0x174: {  	[tilespmem:s13+$0x10] =	vst v2  }
0x175: {  	[tilespmem:s13+$0x20] =	vst v3  }
0x176: {  	s0 =	simm.s32 $0x7;
	[tilespmem:s13+$0xFFFFFFC0] =	vst v5  }
0x177: {  	_ =	swait.ge [sflag:s0], $0x800  }
0x178: {  	s3 =	simm.s32 @!p0 $0x100;
	s13 =	simm.s32 @!p0 $0x1000;
	[sflag:s0] =	ssyncset.done $0x0  }
0x179: {  	s14 =	rddreg [dreg:$0xf];
	[sflag:s0] =	ssyncadd.s32 $0xFFFFF800;
	s0 =	simm.s32 @!p0 $0x80  }
0x17a: {  	[tilespmem:s13], [sflag:$0x3] =	stream.strided.gather @!p0 [hbm4b:s14+s0], $0x800, s3, s0, $0x38;
	[tilespmem:$0x1FF80] =	vst v63  }
0x17b: {  	s13 =	simm.s32 @!p0 $0x3000;
	s14 =	rddreg [dreg:$0x10]  }
0x17c: {  	[tilespmem:s13], [sflag:$0x3] =	stream.strided.gather @!p0 [hbm4b:s14+s0], $0x800, s3, s0, $0x38;
	[tilespmem:$0x1FF80] =	vst v63  }
0x17d: {  	_ = 	snop  }
0x17e: {  	[spmem:s2] =	stream.indirect.scatter.add.f32 [tilespmem:s15], [sflag:$0x5], $0x1, s23, s24, $0xb8;
	[tilespmem:$0x1FF80] =	vst v63  }
0x17f: {  	_ =	swait.ge [sflag:s19], $0x800  }
0x180: {  	[sflag:s19] =	ssyncset.done $0x0  }
0x181: {  	[sflag:s19] =	ssyncadd.s32 $0xFFFFF800  }
0x182: {  	_ =	swait.ge [sflag:s19], $0x800  }
0x183: {  	[sflag:s19] =	ssyncset.done $0x0  }
0x184: {  	s22 =	simm.s32 $0x840;
	[sflag:s19] =	ssyncadd.s32 $0xFFFFF800  }
0x185: {  	v1 =	vld [tilespmem:s22+$0x30]  }
0x186: {  	v2 =	vld [tilespmem:s22+$0xFFFFFFD0]  }
0x187: {  	v3 =	vld [tilespmem:s22+$0xFFFFFFE0]  }
0x188: {  	v4 =	vld [tilespmem:s22+$0xFFFFFFF0]  }
0x189: {  	v5 =	vld [tilespmem:s22+$0x0]  }
0x18a: {  	v7 =	vld [tilespmem:s22+$0x10]  }
0x18b: {  	v8 =	vld [tilespmem:s22+$0x20]  }
0x18c: {  	v9 =	vld [tilespmem:s22+$0xFFFFFFC0]  }
0x18d: {  	v10 =	vld.idx.msk [tilespmem:v1+s10+$0x0], $0xffff  }
0x18e: {  	v11 =	vld.idx.msk [tilespmem:v2+s10+$0x0], $0xffff  }
0x18f: {  	v6 =	vld.idx.msk [tilespmem:v3+s10+$0x0], $0xffff  }
0x190: {  	v4 =	vld.idx.msk [tilespmem:v4+s10+$0x0], $0xffff  }
0x191: {  	s13 =	simm.s32 $0x4840;
	v1 =	vld.idx.msk [tilespmem:v5+s10+$0x0], $0xffff  }
0x192: {  	v2 =	vld.idx.msk [tilespmem:v7+s10+$0x0], $0xffff;
	[tilespmem:s13+$0x30] =	vst v10  }
0x193: {  	v3 =	vld.idx.msk [tilespmem:v8+s10+$0x0], $0xffff;
	[tilespmem:s13+$0xFFFFFFD0] =	vst v11  }
0x194: {  	s17 =	simm.s32 $0x8C0;
	s14 =	simm.s32 $0x0;
	v5 =	vld.idx.msk [tilespmem:v9+s10+$0x0], $0xffff;
	s22 =	rddreg [dreg:$0x8]  }
.LBB2_16:
0x195: {  	v7 =	vld [tilespmem:s17+$0x30];
	s14 =	sadd.s32 $0x8, s14;
	[tilespmem:s13+$0xFFFFFFE0] =	vst v6  }
0x196: {  	v6 =	vld [tilespmem:s17+$0xFFFFFFD0];
	p3 =	slt.u32 s14, $0x78;
	[tilespmem:s13+$0xFFFFFFF0] =	vst v4  }
0x197: {  	v4 =	vld [tilespmem:s17+$0xFFFFFFE0];
	[tilespmem:s13+$0x0] =	vst v1  }
0x198: {  	v1 =	vld [tilespmem:s17+$0xFFFFFFF0];
	[tilespmem:s13+$0x10] =	vst v2  }
0x199: {  	v2 =	vld [tilespmem:s17+$0x0];
	[tilespmem:s13+$0x20] =	vst v3  }
0x19a: {  	v3 =	vld [tilespmem:s17+$0x10];
	[tilespmem:s13+$0xFFFFFFC0] =	vst v5  }
0x19b: {  	v5 =	vld [tilespmem:s17+$0x20]  }
0x19c: {  	v8 =	vld [tilespmem:s17+$0xFFFFFFC0]  }
0x19d: {  	v7 =	vld.idx.msk [tilespmem:v7+s10+$0x0], $0xffff  }
0x19e: {  	v9 =	vld.idx.msk [tilespmem:v6+s10+$0x0], $0xffff  }
0x19f: {  	v6 =	vld.idx.msk [tilespmem:v4+s10+$0x0], $0xffff  }
.Ltmp9:
0x1a0: {  	v4 =	vld.idx.msk [tilespmem:v1+s10+$0x0], $0xffff;
	(pc) =	sbr.rel @p3 .LBB2_16-.Ltmp9, $4  }
0x1a1: {  	v1 =	vld.idx.msk [tilespmem:v2+s10+$0x0], $0xffff  }
0x1a2: {  	s13 =	sadd.s32 $0x80, s13;
	v2 =	vld.idx.msk [tilespmem:v3+s10+$0x0], $0xffff  }
0x1a3: {  	v3 =	vld.idx.msk [tilespmem:v5+s10+$0x0], $0xffff;
	[tilespmem:s13+$0x30] =	vst v7  }
0x1a4: {  	s17 =	sadd.s32 $0x80, s17;
	v5 =	vld.idx.msk [tilespmem:v8+s10+$0x0], $0xffff;
	[tilespmem:s13+$0xFFFFFFD0] =	vst v9  }
0x1a5: {  	[tilespmem:s13+$0xFFFFFFE0] =	vst v6  }
0x1a6: {  	[tilespmem:s13+$0xFFFFFFF0] =	vst v4  }
0x1a7: {  	[tilespmem:s13+$0x0] =	vst v1  }
0x1a8: {  	[tilespmem:s13+$0x10] =	vst v2  }
0x1a9: {  	[tilespmem:s13+$0x20] =	vst v3  }
.Ltmp10:
0x1aa: {  	s0 =	simm.s32 $0x8;
	[tilespmem:s13+$0xFFFFFFC0] =	vst v5;
	(pc) =	sbr.rel @p1 .LBB2_21-.Ltmp10, $4  }
0x1ab: {  	_ =	swait.ge [sflag:s0], $0x800  }
0x1ac: {  	[sflag:s0] =	ssyncset.done $0x0  }
0x1ad: {  	s21 =	rddreg [dreg:$0x7];
	[sflag:s0] =	ssyncadd.s32 $0xFFFFF800  }
0x1ae: {  	[spmem:s2] =	stream.indirect.scatter.add.f32 [tilespmem:s20], [sflag:$0x6], $0x1, s5, s24, $0xb8;
	[tilespmem:$0x1FF80] =	vst v63  }
0x1af: {  	_ =	swait.ge [sflag:s25], $0x800  }
0x1b0: {  	[sflag:s25] =	ssyncset.done $0x0  }
0x1b1: {  	[sflag:s25] =	ssyncadd.s32 $0xFFFFF800  }
0x1b2: {  	_ =	swait.ge [sflag:s25], $0x800  }
0x1b3: {  	[sflag:s25] =	ssyncset.done $0x0  }
0x1b4: {  	s0 =	simm.s32 $0x1040;
	[sflag:s25] =	ssyncadd.s32 $0xFFFFF800  }
0x1b5: {  	v1 =	vld [tilespmem:s0+$0x30]  }
0x1b6: {  	v2 =	vld [tilespmem:s0+$0xFFFFFFD0]  }
0x1b7: {  	v3 =	vld [tilespmem:s0+$0xFFFFFFE0]  }
0x1b8: {  	v4 =	vld [tilespmem:s0+$0xFFFFFFF0]  }
0x1b9: {  	v5 =	vld [tilespmem:s0+$0x0]  }
0x1ba: {  	v7 =	vld [tilespmem:s0+$0x10]  }
0x1bb: {  	v8 =	vld [tilespmem:s0+$0x20]  }
0x1bc: {  	v9 =	vld [tilespmem:s0+$0xFFFFFFC0]  }
0x1bd: {  	v10 =	vld.idx.msk [tilespmem:v1+s10+$0x0], $0xffff  }
0x1be: {  	v11 =	vld.idx.msk [tilespmem:v2+s10+$0x0], $0xffff  }
0x1bf: {  	v6 =	vld.idx.msk [tilespmem:v3+s10+$0x0], $0xffff  }
0x1c0: {  	v4 =	vld.idx.msk [tilespmem:v4+s10+$0x0], $0xffff  }
0x1c1: {  	v1 =	vld.idx.msk [tilespmem:v5+s10+$0x0], $0xffff  }
0x1c2: {  	s13 =	simm.s32 $0x5040;
	v2 =	vld.idx.msk [tilespmem:v7+s10+$0x0], $0xffff  }
0x1c3: {  	v3 =	vld.idx.msk [tilespmem:v8+s10+$0x0], $0xffff;
	[tilespmem:s13+$0x30] =	vst v10  }
0x1c4: {  	s14 =	simm.s32 $0x0;
	s17 =	simm.s32 $0x10C0;
	v5 =	vld.idx.msk [tilespmem:v9+s10+$0x0], $0xffff;
	[tilespmem:s13+$0xFFFFFFD0] =	vst v11  }
.LBB2_19:
0x1c5: {  	v7 =	vld [tilespmem:s17+$0x30];
	s14 =	sadd.s32 $0x8, s14;
	[tilespmem:s13+$0xFFFFFFE0] =	vst v6  }
0x1c6: {  	v6 =	vld [tilespmem:s17+$0xFFFFFFD0];
	p3 =	slt.u32 s14, $0x78;
	[tilespmem:s13+$0xFFFFFFF0] =	vst v4  }
0x1c7: {  	v4 =	vld [tilespmem:s17+$0xFFFFFFE0];
	[tilespmem:s13+$0x0] =	vst v1  }
0x1c8: {  	v1 =	vld [tilespmem:s17+$0xFFFFFFF0];
	[tilespmem:s13+$0x10] =	vst v2  }
0x1c9: {  	v2 =	vld [tilespmem:s17+$0x0];
	[tilespmem:s13+$0x20] =	vst v3  }
0x1ca: {  	v3 =	vld [tilespmem:s17+$0x10];
	[tilespmem:s13+$0xFFFFFFC0] =	vst v5  }
0x1cb: {  	v5 =	vld [tilespmem:s17+$0x20]  }
0x1cc: {  	v8 =	vld [tilespmem:s17+$0xFFFFFFC0]  }
0x1cd: {  	v7 =	vld.idx.msk [tilespmem:v7+s10+$0x0], $0xffff  }
0x1ce: {  	v9 =	vld.idx.msk [tilespmem:v6+s10+$0x0], $0xffff  }
0x1cf: {  	v6 =	vld.idx.msk [tilespmem:v4+s10+$0x0], $0xffff  }
.Ltmp11:
0x1d0: {  	v4 =	vld.idx.msk [tilespmem:v1+s10+$0x0], $0xffff;
	(pc) =	sbr.rel @p3 .LBB2_19-.Ltmp11, $4  }
0x1d1: {  	v1 =	vld.idx.msk [tilespmem:v2+s10+$0x0], $0xffff  }
0x1d2: {  	s13 =	sadd.s32 $0x80, s13;
	v2 =	vld.idx.msk [tilespmem:v3+s10+$0x0], $0xffff  }
0x1d3: {  	v3 =	vld.idx.msk [tilespmem:v5+s10+$0x0], $0xffff;
	[tilespmem:s13+$0x30] =	vst v7  }
0x1d4: {  	s17 =	sadd.s32 $0x80, s17;
	v5 =	vld.idx.msk [tilespmem:v8+s10+$0x0], $0xffff;
	[tilespmem:s13+$0xFFFFFFD0] =	vst v9  }
0x1d5: {  	[tilespmem:s13+$0xFFFFFFE0] =	vst v6  }
0x1d6: {  	[tilespmem:s13+$0xFFFFFFF0] =	vst v4  }
0x1d7: {  	[tilespmem:s13+$0x0] =	vst v1  }
0x1d8: {  	[tilespmem:s13+$0x10] =	vst v2  }
0x1d9: {  	[tilespmem:s13+$0x20] =	vst v3  }
0x1da: {  	[tilespmem:s13+$0xFFFFFFC0] =	vst v5  }
0x1db: {  	_ =	swait.ge [sflag:s26], $0x800  }
0x1dc: {  	s0 =	simm.s32 @!p2 $0x80;
	s3 =	simm.s32 @!p2 $0x100;
	[sflag:s26] =	ssyncset.done $0x0  }
0x1dd: {  	s13 =	simm.s32 @!p2 $0x0;
	s14 =	rddreg [dreg:$0x13];
	[sflag:s26] =	ssyncadd.s32 $0xFFFFF800  }
0x1de: {  	[tilespmem:s13], [sflag:$0x1] =	stream.strided.gather @!p2 [hbm4b:s14+s0], $0x800, s3, s0, $0x38;
	[tilespmem:$0x1FF80] =	vst v63  }
.Ltmp12:
0x1df: {  	_ = 	snop;
	(pc) =	sbr.rel .LBB2_21-.Ltmp12, $4  }
0x1e0: {  	s13 =	simm.s32 @!p2 $0x2000;
	s14 =	rddreg [dreg:$0x14]  }
0x1e1: {  	[tilespmem:s13], [sflag:$0x1] =	stream.strided.gather @!p2 [hbm4b:s14+s0], $0x800, s3, s0, $0x38;
	[tilespmem:$0x1FF80] =	vst v63  }
0x1e2: {  	_ = 	snop  }
0x1e3: {  	[spmem:s2] =	stream.indirect.scatter.add.f32 [tilespmem:s28], [sflag:$0x7], $0x1, s8, s24, $0xb8;
	[tilespmem:$0x1FF80] =	vst v63  }
.LBB2_22:
0x1e4: {  	_ =	sfence.sel $0x180000  }
0x1e5: {  	[bflag:$0x0] =	sbarrier.arrive $0xFFFF  }
0x1e6: {  	_ =	strace $0x9000004A  }
0x1e7: {  	s0 =	stileid.u32;
	[bflag:$0x2] =	sbarrier.arrive $0xFFFF  }
0x1e8: {  	p0 =	sne.s32 s0, $0x0;
	s0 =	rddreg [dreg:$0x3]  }
0x1e9: {  	s0 =	sadd.s32 @!p0 $0x100000, s0  }
0x1ea: {  	[sflag:s0] =	ssyncadd.tile.s32 @!p0 $0x1;
	_ =	shalt  }
.Lfunc_end2:
_tile_overlayer_lowered:
.L_overlay_start_2:
0x1eb: {  	(tag) =	ssettag $0x2  }
0x1ec: {  	s0 =	rddreg [dreg:$0x0];
	s2 =	stileid.u32  }
0x1ed: {  	s1 =	rddreg [dreg:$0x1];
	p0 =	sne.s32 s2, $0x0  }
0x1ee: {  	s3 =	rddreg [dreg:$0x2];
	[bflag:$0x3] =	sbarrier.arrive $0xFFFF;
	s2 =	simm.s32 @!p0 $0x1C09  }
0x1ef: {  	[timem:s3], [sflag:s2] =	dma.local @!p0 [hbm:s0], s1  }
0x1f0: {  	s0 =	simm.s32 @!p0 $0x9  }
0x1f1: {  	_ =	swait.ge @!p0 [sflag:s0], s1  }
0x1f2: {  	s1 =	ssub.s32 @!p0 $0x0, s1;
	[sflag:s0] =	ssyncset.done @!p0 $0x0  }
0x1f3: {  	[sflag:s0] =	ssyncadd.s32 @!p0 s1  }
0x1f4: {  	[bflag:$0x3] =	sbarrier.arrive $0xFFFF  }
0x1f5: {  	_ =	shalt  }

// kernel: kernel.14.cloned.1.call-start
scs
__scs_entry_jumppad:
0x0: {  	(pc) =	sbr.rel $0x88, $3  }
0x1: {  	(tag) =	ssettag $0x0;
	lr =	simm.s32 $0x1  }
0x2: {  	[smem:$0x3F9B] =	sst lr;
	_ =	strace $0xD0000000  }
0x3: {  	_ = 	snop  }
0x4: {  	_ = 	snop  }
0x5: {  	_ = 	snop  }
0x6: {  	_ = 	snop  }
0x7: {  	_ = 	snop  }
__scs_overlays_trampoline_lowered:
0x8: {  	[smem:$0x3FAA] =	sst s0  }
0x9: {  	[smem:$0x3FAB] =	sst s1  }
0xa: {  	[smem:$0x3FAC] =	sst s2  }
0xb: {  	[smem:$0x3FAD] =	sst s3  }
0xc: {  	[smem:$0x3FAE] =	sst s4  }
0xd: {  	[smem:$0x3FAF] =	sst s5  }
0xe: {  	[smem:$0x3FB0] =	sst s6  }
0xf: {  	[smem:$0x3FB1] =	sst s7  }
0x10: {  	[smem:$0x3FB2] =	sst s8  }
0x11: {  	[smem:$0x3FB3] =	sst s9;
	s0 =	simm.s32 @!p0 $0x0  }
0x12: {  	s1 =	sld [smem:$0x3F99];
	s0 =	simm.s32 @p0 $0x1  }
0x13: {  	[smem:$0x3FB4] =	sst s0;
	s0 =	simm.s32 @!p1 $0x0  }
0x14: {  	s2 =	sld [smem:$0x3F98];
	s0 =	simm.s32 @p1 $0x1  }
0x15: {  	[smem:$0x3FB5] =	sst s0;
	s0 =	simm.s32 @!p2 $0x0  }
0x16: {  	s3 =	sld [smem:$0x3FDB];
	s0 =	simm.s32 @p2 $0x1  }
0x17: {  	s4 =	simm.s32 $0x1BF5;
	[smem:$0x3FB7] =	sst s0  }
0x18: {  	s0 =	sld [smem:$0x3F9A];
	_ =	swait.ge [sflag:s4], $0x0  }
0x19: {  	s7 =	sld [smem:$0x3F9B]  }
0x1a: {  	s8 =	sadd.s32 $0xFFFFE003, lr  }
0x1b: {  	s9 =	sadd.s32 $0xFFFFFEF7, lr;
	s5 =	simm.s32 $0xFFFFFFFF;
	p2 =	slt.u32 s8, $0xFFFFF086  }
0x1c: {  	p1 =	slt.u32 s9, $0xF7A;
	s5 =	simm.s32 @!p2 $0x0  }
0x1d: {  	s5 =	simm.s32 @p1 $0x1;
	p0 =	seq.s32 s7, s2  }
0x1e: {  	s7 =	smul.u32 @!p0 $0xF7A, s2;
	p2 =	seq.s32 @!p0 s5, $0x0  }
0x1f: {  	s9 =	smul.u32 $0xF7A, s1;
	s8 =	simm.s32 @!p0 $0x1BF5;
	p2 =	por !p2, p0  }
0x20: {  	[sflag:s8] =	ssyncset.s32 @!p0 $0xFFFFF086;
	s6 =	sadd.s32 @!p0 s3, s7;
	s7 =	simm.s32 @!p0 $0x108  }
0x21: {  	s3 =	sadd.s32 s3, s9;
	s6 =	sadd.s32 @!p0 $0x88, s6;
	s7 =	simm.s32 @p2 $0x1082  }
0x22: {  	[simem:s7], [sflag:s8] =	dma.local @!p0 [hbm:s6], $0xF7A  }
0x23: {  	s9 =	sor.u32 $0xD0000000, s2;
	s6 =	simm.s32 $0x108;
	_ =	swait.ge @!p0 [sflag:s8], $0x0  }
0x24: {  	s3 =	sadd.s32 $0x88, s3;
	s6 =	simm.s32 @!p1 $0x1082;
	[sflag:s4] =	ssyncset.s32 $0xFFFFF086  }
0x25: {  	[simem:s6], [sflag:s4] =	dma.local [hbm:s3], $0xF7A  }
0x26: {  	[smem:$0x3F9B] =	sst s1;
	(tag) =	ssettag s2;
	_ =	strace s9  }
0x27: {  	s1 =	sld [smem:$0x3FAB]  }
0x28: {  	s2 =	sld [smem:$0x3FAC]  }
0x29: {  	s4 =	sld [smem:$0x3FAE]  }
0x2a: {  	p0 =	seq.s32 s5, $0x0;
	s5 =	sld [smem:$0x3FAF]  }
0x2b: {  	s6 =	sld [smem:$0x3FB0]  }
0x2c: {  	s7 =	sld [smem:$0x3FB1]  }
0x2d: {  	s3 =	simm.s32 $0x108;
	s8 =	sld [smem:$0x3FB2]  }
0x2e: {  	s3 =	simm.s32 @!p0 $0x1082;
	s9 =	sld [smem:$0x3FB3]  }
0x2f: {  	lr =	sadd.s32 s0, s3;
	s0 =	sld [smem:$0x3FAA]  }
0x30: {  	s3 =	sld [smem:$0x3FAD]  }
0x31: {  	[smem:$0x3FB6] =	sst s10  }
0x32: {  	s10 =	sld [smem:$0x3FB4];
	_ =	sdelay $0x3  }
0x33: {  	p0 =	seq.s32 s10, $0x1;
	s10 =	sld [smem:$0x3FB6];
	_ =	sdelay $0x3  }
0x34: {  	[smem:$0x3FB6] =	sst s10  }
0x35: {  	s10 =	sld [smem:$0x3FB5];
	_ =	sdelay $0x3  }
0x36: {  	p1 =	seq.s32 s10, $0x1;
	s10 =	sld [smem:$0x3FB6];
	_ =	sdelay $0x3  }
0x37: {  	[smem:$0x3FB6] =	sst s10  }
0x38: {  	s10 =	sld [smem:$0x3FB7]  }
0x39: {  	_ = 	snop;
	(pc) =	sbr.ind lr, $3  }
0x3a: {  	_ = 	snop  }
0x3b: {  	_ = 	snop  }
0x3c: {  	p2 =	seq.s32 s10, $0x1;
	s10 =	sld [smem:$0x3FB6]  }
0x3d: {  	_ =	shalt  }
0x3e: {  	_ =	shalt  }
0x3f: {  	_ =	shalt  }
0x40: {  	_ =	shalt  }
0x41: {  	_ =	shalt  }
0x42: {  	_ =	shalt  }
0x43: {  	_ =	shalt  }
0x44: {  	_ =	shalt  }
0x45: {  	_ =	shalt  }
0x46: {  	_ =	shalt  }
0x47: {  	_ =	shalt  }
0x48: {  	_ =	shalt  }
0x49: {  	_ =	shalt  }
0x4a: {  	_ =	shalt  }
0x4b: {  	_ =	shalt  }
0x4c: {  	_ =	shalt  }
0x4d: {  	_ =	shalt  }
0x4e: {  	_ =	shalt  }
0x4f: {  	_ =	shalt  }
0x50: {  	_ =	shalt  }
0x51: {  	_ =	shalt  }
0x52: {  	_ =	shalt  }
0x53: {  	_ =	shalt  }
0x54: {  	_ =	shalt  }
0x55: {  	_ =	shalt  }
0x56: {  	_ =	shalt  }
0x57: {  	_ =	shalt  }
0x58: {  	_ =	shalt  }
0x59: {  	_ =	shalt  }
0x5a: {  	_ =	shalt  }
0x5b: {  	_ =	shalt  }
0x5c: {  	_ =	shalt  }
0x5d: {  	_ =	shalt  }
0x5e: {  	_ =	shalt  }
0x5f: {  	_ =	shalt  }
0x60: {  	_ =	shalt  }
0x61: {  	_ =	shalt  }
0x62: {  	_ =	shalt  }
0x63: {  	_ =	shalt  }
0x64: {  	_ =	shalt  }
0x65: {  	_ =	shalt  }
0x66: {  	_ =	shalt  }
0x67: {  	_ =	shalt  }
0x68: {  	_ =	shalt  }
0x69: {  	_ =	shalt  }
0x6a: {  	_ =	shalt  }
0x6b: {  	_ =	shalt  }
0x6c: {  	_ =	shalt  }
0x6d: {  	_ =	shalt  }
0x6e: {  	_ =	shalt  }
0x6f: {  	_ =	shalt  }
0x70: {  	_ =	shalt  }
0x71: {  	_ =	shalt  }
0x72: {  	_ =	shalt  }
0x73: {  	_ =	shalt  }
0x74: {  	_ =	shalt  }
0x75: {  	_ =	shalt  }
0x76: {  	_ =	shalt  }
0x77: {  	_ =	shalt  }
0x78: {  	_ =	shalt  }
0x79: {  	_ =	shalt  }
0x7a: {  	_ =	shalt  }
0x7b: {  	_ =	shalt  }
0x7c: {  	_ =	shalt  }
0x7d: {  	_ =	shalt  }
0x7e: {  	_ =	shalt  }
0x7f: {  	_ =	shalt  }
0x80: {  	_ =	shalt  }
0x81: {  	_ =	shalt  }
0x82: {  	_ =	shalt  }
0x83: {  	_ =	shalt  }
0x84: {  	_ =	shalt  }
0x85: {  	_ =	shalt  }
0x86: {  	_ =	shalt  }
0x87: {  	_ =	shalt  }
.Lfunc_end0:
.L_simem_size_0:
called_computation.2_lowered:
.L_overlay_start_0:
0x88: {  	s2 =	sld [smem:$0x3FD9]  }
0x89: {  	s3 =	sld [smem:$0x3FFE];
	_ =	sdelay $0x1  }
0x8a: {  	s1 =	srdreg.scid  }
0x8b: {  	s0 =	sand.u32 $0x1, s1  }
0x8c: {  	s17 =	sshll.u32 s0, $0xA;
	s2 =	sadd.s32 s3, s2  }
0x8d: {  	s2 =	sadd.s32 s2, s17  }
0x8e: {  	[smem:$0x3FC2] =	sst s2  }
0x8f: {  	_ = 	snop  }
0x90: {  	s2 =	sld [smem:$0x3FC8];
	(tm) =	ssettm $0x1  }
0x91: {  	s18 =	sld [smem:$0x3FFB];
	_ =	sdelay $0x3  }
0x92: {  	_ =	strace s18  }
0x93: {  	s3 =	sld [smem:$0x3FFC];
	_ =	sdelay $0x3  }
0x94: {  	_ =	strace s3  }
0x95: {  	s3 =	sld [smem:$0x3FFD];
	_ =	sdelay $0x3  }
0x96: {  	_ =	strace s3  }
0x97: {  	_ =	strace $0x8FFFFFFF  }
0x98: {  	s19 =	sld [smem:$0x3FDB];
	_ =	sdelay $0x1  }
0x99: {  	s4 =	simm.s32 $_scs_section_size  }
0x9a: {  	s5 =	simm.s32 $_size__tile_overlayer_lowered;
	s6 =	simm.s32 $_tile_overlayer_lowered  }
0x9b: {  	s22 =	simm.s32 $0x1BFF;
	s21 =	sshll.u32 s6, $0x1;
	s3 =	sadd.s32 s4, s19  }
0x9c: {  	s7 =	simm.s32 $0x0;
	s20 =	sshll.u32 s5, $0x1;
	s5 =	sadd.s32 s21, s3  }
0x9d: {  	[timem:s7], [sflag:s22] =	dma.local [hbm:s5], s20  }
0x9e: {  	_ =	swait.ge [sflag:s22], s20  }
0x9f: {  	s4 =	ssub.s32 $0x0, s20;
	[sflag:s22] =	ssyncset.done $0x0  }
0xa0: {  	[sflag:s22] =	ssyncadd.s32 s4;
	_ =	sdelay $0x1  }
0xa1: {  	s23 =	simm.s32 $0x1B8B  }
0xa2: {  	_ =	swait.ge [sflag:s23], $0x1  }
0xa3: {  	[sflag:s23] =	ssyncset.done $0x0  }
0xa4: {  	s25 =	simm.s32 $0x1B8E;
	s24 =	sld [smem:$0x3FFE];
	[sflag:s23] =	ssyncadd.s32 $0xFFFFFFFF  }
0xa5: {  	s26 =	simm.s32 $execute0_lowered;
	[smem:$0x3FD2] =	sst s25  }
0xa6: {  	s5 =	sshll.u32 s26, $0x1;
	_ =	strace $0x8000004C;
	[dreg:$0x1] =	wrdreg $0xFFFFFFFF  }
0xa7: {  	s28 =	simm.s32 $_size_execute0_lowered;
	s3 =	sadd.s32 s3, s5;
	[dreg:$0x0] =	wrdreg $0x0  }
0xa8: {  	s5 =	sshll.u32 s28, $0x1;
	[dreg:$0x2] =	wrdreg s3  }
0xa9: {  	[dreg:$0x3] =	wrdreg s5  }
0xaa: {  	[dreg:$0x4] =	wrdreg $0xC0  }
0xab: {  	_ =	task [dreg:s7], $0x5FFFF  }
0xac: {  	[dreg:$0x1] =	wrdreg $0xFFFFFFFF  }
0xad: {  	[dreg:$0x0] =	wrdreg $0x60  }
0xae: {  	[dreg:$0x2] =	wrdreg s2  }
0xaf: {  	[dreg:$0x3] =	wrdreg s24  }
0xb0: {  	[dreg:$0x4] =	wrdreg $0x1E7000  }
0xb1: {  	[dreg:$0x5] =	wrdreg $0x9  }
0xb2: {  	_ =	task.clear_ibuf [dreg:s7], $0x6FFFF;
	_ =	strace $0x9000004C  }
0xb3: {  	s29 =	simm.s32 $0x9;
	_ =	strace $0x8000004E  }
0xb4: {  	_ =	swait.ge [sflag:s29], $0x1  }
0xb5: {  	[sflag:s29] =	ssyncadd.s32 $0xFFFFFFFF  }
0xb6: {  	_ =	strace $0x9000004E  }
0xb7: {  	_ =	sfence  }
0xb8: {  	s30 =	sld [smem:$0x0];
	_ =	sdelay $0x2  }
0xb9: {  	s31 =	sshll.u32 s1, $0xD;
	s1 =	sshrl.u32 s1, $0x2  }
0xba: {  	s3 =	sand.u32 $0x4000, s31;
	s1 =	sadd.s32 s1, s30  }
0xbb: {  	s0 =	sor.u32 s3, s0;
	s1 =	sshll.u32 s1, $0x11  }
0xbc: {  	s0 =	sor.u32 s1, s0  }
0xbd: {  	s0 =	sadd.s32 $0x8F2B, s0  }
0xbe: {  	[sflag:s0] =	ssyncadd.remote.s32 $0x1  }
0xbf: {  	_ =	sfence.sel $0xFFFF  }
0xc0: {  	[dreg:$0x0] =	wrdreg $0xFFFFFFFF;
	(pc) =	sbr.abs _section_cstart, $3  }
0xc1: {  	[dreg:$0x1] =	wrdreg $0xFFFFFFFF  }
0xc2: {  	_ =	task.clear_ibuf [dreg:s7], $0x2FFFF;
	_ =	strace $0x9FFFFFFF  }
0xc3: {  	(tm) =	ssettm $0x7FFFFFFF  }
tec
execute0_lowered:
.L_overlay_start_1:
0x0: {  	(tag) =	ssettag $0x1  }
0x1: {  	s1 =	rddreg [dreg:$0x0]  }
0x2: {  	s0 =	rddreg [dreg:$0x1]  }
0x3: {  	s2 =	rddreg [dreg:$0x2];
	s3 =	srdreg.scid  }
0x4: {  	s17 =	simm.s32 $0x0;
	s14 =	stileid.u32;
	s30 =	simm.s32 $0x6  }
0x5: {  	s28 =	simm.s32 $0x5000;
	s31 =	simm.s32 $0x3800;
	s3 =	sand.u32 $0x1, s3  }
0x6: {  	[smem:$0x7FF] =	sst s17;
	s6 =	sadd.s32 $0x1800, s0;
	s0 =	sadd.s32 $0x4A00, s0  }
0x7: {  	s8 =	smul.u32 $0x1880, s14;
	s9 =	sadd.s32 $0x10, s1;
	s4 =	sshll.u32 s3, $0x4  }
0x8: {  	_ =	strace $0x8000004D;
	s5 =	ssub.s32 $0x2, s3;
	[dreg:$0x4] =	wrdreg s6  }
0x9: {  	s3 =	sshll.u32 s3, $0x7;
	s4 =	sor.u32 s14, s4;
	s7 =	sshrl.u32 s5, $0x1  }
0xa: {  	s21 =	sadd.s32 s8, s2;
	s23 =	sadd.s32 $0x800, s8;
	s14 =	smul.u32 $0x3100, s14  }
0xb: {  	s10 =	sadd.s32 $0x1000, s8;
	s8 =	sadd.s32 $0x1800, s8;
	s6 =	smul.u32 $0x62000, s4  }
0xc: {  	s5 =	ssub.s32 s5, s7;
	p2 =	seq.s32 s4, $0x1F;
	s7 =	simm.s32 $0x57  }
0xd: {  	s11 =	sadd.s32 s10, s2;
	s24 =	sadd.s32 s8, s2;
	[dreg:$0x7] =	wrdreg s21  }
0xe: {  	s10 =	sshll.u32 s10, $0x1;
	s8 =	sshll.u32 s8, $0x1;
	[dreg:$0x9] =	wrdreg s11  }
0xf: {  	s7 =	simm.s32 @!p2 $0x62;
	[dreg:$0xa] =	wrdreg s24;
	s14 =	sor.u32 s3, s14  }
0x10: {  	s10 =	sor.u32 s3, s10;
	s24 =	smax.u32 s5, $0x1;
	s5 =	simm.s32 $0x2800  }
0x11: {  	s11 =	simm.s32 $0x5800;
	s22 =	sshrl.u32 s6, $0x3;
	s25 =	sand.u32 $0x76, s7  }
0x12: {  	s12 =	sand.u32 $0x3, s7;
	s15 =	sand.u32 $0x74, s7;
	s14 =	sshrl.u32 s14, $0x3  }
0x13: {  	s10 =	sshrl.u32 s10, $0x3;
	[dreg:$0x15] =	wrdreg s24;
	s29 =	sshrl.u32 s7, $0x2  }
0x14: {  	s24 =	simm.s32 $0x800;
	s16 =	sadd.s32 s1, s22;
	s4 =	sadd.s32 s22, s9  }
0x15: {  	s22 =	sadd.s32 s23, s2;
	s13 =	sshll.u32 s25, $0xC;
	s15 =	sadd.s32 $0x4, s15  }
0x16: {  	s14 =	sadd.s32 s0, s14;
	p0 =	seq.s32 s25, s7;
	p1 =	seq.s32 s12, $0x2  }
0x17: {  	s12 =	simm.s32 $0x0;
	[dreg:$0x6] =	wrdreg s4;
	s13 =	sadd.s32 s6, s13  }
0x18: {  	s4 =	sshll.u32 s23, $0x1;
	s26 =	sshll.u32 s15, $0xC;
	[dreg:$0xb] =	wrdreg s14  }
0x19: {  	s14 =	sadd.s32 s0, s10;
	s25 =	sadd.s32 $0x200, s16;
	[dreg:$0x5] =	wrdreg s16  }
0x1a: {  	s10 =	simm.s32 $0x6000;
	[dreg:$0x8] =	wrdreg s22;
	s13 =	sshrl.u32 s13, $0x3  }
0x1b: {  	s4 =	sor.u32 s3, s4;
	s3 =	sor.u32 s3, s8;
	[dreg:$0xd] =	wrdreg s14  }
0x1c: {  	s20 =	sadd.s32 s6, s26;
	[dreg:$0x16] =	wrdreg s25;
	s26 =	sadd.s32 $0x210, s16  }
0x1d: {  	s16 =	simm.s32 $0x9;
	s25 =	simm.s32 $0x3;
	s8 =	simm.s32 $0x3000  }
0x1e: {  	s4 =	sshrl.u32 s4, $0x3;
	s3 =	sshrl.u32 s3, $0x3;
	s18 =	sadd.s32 s1, s13  }
0x1f: {  	s19 =	sadd.s32 s13, s9;
	[dreg:$0x17] =	wrdreg s26;
	s13 =	simm.s32 $0x100  }
0x20: {  	s26 =	simm.s32 $0x5;
	s4 =	sadd.s32 s0, s4;
	[dreg:$0xf] =	wrdreg s18  }
0x21: {  	s0 =	sadd.s32 s0, s3;
	[dreg:$0x10] =	wrdreg s19;
	s3 =	simm.s32 $0x6  }
0x22: {  	s18 =	simm.s32 $0x1;
	s19 =	simm.s32 $0x2;
	[dreg:$0xc] =	wrdreg s4  }
0x23: {  	[dreg:$0xe] =	wrdreg s0;
	s0 =	sshrl.u32 s20, $0x3;
	s3 =	simm.s32 @!p2 $0x5  }
.Ltmp0:
0x24: {  	s20 =	simm.s32 $0x4800;
	s4 =	simm.s32 $0x4;
	(pc) =	sbr.rel .LBB2_1-.Ltmp0, $4  }
0x25: {  	[dreg:$0x11] =	wrdreg s3;
	s3 =	simm.s32 $0x7;
	s23 =	sadd.s32 s1, s0  }
0x26: {  	s0 =	sadd.s32 s0, s9;
	s3 =	simm.s32 @!p2 $0x6;
	[dreg:$0x13] =	wrdreg s23  }
0x27: {  	p2 =	sge.u32 s15, s7;
	[dreg:$0x14] =	wrdreg s0;
	s23 =	simm.s32 $0x2000  }
0x28: {  	v0 =	vimm.f32 $0.0e+00;
	s15 =	simm.s32 $0x4000;
	[dreg:$0x12] =	wrdreg s3;
	s3 =	simm.s32 $0x80  }
.LBB2_21:
0x29: {  	s0 =	rddreg [dreg:$0x11]  }
0x2a: {  	_ =	swait.ge [sflag:s0], $0x800  }
0x2b: {  	[sflag:s0] =	ssyncset.done $0x0  }
0x2c: {  	s14 =	rddreg [dreg:$0x12];
	[sflag:s0] =	ssyncadd.s32 $0xFFFFF800  }
0x2d: {  	_ =	swait.ge [sflag:s14], $0x800  }
0x2e: {  	[sflag:s14] =	ssyncset.done $0x0  }
0x2f: {  	[sflag:s14] =	ssyncadd.s32 $0xFFFFF800  }
0x30: {  	[bflag:$0x0] =	sbarrier.arrive $0xFFFF  }
0x31: {  	[tilespmem:s15], [sflag:$0x9] =	stream.linear.gather [spmem:s21], $0x800, $0x38;
	[tilespmem:$0x1FF80] =	vst v63  }
0x32: {  	_ =	swait.ge [sflag:s16], $0x800  }
0x33: {  	s3 =	simm.s32 $0x80;
	[sflag:s16] =	ssyncset.done $0x0  }
0x34: {  	s13 =	simm.s32 $0x100;
	s17 =	rddreg [dreg:$0xb];
	[sflag:s16] =	ssyncadd.s32 $0xFFFFF800  }
0x35: {  	[hbm4b:s17+s3] =	stream.strided.scatter [tilespmem:s15], [sflag:$0x9], $0x800, s13, s3, $0x38;
	[tilespmem:$0x1FF80] =	vst v63  }
0x36: {  	_ =	swait.ge [sflag:s16], $0x800  }
0x37: {  	[sflag:s16] =	ssyncset.done $0x0  }
0x38: {  	[sflag:s16] =	ssyncadd.s32 $0xFFFFF800  }
0x39: {  	[tilespmem:s15], [sflag:$0x9] =	stream.linear.gather [spmem:s22], $0x800, $0x38;
	[tilespmem:$0x1FF80] =	vst v63  }
0x3a: {  	_ =	swait.ge [sflag:s16], $0x800  }
0x3b: {  	[sflag:s16] =	ssyncset.done $0x0  }
0x3c: {  	s14 =	rddreg [dreg:$0xc];
	[sflag:s16] =	ssyncadd.s32 $0xFFFFF800  }
0x3d: {  	[hbm4b:s14+s3] =	stream.strided.scatter [tilespmem:s15], [sflag:$0x9], $0x800, s13, s3, $0x38;
	[tilespmem:$0x1FF80] =	vst v63  }
0x3e: {  	_ =	swait.ge [sflag:s16], $0x800  }
0x3f: {  	[sflag:s16] =	ssyncset.done $0x0  }
0x40: {  	s17 =	rddreg [dreg:$0x9];
	[sflag:s16] =	ssyncadd.s32 $0xFFFFF800  }
0x41: {  	[tilespmem:s15], [sflag:$0x9] =	stream.linear.gather [spmem:s17], $0x800, $0x38;
	[tilespmem:$0x1FF80] =	vst v63  }
0x42: {  	_ =	swait.ge [sflag:s16], $0x800  }
0x43: {  	[sflag:s16] =	ssyncset.done $0x0  }
0x44: {  	s14 =	rddreg [dreg:$0xd];
	[sflag:s16] =	ssyncadd.s32 $0xFFFFF800  }
0x45: {  	[hbm4b:s14+s3] =	stream.strided.scatter [tilespmem:s15], [sflag:$0x9], $0x800, s13, s3, $0x38;
	[tilespmem:$0x1FF80] =	vst v63  }
0x46: {  	_ =	swait.ge [sflag:s16], $0x800  }
0x47: {  	[sflag:s16] =	ssyncset.done $0x0  }
0x48: {  	s17 =	rddreg [dreg:$0xa];
	[sflag:s16] =	ssyncadd.s32 $0xFFFFF800  }
0x49: {  	[tilespmem:s15], [sflag:$0x9] =	stream.linear.gather [spmem:s17], $0x80, $0x38;
	[tilespmem:$0x1FF80] =	vst v63  }
0x4a: {  	_ =	swait.ge [sflag:s16], $0x80  }
0x4b: {  	[sflag:s16] =	ssyncset.done $0x0  }
0x4c: {  	s17 =	simm.s32 $0x0;
	s14 =	rddreg [dreg:$0xe];
	[sflag:s16] =	ssyncadd.s32 $0xFFFFFF80  }
0x4d: {  	[hbm4b:s14+s17] =	stream.linear.scatter [tilespmem:s15], [sflag:$0x9], $0x80, $0x38;
	[tilespmem:$0x1FF80] =	vst v63  }
0x4e: {  	_ =	swait.ge [sflag:s16], $0x80  }
0x4f: {  	s12 =	sadd.s32 $0x1, s12;
	s14 =	rddreg [dreg:$0x15]  }
0x50: {  	p3 =	sne.s32 s12, s14  }
.Ltmp1:
0x51: {  	_ = 	snop;
	(pc) =	sbr.rel @!p3 .LBB2_22-.Ltmp1, $3  }
0x52: {  	_ =	sdelay $0x1  }
0x53: {  	[sflag:s16] =	ssyncset.done $0x0  }
0x54: {  	[sflag:s16] =	ssyncadd.s32 $0xFFFFFF80  }
.LBB2_1:
0x55: {  	s0 =	rddreg [dreg:$0x5]  }
0x56: {  	[tilespmem:s17], [sflag:$0x1] =	stream.strided.gather [hbm4b:s0+s3], $0x800, s13, s3, $0x38;
	[tilespmem:$0x1FF80] =	vst v63  }
0x57: {  	s14 =	rddreg [dreg:$0x6]  }
0x58: {  	[tilespmem:s23], [sflag:$0x1] =	stream.strided.gather [hbm4b:s14+s3], $0x800, s13, s3, $0x38;
	[tilespmem:$0x1FF80] =	vst v63  }
0x59: {  	s14 =	rddreg [dreg:$0x16]  }
0x5a: {  	[tilespmem:s24], [sflag:$0x2] =	stream.strided.gather [hbm4b:s14+s3], $0x800, s13, s3, $0x38;
	[tilespmem:$0x1FF80] =	vst v63  }
0x5b: {  	s14 =	rddreg [dreg:$0x17]  }
0x5c: {  	[tilespmem:s5], [sflag:$0x2] =	stream.strided.gather [hbm4b:s14+s3], $0x800, s13, s3, $0x38;
	[tilespmem:$0x1FF80] =	vst v63  }
0x5d: {  	s14 =	rddreg [dreg:$0x4]  }
0x5e: {  	[tilespmem:s10], [sflag:$0x8] =	stream.linear.gather [hbm4b:s14+s17], $0x186A0, $0x38;
	[tilespmem:$0x1FF80] =	vst v63  }
0x5f: {  	s13 =	simm.s32 $0x40;
	s14 =	simm.s32 $0x0  }
.LBB2_2:
0x60: {  	p3 =	sne.s32 s13, $0x1FC0;
	[tilespmem:s14+$0x4000] =	vst v0;
	s14 =	smov.u32 s13;
	s13 =	sadd.s32 $0x40, s13  }
.Ltmp2:
0x61: {  	(pc) =	sbr.rel @p3 .LBB2_2-.Ltmp2, $2  }
0x62: {  	_ =	sdelay $0x2  }
0x63: {  	s14 =	sshra.s32 s14, $0x2  }
0x64: {  	[tilespmem:s14+$0x4000] =	vst v0  }
0x65: {  	[spmem:s21] =	stream.linear.scatter [tilespmem:s15], [sflag:$0x9], $0x800, $0x38;
	[tilespmem:$0x1FF80] =	vst v63  }
0x66: {  	_ =	swait.ge [sflag:s16], $0x800  }
0x67: {  	[sflag:s16] =	ssyncset.done $0x0  }
0x68: {  	[sflag:s16] =	ssyncadd.s32 $0xFFFFF800  }
0x69: {  	[spmem:s22] =	stream.linear.scatter [tilespmem:s15], [sflag:$0x9], $0x800, $0x38;
	[tilespmem:$0x1FF80] =	vst v63  }
0x6a: {  	_ =	swait.ge [sflag:s16], $0x800  }
0x6b: {  	[sflag:s16] =	ssyncset.done $0x0  }
0x6c: {  	s0 =	rddreg [dreg:$0x9];
	[sflag:s16] =	ssyncadd.s32 $0xFFFFF800  }
0x6d: {  	[spmem:s0] =	stream.linear.scatter [tilespmem:s15], [sflag:$0x9], $0x800, $0x38;
	[tilespmem:$0x1FF80] =	vst v63  }
0x6e: {  	_ =	swait.ge [sflag:s16], $0x800  }
0x6f: {  	[sflag:s16] =	ssyncset.done $0x0  }
0x70: {  	s21 =	rddreg [dreg:$0xa];
	[sflag:s16] =	ssyncadd.s32 $0xFFFFF800  }
0x71: {  	[spmem:s21] =	stream.linear.scatter [tilespmem:s15], [sflag:$0x9], $0x80, $0x38;
	[tilespmem:$0x1FF80] =	vst v63  }
0x72: {  	_ =	swait.ge [sflag:s16], $0x80  }
0x73: {  	[sflag:s16] =	ssyncset.done $0x0  }
0x74: {  	[sflag:s16] =	ssyncadd.s32 $0xFFFFFF80  }
0x75: {  	s22 =	simm.s32 $0x8;
	[bflag:$0x0] =	sbarrier.arrive $0xFFFF  }
0x76: {  	_ =	swait.ge [sflag:s22], $0x186A0  }
0x77: {  	[sflag:s22] =	ssyncset.done $0x0  }
0x78: {  	s13 =	simm.s32 $0x0;
	[sflag:s22] =	ssyncadd.s32 $0xFFFE7960  }
.LBB2_4:
0x79: {  	_ =	swait.ge [sflag:s18], $0x800  }
0x7a: {  	[sflag:s18] =	ssyncset.done $0x0  }
0x7b: {  	[sflag:s18] =	ssyncadd.s32 $0xFFFFF800  }
0x7c: {  	_ =	swait.ge [sflag:s18], $0x800  }
0x7d: {  	[sflag:s18] =	ssyncset.done $0x0  }
0x7e: {  	s14 =	simm.s32 $0x40;
	[sflag:s18] =	ssyncadd.s32 $0xFFFFF800  }
0x7f: {  	v1 =	vld [tilespmem:s14+$0x30]  }
0x80: {  	v2 =	vld [tilespmem:s14+$0xFFFFFFD0]  }
0x81: {  	v3 =	vld [tilespmem:s14+$0xFFFFFFE0]  }
0x82: {  	v4 =	vld [tilespmem:s14+$0xFFFFFFF0]  }
0x83: {  	v7 =	vld [tilespmem:s14+$0x0]  }
0x84: {  	v8 =	vld [tilespmem:s14+$0x10]  }
0x85: {  	v9 =	vld [tilespmem:s14+$0x20]  }
0x86: {  	v10 =	vld [tilespmem:s14+$0xFFFFFFC0]  }
0x87: {  	v11 =	vld.idx.msk [tilespmem:v1+s10+$0x0], $0xffff  }
0x88: {  	v12 =	vld.idx.msk [tilespmem:v2+s10+$0x0], $0xffff  }
0x89: {  	v6 =	vld.idx.msk [tilespmem:v3+s10+$0x0], $0xffff  }
0x8a: {  	v5 =	vld.idx.msk [tilespmem:v4+s10+$0x0], $0xffff  }
0x8b: {  	v4 =	vld.idx.msk [tilespmem:v7+s10+$0x0], $0xffff  }
0x8c: {  	s21 =	simm.s32 $0x4040;
	v3 =	vld.idx.msk [tilespmem:v8+s10+$0x0], $0xffff  }
0x8d: {  	v1 =	vld.idx.msk [tilespmem:v9+s10+$0x0], $0xffff;
	[tilespmem:s21+$0x30] =	vst v11  }
0x8e: {  	s17 =	simm.s32 $0xC0;
	s14 =	simm.s32 $0x0;
	v2 =	vld.idx.msk [tilespmem:v10+s10+$0x0], $0xffff;
	[tilespmem:s21+$0xFFFFFFD0] =	vst v12  }
.LBB2_5:
0x8f: {  	v7 =	vld [tilespmem:s17+$0x30];
	s14 =	sadd.s32 $0x8, s14;
	[tilespmem:s21+$0xFFFFFFE0] =	vst v6  }
0x90: {  	v6 =	vld [tilespmem:s17+$0xFFFFFFD0];
	p3 =	slt.u32 s14, $0x78;
	[tilespmem:s21+$0xFFFFFFF0] =	vst v5  }
0x91: {  	v5 =	vld [tilespmem:s17+$0xFFFFFFE0];
	[tilespmem:s21+$0x0] =	vst v4  }
0x92: {  	v4 =	vld [tilespmem:s17+$0xFFFFFFF0];
	[tilespmem:s21+$0x10] =	vst v3  }
0x93: {  	v3 =	vld [tilespmem:s17+$0x0];
	[tilespmem:s21+$0x20] =	vst v1  }
0x94: {  	v1 =	vld [tilespmem:s17+$0x10];
	[tilespmem:s21+$0xFFFFFFC0] =	vst v2  }
0x95: {  	v2 =	vld [tilespmem:s17+$0x20]  }
0x96: {  	v8 =	vld [tilespmem:s17+$0xFFFFFFC0]  }
0x97: {  	v7 =	vld.idx.msk [tilespmem:v7+s10+$0x0], $0xffff  }
0x98: {  	v9 =	vld.idx.msk [tilespmem:v6+s10+$0x0], $0xffff  }
0x99: {  	v6 =	vld.idx.msk [tilespmem:v5+s10+$0x0], $0xffff  }
.Ltmp3:
0x9a: {  	v5 =	vld.idx.msk [tilespmem:v4+s10+$0x0], $0xffff;
	(pc) =	sbr.rel @p3 .LBB2_5-.Ltmp3, $4  }
0x9b: {  	v4 =	vld.idx.msk [tilespmem:v3+s10+$0x0], $0xffff  }
0x9c: {  	s21 =	sadd.s32 $0x80, s21;
	v3 =	vld.idx.msk [tilespmem:v1+s10+$0x0], $0xffff  }
0x9d: {  	v1 =	vld.idx.msk [tilespmem:v2+s10+$0x0], $0xffff;
	[tilespmem:s21+$0x30] =	vst v7  }
0x9e: {  	s17 =	sadd.s32 $0x80, s17;
	v2 =	vld.idx.msk [tilespmem:v8+s10+$0x0], $0xffff;
	[tilespmem:s21+$0xFFFFFFD0] =	vst v9  }
0x9f: {  	[tilespmem:s21+$0xFFFFFFE0] =	vst v6  }
0xa0: {  	[tilespmem:s21+$0xFFFFFFF0] =	vst v5  }
0xa1: {  	s14 =	sshll.u32 s13, $0x2;
	[tilespmem:s21+$0x0] =	vst v4  }
0xa2: {  	s17 =	sor.u32 $0x2, s14;
	[tilespmem:s21+$0x10] =	vst v3  }
0xa3: {  	p3 =	seq.s32 s14, $0x0;
	p4 =	sge.u32 s17, s7;
	[tilespmem:s21+$0x20] =	vst v1  }
0xa4: {  	s17 =	sshll.u32 @!p4 s17, $0xC;
	[tilespmem:s21+$0xFFFFFFC0] =	vst v2;
	s21 =	simm.s32 @!p3 $0x7  }
0xa5: {  	s22 =	simm.s32 @!p4 $0x80;
	s17 =	sadd.s32 @!p4 s6, s17;
	_ =	swait.ge @!p3 [sflag:s21], $0x800  }
0xa6: {  	s0 =	simm.s32 @!p4 $0x100;
	s17 =	sshrl.u32 @!p4 s17, $0x3;
	[sflag:s21] =	ssyncset.done @!p3 $0x0  }
0xa7: {  	s3 =	simm.s32 @!p4 $0x1000;
	[sflag:s21] =	ssyncadd.s32 @!p3 $0xFFFFF800;
	s21 =	sadd.s32 @!p4 s1, s17  }
0xa8: {  	[tilespmem:s3], [sflag:$0x3] =	stream.strided.gather @!p4 [hbm4b:s21+s22], $0x800, s0, s22, $0x38;
	[tilespmem:$0x1FF80] =	vst v63  }
0xa9: {  	s3 =	sadd.s32 @!p4 s17, s9;
	s17 =	simm.s32 @!p4 $0x3000  }
0xaa: {  	[tilespmem:s17], [sflag:$0x3] =	stream.strided.gather @!p4 [hbm4b:s3+s22], $0x800, s0, s22, $0x38;
	[tilespmem:$0x1FF80] =	vst v63  }
0xab: {  	_ = 	snop  }
0xac: {  	[spmem:s2] =	stream.indirect.scatter.add.f32 [tilespmem:s15], [sflag:$0x5], $0x1, s23, s24, $0xb8;
	[tilespmem:$0x1FF80] =	vst v63  }
0xad: {  	_ =	swait.ge [sflag:s19], $0x800  }
0xae: {  	[sflag:s19] =	ssyncset.done $0x0  }
0xaf: {  	[sflag:s19] =	ssyncadd.s32 $0xFFFFF800  }
0xb0: {  	_ =	swait.ge [sflag:s19], $0x800  }
0xb1: {  	[sflag:s19] =	ssyncset.done $0x0  }
0xb2: {  	s22 =	simm.s32 $0x840;
	[sflag:s19] =	ssyncadd.s32 $0xFFFFF800  }
0xb3: {  	v1 =	vld [tilespmem:s22+$0x30]  }
0xb4: {  	v2 =	vld [tilespmem:s22+$0xFFFFFFD0]  }
0xb5: {  	v3 =	vld [tilespmem:s22+$0xFFFFFFE0]  }
0xb6: {  	v4 =	vld [tilespmem:s22+$0xFFFFFFF0]  }
0xb7: {  	v7 =	vld [tilespmem:s22+$0x0]  }
0xb8: {  	v8 =	vld [tilespmem:s22+$0x10]  }
0xb9: {  	v9 =	vld [tilespmem:s22+$0x20]  }
0xba: {  	v10 =	vld [tilespmem:s22+$0xFFFFFFC0]  }
0xbb: {  	v11 =	vld.idx.msk [tilespmem:v1+s10+$0x0], $0xffff  }
0xbc: {  	v12 =	vld.idx.msk [tilespmem:v2+s10+$0x0], $0xffff  }
0xbd: {  	v6 =	vld.idx.msk [tilespmem:v3+s10+$0x0], $0xffff  }
0xbe: {  	v5 =	vld.idx.msk [tilespmem:v4+s10+$0x0], $0xffff  }
0xbf: {  	v2 =	vld.idx.msk [tilespmem:v7+s10+$0x0], $0xffff  }
0xc0: {  	s21 =	simm.s32 $0x4840;
	v3 =	vld.idx.msk [tilespmem:v8+s10+$0x0], $0xffff  }
0xc1: {  	v1 =	vld.idx.msk [tilespmem:v9+s10+$0x0], $0xffff;
	[tilespmem:s21+$0x30] =	vst v11  }
0xc2: {  	s17 =	simm.s32 $0x0;
	s22 =	simm.s32 $0x8C0;
	v4 =	vld.idx.msk [tilespmem:v10+s10+$0x0], $0xffff;
	[tilespmem:s21+$0xFFFFFFD0] =	vst v12  }
.LBB2_7:
0xc3: {  	v7 =	vld [tilespmem:s22+$0x30];
	s17 =	sadd.s32 $0x8, s17;
	[tilespmem:s21+$0xFFFFFFE0] =	vst v6  }
0xc4: {  	v6 =	vld [tilespmem:s22+$0xFFFFFFD0];
	p4 =	slt.u32 s17, $0x78;
	[tilespmem:s21+$0xFFFFFFF0] =	vst v5  }
0xc5: {  	v5 =	vld [tilespmem:s22+$0xFFFFFFE0];
	[tilespmem:s21+$0x0] =	vst v2  }
0xc6: {  	v2 =	vld [tilespmem:s22+$0xFFFFFFF0];
	[tilespmem:s21+$0x10] =	vst v3  }
0xc7: {  	v3 =	vld [tilespmem:s22+$0x0];
	[tilespmem:s21+$0x20] =	vst v1  }
0xc8: {  	v1 =	vld [tilespmem:s22+$0x10];
	[tilespmem:s21+$0xFFFFFFC0] =	vst v4  }
0xc9: {  	v4 =	vld [tilespmem:s22+$0x20]  }
0xca: {  	v8 =	vld [tilespmem:s22+$0xFFFFFFC0]  }
0xcb: {  	v7 =	vld.idx.msk [tilespmem:v7+s10+$0x0], $0xffff  }
0xcc: {  	v9 =	vld.idx.msk [tilespmem:v6+s10+$0x0], $0xffff  }
0xcd: {  	v6 =	vld.idx.msk [tilespmem:v5+s10+$0x0], $0xffff  }
.Ltmp4:
0xce: {  	v5 =	vld.idx.msk [tilespmem:v2+s10+$0x0], $0xffff;
	(pc) =	sbr.rel @p4 .LBB2_7-.Ltmp4, $4  }
0xcf: {  	v2 =	vld.idx.msk [tilespmem:v3+s10+$0x0], $0xffff  }
0xd0: {  	s21 =	sadd.s32 $0x80, s21;
	v3 =	vld.idx.msk [tilespmem:v1+s10+$0x0], $0xffff  }
0xd1: {  	v1 =	vld.idx.msk [tilespmem:v4+s10+$0x0], $0xffff;
	[tilespmem:s21+$0x30] =	vst v7  }
0xd2: {  	s22 =	sadd.s32 $0x80, s22;
	v4 =	vld.idx.msk [tilespmem:v8+s10+$0x0], $0xffff;
	[tilespmem:s21+$0xFFFFFFD0] =	vst v9  }
0xd3: {  	[tilespmem:s21+$0xFFFFFFE0] =	vst v6  }
0xd4: {  	[tilespmem:s21+$0xFFFFFFF0] =	vst v5  }
0xd5: {  	[tilespmem:s21+$0x0] =	vst v2  }
0xd6: {  	s0 =	sor.u32 $0x3, s14;
	[tilespmem:s21+$0x10] =	vst v3  }
0xd7: {  	p4 =	sge.u32 s0, s7;
	[tilespmem:s21+$0x20] =	vst v1  }
0xd8: {  	s3 =	simm.s32 @!p3 $0x8;
	s0 =	sshll.u32 @!p4 s0, $0xC;
	[tilespmem:s21+$0xFFFFFFC0] =	vst v4  }
0xd9: {  	s17 =	simm.s32 @!p4 $0x80;
	s0 =	sadd.s32 @!p4 s6, s0;
	_ =	swait.ge @!p3 [sflag:s3], $0x800  }
0xda: {  	s22 =	simm.s32 @!p4 $0x1800;
	s0 =	sshrl.u32 @!p4 s0, $0x3;
	[sflag:s3] =	ssyncset.done @!p3 $0x0  }
0xdb: {  	s21 =	simm.s32 @!p4 $0x100;
	[sflag:s3] =	ssyncadd.s32 @!p3 $0xFFFFF800;
	s3 =	sadd.s32 @!p4 s1, s0  }
0xdc: {  	[tilespmem:s22], [sflag:$0x4] =	stream.strided.gather @!p4 [hbm4b:s3+s17], $0x800, s21, s17, $0x38;
	[tilespmem:$0x1FF80] =	vst v63  }
0xdd: {  	s0 =	sadd.s32 @!p4 s0, s9;
	s3 =	simm.s32 @!p4 $0x3800  }
0xde: {  	[tilespmem:s3], [sflag:$0x4] =	stream.strided.gather @!p4 [hbm4b:s0+s17], $0x800, s21, s17, $0x38;
	[tilespmem:$0x1FF80] =	vst v63  }
0xdf: {  	_ = 	snop  }
0xe0: {  	[spmem:s2] =	stream.indirect.scatter.add.f32 [tilespmem:s20], [sflag:$0x6], $0x1, s5, s24, $0xb8;
	[tilespmem:$0x1FF80] =	vst v63  }
0xe1: {  	_ =	swait.ge [sflag:s25], $0x800  }
0xe2: {  	[sflag:s25] =	ssyncset.done $0x0  }
0xe3: {  	[sflag:s25] =	ssyncadd.s32 $0xFFFFF800  }
0xe4: {  	_ =	swait.ge [sflag:s25], $0x800  }
0xe5: {  	[sflag:s25] =	ssyncset.done $0x0  }
0xe6: {  	s22 =	simm.s32 $0x1040;
	[sflag:s25] =	ssyncadd.s32 $0xFFFFF800  }
0xe7: {  	v1 =	vld [tilespmem:s22+$0x30]  }
0xe8: {  	v2 =	vld [tilespmem:s22+$0xFFFFFFD0]  }
0xe9: {  	v3 =	vld [tilespmem:s22+$0xFFFFFFE0]  }
0xea: {  	v4 =	vld [tilespmem:s22+$0xFFFFFFF0]  }
0xeb: {  	v7 =	vld [tilespmem:s22+$0x0]  }
0xec: {  	v8 =	vld [tilespmem:s22+$0x10]  }
0xed: {  	v9 =	vld [tilespmem:s22+$0x20]  }
0xee: {  	v10 =	vld [tilespmem:s22+$0xFFFFFFC0]  }
0xef: {  	v11 =	vld.idx.msk [tilespmem:v1+s10+$0x0], $0xffff  }
0xf0: {  	v12 =	vld.idx.msk [tilespmem:v2+s10+$0x0], $0xffff  }
0xf1: {  	v6 =	vld.idx.msk [tilespmem:v3+s10+$0x0], $0xffff  }
0xf2: {  	v5 =	vld.idx.msk [tilespmem:v4+s10+$0x0], $0xffff  }
0xf3: {  	v2 =	vld.idx.msk [tilespmem:v7+s10+$0x0], $0xffff  }
0xf4: {  	s21 =	simm.s32 $0x5040;
	v3 =	vld.idx.msk [tilespmem:v8+s10+$0x0], $0xffff  }
0xf5: {  	v1 =	vld.idx.msk [tilespmem:v9+s10+$0x0], $0xffff;
	[tilespmem:s21+$0x30] =	vst v11  }
0xf6: {  	s17 =	simm.s32 $0x0;
	s22 =	simm.s32 $0x10C0;
	v4 =	vld.idx.msk [tilespmem:v10+s10+$0x0], $0xffff;
	[tilespmem:s21+$0xFFFFFFD0] =	vst v12  }
.LBB2_9:
0xf7: {  	v7 =	vld [tilespmem:s22+$0x30];
	s17 =	sadd.s32 $0x8, s17;
	[tilespmem:s21+$0xFFFFFFE0] =	vst v6  }
0xf8: {  	v6 =	vld [tilespmem:s22+$0xFFFFFFD0];
	p3 =	slt.u32 s17, $0x78;
	[tilespmem:s21+$0xFFFFFFF0] =	vst v5  }
0xf9: {  	v5 =	vld [tilespmem:s22+$0xFFFFFFE0];
	[tilespmem:s21+$0x0] =	vst v2  }
0xfa: {  	v2 =	vld [tilespmem:s22+$0xFFFFFFF0];
	[tilespmem:s21+$0x10] =	vst v3  }
0xfb: {  	v3 =	vld [tilespmem:s22+$0x0];
	[tilespmem:s21+$0x20] =	vst v1  }
0xfc: {  	v1 =	vld [tilespmem:s22+$0x10];
	[tilespmem:s21+$0xFFFFFFC0] =	vst v4  }
0xfd: {  	v4 =	vld [tilespmem:s22+$0x20]  }
0xfe: {  	v8 =	vld [tilespmem:s22+$0xFFFFFFC0]  }
0xff: {  	v7 =	vld.idx.msk [tilespmem:v7+s10+$0x0], $0xffff  }
0x100: {  	v9 =	vld.idx.msk [tilespmem:v6+s10+$0x0], $0xffff  }
0x101: {  	v6 =	vld.idx.msk [tilespmem:v5+s10+$0x0], $0xffff  }
.Ltmp5:
0x102: {  	v5 =	vld.idx.msk [tilespmem:v2+s10+$0x0], $0xffff;
	(pc) =	sbr.rel @p3 .LBB2_9-.Ltmp5, $4  }
0x103: {  	v2 =	vld.idx.msk [tilespmem:v3+s10+$0x0], $0xffff  }
0x104: {  	s21 =	sadd.s32 $0x80, s21;
	v3 =	vld.idx.msk [tilespmem:v1+s10+$0x0], $0xffff  }
0x105: {  	v1 =	vld.idx.msk [tilespmem:v4+s10+$0x0], $0xffff;
	[tilespmem:s21+$0x30] =	vst v7  }
0x106: {  	s22 =	sadd.s32 $0x80, s22;
	v4 =	vld.idx.msk [tilespmem:v8+s10+$0x0], $0xffff;
	[tilespmem:s21+$0xFFFFFFD0] =	vst v9  }
0x107: {  	[tilespmem:s21+$0xFFFFFFE0] =	vst v6  }
0x108: {  	[tilespmem:s21+$0xFFFFFFF0] =	vst v5  }
0x109: {  	[tilespmem:s21+$0x0] =	vst v2  }
0x10a: {  	s0 =	sadd.s32 $0x4, s14;
	[tilespmem:s21+$0x10] =	vst v3  }
0x10b: {  	p3 =	sge.u32 s0, s7;
	[tilespmem:s21+$0x20] =	vst v1  }
0x10c: {  	s0 =	sshll.u32 @!p3 s0, $0xC;
	[tilespmem:s21+$0xFFFFFFC0] =	vst v4  }
0x10d: {  	s17 =	simm.s32 @!p3 $0x80;
	s0 =	sadd.s32 @!p3 s6, s0;
	_ =	swait.ge [sflag:s26], $0x800  }
0x10e: {  	s22 =	simm.s32 @!p3 $0x0;
	s0 =	sshrl.u32 @!p3 s0, $0x3;
	[sflag:s26] =	ssyncset.done $0x0  }
0x10f: {  	s21 =	simm.s32 @!p3 $0x100;
	s3 =	sadd.s32 @!p3 s1, s0;
	[sflag:s26] =	ssyncadd.s32 $0xFFFFF800  }
0x110: {  	[tilespmem:s22], [sflag:$0x1] =	stream.strided.gather @!p3 [hbm4b:s3+s17], $0x800, s21, s17, $0x38;
	[tilespmem:$0x1FF80] =	vst v63  }
0x111: {  	s0 =	sadd.s32 @!p3 s0, s9;
	s3 =	simm.s32 @!p3 $0x2000  }
0x112: {  	[tilespmem:s3], [sflag:$0x1] =	stream.strided.gather @!p3 [hbm4b:s0+s17], $0x800, s21, s17, $0x38;
	[tilespmem:$0x1FF80] =	vst v63  }
0x113: {  	_ = 	snop  }
0x114: {  	[spmem:s2] =	stream.indirect.scatter.add.f32 [tilespmem:s28], [sflag:$0x7], $0x1, s8, s24, $0xb8;
	[tilespmem:$0x1FF80] =	vst v63  }
0x115: {  	_ =	swait.ge [sflag:s4], $0x800  }
0x116: {  	[sflag:s4] =	ssyncset.done $0x0  }
0x117: {  	[sflag:s4] =	ssyncadd.s32 $0xFFFFF800  }
0x118: {  	_ =	swait.ge [sflag:s4], $0x800  }
0x119: {  	[sflag:s4] =	ssyncset.done $0x0  }
0x11a: {  	s22 =	simm.s32 $0x1840;
	[sflag:s4] =	ssyncadd.s32 $0xFFFFF800  }
0x11b: {  	v1 =	vld [tilespmem:s22+$0x30]  }
0x11c: {  	v2 =	vld [tilespmem:s22+$0xFFFFFFD0]  }
0x11d: {  	v3 =	vld [tilespmem:s22+$0xFFFFFFE0]  }
0x11e: {  	v4 =	vld [tilespmem:s22+$0xFFFFFFF0]  }
0x11f: {  	v7 =	vld [tilespmem:s22+$0x0]  }
0x120: {  	v8 =	vld [tilespmem:s22+$0x10]  }
0x121: {  	v9 =	vld [tilespmem:s22+$0x20]  }
0x122: {  	v10 =	vld [tilespmem:s22+$0xFFFFFFC0]  }
0x123: {  	v11 =	vld.idx.msk [tilespmem:v1+s10+$0x0], $0xffff  }
0x124: {  	v12 =	vld.idx.msk [tilespmem:v2+s10+$0x0], $0xffff  }
0x125: {  	v6 =	vld.idx.msk [tilespmem:v3+s10+$0x0], $0xffff  }
0x126: {  	v5 =	vld.idx.msk [tilespmem:v4+s10+$0x0], $0xffff  }
0x127: {  	v2 =	vld.idx.msk [tilespmem:v7+s10+$0x0], $0xffff  }
0x128: {  	s21 =	simm.s32 $0x5840;
	v3 =	vld.idx.msk [tilespmem:v8+s10+$0x0], $0xffff  }
0x129: {  	v1 =	vld.idx.msk [tilespmem:v9+s10+$0x0], $0xffff;
	[tilespmem:s21+$0x30] =	vst v11  }
0x12a: {  	s17 =	simm.s32 $0x0;
	s22 =	simm.s32 $0x18C0;
	v4 =	vld.idx.msk [tilespmem:v10+s10+$0x0], $0xffff;
	[tilespmem:s21+$0xFFFFFFD0] =	vst v12  }
.LBB2_11:
0x12b: {  	v7 =	vld [tilespmem:s22+$0x30];
	s17 =	sadd.s32 $0x8, s17;
	[tilespmem:s21+$0xFFFFFFE0] =	vst v6  }
0x12c: {  	v6 =	vld [tilespmem:s22+$0xFFFFFFD0];
	p3 =	slt.u32 s17, $0x78;
	[tilespmem:s21+$0xFFFFFFF0] =	vst v5  }
0x12d: {  	v5 =	vld [tilespmem:s22+$0xFFFFFFE0];
	[tilespmem:s21+$0x0] =	vst v2  }
0x12e: {  	v2 =	vld [tilespmem:s22+$0xFFFFFFF0];
	[tilespmem:s21+$0x10] =	vst v3  }
0x12f: {  	v3 =	vld [tilespmem:s22+$0x0];
	[tilespmem:s21+$0x20] =	vst v1  }
0x130: {  	v1 =	vld [tilespmem:s22+$0x10];
	[tilespmem:s21+$0xFFFFFFC0] =	vst v4  }
0x131: {  	v4 =	vld [tilespmem:s22+$0x20]  }
0x132: {  	v8 =	vld [tilespmem:s22+$0xFFFFFFC0]  }
0x133: {  	v7 =	vld.idx.msk [tilespmem:v7+s10+$0x0], $0xffff  }
0x134: {  	v9 =	vld.idx.msk [tilespmem:v6+s10+$0x0], $0xffff  }
0x135: {  	v6 =	vld.idx.msk [tilespmem:v5+s10+$0x0], $0xffff  }
.Ltmp6:
0x136: {  	v5 =	vld.idx.msk [tilespmem:v2+s10+$0x0], $0xffff;
	(pc) =	sbr.rel @p3 .LBB2_11-.Ltmp6, $4  }
0x137: {  	v2 =	vld.idx.msk [tilespmem:v3+s10+$0x0], $0xffff  }
0x138: {  	s21 =	sadd.s32 $0x80, s21;
	v3 =	vld.idx.msk [tilespmem:v1+s10+$0x0], $0xffff  }
0x139: {  	v1 =	vld.idx.msk [tilespmem:v4+s10+$0x0], $0xffff;
	[tilespmem:s21+$0x30] =	vst v7  }
0x13a: {  	s22 =	sadd.s32 $0x80, s22;
	v4 =	vld.idx.msk [tilespmem:v8+s10+$0x0], $0xffff;
	[tilespmem:s21+$0xFFFFFFD0] =	vst v9  }
0x13b: {  	[tilespmem:s21+$0xFFFFFFE0] =	vst v6  }
0x13c: {  	[tilespmem:s21+$0xFFFFFFF0] =	vst v5  }
0x13d: {  	[tilespmem:s21+$0x0] =	vst v2  }
0x13e: {  	s0 =	sadd.s32 $0x5, s14;
	[tilespmem:s21+$0x10] =	vst v3  }
0x13f: {  	p3 =	sge.u32 s0, s7;
	[tilespmem:s21+$0x20] =	vst v1  }
0x140: {  	s0 =	sshll.u32 @!p3 s0, $0xC;
	[tilespmem:s21+$0xFFFFFFC0] =	vst v4  }
0x141: {  	s14 =	simm.s32 @!p3 $0x80;
	s0 =	sadd.s32 @!p3 s6, s0;
	_ =	swait.ge [sflag:s30], $0x800  }
0x142: {  	s17 =	simm.s32 @!p3 $0x100;
	s0 =	sshrl.u32 @!p3 s0, $0x3;
	[sflag:s30] =	ssyncset.done $0x0  }
0x143: {  	s21 =	simm.s32 @!p3 $0x800;
	s3 =	sadd.s32 @!p3 s1, s0;
	[sflag:s30] =	ssyncadd.s32 $0xFFFFF800  }
0x144: {  	[tilespmem:s21], [sflag:$0x2] =	stream.strided.gather @!p3 [hbm4b:s3+s14], $0x800, s17, s14, $0x38;
	[tilespmem:$0x1FF80] =	vst v63  }
0x145: {  	s13 =	sadd.s32 $0x1, s13;
	s0 =	sadd.s32 @!p3 s0, s9;
	s3 =	simm.s32 @!p3 $0x2800  }
0x146: {  	[tilespmem:s3], [sflag:$0x2] =	stream.strided.gather @!p3 [hbm4b:s0+s14], $0x800, s17, s14, $0x38;
	[tilespmem:$0x1FF80] =	vst v63  }
0x147: {  	p3 =	sne.s32 s13, s29  }
.Ltmp7:
0x148: {  	_ = 	snop;
	(pc) =	sbr.rel @p3 .LBB2_4-.Ltmp7, $2  }
0x149: {  	_ =	sdelay $0x2  }
0x14a: {  	[spmem:s2] =	stream.indirect.scatter.add.f32 [tilespmem:s11], [sflag:$0x8], $0x1, s31, s24, $0xb8;
	[tilespmem:$0x1FF80] =	vst v63  }
0x14b: {  	_ =	swait.ge [sflag:s18], $0x800  }
0x14c: {  	[sflag:s18] =	ssyncset.done $0x0  }
0x14d: {  	[sflag:s18] =	ssyncadd.s32 $0xFFFFF800  }
0x14e: {  	_ =	swait.ge [sflag:s18], $0x800  }
0x14f: {  	[sflag:s18] =	ssyncset.done $0x0  }
0x150: {  	s0 =	simm.s32 $0x40;
	[sflag:s18] =	ssyncadd.s32 $0xFFFFF800  }
0x151: {  	v1 =	vld [tilespmem:s0+$0x30]  }
0x152: {  	v2 =	vld [tilespmem:s0+$0xFFFFFFD0]  }
0x153: {  	v3 =	vld [tilespmem:s0+$0xFFFFFFE0]  }
0x154: {  	v4 =	vld [tilespmem:s0+$0xFFFFFFF0]  }
0x155: {  	v5 =	vld [tilespmem:s0+$0x0]  }
0x156: {  	v7 =	vld [tilespmem:s0+$0x10]  }
0x157: {  	v8 =	vld [tilespmem:s0+$0x20]  }
0x158: {  	v9 =	vld [tilespmem:s0+$0xFFFFFFC0]  }
0x159: {  	v10 =	vld.idx.msk [tilespmem:v1+s10+$0x0], $0xffff  }
0x15a: {  	v11 =	vld.idx.msk [tilespmem:v2+s10+$0x0], $0xffff  }
0x15b: {  	v6 =	vld.idx.msk [tilespmem:v3+s10+$0x0], $0xffff  }
0x15c: {  	v4 =	vld.idx.msk [tilespmem:v4+s10+$0x0], $0xffff  }
0x15d: {  	v1 =	vld.idx.msk [tilespmem:v5+s10+$0x0], $0xffff  }
0x15e: {  	s13 =	simm.s32 $0x4040;
	v2 =	vld.idx.msk [tilespmem:v7+s10+$0x0], $0xffff  }
0x15f: {  	v3 =	vld.idx.msk [tilespmem:v8+s10+$0x0], $0xffff;
	[tilespmem:s13+$0x30] =	vst v10  }
0x160: {  	s14 =	simm.s32 $0x0;
	s17 =	simm.s32 $0xC0;
	v5 =	vld.idx.msk [tilespmem:v9+s10+$0x0], $0xffff;
	[tilespmem:s13+$0xFFFFFFD0] =	vst v11  }
.LBB2_14:
0x161: {  	v7 =	vld [tilespmem:s17+$0x30];
	s14 =	sadd.s32 $0x8, s14;
	[tilespmem:s13+$0xFFFFFFE0] =	vst v6  }
0x162: {  	v6 =	vld [tilespmem:s17+$0xFFFFFFD0];
	p3 =	slt.u32 s14, $0x78;
	[tilespmem:s13+$0xFFFFFFF0] =	vst v4  }
0x163: {  	v4 =	vld [tilespmem:s17+$0xFFFFFFE0];
	[tilespmem:s13+$0x0] =	vst v1  }
0x164: {  	v1 =	vld [tilespmem:s17+$0xFFFFFFF0];
	[tilespmem:s13+$0x10] =	vst v2  }
0x165: {  	v2 =	vld [tilespmem:s17+$0x0];
	[tilespmem:s13+$0x20] =	vst v3  }
0x166: {  	v3 =	vld [tilespmem:s17+$0x10];
	[tilespmem:s13+$0xFFFFFFC0] =	vst v5  }
0x167: {  	v5 =	vld [tilespmem:s17+$0x20]  }
0x168: {  	v8 =	vld [tilespmem:s17+$0xFFFFFFC0]  }
0x169: {  	v7 =	vld.idx.msk [tilespmem:v7+s10+$0x0], $0xffff  }
0x16a: {  	v9 =	vld.idx.msk [tilespmem:v6+s10+$0x0], $0xffff  }
0x16b: {  	v6 =	vld.idx.msk [tilespmem:v4+s10+$0x0], $0xffff  }
.Ltmp8:
0x16c: {  	v4 =	vld.idx.msk [tilespmem:v1+s10+$0x0], $0xffff;
	(pc) =	sbr.rel @p3 .LBB2_14-.Ltmp8, $4  }
0x16d: {  	v1 =	vld.idx.msk [tilespmem:v2+s10+$0x0], $0xffff  }
0x16e: {  	s13 =	sadd.s32 $0x80, s13;
	v2 =	vld.idx.msk [tilespmem:v3+s10+$0x0], $0xffff  }
0x16f: {  	v3 =	vld.idx.msk [tilespmem:v5+s10+$0x0], $0xffff;
	[tilespmem:s13+$0x30] =	vst v7  }
0x170: {  	s17 =	sadd.s32 $0x80, s17;
	v5 =	vld.idx.msk [tilespmem:v8+s10+$0x0], $0xffff;
	[tilespmem:s13+$0xFFFFFFD0] =	vst v9  }
0x171: {  	[tilespmem:s13+$0xFFFFFFE0] =	vst v6  }
0x172: {  	[tilespmem:s13+$0xFFFFFFF0] =	vst v4  }
0x173: {  	[tilespmem:s13+$0x0] =	vst v1  }
0x174: {  	[tilespmem:s13+$0x10] =	vst v2  }
0x175: {  	[tilespmem:s13+$0x20] =	vst v3  }
0x176: {  	s0 =	simm.s32 $0x7;
	[tilespmem:s13+$0xFFFFFFC0] =	vst v5  }
0x177: {  	_ =	swait.ge [sflag:s0], $0x800  }
0x178: {  	s3 =	simm.s32 @!p0 $0x100;
	s13 =	simm.s32 @!p0 $0x1000;
	[sflag:s0] =	ssyncset.done $0x0  }
0x179: {  	s14 =	rddreg [dreg:$0xf];
	[sflag:s0] =	ssyncadd.s32 $0xFFFFF800;
	s0 =	simm.s32 @!p0 $0x80  }
0x17a: {  	[tilespmem:s13], [sflag:$0x3] =	stream.strided.gather @!p0 [hbm4b:s14+s0], $0x800, s3, s0, $0x38;
	[tilespmem:$0x1FF80] =	vst v63  }
0x17b: {  	s13 =	simm.s32 @!p0 $0x3000;
	s14 =	rddreg [dreg:$0x10]  }
0x17c: {  	[tilespmem:s13], [sflag:$0x3] =	stream.strided.gather @!p0 [hbm4b:s14+s0], $0x800, s3, s0, $0x38;
	[tilespmem:$0x1FF80] =	vst v63  }
0x17d: {  	_ = 	snop  }
0x17e: {  	[spmem:s2] =	stream.indirect.scatter.add.f32 [tilespmem:s15], [sflag:$0x5], $0x1, s23, s24, $0xb8;
	[tilespmem:$0x1FF80] =	vst v63  }
0x17f: {  	_ =	swait.ge [sflag:s19], $0x800  }
0x180: {  	[sflag:s19] =	ssyncset.done $0x0  }
0x181: {  	[sflag:s19] =	ssyncadd.s32 $0xFFFFF800  }
0x182: {  	_ =	swait.ge [sflag:s19], $0x800  }
0x183: {  	[sflag:s19] =	ssyncset.done $0x0  }
0x184: {  	s22 =	simm.s32 $0x840;
	[sflag:s19] =	ssyncadd.s32 $0xFFFFF800  }
0x185: {  	v1 =	vld [tilespmem:s22+$0x30]  }
0x186: {  	v2 =	vld [tilespmem:s22+$0xFFFFFFD0]  }
0x187: {  	v3 =	vld [tilespmem:s22+$0xFFFFFFE0]  }
0x188: {  	v4 =	vld [tilespmem:s22+$0xFFFFFFF0]  }
0x189: {  	v5 =	vld [tilespmem:s22+$0x0]  }
0x18a: {  	v7 =	vld [tilespmem:s22+$0x10]  }
0x18b: {  	v8 =	vld [tilespmem:s22+$0x20]  }
0x18c: {  	v9 =	vld [tilespmem:s22+$0xFFFFFFC0]  }
0x18d: {  	v10 =	vld.idx.msk [tilespmem:v1+s10+$0x0], $0xffff  }
0x18e: {  	v11 =	vld.idx.msk [tilespmem:v2+s10+$0x0], $0xffff  }
0x18f: {  	v6 =	vld.idx.msk [tilespmem:v3+s10+$0x0], $0xffff  }
0x190: {  	v4 =	vld.idx.msk [tilespmem:v4+s10+$0x0], $0xffff  }
0x191: {  	s13 =	simm.s32 $0x4840;
	v1 =	vld.idx.msk [tilespmem:v5+s10+$0x0], $0xffff  }
0x192: {  	v2 =	vld.idx.msk [tilespmem:v7+s10+$0x0], $0xffff;
	[tilespmem:s13+$0x30] =	vst v10  }
0x193: {  	v3 =	vld.idx.msk [tilespmem:v8+s10+$0x0], $0xffff;
	[tilespmem:s13+$0xFFFFFFD0] =	vst v11  }
0x194: {  	s17 =	simm.s32 $0x8C0;
	s14 =	simm.s32 $0x0;
	v5 =	vld.idx.msk [tilespmem:v9+s10+$0x0], $0xffff;
	s22 =	rddreg [dreg:$0x8]  }
.LBB2_16:
0x195: {  	v7 =	vld [tilespmem:s17+$0x30];
	s14 =	sadd.s32 $0x8, s14;
	[tilespmem:s13+$0xFFFFFFE0] =	vst v6  }
0x196: {  	v6 =	vld [tilespmem:s17+$0xFFFFFFD0];
	p3 =	slt.u32 s14, $0x78;
	[tilespmem:s13+$0xFFFFFFF0] =	vst v4  }
0x197: {  	v4 =	vld [tilespmem:s17+$0xFFFFFFE0];
	[tilespmem:s13+$0x0] =	vst v1  }
0x198: {  	v1 =	vld [tilespmem:s17+$0xFFFFFFF0];
	[tilespmem:s13+$0x10] =	vst v2  }
0x199: {  	v2 =	vld [tilespmem:s17+$0x0];
	[tilespmem:s13+$0x20] =	vst v3  }
0x19a: {  	v3 =	vld [tilespmem:s17+$0x10];
	[tilespmem:s13+$0xFFFFFFC0] =	vst v5  }
0x19b: {  	v5 =	vld [tilespmem:s17+$0x20]  }
0x19c: {  	v8 =	vld [tilespmem:s17+$0xFFFFFFC0]  }
0x19d: {  	v7 =	vld.idx.msk [tilespmem:v7+s10+$0x0], $0xffff  }
0x19e: {  	v9 =	vld.idx.msk [tilespmem:v6+s10+$0x0], $0xffff  }
0x19f: {  	v6 =	vld.idx.msk [tilespmem:v4+s10+$0x0], $0xffff  }
.Ltmp9:
0x1a0: {  	v4 =	vld.idx.msk [tilespmem:v1+s10+$0x0], $0xffff;
	(pc) =	sbr.rel @p3 .LBB2_16-.Ltmp9, $4  }
0x1a1: {  	v1 =	vld.idx.msk [tilespmem:v2+s10+$0x0], $0xffff  }
0x1a2: {  	s13 =	sadd.s32 $0x80, s13;
	v2 =	vld.idx.msk [tilespmem:v3+s10+$0x0], $0xffff  }
0x1a3: {  	v3 =	vld.idx.msk [tilespmem:v5+s10+$0x0], $0xffff;
	[tilespmem:s13+$0x30] =	vst v7  }
0x1a4: {  	s17 =	sadd.s32 $0x80, s17;
	v5 =	vld.idx.msk [tilespmem:v8+s10+$0x0], $0xffff;
	[tilespmem:s13+$0xFFFFFFD0] =	vst v9  }
0x1a5: {  	[tilespmem:s13+$0xFFFFFFE0] =	vst v6  }
0x1a6: {  	[tilespmem:s13+$0xFFFFFFF0] =	vst v4  }
0x1a7: {  	[tilespmem:s13+$0x0] =	vst v1  }
0x1a8: {  	[tilespmem:s13+$0x10] =	vst v2  }
0x1a9: {  	[tilespmem:s13+$0x20] =	vst v3  }
.Ltmp10:
0x1aa: {  	s0 =	simm.s32 $0x8;
	[tilespmem:s13+$0xFFFFFFC0] =	vst v5;
	(pc) =	sbr.rel @p1 .LBB2_21-.Ltmp10, $4  }
0x1ab: {  	_ =	swait.ge [sflag:s0], $0x800  }
0x1ac: {  	[sflag:s0] =	ssyncset.done $0x0  }
0x1ad: {  	s21 =	rddreg [dreg:$0x7];
	[sflag:s0] =	ssyncadd.s32 $0xFFFFF800  }
0x1ae: {  	[spmem:s2] =	stream.indirect.scatter.add.f32 [tilespmem:s20], [sflag:$0x6], $0x1, s5, s24, $0xb8;
	[tilespmem:$0x1FF80] =	vst v63  }
0x1af: {  	_ =	swait.ge [sflag:s25], $0x800  }
0x1b0: {  	[sflag:s25] =	ssyncset.done $0x0  }
0x1b1: {  	[sflag:s25] =	ssyncadd.s32 $0xFFFFF800  }
0x1b2: {  	_ =	swait.ge [sflag:s25], $0x800  }
0x1b3: {  	[sflag:s25] =	ssyncset.done $0x0  }
0x1b4: {  	s0 =	simm.s32 $0x1040;
	[sflag:s25] =	ssyncadd.s32 $0xFFFFF800  }
0x1b5: {  	v1 =	vld [tilespmem:s0+$0x30]  }
0x1b6: {  	v2 =	vld [tilespmem:s0+$0xFFFFFFD0]  }
0x1b7: {  	v3 =	vld [tilespmem:s0+$0xFFFFFFE0]  }
0x1b8: {  	v4 =	vld [tilespmem:s0+$0xFFFFFFF0]  }
0x1b9: {  	v5 =	vld [tilespmem:s0+$0x0]  }
0x1ba: {  	v7 =	vld [tilespmem:s0+$0x10]  }
0x1bb: {  	v8 =	vld [tilespmem:s0+$0x20]  }
0x1bc: {  	v9 =	vld [tilespmem:s0+$0xFFFFFFC0]  }
0x1bd: {  	v10 =	vld.idx.msk [tilespmem:v1+s10+$0x0], $0xffff  }
0x1be: {  	v11 =	vld.idx.msk [tilespmem:v2+s10+$0x0], $0xffff  }
0x1bf: {  	v6 =	vld.idx.msk [tilespmem:v3+s10+$0x0], $0xffff  }
0x1c0: {  	v4 =	vld.idx.msk [tilespmem:v4+s10+$0x0], $0xffff  }
0x1c1: {  	v1 =	vld.idx.msk [tilespmem:v5+s10+$0x0], $0xffff  }
0x1c2: {  	s13 =	simm.s32 $0x5040;
	v2 =	vld.idx.msk [tilespmem:v7+s10+$0x0], $0xffff  }
0x1c3: {  	v3 =	vld.idx.msk [tilespmem:v8+s10+$0x0], $0xffff;
	[tilespmem:s13+$0x30] =	vst v10  }
0x1c4: {  	s14 =	simm.s32 $0x0;
	s17 =	simm.s32 $0x10C0;
	v5 =	vld.idx.msk [tilespmem:v9+s10+$0x0], $0xffff;
	[tilespmem:s13+$0xFFFFFFD0] =	vst v11  }
.LBB2_19:
0x1c5: {  	v7 =	vld [tilespmem:s17+$0x30];
	s14 =	sadd.s32 $0x8, s14;
	[tilespmem:s13+$0xFFFFFFE0] =	vst v6  }
0x1c6: {  	v6 =	vld [tilespmem:s17+$0xFFFFFFD0];
	p3 =	slt.u32 s14, $0x78;
	[tilespmem:s13+$0xFFFFFFF0] =	vst v4  }
0x1c7: {  	v4 =	vld [tilespmem:s17+$0xFFFFFFE0];
	[tilespmem:s13+$0x0] =	vst v1  }
0x1c8: {  	v1 =	vld [tilespmem:s17+$0xFFFFFFF0];
	[tilespmem:s13+$0x10] =	vst v2  }
0x1c9: {  	v2 =	vld [tilespmem:s17+$0x0];
	[tilespmem:s13+$0x20] =	vst v3  }
0x1ca: {  	v3 =	vld [tilespmem:s17+$0x10];
	[tilespmem:s13+$0xFFFFFFC0] =	vst v5  }
0x1cb: {  	v5 =	vld [tilespmem:s17+$0x20]  }
0x1cc: {  	v8 =	vld [tilespmem:s17+$0xFFFFFFC0]  }
0x1cd: {  	v7 =	vld.idx.msk [tilespmem:v7+s10+$0x0], $0xffff  }
0x1ce: {  	v9 =	vld.idx.msk [tilespmem:v6+s10+$0x0], $0xffff  }
0x1cf: {  	v6 =	vld.idx.msk [tilespmem:v4+s10+$0x0], $0xffff  }
.Ltmp11:
0x1d0: {  	v4 =	vld.idx.msk [tilespmem:v1+s10+$0x0], $0xffff;
	(pc) =	sbr.rel @p3 .LBB2_19-.Ltmp11, $4  }
0x1d1: {  	v1 =	vld.idx.msk [tilespmem:v2+s10+$0x0], $0xffff  }
0x1d2: {  	s13 =	sadd.s32 $0x80, s13;
	v2 =	vld.idx.msk [tilespmem:v3+s10+$0x0], $0xffff  }
0x1d3: {  	v3 =	vld.idx.msk [tilespmem:v5+s10+$0x0], $0xffff;
	[tilespmem:s13+$0x30] =	vst v7  }
0x1d4: {  	s17 =	sadd.s32 $0x80, s17;
	v5 =	vld.idx.msk [tilespmem:v8+s10+$0x0], $0xffff;
	[tilespmem:s13+$0xFFFFFFD0] =	vst v9  }
0x1d5: {  	[tilespmem:s13+$0xFFFFFFE0] =	vst v6  }
0x1d6: {  	[tilespmem:s13+$0xFFFFFFF0] =	vst v4  }
0x1d7: {  	[tilespmem:s13+$0x0] =	vst v1  }
0x1d8: {  	[tilespmem:s13+$0x10] =	vst v2  }
0x1d9: {  	[tilespmem:s13+$0x20] =	vst v3  }
0x1da: {  	[tilespmem:s13+$0xFFFFFFC0] =	vst v5  }
0x1db: {  	_ =	swait.ge [sflag:s26], $0x800  }
0x1dc: {  	s0 =	simm.s32 @!p2 $0x80;
	s3 =	simm.s32 @!p2 $0x100;
	[sflag:s26] =	ssyncset.done $0x0  }
0x1dd: {  	s13 =	simm.s32 @!p2 $0x0;
	s14 =	rddreg [dreg:$0x13];
	[sflag:s26] =	ssyncadd.s32 $0xFFFFF800  }
0x1de: {  	[tilespmem:s13], [sflag:$0x1] =	stream.strided.gather @!p2 [hbm4b:s14+s0], $0x800, s3, s0, $0x38;
	[tilespmem:$0x1FF80] =	vst v63  }
.Ltmp12:
0x1df: {  	_ = 	snop;
	(pc) =	sbr.rel .LBB2_21-.Ltmp12, $4  }
0x1e0: {  	s13 =	simm.s32 @!p2 $0x2000;
	s14 =	rddreg [dreg:$0x14]  }
0x1e1: {  	[tilespmem:s13], [sflag:$0x1] =	stream.strided.gather @!p2 [hbm4b:s14+s0], $0x800, s3, s0, $0x38;
	[tilespmem:$0x1FF80] =	vst v63  }
0x1e2: {  	_ = 	snop  }
0x1e3: {  	[spmem:s2] =	stream.indirect.scatter.add.f32 [tilespmem:s28], [sflag:$0x7], $0x1, s8, s24, $0xb8;
	[tilespmem:$0x1FF80] =	vst v63  }
.LBB2_22:
0x1e4: {  	_ =	sfence.sel $0x180000  }
0x1e5: {  	[bflag:$0x0] =	sbarrier.arrive $0xFFFF  }
0x1e6: {  	_ =	strace $0x9000004D  }
0x1e7: {  	s0 =	stileid.u32;
	[bflag:$0x2] =	sbarrier.arrive $0xFFFF  }
0x1e8: {  	p0 =	sne.s32 s0, $0x0;
	s0 =	rddreg [dreg:$0x3]  }
0x1e9: {  	s0 =	sadd.s32 @!p0 $0x100000, s0  }
0x1ea: {  	[sflag:s0] =	ssyncadd.tile.s32 @!p0 $0x1;
	_ =	shalt  }
.Lfunc_end2:
_tile_overlayer_lowered:
.L_overlay_start_2:
0x1eb: {  	(tag) =	ssettag $0x2  }
0x1ec: {  	s0 =	rddreg [dreg:$0x0];
	s2 =	stileid.u32  }
0x1ed: {  	s1 =	rddreg [dreg:$0x1];
	p0 =	sne.s32 s2, $0x0  }
0x1ee: {  	s3 =	rddreg [dreg:$0x2];
	[bflag:$0x3] =	sbarrier.arrive $0xFFFF;
	s2 =	simm.s32 @!p0 $0x1C09  }
0x1ef: {  	[timem:s3], [sflag:s2] =	dma.local @!p0 [hbm:s0], s1  }
0x1f0: {  	s0 =	simm.s32 @!p0 $0x9  }
0x1f1: {  	_ =	swait.ge @!p0 [sflag:s0], s1  }
0x1f2: {  	s1 =	ssub.s32 @!p0 $0x0, s1;
	[sflag:s0] =	ssyncset.done @!p0 $0x0  }
0x1f3: {  	[sflag:s0] =	ssyncadd.s32 @!p0 s1  }
0x1f4: {  	[bflag:$0x3] =	sbarrier.arrive $0xFFFF  }
0x1f5: {  	_ =	shalt  }

// kernel: kernel.8.cloned.1.call-start
scs
__scs_entry_jumppad:
0x0: {  	(pc) =	sbr.rel $0x88, $3  }
0x1: {  	(tag) =	ssettag $0x0;
	lr =	simm.s32 $0x1  }
0x2: {  	[smem:$0x3F9B] =	sst lr;
	_ =	strace $0xD0000000  }
0x3: {  	_ = 	snop  }
0x4: {  	_ = 	snop  }
0x5: {  	_ = 	snop  }
0x6: {  	_ = 	snop  }
0x7: {  	_ = 	snop  }
__scs_overlays_trampoline_lowered:
0x8: {  	[smem:$0x3FAA] =	sst s0  }
0x9: {  	[smem:$0x3FAB] =	sst s1  }
0xa: {  	[smem:$0x3FAC] =	sst s2  }
0xb: {  	[smem:$0x3FAD] =	sst s3  }
0xc: {  	[smem:$0x3FAE] =	sst s4  }
0xd: {  	[smem:$0x3FAF] =	sst s5  }
0xe: {  	[smem:$0x3FB0] =	sst s6  }
0xf: {  	[smem:$0x3FB1] =	sst s7  }
0x10: {  	[smem:$0x3FB2] =	sst s8  }
0x11: {  	[smem:$0x3FB3] =	sst s9;
	s0 =	simm.s32 @!p0 $0x0  }
0x12: {  	s1 =	sld [smem:$0x3F99];
	s0 =	simm.s32 @p0 $0x1  }
0x13: {  	[smem:$0x3FB4] =	sst s0;
	s0 =	simm.s32 @!p1 $0x0  }
0x14: {  	s2 =	sld [smem:$0x3F98];
	s0 =	simm.s32 @p1 $0x1  }
0x15: {  	[smem:$0x3FB5] =	sst s0;
	s0 =	simm.s32 @!p2 $0x0  }
0x16: {  	s3 =	sld [smem:$0x3FDB];
	s0 =	simm.s32 @p2 $0x1  }
0x17: {  	s4 =	simm.s32 $0x1BF5;
	[smem:$0x3FB7] =	sst s0  }
0x18: {  	s0 =	sld [smem:$0x3F9A];
	_ =	swait.ge [sflag:s4], $0x0  }
0x19: {  	s7 =	sld [smem:$0x3F9B]  }
0x1a: {  	s8 =	sadd.s32 $0xFFFFE003, lr  }
0x1b: {  	s9 =	sadd.s32 $0xFFFFFEF7, lr;
	s5 =	simm.s32 $0xFFFFFFFF;
	p2 =	slt.u32 s8, $0xFFFFF086  }
0x1c: {  	p1 =	slt.u32 s9, $0xF7A;
	s5 =	simm.s32 @!p2 $0x0  }
0x1d: {  	s5 =	simm.s32 @p1 $0x1;
	p0 =	seq.s32 s7, s2  }
0x1e: {  	s7 =	smul.u32 @!p0 $0xF7A, s2;
	p2 =	seq.s32 @!p0 s5, $0x0  }
0x1f: {  	s9 =	smul.u32 $0xF7A, s1;
	s8 =	simm.s32 @!p0 $0x1BF5;
	p2 =	por !p2, p0  }
0x20: {  	[sflag:s8] =	ssyncset.s32 @!p0 $0xFFFFF086;
	s6 =	sadd.s32 @!p0 s3, s7;
	s7 =	simm.s32 @!p0 $0x108  }
0x21: {  	s3 =	sadd.s32 s3, s9;
	s6 =	sadd.s32 @!p0 $0x88, s6;
	s7 =	simm.s32 @p2 $0x1082  }
0x22: {  	[simem:s7], [sflag:s8] =	dma.local @!p0 [hbm:s6], $0xF7A  }
0x23: {  	s9 =	sor.u32 $0xD0000000, s2;
	s6 =	simm.s32 $0x108;
	_ =	swait.ge @!p0 [sflag:s8], $0x0  }
0x24: {  	s3 =	sadd.s32 $0x88, s3;
	s6 =	simm.s32 @!p1 $0x1082;
	[sflag:s4] =	ssyncset.s32 $0xFFFFF086  }
0x25: {  	[simem:s6], [sflag:s4] =	dma.local [hbm:s3], $0xF7A  }
0x26: {  	[smem:$0x3F9B] =	sst s1;
	(tag) =	ssettag s2;
	_ =	strace s9  }
0x27: {  	s1 =	sld [smem:$0x3FAB]  }
0x28: {  	s2 =	sld [smem:$0x3FAC]  }
0x29: {  	s4 =	sld [smem:$0x3FAE]  }
0x2a: {  	p0 =	seq.s32 s5, $0x0;
	s5 =	sld [smem:$0x3FAF]  }
0x2b: {  	s6 =	sld [smem:$0x3FB0]  }
0x2c: {  	s7 =	sld [smem:$0x3FB1]  }
0x2d: {  	s3 =	simm.s32 $0x108;
	s8 =	sld [smem:$0x3FB2]  }
0x2e: {  	s3 =	simm.s32 @!p0 $0x1082;
	s9 =	sld [smem:$0x3FB3]  }
0x2f: {  	lr =	sadd.s32 s0, s3;
	s0 =	sld [smem:$0x3FAA]  }
0x30: {  	s3 =	sld [smem:$0x3FAD]  }
0x31: {  	[smem:$0x3FB6] =	sst s10  }
0x32: {  	s10 =	sld [smem:$0x3FB4];
	_ =	sdelay $0x3  }
0x33: {  	p0 =	seq.s32 s10, $0x1;
	s10 =	sld [smem:$0x3FB6];
	_ =	sdelay $0x3  }
0x34: {  	[smem:$0x3FB6] =	sst s10  }
0x35: {  	s10 =	sld [smem:$0x3FB5];
	_ =	sdelay $0x3  }
0x36: {  	p1 =	seq.s32 s10, $0x1;
	s10 =	sld [smem:$0x3FB6];
	_ =	sdelay $0x3  }
0x37: {  	[smem:$0x3FB6] =	sst s10  }
0x38: {  	s10 =	sld [smem:$0x3FB7]  }
0x39: {  	_ = 	snop;
	(pc) =	sbr.ind lr, $3  }
0x3a: {  	_ = 	snop  }
0x3b: {  	_ = 	snop  }
0x3c: {  	p2 =	seq.s32 s10, $0x1;
	s10 =	sld [smem:$0x3FB6]  }
0x3d: {  	_ =	shalt  }
0x3e: {  	_ =	shalt  }
0x3f: {  	_ =	shalt  }
0x40: {  	_ =	shalt  }
0x41: {  	_ =	shalt  }
0x42: {  	_ =	shalt  }
0x43: {  	_ =	shalt  }
0x44: {  	_ =	shalt  }
0x45: {  	_ =	shalt  }
0x46: {  	_ =	shalt  }
0x47: {  	_ =	shalt  }
0x48: {  	_ =	shalt  }
0x49: {  	_ =	shalt  }
0x4a: {  	_ =	shalt  }
0x4b: {  	_ =	shalt  }
0x4c: {  	_ =	shalt  }
0x4d: {  	_ =	shalt  }
0x4e: {  	_ =	shalt  }
0x4f: {  	_ =	shalt  }
0x50: {  	_ =	shalt  }
0x51: {  	_ =	shalt  }
0x52: {  	_ =	shalt  }
0x53: {  	_ =	shalt  }
0x54: {  	_ =	shalt  }
0x55: {  	_ =	shalt  }
0x56: {  	_ =	shalt  }
0x57: {  	_ =	shalt  }
0x58: {  	_ =	shalt  }
0x59: {  	_ =	shalt  }
0x5a: {  	_ =	shalt  }
0x5b: {  	_ =	shalt  }
0x5c: {  	_ =	shalt  }
0x5d: {  	_ =	shalt  }
0x5e: {  	_ =	shalt  }
0x5f: {  	_ =	shalt  }
0x60: {  	_ =	shalt  }
0x61: {  	_ =	shalt  }
0x62: {  	_ =	shalt  }
0x63: {  	_ =	shalt  }
0x64: {  	_ =	shalt  }
0x65: {  	_ =	shalt  }
0x66: {  	_ =	shalt  }
0x67: {  	_ =	shalt  }
0x68: {  	_ =	shalt  }
0x69: {  	_ =	shalt  }
0x6a: {  	_ =	shalt  }
0x6b: {  	_ =	shalt  }
0x6c: {  	_ =	shalt  }
0x6d: {  	_ =	shalt  }
0x6e: {  	_ =	shalt  }
0x6f: {  	_ =	shalt  }
0x70: {  	_ =	shalt  }
0x71: {  	_ =	shalt  }
0x72: {  	_ =	shalt  }
0x73: {  	_ =	shalt  }
0x74: {  	_ =	shalt  }
0x75: {  	_ =	shalt  }
0x76: {  	_ =	shalt  }
0x77: {  	_ =	shalt  }
0x78: {  	_ =	shalt  }
0x79: {  	_ =	shalt  }
0x7a: {  	_ =	shalt  }
0x7b: {  	_ =	shalt  }
0x7c: {  	_ =	shalt  }
0x7d: {  	_ =	shalt  }
0x7e: {  	_ =	shalt  }
0x7f: {  	_ =	shalt  }
0x80: {  	_ =	shalt  }
0x81: {  	_ =	shalt  }
0x82: {  	_ =	shalt  }
0x83: {  	_ =	shalt  }
0x84: {  	_ =	shalt  }
0x85: {  	_ =	shalt  }
0x86: {  	_ =	shalt  }
0x87: {  	_ =	shalt  }
.Lfunc_end0:
.L_simem_size_0:
called_computation_lowered:
.L_overlay_start_0:
0x88: {  	s2 =	sld [smem:$0x3FD9]  }
0x89: {  	s3 =	sld [smem:$0x3FFE];
	_ =	sdelay $0x1  }
0x8a: {  	s1 =	srdreg.scid  }
0x8b: {  	s0 =	sand.u32 $0x1, s1  }
0x8c: {  	s17 =	sshll.u32 s0, $0xA;
	s2 =	sadd.s32 s3, s2  }
0x8d: {  	s2 =	sadd.s32 s2, s17  }
0x8e: {  	[smem:$0x3FC2] =	sst s2  }
0x8f: {  	_ = 	snop  }
0x90: {  	s2 =	sld [smem:$0x3FC8];
	(tm) =	ssettm $0x1  }
0x91: {  	s18 =	sld [smem:$0x3FFB];
	_ =	sdelay $0x3  }
0x92: {  	_ =	strace s18  }
0x93: {  	s3 =	sld [smem:$0x3FFC];
	_ =	sdelay $0x3  }
0x94: {  	_ =	strace s3  }
0x95: {  	s3 =	sld [smem:$0x3FFD];
	_ =	sdelay $0x3  }
0x96: {  	_ =	strace s3  }
0x97: {  	_ =	strace $0x8FFFFFFF  }
0x98: {  	s19 =	sld [smem:$0x3FDB];
	_ =	sdelay $0x1  }
0x99: {  	s4 =	simm.s32 $_scs_section_size  }
0x9a: {  	s5 =	simm.s32 $_size__tile_overlayer_lowered;
	s6 =	simm.s32 $_tile_overlayer_lowered  }
0x9b: {  	s22 =	simm.s32 $0x1BFF;
	s21 =	sshll.u32 s6, $0x1;
	s3 =	sadd.s32 s4, s19  }
0x9c: {  	s7 =	simm.s32 $0x0;
	s20 =	sshll.u32 s5, $0x1;
	s5 =	sadd.s32 s21, s3  }
0x9d: {  	[timem:s7], [sflag:s22] =	dma.local [hbm:s5], s20  }
0x9e: {  	_ =	swait.ge [sflag:s22], s20  }
0x9f: {  	s4 =	ssub.s32 $0x0, s20;
	[sflag:s22] =	ssyncset.done $0x0  }
0xa0: {  	[sflag:s22] =	ssyncadd.s32 s4;
	_ =	sdelay $0x1  }
0xa1: {  	s23 =	simm.s32 $0x1B8B  }
0xa2: {  	_ =	swait.ge [sflag:s23], $0x1  }
0xa3: {  	[sflag:s23] =	ssyncset.done $0x0  }
0xa4: {  	s25 =	simm.s32 $0x1B8E;
	s24 =	sld [smem:$0x3FFE];
	[sflag:s23] =	ssyncadd.s32 $0xFFFFFFFF  }
0xa5: {  	s26 =	simm.s32 $execute0_lowered;
	[smem:$0x3FD2] =	sst s25  }
0xa6: {  	s5 =	sshll.u32 s26, $0x1;
	_ =	strace $0x80000046;
	[dreg:$0x1] =	wrdreg $0xFFFFFFFF  }
0xa7: {  	s28 =	simm.s32 $_size_execute0_lowered;
	s3 =	sadd.s32 s3, s5;
	[dreg:$0x0] =	wrdreg $0x0  }
0xa8: {  	s5 =	sshll.u32 s28, $0x1;
	[dreg:$0x2] =	wrdreg s3  }
0xa9: {  	[dreg:$0x3] =	wrdreg s5  }
0xaa: {  	[dreg:$0x4] =	wrdreg $0xC0  }
0xab: {  	_ =	task [dreg:s7], $0x5FFFF  }
0xac: {  	[dreg:$0x1] =	wrdreg $0xFFFFFFFF  }
0xad: {  	[dreg:$0x0] =	wrdreg $0x60  }
0xae: {  	[dreg:$0x2] =	wrdreg s2  }
0xaf: {  	[dreg:$0x3] =	wrdreg s24  }
0xb0: {  	[dreg:$0x4] =	wrdreg $0x30000  }
0xb1: {  	[dreg:$0x5] =	wrdreg $0x9  }
0xb2: {  	_ =	task.clear_ibuf [dreg:s7], $0x6FFFF;
	_ =	strace $0x90000046  }
0xb3: {  	s29 =	simm.s32 $0x9;
	_ =	strace $0x80000048  }
0xb4: {  	_ =	swait.ge [sflag:s29], $0x1  }
0xb5: {  	[sflag:s29] =	ssyncadd.s32 $0xFFFFFFFF  }
0xb6: {  	_ =	strace $0x90000048  }
0xb7: {  	_ =	sfence  }
0xb8: {  	s30 =	sld [smem:$0x0];
	_ =	sdelay $0x2  }
0xb9: {  	s31 =	sshll.u32 s1, $0xD;
	s1 =	sshrl.u32 s1, $0x2  }
0xba: {  	s3 =	sand.u32 $0x4000, s31;
	s1 =	sadd.s32 s1, s30  }
0xbb: {  	s0 =	sor.u32 s3, s0;
	s1 =	sshll.u32 s1, $0x11  }
0xbc: {  	s0 =	sor.u32 s1, s0  }
0xbd: {  	s0 =	sadd.s32 $0x8F2B, s0  }
0xbe: {  	[sflag:s0] =	ssyncadd.remote.s32 $0x1  }
0xbf: {  	_ =	sfence.sel $0xFFFF  }
0xc0: {  	[dreg:$0x0] =	wrdreg $0xFFFFFFFF;
	(pc) =	sbr.abs _section_cstart, $3  }
0xc1: {  	[dreg:$0x1] =	wrdreg $0xFFFFFFFF  }
0xc2: {  	_ =	task.clear_ibuf [dreg:s7], $0x2FFFF;
	_ =	strace $0x9FFFFFFF  }
0xc3: {  	(tm) =	ssettm $0x7FFFFFFF  }
tec
execute0_lowered:
.L_overlay_start_1:
0x0: {  	(tag) =	ssettag $0x1  }
0x1: {  	s0 =	rddreg [dreg:$0x0]  }
0x2: {  	s2 =	rddreg [dreg:$0x1]  }
0x3: {  	s1 =	rddreg [dreg:$0x2];
	s4 =	srdreg.scid;
	s3 =	simm.s32 $0x0  }
0x4: {  	s18 =	stileid.u32;
	s31 =	simm.s32 $0x800;
	s6 =	sand.u32 $0x1, s4  }
0x5: {  	[smem:$0x7FF] =	sst s3;
	s2 =	sadd.s32 $0x1800, s2;
	s10 =	smul.u32 $0x1880, s18  }
0x6: {  	s16 =	smul.u32 $0x3100, s18;
	s4 =	sshll.u32 s6, $0x4;
	_ =	strace $0x80000047  }
0x7: {  	s5 =	ssub.s32 $0x2, s6;
	s21 =	sshll.u32 s6, $0x7;
	s6 =	smul.u32 $0x620000, s6  }
0x8: {  	s7 =	sor.u32 s18, s4;
	s30 =	sshrl.u32 s5, $0x1;
	s4 =	simm.s32 $0x57  }
0x9: {  	s19 =	sadd.s32 s10, s1;
	s20 =	sadd.s32 $0x1000, s10;
	s25 =	sor.u32 s21, s16  }
0xa: {  	s8 =	smul.u32 $0xC400, s7;
	s9 =	ssub.s32 s5, s30;
	p0 =	seq.s32 s7, $0x1F  }
0xb: {  	s5 =	sadd.s32 $0x10, s0;
	s23 =	sadd.s32 s20, s1;
	s7 =	smul.u32 $0x62000, s7  }
0xc: {  	s28 =	sshll.u32 s20, $0x1;
	s30 =	smul.u32 $0x62000, s18;
	s18 =	simm.s32 $0x1000  }
0xd: {  	s20 =	simm.s32 $0x6;
	s4 =	simm.s32 @!p0 $0x62;
	[dreg:$0x4] =	wrdreg s18  }
0xe: {  	s20 =	simm.s32 @!p0 $0x5;
	s18 =	simm.s32 $0x0;
	[dreg:$0x9] =	wrdreg s23  }
0xf: {  	s0 =	sadd.s32 s8, s0;
	s8 =	sadd.s32 s8, s5;
	s12 =	sand.u32 $0x76, s4  }
0x10: {  	s11 =	sand.u32 $0x74, s4;
	s17 =	sand.u32 $0x3, s4;
	s16 =	sadd.s32 s30, s6  }
0x11: {  	[dreg:$0x6] =	wrdreg s8;
	s0 =	sadd.s32 $0x210, s0;
	s8 =	sadd.s32 $0x800, s10  }
0x12: {  	s10 =	sadd.s32 $0x1800, s10;
	s13 =	sshll.u32 s12, $0xC;
	s14 =	sadd.s32 $0x4, s11  }
0x13: {  	p1 =	seq.s32 s17, $0x2;
	s6 =	sadd.s32 $0x2000, s16;
	[dreg:$0x7] =	wrdreg s0  }
0x14: {  	s22 =	sadd.s32 s8, s1;
	s24 =	sadd.s32 s10, s1;
	s13 =	sadd.s32 s7, s13  }
0x15: {  	s15 =	sshll.u32 s14, $0xC;
	s0 =	sshll.u32 s8, $0x1;
	s29 =	sshll.u32 s10, $0x1  }
0x16: {  	s6 =	sshrl.u32 s6, $0x3;
	p2 =	sge.u32 @!p1 s14, s4;
	s10 =	simm.s32 $0x100  }
0x17: {  	s14 =	simm.s32 $0x3;
	s13 =	sshrl.u32 s13, $0x3;
	s7 =	sadd.s32 s7, s15  }
0x18: {  	s0 =	sor.u32 s21, s0;
	s8 =	sor.u32 s21, s29;
	s15 =	smax.u32 s9, $0x1  }
0x19: {  	p2 =	por p2, p1;
	s9 =	simm.s32 $0x80;
	[dreg:$0x8] =	wrdreg s22  }
0x1a: {  	[dreg:$0xa] =	wrdreg s24;
	s13 =	sadd.s32 s13, s5;
	s7 =	sshrl.u32 s7, $0x3  }
0x1b: {  	s0 =	sshrl.u32 s0, $0x3;
	s8 =	sshrl.u32 s8, $0x3;
	[dreg:$0x11] =	wrdreg s15  }
0x1c: {  	s15 =	simm.s32 $0x5;
	[dreg:$0xb] =	wrdreg s13;
	s7 =	sadd.s32 s7, s5  }
0x1d: {  	s13 =	sshrl.u32 s25, $0x3;
	s0 =	sadd.s32 s2, s0;
	[dreg:$0xc] =	wrdreg s7  }
0x1e: {  	s25 =	sadd.s32 $0x3000, s16;
	s26 =	sadd.s32 s2, s13;
	[dreg:$0xe] =	wrdreg s0  }
0x1f: {  	s7 =	sor.u32 s21, s28;
	s13 =	sadd.s32 s2, s8;
	[dreg:$0xd] =	wrdreg s26  }
0x20: {  	s21 =	simm.s32 $0x1800;
	s28 =	sadd.s32 s6, s5;
	[dreg:$0x10] =	wrdreg s13  }
0x21: {  	s0 =	sadd.s32 $0x4000, s16;
	s6 =	simm.s32 $0x1;
	[dreg:$0x5] =	wrdreg s21  }
0x22: {  	s7 =	sshrl.u32 s7, $0x3;
	s21 =	simm.s32 $0x7;
	[dreg:$0x13] =	wrdreg s28  }
0x23: {  	s26 =	sadd.s32 $0x5000, s16;
	[dreg:$0x14] =	wrdreg s0;
	s0 =	simm.s32 $0x2800  }
0x24: {  	s13 =	simm.s32 $0x2;
	s16 =	simm.s32 $0x4;
	s7 =	sadd.s32 s2, s7  }
0x25: {  	s21 =	simm.s32 @!p0 $0x6;
	p0 =	seq.s32 s12, s4;
	s2 =	sshrl.u32 s25, $0x3  }
0x26: {  	s29 =	sshrl.u32 s26, $0x3;
	[dreg:$0xf] =	wrdreg s7;
	s2 =	sadd.s32 s2, s5  }
0x27: {  	s26 =	simm.s32 $0x6;
	s30 =	sadd.s32 s29, s5;
	[dreg:$0x12] =	wrdreg s2  }
0x28: {  	v0 =	vimm.f32 $1.000000000e+00;
	v1 =	vimm.f32 $0.0e+00;
	s7 =	simm.s32 $0x2000;
	[dreg:$0x15] =	wrdreg s30;
	s2 =	simm.s32 $0x9  }
.LBB2_1:
0x29: {  	s8 =	rddreg [dreg:$0x6]  }
0x2a: {  	[tilespmem:s3], [sflag:$0x1] =	stream.strided.gather [hbm4b:s8+s9], $0x800, s10, s9, $0x38;
	[tilespmem:$0x4880] =	vst v63  }
0x2b: {  	s30 =	rddreg [dreg:$0x7]  }
0x2c: {  	[tilespmem:s31], [sflag:$0x2] =	stream.strided.gather [hbm4b:s30+s9], $0x800, s10, s9, $0x38;
	[tilespmem:$0x4880] =	vst v63  }
0x2d: {  	s10 =	simm.s32 $0x0  }
.LBB2_2:
0x2e: {  	p3 =	sne.s32 s10, $0x1FC0  }
.Ltmp0:
0x2f: {  	_ = 	snop;
	(pc) =	sbr.rel @p3 .LBB2_2-.Ltmp0, $3  }
0x30: {  	_ =	sdelay $0x1  }
0x31: {  	s12 =	sshra.s32 s10, $0x2  }
0x32: {  	s10 =	sadd.s32 $0x40, s10;
	[tilespmem:s12+$0x2000] =	vst v0  }
0x33: {  	s10 =	simm.s32 $0x40;
	s12 =	simm.s32 $0x0  }
.LBB2_4:
0x34: {  	p3 =	sne.s32 s10, $0x1FC0;
	[tilespmem:s12+$0x2800] =	vst v1;
	s12 =	smov.u32 s10;
	s10 =	sadd.s32 $0x40, s10  }
.Ltmp1:
0x35: {  	(pc) =	sbr.rel @p3 .LBB2_4-.Ltmp1, $2  }
0x36: {  	_ =	sdelay $0x2  }
0x37: {  	s12 =	sshra.s32 s12, $0x2  }
0x38: {  	[tilespmem:s12+$0x2800] =	vst v1  }
0x39: {  	[spmem:s19] =	stream.linear.scatter [tilespmem:s0], [sflag:$0x9], $0x800, $0x38;
	[tilespmem:$0x4880] =	vst v63  }
0x3a: {  	_ =	swait.ge [sflag:s2], $0x800  }
0x3b: {  	[sflag:s2] =	ssyncset.done $0x0  }
0x3c: {  	[sflag:s2] =	ssyncadd.s32 $0xFFFFF800  }
0x3d: {  	[spmem:s22] =	stream.linear.scatter [tilespmem:s0], [sflag:$0x9], $0x800, $0x38;
	[tilespmem:$0x4880] =	vst v63  }
0x3e: {  	_ =	swait.ge [sflag:s2], $0x800  }
0x3f: {  	[sflag:s2] =	ssyncset.done $0x0  }
0x40: {  	[sflag:s2] =	ssyncadd.s32 $0xFFFFF800  }
0x41: {  	[spmem:s23] =	stream.linear.scatter [tilespmem:s0], [sflag:$0x9], $0x800, $0x38;
	[tilespmem:$0x4880] =	vst v63  }
0x42: {  	_ =	swait.ge [sflag:s2], $0x800  }
0x43: {  	[sflag:s2] =	ssyncset.done $0x0  }
0x44: {  	[sflag:s2] =	ssyncadd.s32 $0xFFFFF800  }
0x45: {  	[spmem:s24] =	stream.linear.scatter [tilespmem:s0], [sflag:$0x9], $0x80, $0x38;
	[tilespmem:$0x4880] =	vst v63  }
0x46: {  	_ =	swait.ge [sflag:s2], $0x80  }
0x47: {  	[sflag:s2] =	ssyncset.done $0x0  }
0x48: {  	[sflag:s2] =	ssyncadd.s32 $0xFFFFFF80  }
0x49: {  	[bflag:$0x0] =	sbarrier.arrive $0xFFFF  }
0x4a: {  	_ =	swait.ge [sflag:s6], $0x800  }
0x4b: {  	p3 =	por $0x1, $0x1;
	[sflag:s6] =	ssyncset.done $0x0  }
0x4c: {  	s10 =	simm.s32 @!p3 $0x7;
	[sflag:s6] =	ssyncadd.s32 $0xFFFFF800  }
0x4d: {  	p4 =	sle.u32 s4, $0x2;
	_ =	swait.ge @!p3 [sflag:s10], $0x800  }
0x4e: {  	s12 =	simm.s32 @!p4 $0x80;
	s17 =	simm.s32 @!p4 $0x100;
	[sflag:s10] =	ssyncset.done @!p3 $0x0  }
0x4f: {  	s23 =	rddreg [dreg:$0x13];
	[sflag:s10] =	ssyncadd.s32 @!p3 $0xFFFFF800;
	s10 =	simm.s32 @!p4 $0x1000  }
0x50: {  	[tilespmem:s10], [sflag:$0x3] =	stream.strided.gather @!p4 [hbm4b:s23+s12], $0x800, s17, s12, $0x38;
	[tilespmem:$0x4880] =	vst v63  }
0x51: {  	_ = 	snop  }
0x52: {  	[spmem:s1] =	stream.indirect.scatter.add.f32 [tilespmem:s7], [sflag:$0x5], $0x1, s3, s31, $0xb8;
	[tilespmem:$0x4880] =	vst v63  }
0x53: {  	_ =	swait.ge [sflag:s13], $0x800  }
0x54: {  	[sflag:s13] =	ssyncset.done $0x0  }
0x55: {  	s10 =	simm.s32 @!p3 $0x8;
	[sflag:s13] =	ssyncadd.s32 $0xFFFFF800  }
0x56: {  	p4 =	sle.u32 s4, $0x3;
	_ =	swait.ge @!p3 [sflag:s10], $0x800  }
0x57: {  	s12 =	simm.s32 @!p4 $0x80;
	s17 =	simm.s32 @!p4 $0x1800;
	[sflag:s10] =	ssyncset.done @!p3 $0x0  }
0x58: {  	s8 =	rddreg [dreg:$0x12];
	[sflag:s10] =	ssyncadd.s32 @!p3 $0xFFFFF800;
	s10 =	simm.s32 @!p4 $0x100  }
0x59: {  	[tilespmem:s17], [sflag:$0x4] =	stream.strided.gather @!p4 [hbm4b:s8+s12], $0x800, s10, s12, $0x38;
	[tilespmem:$0x4880] =	vst v63  }
0x5a: {  	_ = 	snop  }
0x5b: {  	[spmem:s1] =	stream.indirect.scatter.add.f32 [tilespmem:s7], [sflag:$0x6], $0x1, s31, s31, $0xb8;
	[tilespmem:$0x4880] =	vst v63  }
0x5c: {  	_ =	swait.ge [sflag:s14], $0x800  }
0x5d: {  	[sflag:s14] =	ssyncset.done $0x0  }
0x5e: {  	[sflag:s14] =	ssyncadd.s32 $0xFFFFF800  }
0x5f: {  	p3 =	sle.u32 s4, $0x4;
	_ =	swait.ge [sflag:s15], $0x800  }
0x60: {  	s30 =	smov.u32 s19;
	s12 =	simm.s32 @!p3 $0x0;
	s9 =	rddreg [dreg:$0x14]  }
0x61: {  	s19 =	simm.s32 @!p3 $0x80;
	[sflag:s15] =	ssyncset.done $0x0;
	s10 =	sshrl.u32 @!p3 s9, $0x3  }
0x62: {  	s22 =	simm.s32 @!p3 $0x100;
	[sflag:s15] =	ssyncadd.s32 $0xFFFFF800;
	s10 =	sadd.s32 @!p3 s10, s5  }
0x63: {  	[tilespmem:s12], [sflag:$0x1] =	stream.strided.gather @!p3 [hbm4b:s10+s19], $0x800, s22, s19, $0x38;
	[tilespmem:$0x4880] =	vst v63  }
0x64: {  	s29 =	rddreg [dreg:$0x4]  }
0x65: {  	[spmem:s1] =	stream.indirect.scatter.add.f32 [tilespmem:s7], [sflag:$0x7], $0x1, s29, s31, $0xb8;
	[tilespmem:$0x4880] =	vst v63  }
0x66: {  	_ =	swait.ge [sflag:s16], $0x800  }
0x67: {  	[sflag:s16] =	ssyncset.done $0x0  }
0x68: {  	[sflag:s16] =	ssyncadd.s32 $0xFFFFF800  }
0x69: {  	p3 =	sle.u32 s4, $0x5;
	_ =	swait.ge [sflag:s26], $0x800  }
0x6a: {  	s10 =	simm.s32 @!p3 $0x800;
	s12 =	simm.s32 @!p3 $0x80;
	[sflag:s26] =	ssyncset.done $0x0  }
0x6b: {  	s17 =	simm.s32 @!p3 $0x100;
	s22 =	rddreg [dreg:$0x15];
	[sflag:s26] =	ssyncadd.s32 $0xFFFFF800  }
0x6c: {  	[tilespmem:s10], [sflag:$0x2] =	stream.strided.gather @!p3 [hbm4b:s22+s12], $0x800, s17, s12, $0x38;
	[tilespmem:$0x4880] =	vst v63  }
0x6d: {  	p3 =	sne.s32 s11, $0x4  }
.Ltmp2:
0x6e: {  	_ = 	snop;
	(pc) =	sbr.rel @!p3 .LBB2_7-.Ltmp2, $3  }
0x6f: {  	_ =	sdelay $0x1  }
0x70: {  	s19 =	simm.s32 $0x4;
	s24 =	rddreg [dreg:$0x5]  }
0x71: {  	s28 =	sadd.s32 $0x800, s22;
	s17 =	sadd.s32 $0x4000, s9;
	s22 =	smov.u32 s8  }
.LBB2_6:
0x72: {  	[spmem:s1] =	stream.indirect.scatter.add.f32 [tilespmem:s7], [sflag:$0x8], $0x1, s24, s31, $0xb8;
	[tilespmem:$0x4880] =	vst v63  }
0x73: {  	s12 =	smov.u32 s19;
	_ =	swait.ge [sflag:s6], $0x800  }
0x74: {  	p4 =	seq.s32 s12, $0x0;
	[sflag:s6] =	ssyncset.done $0x0  }
0x75: {  	s8 =	sadd.s32 $0x2, s12;
	s24 =	simm.s32 @!p4 $0x7;
	[sflag:s6] =	ssyncadd.s32 $0xFFFFF800  }
0x76: {  	p5 =	sge.u32 s8, s4;
	_ =	swait.ge @!p4 [sflag:s24], $0x800  }
0x77: {  	s23 =	sadd.s32 $0x800, s23;
	s8 =	simm.s32 @!p5 $0x80;
	[sflag:s24] =	ssyncset.done @!p4 $0x0  }
0x78: {  	s25 =	simm.s32 @!p5 $0x100;
	[sflag:s24] =	ssyncadd.s32 @!p4 $0xFFFFF800;
	s24 =	simm.s32 @!p5 $0x1000  }
0x79: {  	[tilespmem:s24], [sflag:$0x3] =	stream.strided.gather @!p5 [hbm4b:s23+s8], $0x800, s25, s8, $0x38;
	[tilespmem:$0x4880] =	vst v63  }
0x7a: {  	_ = 	snop  }
0x7b: {  	[spmem:s1] =	stream.indirect.scatter.add.f32 [tilespmem:s7], [sflag:$0x5], $0x1, s3, s31, $0xb8;
	[tilespmem:$0x4880] =	vst v63  }
0x7c: {  	_ =	swait.ge [sflag:s13], $0x800  }
0x7d: {  	[sflag:s13] =	ssyncset.done $0x0  }
0x7e: {  	s8 =	simm.s32 @!p4 $0x8;
	s25 =	sadd.s32 $0x3, s12;
	[sflag:s13] =	ssyncadd.s32 $0xFFFFF800  }
0x7f: {  	p5 =	sge.u32 s25, s4;
	_ =	swait.ge @!p4 [sflag:s8], $0x800  }
0x80: {  	s22 =	sadd.s32 $0x800, s22;
	s24 =	simm.s32 @!p5 $0x80;
	[sflag:s8] =	ssyncset.done @!p4 $0x0  }
0x81: {  	s25 =	simm.s32 @!p5 $0x1800;
	[sflag:s8] =	ssyncadd.s32 @!p4 $0xFFFFF800;
	s8 =	simm.s32 @!p5 $0x100  }
0x82: {  	[tilespmem:s25], [sflag:$0x4] =	stream.strided.gather @!p5 [hbm4b:s22+s24], $0x800, s8, s24, $0x38;
	[tilespmem:$0x4880] =	vst v63  }
0x83: {  	_ = 	snop  }
0x84: {  	[spmem:s1] =	stream.indirect.scatter.add.f32 [tilespmem:s7], [sflag:$0x6], $0x1, s31, s31, $0xb8;
	[tilespmem:$0x4880] =	vst v63  }
0x85: {  	_ =	swait.ge [sflag:s14], $0x800  }
0x86: {  	s19 =	sadd.s32 $0x4, s19;
	[sflag:s14] =	ssyncset.done $0x0  }
0x87: {  	p4 =	sge.u32 s19, s4;
	[sflag:s14] =	ssyncadd.s32 $0xFFFFF800  }
0x88: {  	s8 =	sshrl.u32 @!p4 s17, $0x3;
	_ =	swait.ge [sflag:s15], $0x800  }
0x89: {  	s24 =	simm.s32 @!p4 $0x0;
	s9 =	simm.s32 @!p4 $0x80;
	[sflag:s15] =	ssyncset.done $0x0  }
0x8a: {  	s29 =	simm.s32 @!p4 $0x100;
	s8 =	sadd.s32 @!p4 s8, s5;
	[sflag:s15] =	ssyncadd.s32 $0xFFFFF800  }
0x8b: {  	[tilespmem:s24], [sflag:$0x1] =	stream.strided.gather @!p4 [hbm4b:s8+s9], $0x800, s29, s9, $0x38;
	[tilespmem:$0x4880] =	vst v63  }
0x8c: {  	s25 =	rddreg [dreg:$0x4]  }
0x8d: {  	[spmem:s1] =	stream.indirect.scatter.add.f32 [tilespmem:s7], [sflag:$0x7], $0x1, s25, s31, $0xb8;
	[tilespmem:$0x4880] =	vst v63  }
0x8e: {  	s10 =	smov.u32 s28;
	_ =	swait.ge [sflag:s16], $0x800  }
0x8f: {  	s28 =	sadd.s32 $0x800, s28;
	p3 =	sne.s32 s11, s19;
	[sflag:s16] =	ssyncset.done $0x0  }
.Ltmp3:
0x90: {  	s29 =	sadd.s32 $0x5, s12;
	[sflag:s16] =	ssyncadd.s32 $0xFFFFF800;
	(pc) =	sbr.rel @p3 .LBB2_6-.Ltmp3, $4  }
0x91: {  	s17 =	sadd.s32 $0x4000, s17;
	p4 =	sge.u32 s29, s4;
	_ =	swait.ge [sflag:s26], $0x800  }
0x92: {  	s8 =	simm.s32 @!p4 $0x800;
	s9 =	simm.s32 @!p4 $0x80;
	[sflag:s26] =	ssyncset.done $0x0  }
0x93: {  	s12 =	simm.s32 @!p4 $0x100;
	s24 =	rddreg [dreg:$0x5];
	[sflag:s26] =	ssyncadd.s32 $0xFFFFF800  }
0x94: {  	[tilespmem:s8], [sflag:$0x2] =	stream.strided.gather @!p4 [hbm4b:s10+s9], $0x800, s12, s9, $0x38;
	[tilespmem:$0x4880] =	vst v63  }
.LBB2_7:
0x95: {  	[spmem:s1] =	stream.indirect.scatter.add.f32 [tilespmem:s7], [sflag:$0x8], $0x1, s24, s31, $0xb8;
	[tilespmem:$0x4880] =	vst v63  }
0x96: {  	_ =	swait.ge [sflag:s6], $0x800  }
0x97: {  	[sflag:s6] =	ssyncset.done $0x0  }
0x98: {  	s8 =	simm.s32 $0x7;
	[sflag:s6] =	ssyncadd.s32 $0xFFFFF800  }
0x99: {  	_ =	swait.ge [sflag:s8], $0x800  }
0x9a: {  	s9 =	simm.s32 @!p0 $0x100;
	s10 =	simm.s32 @!p0 $0x1000;
	[sflag:s8] =	ssyncset.done $0x0  }
0x9b: {  	s12 =	rddreg [dreg:$0xb];
	[sflag:s8] =	ssyncadd.s32 $0xFFFFF800;
	s8 =	simm.s32 @!p0 $0x80  }
0x9c: {  	[tilespmem:s10], [sflag:$0x3] =	stream.strided.gather @!p0 [hbm4b:s12+s8], $0x800, s9, s8, $0x38;
	[tilespmem:$0x4880] =	vst v63  }
0x9d: {  	_ = 	snop  }
0x9e: {  	[spmem:s1] =	stream.indirect.scatter.add.f32 [tilespmem:s7], [sflag:$0x5], $0x1, s3, s31, $0xb8;
	[tilespmem:$0x4880] =	vst v63  }
0x9f: {  	_ =	swait.ge [sflag:s13], $0x800  }
0xa0: {  	[sflag:s13] =	ssyncset.done $0x0  }
0xa1: {  	s23 =	simm.s32 $0x8;
	[sflag:s13] =	ssyncadd.s32 $0xFFFFF800  }
0xa2: {  	_ =	swait.ge [sflag:s23], $0x800  }
0xa3: {  	[sflag:s23] =	ssyncset.done $0x0  }
0xa4: {  	s8 =	simm.s32 @!p1 $0x3;
	[sflag:s23] =	ssyncadd.s32 $0xFFFFF800  }
0xa5: {  	[spmem:s1] =	stream.indirect.scatter.add.f32 [tilespmem:s7], [sflag:$0x6], $0x1, s31, s31, $0xb8;
	[tilespmem:$0x4880] =	vst v63  }
0xa6: {  	_ =	swait.ge @!p1 [sflag:s8], $0x800  }
0xa7: {  	[sflag:s8] =	ssyncset.done @!p1 $0x0  }
0xa8: {  	[sflag:s8] =	ssyncadd.s32 @!p1 $0xFFFFF800;
	s8 =	simm.s32 @!p1 $0x5  }
0xa9: {  	_ =	swait.ge @!p1 [sflag:s8], $0x800  }
0xaa: {  	s9 =	simm.s32 @!p2 $0x100;
	s10 =	simm.s32 @!p2 $0x0;
	[sflag:s8] =	ssyncset.done @!p1 $0x0  }
0xab: {  	s12 =	rddreg [dreg:$0xc];
	[sflag:s8] =	ssyncadd.s32 @!p1 $0xFFFFF800;
	s8 =	simm.s32 @!p2 $0x80  }
0xac: {  	[tilespmem:s10], [sflag:$0x1] =	stream.strided.gather @!p2 [hbm4b:s12+s8], $0x800, s9, s8, $0x38;
	[tilespmem:$0x4880] =	vst v63  }
0xad: {  	s8 =	simm.s32 @!p1 $0x800;
	s9 =	simm.s32 @!p1 $0x1000;
	s10 =	simm.s32 @!p1 $0x2000  }
0xae: {  	[spmem:s1] =	stream.indirect.scatter.add.f32 @!p1 [tilespmem:s10], [sflag:$0x7], $0x1, s9, s8, $0xb8;
	[tilespmem:$0x4880] =	vst v63  }
0xaf: {  	_ =	swait.ge [sflag:s20], $0x800  }
0xb0: {  	[sflag:s20] =	ssyncset.done $0x0  }
0xb1: {  	[sflag:s20] =	ssyncadd.s32 $0xFFFFF800  }
0xb2: {  	_ =	swait.ge [sflag:s21], $0x800  }
0xb3: {  	[sflag:s21] =	ssyncset.done $0x0  }
0xb4: {  	[sflag:s21] =	ssyncadd.s32 $0xFFFFF800  }
0xb5: {  	[bflag:$0x0] =	sbarrier.arrive $0xFFFF  }
0xb6: {  	[tilespmem:s0], [sflag:$0x9] =	stream.linear.gather [spmem:s30], $0x800, $0x38;
	[tilespmem:$0x4880] =	vst v63  }
0xb7: {  	_ =	swait.ge [sflag:s2], $0x800  }
0xb8: {  	s9 =	simm.s32 $0x80;
	[sflag:s2] =	ssyncset.done $0x0  }
0xb9: {  	s10 =	simm.s32 $0x100;
	s24 =	rddreg [dreg:$0xd];
	[sflag:s2] =	ssyncadd.s32 $0xFFFFF800  }
0xba: {  	[hbm4b:s24+s9] =	stream.strided.scatter [tilespmem:s0], [sflag:$0x9], $0x800, s10, s9, $0x38;
	[tilespmem:$0x4880] =	vst v63  }
0xbb: {  	_ =	swait.ge [sflag:s2], $0x800  }
0xbc: {  	[sflag:s2] =	ssyncset.done $0x0  }
0xbd: {  	s22 =	rddreg [dreg:$0x8];
	[sflag:s2] =	ssyncadd.s32 $0xFFFFF800  }
0xbe: {  	[tilespmem:s0], [sflag:$0x9] =	stream.linear.gather [spmem:s22], $0x800, $0x38;
	[tilespmem:$0x4880] =	vst v63  }
0xbf: {  	_ =	swait.ge [sflag:s2], $0x800  }
0xc0: {  	[sflag:s2] =	ssyncset.done $0x0  }
0xc1: {  	s25 =	rddreg [dreg:$0xe];
	[sflag:s2] =	ssyncadd.s32 $0xFFFFF800  }
0xc2: {  	[hbm4b:s25+s9] =	stream.strided.scatter [tilespmem:s0], [sflag:$0x9], $0x800, s10, s9, $0x38;
	[tilespmem:$0x4880] =	vst v63  }
0xc3: {  	_ =	swait.ge [sflag:s2], $0x800  }
0xc4: {  	[sflag:s2] =	ssyncset.done $0x0  }
0xc5: {  	s23 =	rddreg [dreg:$0x9];
	[sflag:s2] =	ssyncadd.s32 $0xFFFFF800  }
0xc6: {  	[tilespmem:s0], [sflag:$0x9] =	stream.linear.gather [spmem:s23], $0x800, $0x38;
	[tilespmem:$0x4880] =	vst v63  }
0xc7: {  	_ =	swait.ge [sflag:s2], $0x800  }
0xc8: {  	[sflag:s2] =	ssyncset.done $0x0  }
0xc9: {  	s28 =	rddreg [dreg:$0xf];
	[sflag:s2] =	ssyncadd.s32 $0xFFFFF800  }
0xca: {  	[hbm4b:s28+s9] =	stream.strided.scatter [tilespmem:s0], [sflag:$0x9], $0x800, s10, s9, $0x38;
	[tilespmem:$0x4880] =	vst v63  }
0xcb: {  	_ =	swait.ge [sflag:s2], $0x800  }
0xcc: {  	[sflag:s2] =	ssyncset.done $0x0  }
0xcd: {  	s24 =	rddreg [dreg:$0xa];
	[sflag:s2] =	ssyncadd.s32 $0xFFFFF800  }
0xce: {  	[tilespmem:s0], [sflag:$0x9] =	stream.linear.gather [spmem:s24], $0x80, $0x38;
	[tilespmem:$0x4880] =	vst v63  }
0xcf: {  	_ =	swait.ge [sflag:s2], $0x80  }
0xd0: {  	[sflag:s2] =	ssyncset.done $0x0  }
0xd1: {  	s29 =	rddreg [dreg:$0x10];
	[sflag:s2] =	ssyncadd.s32 $0xFFFFFF80  }
0xd2: {  	[hbm4b:s29+s3] =	stream.linear.scatter [tilespmem:s0], [sflag:$0x9], $0x80, $0x38;
	[tilespmem:$0x4880] =	vst v63  }
0xd3: {  	_ =	swait.ge [sflag:s2], $0x80  }
0xd4: {  	s19 =	smov.u32 s30;
	s18 =	sadd.s32 $0x1, s18;
	s30 =	rddreg [dreg:$0x11]  }
0xd5: {  	p3 =	sne.s32 s18, s30  }
.Ltmp4:
0xd6: {  	_ = 	snop;
	(pc) =	sbr.rel @p3 .LBB2_1-.Ltmp4, $3  }
0xd7: {  	_ =	sdelay $0x1  }
0xd8: {  	[sflag:s2] =	ssyncset.done $0x0  }
0xd9: {  	[sflag:s2] =	ssyncadd.s32 $0xFFFFFF80  }
0xda: {  	_ =	sfence.sel $0x180000  }
0xdb: {  	[bflag:$0x0] =	sbarrier.arrive $0xFFFF  }
0xdc: {  	_ =	strace $0x90000047  }
0xdd: {  	s0 =	stileid.u32;
	[bflag:$0x2] =	sbarrier.arrive $0xFFFF  }
0xde: {  	p0 =	sne.s32 s0, $0x0;
	s0 =	rddreg [dreg:$0x3]  }
0xdf: {  	s0 =	sadd.s32 @!p0 $0x100000, s0  }
0xe0: {  	[sflag:s0] =	ssyncadd.tile.s32 @!p0 $0x1;
	_ =	shalt  }
.Lfunc_end2:
_tile_overlayer_lowered:
.L_overlay_start_2:
0xe1: {  	(tag) =	ssettag $0x2  }
0xe2: {  	s0 =	rddreg [dreg:$0x0];
	s2 =	stileid.u32  }
0xe3: {  	s1 =	rddreg [dreg:$0x1];
	p0 =	sne.s32 s2, $0x0  }
0xe4: {  	s3 =	rddreg [dreg:$0x2];
	[bflag:$0x3] =	sbarrier.arrive $0xFFFF;
	s2 =	simm.s32 @!p0 $0x1C09  }
0xe5: {  	[timem:s3], [sflag:s2] =	dma.local @!p0 [hbm:s0], s1  }
0xe6: {  	s0 =	simm.s32 @!p0 $0x9  }
0xe7: {  	_ =	swait.ge @!p0 [sflag:s0], s1  }
0xe8: {  	s1 =	ssub.s32 @!p0 $0x0, s1;
	[sflag:s0] =	ssyncset.done @!p0 $0x0  }
0xe9: {  	[sflag:s0] =	ssyncadd.s32 @!p0 s1  }
0xea: {  	[bflag:$0x3] =	sbarrier.arrive $0xFFFF  }
0xeb: {  	_ =	shalt  }

</sc_bundles>
